<compile_context>
chip_gen: v7x
topology: tpu7x:2x2x1
jax: 0.10.2.dev20260603
libtpu: 0.0.44.dev20260713+nightly
codegen_flags: <defaults>
</compile_context>

<pallas_src>
import functools

import jax
import jax.numpy as jnp
from jax import lax
from jax.experimental import pallas as pl
from jax.experimental.pallas import tpu as pltpu
from jax.experimental.pallas import tpu_sc as plsc

N = 10000
E = 160000
NACC = 10240
DUMMY = 10000
RPT = NACC // 16
BLK = 128
EBT = 80
EBH = EBT // 2
NBUF = 2
NJJ = EBH // NBUF
EPAD = 16 * EBT * BLK
NTILE = 32
DEG_PER_TILE = EPAD // NTILE

_MESH = dict(core_axis_name="c", subcore_axis_name="s", num_cores=2,
             num_subcores=16)
_SC_PARAMS = pltpu.CompilerParams(needs_layout_passes=False)



def _deg_body(dst_hbm, zeros_hbm, out_hbm, dstv, degv):
    c = lax.axis_index("c")
    s = lax.axis_index("s")
    wid = c * 16 + s
    pltpu.sync_copy(zeros_hbm, degv)
    pltpu.sync_copy(dst_hbm.at[wid], dstv)
    ones = jnp.ones((16,), jnp.float32)

    @pl.loop(0, DEG_PER_TILE // 16)
    def _(i):
        idx = dstv[pl.ds(i * 16, 16)]
        plsc.addupdate_scatter(degv, [idx], ones)

    pltpu.sync_copy(degv, out_hbm.at[wid])


def _deg_hist(dst_flat, zeros1d):
    return pl.kernel(
        _deg_body,
        out_type=jax.ShapeDtypeStruct((NTILE, NACC), jnp.float32),
        mesh=plsc.VectorSubcoreMesh(**_MESH),
        compiler_params=_SC_PARAMS,
        scratch_types=[
            pltpu.VMEM((DEG_PER_TILE,), jnp.int32),
            pltpu.VMEM((NACC,), jnp.float32),
        ],
    )(dst_flat, zeros1d)


def _edgesum_body(nch, g_hbm, src_hbm, dst_hbm, zeros_hbm, out_hbm,
                  srcv, dstv, accum, *bufsem):
    rows = bufsem[:NBUF]
    gsem = bufsem[NBUF:2 * NBUF]
    ssem = bufsem[2 * NBUF:]
    c = lax.axis_index("c")
    s = lax.axis_index("s")
    nchc = nch // 2
    for k in range(nchc):
        ch = c * nchc + k
        pltpu.sync_copy(zeros_hbm, accum.at[pl.ds(s * RPT, RPT)])
        plsc.subcore_barrier()

        for h in range(2):
            pltpu.sync_copy(src_hbm.at[ch, s].at[pl.ds(h * EBH, EBH)], srcv)
            pltpu.sync_copy(dst_hbm.at[s].at[pl.ds(h * EBH, EBH)], dstv)

            for b in range(NBUF):
                pltpu.async_copy(g_hbm.at[srcv.at[b]], rows[b], gsem[b])

            @pl.loop(0, NJJ)
            def _(jj):
                j0 = jj * NBUF
                for b in range(NBUF):
                    j = j0 + b
                    pltpu.make_async_copy(g_hbm.at[srcv.at[j]], rows[b],
                                          gsem[b]).wait()
                    pltpu.async_copy(rows[b], accum.at[dstv.at[j]], ssem[b],
                                     add=True)

                    @pl.when(jj < NJJ - 1)
                    def _():
                        pltpu.make_async_copy(rows[b], accum.at[dstv.at[j]],
                                              ssem[b]).wait()
                        pltpu.async_copy(g_hbm.at[srcv.at[j + NBUF]], rows[b],
                                         gsem[b])

            for b in range(NBUF):
                pltpu.make_async_copy(rows[b], accum.at[dstv.at[b]],
                                      ssem[b]).wait()

        plsc.subcore_barrier()
        pltpu.sync_copy(accum.at[pl.ds(s * RPT, RPT)],
                        out_hbm.at[ch].at[pl.ds(s * RPT, RPT)])


def _edge_sum(nch, g_flat, src_g, dst_r, zeros):
    return pl.kernel(
        functools.partial(_edgesum_body, nch),
        out_type=jax.ShapeDtypeStruct((nch, NACC, 128), jnp.float32),
        mesh=plsc.VectorSubcoreMesh(**_MESH),
        compiler_params=_SC_PARAMS,
        scratch_types=[
            pltpu.VMEM((EBH, BLK), jnp.int32),
            pltpu.VMEM((EBH, BLK), jnp.int32),
            pltpu.VMEM_SHARED((NACC, 128), jnp.float32),
        ] + [pltpu.VMEM((BLK, 128), jnp.float32) for _ in range(NBUF)]
          + [pltpu.SemaphoreType.DMA for _ in range(2 * NBUF)],
    )(g_flat, src_g, dst_r, zeros)



R = 1000
GRID = N // R


def _chunked(h, nch):
    return h.reshape(R, nch, 128).transpose(1, 0, 2)


def _unchunk(sblk, nch):
    return sblk.transpose(1, 0, 2).reshape(R, nch * 128)


def _fuse_body(q_ref, o_ref, wf_ref, bf_ref, degp_ref,
               g0_ref, sl0_ref, dinv_ref):
    deg = jnp.sum(degp_ref[...], axis=1) + 1.0
    dinv = lax.rsqrt(jnp.maximum(deg, 1.0)).reshape(R, 1)
    x = jnp.concatenate([q_ref[...], o_ref[...]], axis=1)
    x0 = jnp.maximum(jnp.dot(x, wf_ref[...],
                             preferred_element_type=jnp.float32)
                     + bf_ref[...], 0.0)
    g0_ref[...] = _chunked(dinv * x0, 2)
    sl0_ref[...] = (dinv * dinv) * x0
    dinv_ref[...] = dinv


def _layer1_body(s_ref, sl_ref, dinv_ref, w1_ref, b1_ref, w2_ref,
                 b2_ref, g_ref, slo_ref):
    dinv = dinv_ref[...]
    a = dinv * _unchunk(s_ref[...], 2) + sl_ref[...]
    a = jnp.maximum(jnp.dot(a, w1_ref[...],
                            preferred_element_type=jnp.float32)
                    + b1_ref[...], 0.0)
    h = jnp.dot(a, w2_ref[...], preferred_element_type=jnp.float32)
    g_ref[...] = _chunked(dinv * h, 4)
    slo_ref[...] = (dinv * dinv) * h + b2_ref[...]


def _layer2_body(s_ref, sl_ref, dinv_ref, w2_ref, b2_ref, g_ref, slo_ref):
    dinv = dinv_ref[...]
    a = jnp.maximum(dinv * _unchunk(s_ref[...], 4) + sl_ref[...], 0.0)
    h = jnp.dot(a, w2_ref[...], preferred_element_type=jnp.float32)
    g_ref[...] = _chunked(dinv * h, 4)
    slo_ref[...] = (dinv * dinv) * h + b2_ref[...]


def _final_body(s_ref, sl_ref, dinv_ref, out_ref):
    out_ref[...] = dinv_ref[...] * _unchunk(s_ref[...], 4) + sl_ref[...]


def _rows(shape):
    return pl.BlockSpec((R,) + shape[1:], lambda i: (i,) + (0,) * (len(shape) - 1))


def _whole(shape):
    return pl.BlockSpec(shape, lambda i: (0,) * len(shape))


def _srows(nch):
    return pl.BlockSpec((nch, R, 128), lambda i: (0, i, 0))


def _fuse(q, obj, wf, bf, degp):
    return pl.pallas_call(
        _fuse_body,
        grid=(GRID,),
        in_specs=[_rows((N, 256)), _rows((N, 256)), _whole((512, 256)),
                  _whole((1, 256)), pl.BlockSpec((R, NTILE), lambda i: (i, 0))],
        out_specs=[_srows(2), _rows((N, 256)), _rows((N, 1))],
        out_shape=[jax.ShapeDtypeStruct((2, NACC, 128), jnp.float32),
                   jax.ShapeDtypeStruct((N, 256), jnp.float32),
                   jax.ShapeDtypeStruct((N, 1), jnp.float32)],
    )(q, obj, wf, bf, degp)


def _layer1(s_in, sl_in, dinv, w1, b1, w2, b2):
    return pl.pallas_call(
        _layer1_body,
        grid=(GRID,),
        in_specs=[_srows(2), _rows((N, 256)), _rows((N, 1)),
                  _whole(w1.shape), _whole((1, 512)), _whole(w2.shape),
                  _whole((1, 512))],
        out_specs=[_srows(4), _rows((N, 512))],
        out_shape=[jax.ShapeDtypeStruct((4, NACC, 128), jnp.float32),
                   jax.ShapeDtypeStruct((N, 512), jnp.float32)],
    )(s_in, sl_in, dinv, w1, b1, w2, b2)


def _layer2(s_in, sl_in, dinv, w2, b2):
    return pl.pallas_call(
        _layer2_body,
        grid=(GRID,),
        in_specs=[_srows(4), _rows((N, 512)), _rows((N, 1)),
                  _whole(w2.shape), _whole((1, 512))],
        out_specs=[_srows(4), _rows((N, 512))],
        out_shape=[jax.ShapeDtypeStruct((4, NACC, 128), jnp.float32),
                   jax.ShapeDtypeStruct((N, 512), jnp.float32)],
    )(s_in, sl_in, dinv, w2, b2)


def _final(s_in, sl_in, dinv):
    return pl.pallas_call(
        _final_body,
        grid=(GRID,),
        in_specs=[_srows(4), _rows((N, 512)), _rows((N, 1))],
        out_specs=_rows((N, 512)),
        out_shape=jax.ShapeDtypeStruct((N, 512), jnp.float32),
    )(s_in, sl_in, dinv)



def kernel(question_embedding, object_features_list, bounding_boxes,
           batch_size, num_obj, edge_index, batch, W_fuse, b_fuse,
           W1, b1, W2, b2, W_last, b_last):
    src = edge_index[0]
    dst = edge_index[1]
    pad = EPAD - E
    src_p = jnp.concatenate([src, jnp.zeros((pad,), jnp.int32)])
    dst_p = jnp.concatenate([dst, jnp.full((pad,), DUMMY, jnp.int32)])
    src_r = src_p.reshape(16, EBT, BLK)
    dst_r = dst_p.reshape(16, EBT, BLK)
    off2 = (jnp.arange(2, dtype=jnp.int32) * NACC)[:, None, None, None]
    off4 = (jnp.arange(4, dtype=jnp.int32) * NACC)[:, None, None, None]
    src_g2 = src_r[None] + off2
    src_g4 = src_r[None] + off4
    dst_flat = dst_p.reshape(NTILE, DEG_PER_TILE)
    zeros = jnp.zeros((RPT, 128), jnp.float32)

    degp = _deg_hist(dst_flat, jnp.zeros((NACC,), jnp.float32)).T

    bf = b_fuse.reshape(1, 256)
    g0, sl0, dinv = _fuse(question_embedding, object_features_list,
                          W_fuse, bf, degp)
    s0 = _edge_sum(2, g0.reshape(2 * NACC, 128), src_g2, dst_r, zeros)

    g1, sl1 = _layer1(s0, sl0, dinv, W1, b1.reshape(1, 512), W2,
                      b2.reshape(1, 512))
    s1 = _edge_sum(4, g1.reshape(4 * NACC, 128), src_g4, dst_r, zeros)

    g2, sl2 = _layer2(s1, sl1, dinv, W_last, b_last.reshape(1, 512))
    s2 = _edge_sum(4, g2.reshape(4 * NACC, 128), src_g4, dst_r, zeros)

    return _final(s2, sl2, dinv)

# --- scband reference (transcript-rebuilt; emitter-appended) ---
"""Pipeline reference for scband-graph-cell-61581241090237 (READ-ONLY COPY).

The authoritative reference and input builder live on the scoring server;
editing this copy changes nothing except your own understanding.
"""

import jax, jax.numpy as jnp
import numpy as np

N_NODES = 10000
N_EDGES = 160000
D_Q = 256
D_OBJ = 256
D_IN = 256
H = 512
D_OUT = 512


def setup_inputs(seed: int = 0) -> dict:
    key = jax.random.key(seed)
    ks = jax.random.split(key, 16)
    s = 0.02
    inp = {
        "question_embedding": jax.random.normal(ks[0], (N_NODES, D_Q), dtype=jnp.float32),
        "object_features_list": jax.random.normal(ks[1], (N_NODES, D_OBJ), dtype=jnp.float32),
        "bounding_boxes": jax.random.uniform(ks[2], (N_NODES, 4), dtype=jnp.float32),
        "batch_size": 100,
        "num_obj": 100,
        "edge_index": jax.random.randint(ks[3], (2, N_EDGES), 0, N_NODES, dtype=jnp.int32),
        "batch": jnp.sort(jax.random.randint(ks[4], (N_NODES,), 0, 100, dtype=jnp.int32)),
        "W_fuse": jax.random.normal(ks[5], (D_Q + D_OBJ, D_IN), dtype=jnp.float32) * s,
        "b_fuse": jnp.zeros((D_IN,), dtype=jnp.float32),
        "W1": jax.random.normal(ks[6], (D_IN, H), dtype=jnp.float32) * s,
        "b1": jnp.zeros((H,), dtype=jnp.float32),
        "W2": jax.random.normal(ks[7], (H, H), dtype=jnp.float32) * s,
        "b2": jnp.zeros((H,), dtype=jnp.float32),
        "W_last": jax.random.normal(ks[8], (H, D_OUT), dtype=jnp.float32) * s,
        "b_last": jnp.zeros((D_OUT,), dtype=jnp.float32),
    }
    return inp


def _gcn_layer(x, W, b, src, dst, n_nodes):
    # GCNConv with self-loops and symmetric normalization
    loop = jnp.arange(n_nodes, dtype=src.dtype)
    src2 = jnp.concatenate([src, loop])
    dst2 = jnp.concatenate([dst, loop])
    deg = jnp.zeros((n_nodes,), x.dtype).at[dst2].add(1.0)
    dinv = jax.lax.rsqrt(jnp.maximum(deg, 1.0))
    norm = dinv[src2] * dinv[dst2]
    h = x @ W
    msg = h[src2] * norm[:, None]
    out = jax.ops.segment_sum(msg, dst2, num_segments=n_nodes)
    return out + b


def reference(question_embedding, object_features_list, bounding_boxes, batch_size, num_obj, edge_index, batch, W_fuse, b_fuse, W1, b1, W2, b2, W_last, b_last):
    n_nodes = question_embedding.shape[0]
    src, dst = edge_index[0], edge_index[1]
    # fusion: concat(question, object) -> linear -> relu
    fused = jnp.concatenate([question_embedding, object_features_list], axis=-1) @ W_fuse + b_fuse
    x = jax.nn.relu(fused)
    x = _gcn_layer(x, W1, b1, src, dst, n_nodes)
    x = jax.nn.relu(x)
    x = _gcn_layer(x, W2, b2, src, dst, n_nodes)
    x = jax.nn.relu(x)
    x = _gcn_layer(x, W_last, b_last, src, dst, n_nodes)
    return x

if __name__ == "__main__":
    import jax
    _d = setup_inputs()
    print(jax.jit(kernel)(*tuple(_d.values())))

</pallas_src>

<mosaic_0001>
#map = affine_map<(d0, d1) -> (0, 0)>
#map1 = affine_map<(d0, d1) -> (0)>
module attributes {stable_mosaic.version = 14 : i64} {
  func.func @_deg_body(%arg0: i32, %arg1: i32, %arg2: memref<32x5120xi32, #tpu.memory_space<hbm>>, %arg3: memref<10240xf32, #tpu.memory_space<hbm>>, %arg4: memref<32x10240xf32, #tpu.memory_space<hbm>>, %arg5: memref<5120xi32, #tpu.memory_space<vmem>>, %arg6: memref<10240xf32, #tpu.memory_space<vmem>>) attributes {dimension_semantics = [#tpu.dimension_semantics<core_parallel>, #tpu.dimension_semantics<subcore_parallel>], iteration_bounds = array<i64: 2, 16>, scalar_prefetch = 0 : i64, scratch_operands = 2 : i64, tpu.core_type = #tpu.core_type<sc_vector_subcore>, window_params = [{transform_indices = #map}, {transform_indices = #map1}, {transform_indices = #map}]} {
    %mul3A = arith.constant 16 : i32
    %mul3A_0 = arith.muli %arg0, %mul3A : i32
    %add3A = arith.addi %mul3A_0, %arg1 : i32
    "tpu.region"() ({
      %run_scoped3A = tpu.sem_alloc : memref<!tpu.dma_semaphore, #tpu.memory_space<semaphore_mem>>
      tpu.enqueue_dma source(%arg3 : memref<10240xf32, #tpu.memory_space<hbm>>) target(%arg6 : memref<10240xf32, #tpu.memory_space<vmem>>) target_semaphore(%run_scoped3A : memref<!tpu.dma_semaphore, #tpu.memory_space<semaphore_mem>>)
      tpu.wait_dma2 semaphore(%run_scoped3A : memref<!tpu.dma_semaphore, #tpu.memory_space<semaphore_mem>>) src(%arg3 : memref<10240xf32, #tpu.memory_space<hbm>>) dst(%arg6 : memref<10240xf32, #tpu.memory_space<vmem>>)
      tpu.yield
    }) : () -> ()
    "tpu.region"() ({
      %run_scoped3A = tpu.sem_alloc : memref<!tpu.dma_semaphore, #tpu.memory_space<semaphore_mem>>
      %dma_start3A = arith.constant 0 : i32
      %dma_start3A_6 = tpu.memref_slice %arg2[%add3A, %dma_start3A] : memref<32x5120xi32, #tpu.memory_space<hbm>> -> memref<1x5120xi32, #tpu.memory_space<hbm>>
      %dma_start3A_7 = tpu.memref_squeeze %dma_start3A_6 : memref<1x5120xi32, #tpu.memory_space<hbm>> -> memref<5120xi32, #tpu.memory_space<hbm>>
      %dma_start3A_8 = arith.constant 0 : i32
      %dma_start3A_9 = tpu.memref_slice %arg2[%add3A, %dma_start3A_8] : memref<32x5120xi32, #tpu.memory_space<hbm>> -> memref<1x5120xi32, #tpu.memory_space<hbm>>
      %dma_start3A_10 = tpu.memref_squeeze %dma_start3A_9 : memref<1x5120xi32, #tpu.memory_space<hbm>> -> memref<5120xi32, #tpu.memory_space<hbm>>
      tpu.enqueue_dma source(%dma_start3A_10 : memref<5120xi32, #tpu.memory_space<hbm>>) target(%arg5 : memref<5120xi32, #tpu.memory_space<vmem>>) target_semaphore(%run_scoped3A : memref<!tpu.dma_semaphore, #tpu.memory_space<semaphore_mem>>)
      %dma_wait3A = arith.constant 0 : i32
      %dma_wait3A_11 = tpu.memref_slice %arg2[%add3A, %dma_wait3A] : memref<32x5120xi32, #tpu.memory_space<hbm>> -> memref<1x5120xi32, #tpu.memory_space<hbm>>
      %dma_wait3A_12 = tpu.memref_squeeze %dma_wait3A_11 : memref<1x5120xi32, #tpu.memory_space<hbm>> -> memref<5120xi32, #tpu.memory_space<hbm>>
      %dma_wait3A_13 = arith.constant 0 : i32
      %dma_wait3A_14 = tpu.memref_slice %arg2[%add3A, %dma_wait3A_13] : memref<32x5120xi32, #tpu.memory_space<hbm>> -> memref<1x5120xi32, #tpu.memory_space<hbm>>
      %dma_wait3A_15 = tpu.memref_squeeze %dma_wait3A_14 : memref<1x5120xi32, #tpu.memory_space<hbm>> -> memref<5120xi32, #tpu.memory_space<hbm>>
      tpu.wait_dma2 semaphore(%run_scoped3A : memref<!tpu.dma_semaphore, #tpu.memory_space<semaphore_mem>>) src(%dma_wait3A_15 : memref<5120xi32, #tpu.memory_space<hbm>>) dst(%arg5 : memref<5120xi32, #tpu.memory_space<vmem>>)
      tpu.yield
    }) : () -> ()
    %broadcast_in_dim3A = arith.constant 1.000000e+00 : f32
    %broadcast_in_dim3A_1 = vector.broadcast %broadcast_in_dim3A : f32 to vector<16xf32>
    %scan3A = arith.constant 0 : i32
    %scan3A_2 = arith.constant 320 : i32
    %scan3A_3 = arith.addi %scan3A, %scan3A_2 : i32
    %scan3A_4 = arith.constant 1 : i32
    scf.for %scan3A_6 = %scan3A to %scan3A_3 step %scan3A_4  : i32 {
      %mul3A_7 = arith.constant 1 : i32
      %mul3A_8 = arith.muli %scan3A_6, %mul3A_7 : i32
      %add3A_9 = arith.constant 0 : i32
      %add3A_10 = arith.addi %add3A_9, %mul3A_8 : i32
      %mul3A_11 = arith.constant 16 : i32
      %mul3A_12 = arith.muli %add3A_10, %mul3A_11 : i32
      %get3A = arith.index_cast %mul3A_12 : i32 to index
      %get3A_13 = tpu.vector_load %arg5[%get3A] {strides = array<i32>} : memref<5120xi32, #tpu.memory_space<vmem>>, vector<16xi32>,
      tpu.vector_store_idx %arg6[%get3A_13], %broadcast_in_dim3A_1 {add = true} : memref<10240xf32, #tpu.memory_space<vmem>>[vector<16xi32>], vector<16xf32>,
    }
    %scan3A_5 = arith.constant 320 : i32
    "tpu.region"() ({
      %run_scoped3A = tpu.sem_alloc : memref<!tpu.dma_semaphore, #tpu.memory_space<semaphore_mem>>
      %dma_start3A = arith.constant 0 : i32
      %dma_start3A_6 = tpu.memref_slice %arg4[%add3A, %dma_start3A] : memref<32x10240xf32, #tpu.memory_space<hbm>> -> memref<1x10240xf32, #tpu.memory_space<hbm>>
      %dma_start3A_7 = tpu.memref_squeeze %dma_start3A_6 : memref<1x10240xf32, #tpu.memory_space<hbm>> -> memref<10240xf32, #tpu.memory_space<hbm>>
      %dma_start3A_8 = arith.constant 0 : i32
      %dma_start3A_9 = tpu.memref_slice %arg4[%add3A, %dma_start3A_8] : memref<32x10240xf32, #tpu.memory_space<hbm>> -> memref<1x10240xf32, #tpu.memory_space<hbm>>
      %dma_start3A_10 = tpu.memref_squeeze %dma_start3A_9 : memref<1x10240xf32, #tpu.memory_space<hbm>> -> memref<10240xf32, #tpu.memory_space<hbm>>
      tpu.enqueue_dma source(%arg6 : memref<10240xf32, #tpu.memory_space<vmem>>) target(%dma_start3A_10 : memref<10240xf32, #tpu.memory_space<hbm>>) target_semaphore(%run_scoped3A : memref<!tpu.dma_semaphore, #tpu.memory_space<semaphore_mem>>)
      %dma_wait3A = arith.constant 0 : i32
      %dma_wait3A_11 = tpu.memref_slice %arg4[%add3A, %dma_wait3A] : memref<32x10240xf32, #tpu.memory_space<hbm>> -> memref<1x10240xf32, #tpu.memory_space<hbm>>
      %dma_wait3A_12 = tpu.memref_squeeze %dma_wait3A_11 : memref<1x10240xf32, #tpu.memory_space<hbm>> -> memref<10240xf32, #tpu.memory_space<hbm>>
      %dma_wait3A_13 = arith.constant 0 : i32
      %dma_wait3A_14 = tpu.memref_slice %arg4[%add3A, %dma_wait3A_13] : memref<32x10240xf32, #tpu.memory_space<hbm>> -> memref<1x10240xf32, #tpu.memory_space<hbm>>
      %dma_wait3A_15 = tpu.memref_squeeze %dma_wait3A_14 : memref<1x10240xf32, #tpu.memory_space<hbm>> -> memref<10240xf32, #tpu.memory_space<hbm>>
      tpu.wait_dma2 semaphore(%run_scoped3A : memref<!tpu.dma_semaphore, #tpu.memory_space<semaphore_mem>>) src(%arg6 : memref<10240xf32, #tpu.memory_space<vmem>>) dst(%dma_wait3A_15 : memref<10240xf32, #tpu.memory_space<hbm>>)
      tpu.yield
    }) : () -> ()
    return
  }
}

#map = affine_map<(d0, d1) -> (0, 0)>
#map1 = affine_map<(d0, d1) -> (0, 0, 0, 0)>
#map2 = affine_map<(d0, d1) -> (0, 0, 0)>
module attributes {stable_mosaic.version = 14 : i64} {
  func.func @_edgesum_body(%arg0: i32, %arg1: i32, %arg2: memref<20480x128xf32, #tpu.memory_space<hbm>>, %arg3: memref<2x16x80x128xi32, #tpu.memory_space<hbm>>, %arg4: memref<16x80x128xi32, #tpu.memory_space<hbm>>, %arg5: memref<640x128xf32, #tpu.memory_space<hbm>>, %arg6: memref<2x10240x128xf32, #tpu.memory_space<hbm>>, %arg7: memref<40x128xi32, #tpu.memory_space<vmem>>, %arg8: memref<40x128xi32, #tpu.memory_space<vmem>>, %arg9: memref<10240x128xf32, #tpu.memory_space<vmem_shared>>, %arg10: memref<128x128xf32, #tpu.memory_space<vmem>>, %arg11: memref<128x128xf32, #tpu.memory_space<vmem>>, %arg12: memref<!tpu.dma_semaphore, #tpu.memory_space<semaphore_mem>>, %arg13: memref<!tpu.dma_semaphore, #tpu.memory_space<semaphore_mem>>, %arg14: memref<!tpu.dma_semaphore, #tpu.memory_space<semaphore_mem>>, %arg15: memref<!tpu.dma_semaphore, #tpu.memory_space<semaphore_mem>>) attributes {dimension_semantics = [#tpu.dimension_semantics<core_parallel>, #tpu.dimension_semantics<subcore_parallel>], iteration_bounds = array<i64: 2, 16>, scalar_prefetch = 0 : i64, scratch_operands = 9 : i64, tpu.core_type = #tpu.core_type<sc_vector_subcore>, window_params = [{transform_indices = #map}, {transform_indices = #map1}, {transform_indices = #map2}, {transform_indices = #map}, {transform_indices = #map2}]} {
    %mul3A = arith.constant 1 : i32
    %mul3A_0 = arith.muli %arg0, %mul3A : i32
    %add3A = arith.constant 0 : i32
    %add3A_1 = arith.addi %mul3A_0, %add3A : i32
    %mul3A_2 = arith.constant 640 : i32
    %mul3A_3 = arith.muli %arg1, %mul3A_2 : i32
    "tpu.region"() ({
      %run_scoped3A = tpu.sem_alloc : memref<!tpu.dma_semaphore, #tpu.memory_space<semaphore_mem>>
      %dma_start3A_72 = arith.constant 0 : i32
      %dma_start3A_73 = tpu.memref_slice %arg9[%mul3A_3, %dma_start3A_72] : memref<10240x128xf32, #tpu.memory_space<vmem_shared>> -> memref<640x128xf32, #tpu.memory_space<vmem_shared>>
      tpu.enqueue_dma source(%arg5 : memref<640x128xf32, #tpu.memory_space<hbm>>) target(%dma_start3A_73 : memref<640x128xf32, #tpu.memory_space<vmem_shared>>) target_semaphore(%run_scoped3A : memref<!tpu.dma_semaphore, #tpu.memory_space<semaphore_mem>>)
      %dma_wait3A_74 = arith.constant 0 : i32
      %dma_wait3A_75 = tpu.memref_slice %arg9[%mul3A_3, %dma_wait3A_74] : memref<10240x128xf32, #tpu.memory_space<vmem_shared>> -> memref<640x128xf32, #tpu.memory_space<vmem_shared>>
      tpu.wait_dma2 semaphore(%run_scoped3A : memref<!tpu.dma_semaphore, #tpu.memory_space<semaphore_mem>>) src(%arg5 : memref<640x128xf32, #tpu.memory_space<hbm>>) dst(%dma_wait3A_75 : memref<640x128xf32, #tpu.memory_space<vmem_shared>>)
      tpu.yield
    }) : () -> ()
    %barrier3A = arith.constant 0 : index
    tpu.barrier barrier_id(%barrier3A)
    "tpu.region"() ({
      %run_scoped3A = tpu.sem_alloc : memref<!tpu.dma_semaphore, #tpu.memory_space<semaphore_mem>>
      %dma_start3A_72 = arith.constant 0 : i32
      %dma_start3A_73 = arith.constant 0 : i32
      %dma_start3A_74 = tpu.memref_slice %arg3[%add3A_1, %arg1, %dma_start3A_72, %dma_start3A_73] : memref<2x16x80x128xi32, #tpu.memory_space<hbm>> -> memref<1x1x80x128xi32, #tpu.memory_space<hbm>>
      %dma_start3A_75 = tpu.memref_squeeze %dma_start3A_74 : memref<1x1x80x128xi32, #tpu.memory_space<hbm>> -> memref<80x128xi32, #tpu.memory_space<hbm>>
      %dma_start3A_76 = arith.constant 0 : i32
      %dma_start3A_77 = arith.constant 0 : i32
      %dma_start3A_78 = tpu.memref_slice %dma_start3A_75[%dma_start3A_76, %dma_start3A_77] : memref<80x128xi32, #tpu.memory_space<hbm>> -> memref<40x128xi32, #tpu.memory_space<hbm>>
      %dma_start3A_79 = arith.constant 0 : i32
      %dma_start3A_80 = arith.constant 0 : i32
      %dma_start3A_81 = tpu.memref_slice %arg3[%add3A_1, %arg1, %dma_start3A_79, %dma_start3A_80] : memref<2x16x80x128xi32, #tpu.memory_space<hbm>> -> memref<1x1x80x128xi32, #tpu.memory_space<hbm>>
      %dma_start3A_82 = tpu.memref_squeeze %dma_start3A_81 : memref<1x1x80x128xi32, #tpu.memory_space<hbm>> -> memref<80x128xi32, #tpu.memory_space<hbm>>
      %dma_start3A_83 = arith.constant 0 : i32
      %dma_start3A_84 = arith.constant 0 : i32
      %dma_start3A_85 = tpu.memref_slice %dma_start3A_82[%dma_start3A_83, %dma_start3A_84] : memref<80x128xi32, #tpu.memory_space<hbm>> -> memref<40x128xi32, #tpu.memory_space<hbm>>
      tpu.enqueue_dma source(%dma_start3A_85 : memref<40x128xi32, #tpu.memory_space<hbm>>) target(%arg7 : memref<40x128xi32, #tpu.memory_space<vmem>>) target_semaphore(%run_scoped3A : memref<!tpu.dma_semaphore, #tpu.memory_space<semaphore_mem>>)
      %dma_wait3A_86 = arith.constant 0 : i32
      %dma_wait3A_87 = arith.constant 0 : i32
      %dma_wait3A_88 = tpu.memref_slice %arg3[%add3A_1, %arg1, %dma_wait3A_86, %dma_wait3A_87] : memref<2x16x80x128xi32, #tpu.memory_space<hbm>> -> memref<1x1x80x128xi32, #tpu.memory_space<hbm>>
      %dma_wait3A_89 = tpu.memref_squeeze %dma_wait3A_88 : memref<1x1x80x128xi32, #tpu.memory_space<hbm>> -> memref<80x128xi32, #tpu.memory_space<hbm>>
      %dma_wait3A_90 = arith.constant 0 : i32
      %dma_wait3A_91 = arith.constant 0 : i32
      %dma_wait3A_92 = tpu.memref_slice %dma_wait3A_89[%dma_wait3A_90, %dma_wait3A_91] : memref<80x128xi32, #tpu.memory_space<hbm>> -> memref<40x128xi32, #tpu.memory_space<hbm>>
      %dma_wait3A_93 = arith.constant 0 : i32
      %dma_wait3A_94 = arith.constant 0 : i32
      %dma_wait3A_95 = tpu.memref_slice %arg3[%add3A_1, %arg1, %dma_wait3A_93, %dma_wait3A_94] : memref<2x16x80x128xi32, #tpu.memory_space<hbm>> -> memref<1x1x80x128xi32, #tpu.memory_space<hbm>>
      %dma_wait3A_96 = tpu.memref_squeeze %dma_wait3A_95 : memref<1x1x80x128xi32, #tpu.memory_space<hbm>> -> memref<80x128xi32, #tpu.memory_space<hbm>>
      %dma_wait3A_97 = arith.constant 0 : i32
      %dma_wait3A_98 = arith.constant 0 : i32
      %dma_wait3A_99 = tpu.memref_slice %dma_wait3A_96[%dma_wait3A_97, %dma_wait3A_98] : memref<80x128xi32, #tpu.memory_space<hbm>> -> memref<40x128xi32, #tpu.memory_space<hbm>>
      tpu.wait_dma2 semaphore(%run_scoped3A : memref<!tpu.dma_semaphore, #tpu.memory_space<semaphore_mem>>) src(%dma_wait3A_99 : memref<40x128xi32, #tpu.memory_space<hbm>>) dst(%arg7 : memref<40x128xi32, #tpu.memory_space<vmem>>)
      tpu.yield
    }) : () -> ()
    "tpu.region"() ({
      %run_scoped3A = tpu.sem_alloc : memref<!tpu.dma_semaphore, #tpu.memory_space<semaphore_mem>>
      %dma_start3A_72 = arith.constant 0 : i32
      %dma_start3A_73 = arith.constant 0 : i32
      %dma_start3A_74 = tpu.memref_slice %arg4[%arg1, %dma_start3A_72, %dma_start3A_73] : memref<16x80x128xi32, #tpu.memory_space<hbm>> -> memref<1x80x128xi32, #tpu.memory_space<hbm>>
      %dma_start3A_75 = tpu.memref_squeeze %dma_start3A_74 : memref<1x80x128xi32, #tpu.memory_space<hbm>> -> memref<80x128xi32, #tpu.memory_space<hbm>>
      %dma_start3A_76 = arith.constant 0 : i32
      %dma_start3A_77 = arith.constant 0 : i32
      %dma_start3A_78 = tpu.memref_slice %dma_start3A_75[%dma_start3A_76, %dma_start3A_77] : memref<80x128xi32, #tpu.memory_space<hbm>> -> memref<40x128xi32, #tpu.memory_space<hbm>>
      %dma_start3A_79 = arith.constant 0 : i32
      %dma_start3A_80 = arith.constant 0 : i32
      %dma_start3A_81 = tpu.memref_slice %arg4[%arg1, %dma_start3A_79, %dma_start3A_80] : memref<16x80x128xi32, #tpu.memory_space<hbm>> -> memref<1x80x128xi32, #tpu.memory_space<hbm>>
      %dma_start3A_82 = tpu.memref_squeeze %dma_start3A_81 : memref<1x80x128xi32, #tpu.memory_space<hbm>> -> memref<80x128xi32, #tpu.memory_space<hbm>>
      %dma_start3A_83 = arith.constant 0 : i32
      %dma_start3A_84 = arith.constant 0 : i32
      %dma_start3A_85 = tpu.memref_slice %dma_start3A_82[%dma_start3A_83, %dma_start3A_84] : memref<80x128xi32, #tpu.memory_space<hbm>> -> memref<40x128xi32, #tpu.memory_space<hbm>>
      tpu.enqueue_dma source(%dma_start3A_85 : memref<40x128xi32, #tpu.memory_space<hbm>>) target(%arg8 : memref<40x128xi32, #tpu.memory_space<vmem>>) target_semaphore(%run_scoped3A : memref<!tpu.dma_semaphore, #tpu.memory_space<semaphore_mem>>)
      %dma_wait3A_86 = arith.constant 0 : i32
      %dma_wait3A_87 = arith.constant 0 : i32
      %dma_wait3A_88 = tpu.memref_slice %arg4[%arg1, %dma_wait3A_86, %dma_wait3A_87] : memref<16x80x128xi32, #tpu.memory_space<hbm>> -> memref<1x80x128xi32, #tpu.memory_space<hbm>>
      %dma_wait3A_89 = tpu.memref_squeeze %dma_wait3A_88 : memref<1x80x128xi32, #tpu.memory_space<hbm>> -> memref<80x128xi32, #tpu.memory_space<hbm>>
      %dma_wait3A_90 = arith.constant 0 : i32
      %dma_wait3A_91 = arith.constant 0 : i32
      %dma_wait3A_92 = tpu.memref_slice %dma_wait3A_89[%dma_wait3A_90, %dma_wait3A_91] : memref<80x128xi32, #tpu.memory_space<hbm>> -> memref<40x128xi32, #tpu.memory_space<hbm>>
      %dma_wait3A_93 = arith.constant 0 : i32
      %dma_wait3A_94 = arith.constant 0 : i32
      %dma_wait3A_95 = tpu.memref_slice %arg4[%arg1, %dma_wait3A_93, %dma_wait3A_94] : memref<16x80x128xi32, #tpu.memory_space<hbm>> -> memref<1x80x128xi32, #tpu.memory_space<hbm>>
      %dma_wait3A_96 = tpu.memref_squeeze %dma_wait3A_95 : memref<1x80x128xi32, #tpu.memory_space<hbm>> -> memref<80x128xi32, #tpu.memory_space<hbm>>
      %dma_wait3A_97 = arith.constant 0 : i32
      %dma_wait3A_98 = arith.constant 0 : i32
      %dma_wait3A_99 = tpu.memref_slice %dma_wait3A_96[%dma_wait3A_97, %dma_wait3A_98] : memref<80x128xi32, #tpu.memory_space<hbm>> -> memref<40x128xi32, #tpu.memory_space<hbm>>
      tpu.wait_dma2 semaphore(%run_scoped3A : memref<!tpu.dma_semaphore, #tpu.memory_space<semaphore_mem>>) src(%dma_wait3A_99 : memref<40x128xi32, #tpu.memory_space<hbm>>) dst(%arg8 : memref<40x128xi32, #tpu.memory_space<vmem>>)
      tpu.yield
    }) : () -> ()
    %dma_start3A = arith.constant 0 : i32
    %dma_start3A_4 = arith.constant 0 : i32
    %dma_start3A_5 = tpu.memref_slice %arg7[%dma_start3A, %dma_start3A_4] : memref<40x128xi32, #tpu.memory_space<vmem>> -> memref<1x128xi32, #tpu.memory_space<vmem>>
    %dma_start3A_6 = tpu.memref_squeeze %dma_start3A_5 : memref<1x128xi32, #tpu.memory_space<vmem>> -> memref<128xi32, #tpu.memory_space<vmem>>
    %dma_start3A_7 = arith.constant 0 : i32
    %dma_start3A_8 = arith.constant 0 : i32
    %dma_start3A_9 = tpu.memref_slice %arg2[%dma_start3A_7, %dma_start3A_8] : memref<20480x128xf32, #tpu.memory_space<hbm>> -> memref<20480x128xf32, #tpu.memory_space<hbm>>
    tpu.enqueue_indirect_dma source(%dma_start3A_9 : memref<20480x128xf32, #tpu.memory_space<hbm>>) target(%arg10 : memref<128x128xf32, #tpu.memory_space<vmem>>) offsets(%dma_start3A_6 : memref<128xi32, #tpu.memory_space<vmem>>) semaphore(%arg12 : memref<!tpu.dma_semaphore, #tpu.memory_space<semaphore_mem>>)
    %dma_start3A_10 = arith.constant 1 : i32
    %dma_start3A_11 = arith.constant 0 : i32
    %dma_start3A_12 = tpu.memref_slice %arg7[%dma_start3A_10, %dma_start3A_11] : memref<40x128xi32, #tpu.memory_space<vmem>> -> memref<1x128xi32, #tpu.memory_space<vmem>>
    %dma_start3A_13 = tpu.memref_squeeze %dma_start3A_12 : memref<1x128xi32, #tpu.memory_space<vmem>> -> memref<128xi32, #tpu.memory_space<vmem>>
    %dma_start3A_14 = arith.constant 0 : i32
    %dma_start3A_15 = arith.constant 0 : i32
    %dma_start3A_16 = tpu.memref_slice %arg2[%dma_start3A_14, %dma_start3A_15] : memref<20480x128xf32, #tpu.memory_space<hbm>> -> memref<20480x128xf32, #tpu.memory_space<hbm>>
    tpu.enqueue_indirect_dma source(%dma_start3A_16 : memref<20480x128xf32, #tpu.memory_space<hbm>>) target(%arg11 : memref<128x128xf32, #tpu.memory_space<vmem>>) offsets(%dma_start3A_13 : memref<128xi32, #tpu.memory_space<vmem>>) semaphore(%arg13 : memref<!tpu.dma_semaphore, #tpu.memory_space<semaphore_mem>>)
    %scan3A = arith.constant 0 : i32
    %scan3A_17 = arith.constant 20 : i32
    %scan3A_18 = arith.addi %scan3A, %scan3A_17 : i32
    %scan3A_19 = arith.constant 1 : i32
    scf.for %scan3A_72 = %scan3A to %scan3A_18 step %scan3A_19  : i32 {
      %mul3A_73 = arith.constant 1 : i32
      %mul3A_74 = arith.muli %scan3A_72, %mul3A_73 : i32
      %add3A_75 = arith.constant 0 : i32
      %add3A_76 = arith.addi %add3A_75, %mul3A_74 : i32
      %mul3A_77 = arith.constant 2 : i32
      %mul3A_78 = arith.muli %add3A_76, %mul3A_77 : i32
      %add3A_79 = arith.constant 0 : i32
      %add3A_80 = arith.addi %mul3A_78, %add3A_79 : i32
      %dma_wait3A_81 = arith.constant 0 : i32
      %dma_wait3A_82 = tpu.memref_slice %arg7[%add3A_80, %dma_wait3A_81] : memref<40x128xi32, #tpu.memory_space<vmem>> -> memref<1x128xi32, #tpu.memory_space<vmem>>
      %dma_wait3A_83 = tpu.memref_squeeze %dma_wait3A_82 : memref<1x128xi32, #tpu.memory_space<vmem>> -> memref<128xi32, #tpu.memory_space<vmem>>
      %dma_wait3A_84 = arith.constant 0 : i32
      %dma_wait3A_85 = arith.constant 0 : i32
      %dma_wait3A_86 = tpu.memref_slice %arg2[%dma_wait3A_84, %dma_wait3A_85] : memref<20480x128xf32, #tpu.memory_space<hbm>> -> memref<20480x128xf32, #tpu.memory_space<hbm>>
      tpu.wait_indirect_dma semaphore(%arg12 : memref<!tpu.dma_semaphore, #tpu.memory_space<semaphore_mem>>) src(%dma_wait3A_86 : memref<20480x128xf32, #tpu.memory_space<hbm>>) dst(%arg10 : memref<128x128xf32, #tpu.memory_space<vmem>>)
      %dma_start3A_87 = arith.constant 0 : i32
      %dma_start3A_88 = tpu.memref_slice %arg8[%add3A_80, %dma_start3A_87] : memref<40x128xi32, #tpu.memory_space<vmem>> -> memref<1x128xi32, #tpu.memory_space<vmem>>
      %dma_start3A_89 = tpu.memref_squeeze %dma_start3A_88 : memref<1x128xi32, #tpu.memory_space<vmem>> -> memref<128xi32, #tpu.memory_space<vmem>>
      %dma_start3A_90 = arith.constant 0 : i32
      %dma_start3A_91 = arith.constant 0 : i32
      %dma_start3A_92 = tpu.memref_slice %arg9[%dma_start3A_90, %dma_start3A_91] : memref<10240x128xf32, #tpu.memory_space<vmem_shared>> -> memref<10240x128xf32, #tpu.memory_space<vmem_shared>>
      tpu.enqueue_indirect_dma source(%arg10 : memref<128x128xf32, #tpu.memory_space<vmem>>) target(%dma_start3A_92 : memref<10240x128xf32, #tpu.memory_space<vmem_shared>>) offsets(%dma_start3A_89 : memref<128xi32, #tpu.memory_space<vmem>>) semaphore(%arg14 : memref<!tpu.dma_semaphore, #tpu.memory_space<semaphore_mem>>) {add = true}
      %lt3A = arith.constant 19 : i32
      %lt3A_93 = arith.cmpi slt, %add3A_76, %lt3A : i32
      %convert_element_type3A = arith.extui %lt3A_93 : i1 to i32
      %cond3A = arith.constant 0 : i32
      %cond3A_94 = arith.cmpi ne, %convert_element_type3A, %cond3A : i32
      scf.if %cond3A_94 {
        %dma_wait3A_114 = arith.constant 0 : i32
        %dma_wait3A_115 = tpu.memref_slice %arg8[%add3A_80, %dma_wait3A_114] : memref<40x128xi32, #tpu.memory_space<vmem>> -> memref<1x128xi32, #tpu.memory_space<vmem>>
        %dma_wait3A_116 = tpu.memref_squeeze %dma_wait3A_115 : memref<1x128xi32, #tpu.memory_space<vmem>> -> memref<128xi32, #tpu.memory_space<vmem>>
        %dma_wait3A_117 = arith.constant 0 : i32
        %dma_wait3A_118 = arith.constant 0 : i32
        %dma_wait3A_119 = tpu.memref_slice %arg9[%dma_wait3A_117, %dma_wait3A_118] : memref<10240x128xf32, #tpu.memory_space<vmem_shared>> -> memref<10240x128xf32, #tpu.memory_space<vmem_shared>>
        tpu.wait_indirect_dma semaphore(%arg14 : memref<!tpu.dma_semaphore, #tpu.memory_space<semaphore_mem>>) src(%arg10 : memref<128x128xf32, #tpu.memory_space<vmem>>) dst(%dma_wait3A_119 : memref<10240x128xf32, #tpu.memory_space<vmem_shared>>)
        %add3A_120 = arith.constant 2 : i32
        %add3A_121 = arith.addi %add3A_80, %add3A_120 : i32
        %dma_start3A_122 = arith.constant 0 : i32
        %dma_start3A_123 = tpu.memref_slice %arg7[%add3A_121, %dma_start3A_122] : memref<40x128xi32, #tpu.memory_space<vmem>> -> memref<1x128xi32, #tpu.memory_space<vmem>>
        %dma_start3A_124 = tpu.memref_squeeze %dma_start3A_123 : memref<1x128xi32, #tpu.memory_space<vmem>> -> memref<128xi32, #tpu.memory_space<vmem>>
        %dma_start3A_125 = arith.constant 0 : i32
        %dma_start3A_126 = arith.constant 0 : i32
        %dma_start3A_127 = tpu.memref_slice %arg2[%dma_start3A_125, %dma_start3A_126] : memref<20480x128xf32, #tpu.memory_space<hbm>> -> memref<20480x128xf32, #tpu.memory_space<hbm>>
        tpu.enqueue_indirect_dma source(%dma_start3A_127 : memref<20480x128xf32, #tpu.memory_space<hbm>>) target(%arg10 : memref<128x128xf32, #tpu.memory_space<vmem>>) offsets(%dma_start3A_124 : memref<128xi32, #tpu.memory_space<vmem>>) semaphore(%arg12 : memref<!tpu.dma_semaphore, #tpu.memory_space<semaphore_mem>>)
      } else {
      }
      %add3A_95 = arith.constant 1 : i32
      %add3A_96 = arith.addi %mul3A_78, %add3A_95 : i32
      %dma_wait3A_97 = arith.constant 0 : i32
      %dma_wait3A_98 = tpu.memref_slice %arg7[%add3A_96, %dma_wait3A_97] : memref<40x128xi32, #tpu.memory_space<vmem>> -> memref<1x128xi32, #tpu.memory_space<vmem>>
      %dma_wait3A_99 = tpu.memref_squeeze %dma_wait3A_98 : memref<1x128xi32, #tpu.memory_space<vmem>> -> memref<128xi32, #tpu.memory_space<vmem>>
      %dma_wait3A_100 = arith.constant 0 : i32
      %dma_wait3A_101 = arith.constant 0 : i32
      %dma_wait3A_102 = tpu.memref_slice %arg2[%dma_wait3A_100, %dma_wait3A_101] : memref<20480x128xf32, #tpu.memory_space<hbm>> -> memref<20480x128xf32, #tpu.memory_space<hbm>>
      tpu.wait_indirect_dma semaphore(%arg13 : memref<!tpu.dma_semaphore, #tpu.memory_space<semaphore_mem>>) src(%dma_wait3A_102 : memref<20480x128xf32, #tpu.memory_space<hbm>>) dst(%arg11 : memref<128x128xf32, #tpu.memory_space<vmem>>)
      %dma_start3A_103 = arith.constant 0 : i32
      %dma_start3A_104 = tpu.memref_slice %arg8[%add3A_96, %dma_start3A_103] : memref<40x128xi32, #tpu.memory_space<vmem>> -> memref<1x128xi32, #tpu.memory_space<vmem>>
      %dma_start3A_105 = tpu.memref_squeeze %dma_start3A_104 : memref<1x128xi32, #tpu.memory_space<vmem>> -> memref<128xi32, #tpu.memory_space<vmem>>
      %dma_start3A_106 = arith.constant 0 : i32
      %dma_start3A_107 = arith.constant 0 : i32
      %dma_start3A_108 = tpu.memref_slice %arg9[%dma_start3A_106, %dma_start3A_107] : memref<10240x128xf32, #tpu.memory_space<vmem_shared>> -> memref<10240x128xf32, #tpu.memory_space<vmem_shared>>
      tpu.enqueue_indirect_dma source(%arg11 : memref<128x128xf32, #tpu.memory_space<vmem>>) target(%dma_start3A_108 : memref<10240x128xf32, #tpu.memory_space<vmem_shared>>) offsets(%dma_start3A_105 : memref<128xi32, #tpu.memory_space<vmem>>) semaphore(%arg15 : memref<!tpu.dma_semaphore, #tpu.memory_space<semaphore_mem>>) {add = true}
      %lt3A_109 = arith.constant 19 : i32
      %lt3A_110 = arith.cmpi slt, %add3A_76, %lt3A_109 : i32
      %convert_element_type3A_111 = arith.extui %lt3A_110 : i1 to i32
      %cond3A_112 = arith.constant 0 : i32
      %cond3A_113 = arith.cmpi ne, %convert_element_type3A_111, %cond3A_112 : i32
      scf.if %cond3A_113 {
        %dma_wait3A_114 = arith.constant 0 : i32
        %dma_wait3A_115 = tpu.memref_slice %arg8[%add3A_96, %dma_wait3A_114] : memref<40x128xi32, #tpu.memory_space<vmem>> -> memref<1x128xi32, #tpu.memory_space<vmem>>
        %dma_wait3A_116 = tpu.memref_squeeze %dma_wait3A_115 : memref<1x128xi32, #tpu.memory_space<vmem>> -> memref<128xi32, #tpu.memory_space<vmem>>
        %dma_wait3A_117 = arith.constant 0 : i32
        %dma_wait3A_118 = arith.constant 0 : i32
        %dma_wait3A_119 = tpu.memref_slice %arg9[%dma_wait3A_117, %dma_wait3A_118] : memref<10240x128xf32, #tpu.memory_space<vmem_shared>> -> memref<10240x128xf32, #tpu.memory_space<vmem_shared>>
        tpu.wait_indirect_dma semaphore(%arg15 : memref<!tpu.dma_semaphore, #tpu.memory_space<semaphore_mem>>) src(%arg11 : memref<128x128xf32, #tpu.memory_space<vmem>>) dst(%dma_wait3A_119 : memref<10240x128xf32, #tpu.memory_space<vmem_shared>>)
        %add3A_120 = arith.constant 2 : i32
        %add3A_121 = arith.addi %add3A_96, %add3A_120 : i32
        %dma_start3A_122 = arith.constant 0 : i32
        %dma_start3A_123 = tpu.memref_slice %arg7[%add3A_121, %dma_start3A_122] : memref<40x128xi32, #tpu.memory_space<vmem>> -> memref<1x128xi32, #tpu.memory_space<vmem>>
        %dma_start3A_124 = tpu.memref_squeeze %dma_start3A_123 : memref<1x128xi32, #tpu.memory_space<vmem>> -> memref<128xi32, #tpu.memory_space<vmem>>
        %dma_start3A_125 = arith.constant 0 : i32
        %dma_start3A_126 = arith.constant 0 : i32
        %dma_start3A_127 = tpu.memref_slice %arg2[%dma_start3A_125, %dma_start3A_126] : memref<20480x128xf32, #tpu.memory_space<hbm>> -> memref<20480x128xf32, #tpu.memory_space<hbm>>
        tpu.enqueue_indirect_dma source(%dma_start3A_127 : memref<20480x128xf32, #tpu.memory_space<hbm>>) target(%arg11 : memref<128x128xf32, #tpu.memory_space<vmem>>) offsets(%dma_start3A_124 : memref<128xi32, #tpu.memory_space<vmem>>) semaphore(%arg13 : memref<!tpu.dma_semaphore, #tpu.memory_space<semaphore_mem>>)
      } else {
      }
    }
    %scan3A_20 = arith.constant 20 : i32
    %dma_wait3A = arith.constant 0 : i32
    %dma_wait3A_21 = arith.constant 0 : i32
    %dma_wait3A_22 = tpu.memref_slice %arg8[%dma_wait3A, %dma_wait3A_21] : memref<40x128xi32, #tpu.memory_space<vmem>> -> memref<1x128xi32, #tpu.memory_space<vmem>>
    %dma_wait3A_23 = tpu.memref_squeeze %dma_wait3A_22 : memref<1x128xi32, #tpu.memory_space<vmem>> -> memref<128xi32, #tpu.memory_space<vmem>>
    %dma_wait3A_24 = arith.constant 0 : i32
    %dma_wait3A_25 = arith.constant 0 : i32
    %dma_wait3A_26 = tpu.memref_slice %arg9[%dma_wait3A_24, %dma_wait3A_25] : memref<10240x128xf32, #tpu.memory_space<vmem_shared>> -> memref<10240x128xf32, #tpu.memory_space<vmem_shared>>
    tpu.wait_indirect_dma semaphore(%arg14 : memref<!tpu.dma_semaphore, #tpu.memory_space<semaphore_mem>>) src(%arg10 : memref<128x128xf32, #tpu.memory_space<vmem>>) dst(%dma_wait3A_26 : memref<10240x128xf32, #tpu.memory_space<vmem_shared>>)
    %dma_wait3A_27 = arith.constant 1 : i32
    %dma_wait3A_28 = arith.constant 0 : i32
    %dma_wait3A_29 = tpu.memref_slice %arg8[%dma_wait3A_27, %dma_wait3A_28] : memref<40x128xi32, #tpu.memory_space<vmem>> -> memref<1x128xi32, #tpu.memory_space<vmem>>
    %dma_wait3A_30 = tpu.memref_squeeze %dma_wait3A_29 : memref<1x128xi32, #tpu.memory_space<vmem>> -> memref<128xi32, #tpu.memory_space<vmem>>
    %dma_wait3A_31 = arith.constant 0 : i32
    %dma_wait3A_32 = arith.constant 0 : i32
    %dma_wait3A_33 = tpu.memref_slice %arg9[%dma_wait3A_31, %dma_wait3A_32] : memref<10240x128xf32, #tpu.memory_space<vmem_shared>> -> memref<10240x128xf32, #tpu.memory_space<vmem_shared>>
    tpu.wait_indirect_dma semaphore(%arg15 : memref<!tpu.dma_semaphore, #tpu.memory_space<semaphore_mem>>) src(%arg11 : memref<128x128xf32, #tpu.memory_space<vmem>>) dst(%dma_wait3A_33 : memref<10240x128xf32, #tpu.memory_space<vmem_shared>>)
    "tpu.region"() ({
      %run_scoped3A = tpu.sem_alloc : memref<!tpu.dma_semaphore, #tpu.memory_space<semaphore_mem>>
      %dma_start3A_72 = arith.constant 0 : i32
      %dma_start3A_73 = arith.constant 0 : i32
      %dma_start3A_74 = tpu.memref_slice %arg3[%add3A_1, %arg1, %dma_start3A_72, %dma_start3A_73] : memref<2x16x80x128xi32, #tpu.memory_space<hbm>> -> memref<1x1x80x128xi32, #tpu.memory_space<hbm>>
      %dma_start3A_75 = tpu.memref_squeeze %dma_start3A_74 : memref<1x1x80x128xi32, #tpu.memory_space<hbm>> -> memref<80x128xi32, #tpu.memory_space<hbm>>
      %dma_start3A_76 = arith.constant 40 : i32
      %dma_start3A_77 = arith.constant 0 : i32
      %dma_start3A_78 = tpu.memref_slice %dma_start3A_75[%dma_start3A_76, %dma_start3A_77] : memref<80x128xi32, #tpu.memory_space<hbm>> -> memref<40x128xi32, #tpu.memory_space<hbm>>
      %dma_start3A_79 = arith.constant 0 : i32
      %dma_start3A_80 = arith.constant 0 : i32
      %dma_start3A_81 = tpu.memref_slice %arg3[%add3A_1, %arg1, %dma_start3A_79, %dma_start3A_80] : memref<2x16x80x128xi32, #tpu.memory_space<hbm>> -> memref<1x1x80x128xi32, #tpu.memory_space<hbm>>
      %dma_start3A_82 = tpu.memref_squeeze %dma_start3A_81 : memref<1x1x80x128xi32, #tpu.memory_space<hbm>> -> memref<80x128xi32, #tpu.memory_space<hbm>>
      %dma_start3A_83 = arith.constant 40 : i32
      %dma_start3A_84 = arith.constant 0 : i32
      %dma_start3A_85 = tpu.memref_slice %dma_start3A_82[%dma_start3A_83, %dma_start3A_84] : memref<80x128xi32, #tpu.memory_space<hbm>> -> memref<40x128xi32, #tpu.memory_space<hbm>>
      tpu.enqueue_dma source(%dma_start3A_85 : memref<40x128xi32, #tpu.memory_space<hbm>>) target(%arg7 : memref<40x128xi32, #tpu.memory_space<vmem>>) target_semaphore(%run_scoped3A : memref<!tpu.dma_semaphore, #tpu.memory_space<semaphore_mem>>)
      %dma_wait3A_86 = arith.constant 0 : i32
      %dma_wait3A_87 = arith.constant 0 : i32
      %dma_wait3A_88 = tpu.memref_slice %arg3[%add3A_1, %arg1, %dma_wait3A_86, %dma_wait3A_87] : memref<2x16x80x128xi32, #tpu.memory_space<hbm>> -> memref<1x1x80x128xi32, #tpu.memory_space<hbm>>
      %dma_wait3A_89 = tpu.memref_squeeze %dma_wait3A_88 : memref<1x1x80x128xi32, #tpu.memory_space<hbm>> -> memref<80x128xi32, #tpu.memory_space<hbm>>
      %dma_wait3A_90 = arith.constant 40 : i32
      %dma_wait3A_91 = arith.constant 0 : i32
      %dma_wait3A_92 = tpu.memref_slice %dma_wait3A_89[%dma_wait3A_90, %dma_wait3A_91] : memref<80x128xi32, #tpu.memory_space<hbm>> -> memref<40x128xi32, #tpu.memory_space<hbm>>
      %dma_wait3A_93 = arith.constant 0 : i32
      %dma_wait3A_94 = arith.constant 0 : i32
      %dma_wait3A_95 = tpu.memref_slice %arg3[%add3A_1, %arg1, %dma_wait3A_93, %dma_wait3A_94] : memref<2x16x80x128xi32, #tpu.memory_space<hbm>> -> memref<1x1x80x128xi32, #tpu.memory_space<hbm>>
      %dma_wait3A_96 = tpu.memref_squeeze %dma_wait3A_95 : memref<1x1x80x128xi32, #tpu.memory_space<hbm>> -> memref<80x128xi32, #tpu.memory_space<hbm>>
      %dma_wait3A_97 = arith.constant 40 : i32
      %dma_wait3A_98 = arith.constant 0 : i32
      %dma_wait3A_99 = tpu.memref_slice %dma_wait3A_96[%dma_wait3A_97, %dma_wait3A_98] : memref<80x128xi32, #tpu.memory_space<hbm>> -> memref<40x128xi32, #tpu.memory_space<hbm>>
      tpu.wait_dma2 semaphore(%run_scoped3A : memref<!tpu.dma_semaphore, #tpu.memory_space<semaphore_mem>>) src(%dma_wait3A_99 : memref<40x128xi32, #tpu.memory_space<hbm>>) dst(%arg7 : memref<40x128xi32, #tpu.memory_space<vmem>>)
      tpu.yield
    }) : () -> ()
    "tpu.region"() ({
      %run_scoped3A = tpu.sem_alloc : memref<!tpu.dma_semaphore, #tpu.memory_space<semaphore_mem>>
      %dma_start3A_72 = arith.constant 0 : i32
      %dma_start3A_73 = arith.constant 0 : i32
      %dma_start3A_74 = tpu.memref_slice %arg4[%arg1, %dma_start3A_72, %dma_start3A_73] : memref<16x80x128xi32, #tpu.memory_space<hbm>> -> memref<1x80x128xi32, #tpu.memory_space<hbm>>
      %dma_start3A_75 = tpu.memref_squeeze %dma_start3A_74 : memref<1x80x128xi32, #tpu.memory_space<hbm>> -> memref<80x128xi32, #tpu.memory_space<hbm>>
      %dma_start3A_76 = arith.constant 40 : i32
      %dma_start3A_77 = arith.constant 0 : i32
      %dma_start3A_78 = tpu.memref_slice %dma_start3A_75[%dma_start3A_76, %dma_start3A_77] : memref<80x128xi32, #tpu.memory_space<hbm>> -> memref<40x128xi32, #tpu.memory_space<hbm>>
      %dma_start3A_79 = arith.constant 0 : i32
      %dma_start3A_80 = arith.constant 0 : i32
      %dma_start3A_81 = tpu.memref_slice %arg4[%arg1, %dma_start3A_79, %dma_start3A_80] : memref<16x80x128xi32, #tpu.memory_space<hbm>> -> memref<1x80x128xi32, #tpu.memory_space<hbm>>
      %dma_start3A_82 = tpu.memref_squeeze %dma_start3A_81 : memref<1x80x128xi32, #tpu.memory_space<hbm>> -> memref<80x128xi32, #tpu.memory_space<hbm>>
      %dma_start3A_83 = arith.constant 40 : i32
      %dma_start3A_84 = arith.constant 0 : i32
      %dma_start3A_85 = tpu.memref_slice %dma_start3A_82[%dma_start3A_83, %dma_start3A_84] : memref<80x128xi32, #tpu.memory_space<hbm>> -> memref<40x128xi32, #tpu.memory_space<hbm>>
      tpu.enqueue_dma source(%dma_start3A_85 : memref<40x128xi32, #tpu.memory_space<hbm>>) target(%arg8 : memref<40x128xi32, #tpu.memory_space<vmem>>) target_semaphore(%run_scoped3A : memref<!tpu.dma_semaphore, #tpu.memory_space<semaphore_mem>>)
      %dma_wait3A_86 = arith.constant 0 : i32
      %dma_wait3A_87 = arith.constant 0 : i32
      %dma_wait3A_88 = tpu.memref_slice %arg4[%arg1, %dma_wait3A_86, %dma_wait3A_87] : memref<16x80x128xi32, #tpu.memory_space<hbm>> -> memref<1x80x128xi32, #tpu.memory_space<hbm>>
      %dma_wait3A_89 = tpu.memref_squeeze %dma_wait3A_88 : memref<1x80x128xi32, #tpu.memory_space<hbm>> -> memref<80x128xi32, #tpu.memory_space<hbm>>
      %dma_wait3A_90 = arith.constant 40 : i32
      %dma_wait3A_91 = arith.constant 0 : i32
      %dma_wait3A_92 = tpu.memref_slice %dma_wait3A_89[%dma_wait3A_90, %dma_wait3A_91] : memref<80x128xi32, #tpu.memory_space<hbm>> -> memref<40x128xi32, #tpu.memory_space<hbm>>
      %dma_wait3A_93 = arith.constant 0 : i32
      %dma_wait3A_94 = arith.constant 0 : i32
      %dma_wait3A_95 = tpu.memref_slice %arg4[%arg1, %dma_wait3A_93, %dma_wait3A_94] : memref<16x80x128xi32, #tpu.memory_space<hbm>> -> memref<1x80x128xi32, #tpu.memory_space<hbm>>
      %dma_wait3A_96 = tpu.memref_squeeze %dma_wait3A_95 : memref<1x80x128xi32, #tpu.memory_space<hbm>> -> memref<80x128xi32, #tpu.memory_space<hbm>>
      %dma_wait3A_97 = arith.constant 40 : i32
      %dma_wait3A_98 = arith.constant 0 : i32
      %dma_wait3A_99 = tpu.memref_slice %dma_wait3A_96[%dma_wait3A_97, %dma_wait3A_98] : memref<80x128xi32, #tpu.memory_space<hbm>> -> memref<40x128xi32, #tpu.memory_space<hbm>>
      tpu.wait_dma2 semaphore(%run_scoped3A : memref<!tpu.dma_semaphore, #tpu.memory_space<semaphore_mem>>) src(%dma_wait3A_99 : memref<40x128xi32, #tpu.memory_space<hbm>>) dst(%arg8 : memref<40x128xi32, #tpu.memory_space<vmem>>)
      tpu.yield
    }) : () -> ()
    %dma_start3A_34 = arith.constant 0 : i32
    %dma_start3A_35 = arith.constant 0 : i32
    %dma_start3A_36 = tpu.memref_slice %arg7[%dma_start3A_34, %dma_start3A_35] : memref<40x128xi32, #tpu.memory_space<vmem>> -> memref<1x128xi32, #tpu.memory_space<vmem>>
    %dma_start3A_37 = tpu.memref_squeeze %dma_start3A_36 : memref<1x128xi32, #tpu.memory_space<vmem>> -> memref<128xi32, #tpu.memory_space<vmem>>
    %dma_start3A_38 = arith.constant 0 : i32
    %dma_start3A_39 = arith.constant 0 : i32
    %dma_start3A_40 = tpu.memref_slice %arg2[%dma_start3A_38, %dma_start3A_39] : memref<20480x128xf32, #tpu.memory_space<hbm>> -> memref<20480x128xf32, #tpu.memory_space<hbm>>
    tpu.enqueue_indirect_dma source(%dma_start3A_40 : memref<20480x128xf32, #tpu.memory_space<hbm>>) target(%arg10 : memref<128x128xf32, #tpu.memory_space<vmem>>) offsets(%dma_start3A_37 : memref<128xi32, #tpu.memory_space<vmem>>) semaphore(%arg12 : memref<!tpu.dma_semaphore, #tpu.memory_space<semaphore_mem>>)
    %dma_start3A_41 = arith.constant 1 : i32
    %dma_start3A_42 = arith.constant 0 : i32
    %dma_start3A_43 = tpu.memref_slice %arg7[%dma_start3A_41, %dma_start3A_42] : memref<40x128xi32, #tpu.memory_space<vmem>> -> memref<1x128xi32, #tpu.memory_space<vmem>>
    %dma_start3A_44 = tpu.memref_squeeze %dma_start3A_43 : memref<1x128xi32, #tpu.memory_space<vmem>> -> memref<128xi32, #tpu.memory_space<vmem>>
    %dma_start3A_45 = arith.constant 0 : i32
    %dma_start3A_46 = arith.constant 0 : i32
    %dma_start3A_47 = tpu.memref_slice %arg2[%dma_start3A_45, %dma_start3A_46] : memref<20480x128xf32, #tpu.memory_space<hbm>> -> memref<20480x128xf32, #tpu.memory_space<hbm>>
    tpu.enqueue_indirect_dma source(%dma_start3A_47 : memref<20480x128xf32, #tpu.memory_space<hbm>>) target(%arg11 : memref<128x128xf32, #tpu.memory_space<vmem>>) offsets(%dma_start3A_44 : memref<128xi32, #tpu.memory_space<vmem>>) semaphore(%arg13 : memref<!tpu.dma_semaphore, #tpu.memory_space<semaphore_mem>>)
    %scan3A_48 = arith.constant 0 : i32
    %scan3A_49 = arith.constant 20 : i32
    %scan3A_50 = arith.addi %scan3A_48, %scan3A_49 : i32
    %scan3A_51 = arith.constant 1 : i32
    scf.for %scan3A_72 = %scan3A_48 to %scan3A_50 step %scan3A_51  : i32 {
      %mul3A_73 = arith.constant 1 : i32
      %mul3A_74 = arith.muli %scan3A_72, %mul3A_73 : i32
      %add3A_75 = arith.constant 0 : i32
      %add3A_76 = arith.addi %add3A_75, %mul3A_74 : i32
      %mul3A_77 = arith.constant 2 : i32
      %mul3A_78 = arith.muli %add3A_76, %mul3A_77 : i32
      %add3A_79 = arith.constant 0 : i32
      %add3A_80 = arith.addi %mul3A_78, %add3A_79 : i32
      %dma_wait3A_81 = arith.constant 0 : i32
      %dma_wait3A_82 = tpu.memref_slice %arg7[%add3A_80, %dma_wait3A_81] : memref<40x128xi32, #tpu.memory_space<vmem>> -> memref<1x128xi32, #tpu.memory_space<vmem>>
      %dma_wait3A_83 = tpu.memref_squeeze %dma_wait3A_82 : memref<1x128xi32, #tpu.memory_space<vmem>> -> memref<128xi32, #tpu.memory_space<vmem>>
      %dma_wait3A_84 = arith.constant 0 : i32
      %dma_wait3A_85 = arith.constant 0 : i32
      %dma_wait3A_86 = tpu.memref_slice %arg2[%dma_wait3A_84, %dma_wait3A_85] : memref<20480x128xf32, #tpu.memory_space<hbm>> -> memref<20480x128xf32, #tpu.memory_space<hbm>>
      tpu.wait_indirect_dma semaphore(%arg12 : memref<!tpu.dma_semaphore, #tpu.memory_space<semaphore_mem>>) src(%dma_wait3A_86 : memref<20480x128xf32, #tpu.memory_space<hbm>>) dst(%arg10 : memref<128x128xf32, #tpu.memory_space<vmem>>)
      %dma_start3A_87 = arith.constant 0 : i32
      %dma_start3A_88 = tpu.memref_slice %arg8[%add3A_80, %dma_start3A_87] : memref<40x128xi32, #tpu.memory_space<vmem>> -> memref<1x128xi32, #tpu.memory_space<vmem>>
      %dma_start3A_89 = tpu.memref_squeeze %dma_start3A_88 : memref<1x128xi32, #tpu.memory_space<vmem>> -> memref<128xi32, #tpu.memory_space<vmem>>
      %dma_start3A_90 = arith.constant 0 : i32
      %dma_start3A_91 = arith.constant 0 : i32
      %dma_start3A_92 = tpu.memref_slice %arg9[%dma_start3A_90, %dma_start3A_91] : memref<10240x128xf32, #tpu.memory_space<vmem_shared>> -> memref<10240x128xf32, #tpu.memory_space<vmem_shared>>
      tpu.enqueue_indirect_dma source(%arg10 : memref<128x128xf32, #tpu.memory_space<vmem>>) target(%dma_start3A_92 : memref<10240x128xf32, #tpu.memory_space<vmem_shared>>) offsets(%dma_start3A_89 : memref<128xi32, #tpu.memory_space<vmem>>) semaphore(%arg14 : memref<!tpu.dma_semaphore, #tpu.memory_space<semaphore_mem>>) {add = true}
      %lt3A = arith.constant 19 : i32
      %lt3A_93 = arith.cmpi slt, %add3A_76, %lt3A : i32
      %convert_element_type3A = arith.extui %lt3A_93 : i1 to i32
      %cond3A = arith.constant 0 : i32
      %cond3A_94 = arith.cmpi ne, %convert_element_type3A, %cond3A : i32
      scf.if %cond3A_94 {
        %dma_wait3A_114 = arith.constant 0 : i32
        %dma_wait3A_115 = tpu.memref_slice %arg8[%add3A_80, %dma_wait3A_114] : memref<40x128xi32, #tpu.memory_space<vmem>> -> memref<1x128xi32, #tpu.memory_space<vmem>>
        %dma_wait3A_116 = tpu.memref_squeeze %dma_wait3A_115 : memref<1x128xi32, #tpu.memory_space<vmem>> -> memref<128xi32, #tpu.memory_space<vmem>>
        %dma_wait3A_117 = arith.constant 0 : i32
        %dma_wait3A_118 = arith.constant 0 : i32
        %dma_wait3A_119 = tpu.memref_slice %arg9[%dma_wait3A_117, %dma_wait3A_118] : memref<10240x128xf32, #tpu.memory_space<vmem_shared>> -> memref<10240x128xf32, #tpu.memory_space<vmem_shared>>
        tpu.wait_indirect_dma semaphore(%arg14 : memref<!tpu.dma_semaphore, #tpu.memory_space<semaphore_mem>>) src(%arg10 : memref<128x128xf32, #tpu.memory_space<vmem>>) dst(%dma_wait3A_119 : memref<10240x128xf32, #tpu.memory_space<vmem_shared>>)
        %add3A_120 = arith.constant 2 : i32
        %add3A_121 = arith.addi %add3A_80, %add3A_120 : i32
        %dma_start3A_122 = arith.constant 0 : i32
        %dma_start3A_123 = tpu.memref_slice %arg7[%add3A_121, %dma_start3A_122] : memref<40x128xi32, #tpu.memory_space<vmem>> -> memref<1x128xi32, #tpu.memory_space<vmem>>
        %dma_start3A_124 = tpu.memref_squeeze %dma_start3A_123 : memref<1x128xi32, #tpu.memory_space<vmem>> -> memref<128xi32, #tpu.memory_space<vmem>>
        %dma_start3A_125 = arith.constant 0 : i32
        %dma_start3A_126 = arith.constant 0 : i32
        %dma_start3A_127 = tpu.memref_slice %arg2[%dma_start3A_125, %dma_start3A_126] : memref<20480x128xf32, #tpu.memory_space<hbm>> -> memref<20480x128xf32, #tpu.memory_space<hbm>>
        tpu.enqueue_indirect_dma source(%dma_start3A_127 : memref<20480x128xf32, #tpu.memory_space<hbm>>) target(%arg10 : memref<128x128xf32, #tpu.memory_space<vmem>>) offsets(%dma_start3A_124 : memref<128xi32, #tpu.memory_space<vmem>>) semaphore(%arg12 : memref<!tpu.dma_semaphore, #tpu.memory_space<semaphore_mem>>)
      } else {
      }
      %add3A_95 = arith.constant 1 : i32
      %add3A_96 = arith.addi %mul3A_78, %add3A_95 : i32
      %dma_wait3A_97 = arith.constant 0 : i32
      %dma_wait3A_98 = tpu.memref_slice %arg7[%add3A_96, %dma_wait3A_97] : memref<40x128xi32, #tpu.memory_space<vmem>> -> memref<1x128xi32, #tpu.memory_space<vmem>>
      %dma_wait3A_99 = tpu.memref_squeeze %dma_wait3A_98 : memref<1x128xi32, #tpu.memory_space<vmem>> -> memref<128xi32, #tpu.memory_space<vmem>>
      %dma_wait3A_100 = arith.constant 0 : i32
      %dma_wait3A_101 = arith.constant 0 : i32
      %dma_wait3A_102 = tpu.memref_slice %arg2[%dma_wait3A_100, %dma_wait3A_101] : memref<20480x128xf32, #tpu.memory_space<hbm>> -> memref<20480x128xf32, #tpu.memory_space<hbm>>
      tpu.wait_indirect_dma semaphore(%arg13 : memref<!tpu.dma_semaphore, #tpu.memory_space<semaphore_mem>>) src(%dma_wait3A_102 : memref<20480x128xf32, #tpu.memory_space<hbm>>) dst(%arg11 : memref<128x128xf32, #tpu.memory_space<vmem>>)
      %dma_start3A_103 = arith.constant 0 : i32
      %dma_start3A_104 = tpu.memref_slice %arg8[%add3A_96, %dma_start3A_103] : memref<40x128xi32, #tpu.memory_space<vmem>> -> memref<1x128xi32, #tpu.memory_space<vmem>>
      %dma_start3A_105 = tpu.memref_squeeze %dma_start3A_104 : memref<1x128xi32, #tpu.memory_space<vmem>> -> memref<128xi32, #tpu.memory_space<vmem>>
      %dma_start3A_106 = arith.constant 0 : i32
      %dma_start3A_107 = arith.constant 0 : i32
      %dma_start3A_108 = tpu.memref_slice %arg9[%dma_start3A_106, %dma_start3A_107] : memref<10240x128xf32, #tpu.memory_space<vmem_shared>> -> memref<10240x128xf32, #tpu.memory_space<vmem_shared>>
      tpu.enqueue_indirect_dma source(%arg11 : memref<128x128xf32, #tpu.memory_space<vmem>>) target(%dma_start3A_108 : memref<10240x128xf32, #tpu.memory_space<vmem_shared>>) offsets(%dma_start3A_105 : memref<128xi32, #tpu.memory_space<vmem>>) semaphore(%arg15 : memref<!tpu.dma_semaphore, #tpu.memory_space<semaphore_mem>>) {add = true}
      %lt3A_109 = arith.constant 19 : i32
      %lt3A_110 = arith.cmpi slt, %add3A_76, %lt3A_109 : i32
      %convert_element_type3A_111 = arith.extui %lt3A_110 : i1 to i32
      %cond3A_112 = arith.constant 0 : i32
      %cond3A_113 = arith.cmpi ne, %convert_element_type3A_111, %cond3A_112 : i32
      scf.if %cond3A_113 {
        %dma_wait3A_114 = arith.constant 0 : i32
        %dma_wait3A_115 = tpu.memref_slice %arg8[%add3A_96, %dma_wait3A_114] : memref<40x128xi32, #tpu.memory_space<vmem>> -> memref<1x128xi32, #tpu.memory_space<vmem>>
        %dma_wait3A_116 = tpu.memref_squeeze %dma_wait3A_115 : memref<1x128xi32, #tpu.memory_space<vmem>> -> memref<128xi32, #tpu.memory_space<vmem>>
        %dma_wait3A_117 = arith.constant 0 : i32
        %dma_wait3A_118 = arith.constant 0 : i32
        %dma_wait3A_119 = tpu.memref_slice %arg9[%dma_wait3A_117, %dma_wait3A_118] : memref<10240x128xf32, #tpu.memory_space<vmem_shared>> -> memref<10240x128xf32, #tpu.memory_space<vmem_shared>>
        tpu.wait_indirect_dma semaphore(%arg15 : memref<!tpu.dma_semaphore, #tpu.memory_space<semaphore_mem>>) src(%arg11 : memref<128x128xf32, #tpu.memory_space<vmem>>) dst(%dma_wait3A_119 : memref<10240x128xf32, #tpu.memory_space<vmem_shared>>)
        %add3A_120 = arith.constant 2 : i32
        %add3A_121 = arith.addi %add3A_96, %add3A_120 : i32
        %dma_start3A_122 = arith.constant 0 : i32
        %dma_start3A_123 = tpu.memref_slice %arg7[%add3A_121, %dma_start3A_122] : memref<40x128xi32, #tpu.memory_space<vmem>> -> memref<1x128xi32, #tpu.memory_space<vmem>>
        %dma_start3A_124 = tpu.memref_squeeze %dma_start3A_123 : memref<1x128xi32, #tpu.memory_space<vmem>> -> memref<128xi32, #tpu.memory_space<vmem>>
        %dma_start3A_125 = arith.constant 0 : i32
        %dma_start3A_126 = arith.constant 0 : i32
        %dma_start3A_127 = tpu.memref_slice %arg2[%dma_start3A_125, %dma_start3A_126] : memref<20480x128xf32, #tpu.memory_space<hbm>> -> memref<20480x128xf32, #tpu.memory_space<hbm>>
        tpu.enqueue_indirect_dma source(%dma_start3A_127 : memref<20480x128xf32, #tpu.memory_space<hbm>>) target(%arg11 : memref<128x128xf32, #tpu.memory_space<vmem>>) offsets(%dma_start3A_124 : memref<128xi32, #tpu.memory_space<vmem>>) semaphore(%arg13 : memref<!tpu.dma_semaphore, #tpu.memory_space<semaphore_mem>>)
      } else {
      }
    }
    %scan3A_52 = arith.constant 20 : i32
    %dma_wait3A_53 = arith.constant 0 : i32
    %dma_wait3A_54 = arith.constant 0 : i32
    %dma_wait3A_55 = tpu.memref_slice %arg8[%dma_wait3A_53, %dma_wait3A_54] : memref<40x128xi32, #tpu.memory_space<vmem>> -> memref<1x128xi32, #tpu.memory_space<vmem>>
    %dma_wait3A_56 = tpu.memref_squeeze %dma_wait3A_55 : memref<1x128xi32, #tpu.memory_space<vmem>> -> memref<128xi32, #tpu.memory_space<vmem>>
    %dma_wait3A_57 = arith.constant 0 : i32
    %dma_wait3A_58 = arith.constant 0 : i32
    %dma_wait3A_59 = tpu.memref_slice %arg9[%dma_wait3A_57, %dma_wait3A_58] : memref<10240x128xf32, #tpu.memory_space<vmem_shared>> -> memref<10240x128xf32, #tpu.memory_space<vmem_shared>>
    tpu.wait_indirect_dma semaphore(%arg14 : memref<!tpu.dma_semaphore, #tpu.memory_space<semaphore_mem>>) src(%arg10 : memref<128x128xf32, #tpu.memory_space<vmem>>) dst(%dma_wait3A_59 : memref<10240x128xf32, #tpu.memory_space<vmem_shared>>)
    %dma_wait3A_60 = arith.constant 1 : i32
    %dma_wait3A_61 = arith.constant 0 : i32
    %dma_wait3A_62 = tpu.memref_slice %arg8[%dma_wait3A_60, %dma_wait3A_61] : memref<40x128xi32, #tpu.memory_space<vmem>> -> memref<1x128xi32, #tpu.memory_space<vmem>>
    %dma_wait3A_63 = tpu.memref_squeeze %dma_wait3A_62 : memref<1x128xi32, #tpu.memory_space<vmem>> -> memref<128xi32, #tpu.memory_space<vmem>>
    %dma_wait3A_64 = arith.constant 0 : i32
    %dma_wait3A_65 = arith.constant 0 : i32
    %dma_wait3A_66 = tpu.memref_slice %arg9[%dma_wait3A_64, %dma_wait3A_65] : memref<10240x128xf32, #tpu.memory_space<vmem_shared>> -> memref<10240x128xf32, #tpu.memory_space<vmem_shared>>
    tpu.wait_indirect_dma semaphore(%arg15 : memref<!tpu.dma_semaphore, #tpu.memory_space<semaphore_mem>>) src(%arg11 : memref<128x128xf32, #tpu.memory_space<vmem>>) dst(%dma_wait3A_66 : memref<10240x128xf32, #tpu.memory_space<vmem_shared>>)
    %barrier3A_67 = arith.constant 0 : index
    tpu.barrier barrier_id(%barrier3A_67)
    %mul3A_68 = arith.constant 640 : i32
    %mul3A_69 = arith.muli %arg1, %mul3A_68 : i32
    %mul3A_70 = arith.constant 640 : i32
    %mul3A_71 = arith.muli %arg1, %mul3A_70 : i32
    "tpu.region"() ({
      %run_scoped3A = tpu.sem_alloc : memref<!tpu.dma_semaphore, #tpu.memory_space<semaphore_mem>>
      %dma_start3A_72 = arith.constant 0 : i32
      %dma_start3A_73 = arith.constant 0 : i32
      %dma_start3A_74 = tpu.memref_slice %arg6[%add3A_1, %dma_start3A_72, %dma_start3A_73] : memref<2x10240x128xf32, #tpu.memory_space<hbm>> -> memref<1x10240x128xf32, #tpu.memory_space<hbm>>
      %dma_start3A_75 = tpu.memref_squeeze %dma_start3A_74 : memref<1x10240x128xf32, #tpu.memory_space<hbm>> -> memref<10240x128xf32, #tpu.memory_space<hbm>>
      %dma_start3A_76 = arith.constant 0 : i32
      %dma_start3A_77 = tpu.memref_slice %dma_start3A_75[%mul3A_71, %dma_start3A_76] : memref<10240x128xf32, #tpu.memory_space<hbm>> -> memref<640x128xf32, #tpu.memory_space<hbm>>
      %dma_start3A_78 = arith.constant 0 : i32
      %dma_start3A_79 = tpu.memref_slice %arg9[%mul3A_69, %dma_start3A_78] : memref<10240x128xf32, #tpu.memory_space<vmem_shared>> -> memref<640x128xf32, #tpu.memory_space<vmem_shared>>
      tpu.enqueue_dma source(%dma_start3A_79 : memref<640x128xf32, #tpu.memory_space<vmem_shared>>) target(%dma_start3A_77 : memref<640x128xf32, #tpu.memory_space<hbm>>) target_semaphore(%run_scoped3A : memref<!tpu.dma_semaphore, #tpu.memory_space<semaphore_mem>>)
      %dma_wait3A_80 = arith.constant 0 : i32
      %dma_wait3A_81 = arith.constant 0 : i32
      %dma_wait3A_82 = tpu.memref_slice %arg6[%add3A_1, %dma_wait3A_80, %dma_wait3A_81] : memref<2x10240x128xf32, #tpu.memory_space<hbm>> -> memref<1x10240x128xf32, #tpu.memory_space<hbm>>
      %dma_wait3A_83 = tpu.memref_squeeze %dma_wait3A_82 : memref<1x10240x128xf32, #tpu.memory_space<hbm>> -> memref<10240x128xf32, #tpu.memory_space<hbm>>
      %dma_wait3A_84 = arith.constant 0 : i32
      %dma_wait3A_85 = tpu.memref_slice %dma_wait3A_83[%mul3A_71, %dma_wait3A_84] : memref<10240x128xf32, #tpu.memory_space<hbm>> -> memref<640x128xf32, #tpu.memory_space<hbm>>
      %dma_wait3A_86 = arith.constant 0 : i32
      %dma_wait3A_87 = tpu.memref_slice %arg9[%mul3A_69, %dma_wait3A_86] : memref<10240x128xf32, #tpu.memory_space<vmem_shared>> -> memref<640x128xf32, #tpu.memory_space<vmem_shared>>
      tpu.wait_dma2 semaphore(%run_scoped3A : memref<!tpu.dma_semaphore, #tpu.memory_space<semaphore_mem>>) src(%dma_wait3A_87 : memref<640x128xf32, #tpu.memory_space<vmem_shared>>) dst(%dma_wait3A_85 : memref<640x128xf32, #tpu.memory_space<hbm>>)
      tpu.yield
    }) : () -> ()
    return
  }
}

#map = affine_map<(d0, d1) -> (0, 0)>
#map1 = affine_map<(d0, d1) -> (0, 0, 0, 0)>
#map2 = affine_map<(d0, d1) -> (0, 0, 0)>
module attributes {stable_mosaic.version = 14 : i64} {
  func.func @_edgesum_body(%arg0: i32, %arg1: i32, %arg2: memref<40960x128xf32, #tpu.memory_space<hbm>>, %arg3: memref<4x16x80x128xi32, #tpu.memory_space<hbm>>, %arg4: memref<16x80x128xi32, #tpu.memory_space<hbm>>, %arg5: memref<640x128xf32, #tpu.memory_space<hbm>>, %arg6: memref<4x10240x128xf32, #tpu.memory_space<hbm>>, %arg7: memref<40x128xi32, #tpu.memory_space<vmem>>, %arg8: memref<40x128xi32, #tpu.memory_space<vmem>>, %arg9: memref<10240x128xf32, #tpu.memory_space<vmem_shared>>, %arg10: memref<128x128xf32, #tpu.memory_space<vmem>>, %arg11: memref<128x128xf32, #tpu.memory_space<vmem>>, %arg12: memref<!tpu.dma_semaphore, #tpu.memory_space<semaphore_mem>>, %arg13: memref<!tpu.dma_semaphore, #tpu.memory_space<semaphore_mem>>, %arg14: memref<!tpu.dma_semaphore, #tpu.memory_space<semaphore_mem>>, %arg15: memref<!tpu.dma_semaphore, #tpu.memory_space<semaphore_mem>>) attributes {dimension_semantics = [#tpu.dimension_semantics<core_parallel>, #tpu.dimension_semantics<subcore_parallel>], iteration_bounds = array<i64: 2, 16>, scalar_prefetch = 0 : i64, scratch_operands = 9 : i64, tpu.core_type = #tpu.core_type<sc_vector_subcore>, window_params = [{transform_indices = #map}, {transform_indices = #map1}, {transform_indices = #map2}, {transform_indices = #map}, {transform_indices = #map2}]} {
    %mul3A = arith.constant 2 : i32
    %mul3A_0 = arith.muli %arg0, %mul3A : i32
    %add3A = arith.constant 0 : i32
    %add3A_1 = arith.addi %mul3A_0, %add3A : i32
    %mul3A_2 = arith.constant 640 : i32
    %mul3A_3 = arith.muli %arg1, %mul3A_2 : i32
    "tpu.region"() ({
      %run_scoped3A = tpu.sem_alloc : memref<!tpu.dma_semaphore, #tpu.memory_space<semaphore_mem>>
      %dma_start3A_150 = arith.constant 0 : i32
      %dma_start3A_151 = tpu.memref_slice %arg9[%mul3A_3, %dma_start3A_150] : memref<10240x128xf32, #tpu.memory_space<vmem_shared>> -> memref<640x128xf32, #tpu.memory_space<vmem_shared>>
      tpu.enqueue_dma source(%arg5 : memref<640x128xf32, #tpu.memory_space<hbm>>) target(%dma_start3A_151 : memref<640x128xf32, #tpu.memory_space<vmem_shared>>) target_semaphore(%run_scoped3A : memref<!tpu.dma_semaphore, #tpu.memory_space<semaphore_mem>>)
      %dma_wait3A_152 = arith.constant 0 : i32
      %dma_wait3A_153 = tpu.memref_slice %arg9[%mul3A_3, %dma_wait3A_152] : memref<10240x128xf32, #tpu.memory_space<vmem_shared>> -> memref<640x128xf32, #tpu.memory_space<vmem_shared>>
      tpu.wait_dma2 semaphore(%run_scoped3A : memref<!tpu.dma_semaphore, #tpu.memory_space<semaphore_mem>>) src(%arg5 : memref<640x128xf32, #tpu.memory_space<hbm>>) dst(%dma_wait3A_153 : memref<640x128xf32, #tpu.memory_space<vmem_shared>>)
      tpu.yield
    }) : () -> ()
    %barrier3A = arith.constant 0 : index
    tpu.barrier barrier_id(%barrier3A)
    "tpu.region"() ({
      %run_scoped3A = tpu.sem_alloc : memref<!tpu.dma_semaphore, #tpu.memory_space<semaphore_mem>>
      %dma_start3A_150 = arith.constant 0 : i32
      %dma_start3A_151 = arith.constant 0 : i32
      %dma_start3A_152 = tpu.memref_slice %arg3[%add3A_1, %arg1, %dma_start3A_150, %dma_start3A_151] : memref<4x16x80x128xi32, #tpu.memory_space<hbm>> -> memref<1x1x80x128xi32, #tpu.memory_space<hbm>>
      %dma_start3A_153 = tpu.memref_squeeze %dma_start3A_152 : memref<1x1x80x128xi32, #tpu.memory_space<hbm>> -> memref<80x128xi32, #tpu.memory_space<hbm>>
      %dma_start3A_154 = arith.constant 0 : i32
      %dma_start3A_155 = arith.constant 0 : i32
      %dma_start3A_156 = tpu.memref_slice %dma_start3A_153[%dma_start3A_154, %dma_start3A_155] : memref<80x128xi32, #tpu.memory_space<hbm>> -> memref<40x128xi32, #tpu.memory_space<hbm>>
      %dma_start3A_157 = arith.constant 0 : i32
      %dma_start3A_158 = arith.constant 0 : i32
      %dma_start3A_159 = tpu.memref_slice %arg3[%add3A_1, %arg1, %dma_start3A_157, %dma_start3A_158] : memref<4x16x80x128xi32, #tpu.memory_space<hbm>> -> memref<1x1x80x128xi32, #tpu.memory_space<hbm>>
      %dma_start3A_160 = tpu.memref_squeeze %dma_start3A_159 : memref<1x1x80x128xi32, #tpu.memory_space<hbm>> -> memref<80x128xi32, #tpu.memory_space<hbm>>
      %dma_start3A_161 = arith.constant 0 : i32
      %dma_start3A_162 = arith.constant 0 : i32
      %dma_start3A_163 = tpu.memref_slice %dma_start3A_160[%dma_start3A_161, %dma_start3A_162] : memref<80x128xi32, #tpu.memory_space<hbm>> -> memref<40x128xi32, #tpu.memory_space<hbm>>
      tpu.enqueue_dma source(%dma_start3A_163 : memref<40x128xi32, #tpu.memory_space<hbm>>) target(%arg7 : memref<40x128xi32, #tpu.memory_space<vmem>>) target_semaphore(%run_scoped3A : memref<!tpu.dma_semaphore, #tpu.memory_space<semaphore_mem>>)
      %dma_wait3A_164 = arith.constant 0 : i32
      %dma_wait3A_165 = arith.constant 0 : i32
      %dma_wait3A_166 = tpu.memref_slice %arg3[%add3A_1, %arg1, %dma_wait3A_164, %dma_wait3A_165] : memref<4x16x80x128xi32, #tpu.memory_space<hbm>> -> memref<1x1x80x128xi32, #tpu.memory_space<hbm>>
      %dma_wait3A_167 = tpu.memref_squeeze %dma_wait3A_166 : memref<1x1x80x128xi32, #tpu.memory_space<hbm>> -> memref<80x128xi32, #tpu.memory_space<hbm>>
      %dma_wait3A_168 = arith.constant 0 : i32
      %dma_wait3A_169 = arith.constant 0 : i32
      %dma_wait3A_170 = tpu.memref_slice %dma_wait3A_167[%dma_wait3A_168, %dma_wait3A_169] : memref<80x128xi32, #tpu.memory_space<hbm>> -> memref<40x128xi32, #tpu.memory_space<hbm>>
      %dma_wait3A_171 = arith.constant 0 : i32
      %dma_wait3A_172 = arith.constant 0 : i32
      %dma_wait3A_173 = tpu.memref_slice %arg3[%add3A_1, %arg1, %dma_wait3A_171, %dma_wait3A_172] : memref<4x16x80x128xi32, #tpu.memory_space<hbm>> -> memref<1x1x80x128xi32, #tpu.memory_space<hbm>>
      %dma_wait3A_174 = tpu.memref_squeeze %dma_wait3A_173 : memref<1x1x80x128xi32, #tpu.memory_space<hbm>> -> memref<80x128xi32, #tpu.memory_space<hbm>>
      %dma_wait3A_175 = arith.constant 0 : i32
      %dma_wait3A_176 = arith.constant 0 : i32
      %dma_wait3A_177 = tpu.memref_slice %dma_wait3A_174[%dma_wait3A_175, %dma_wait3A_176] : memref<80x128xi32, #tpu.memory_space<hbm>> -> memref<40x128xi32, #tpu.memory_space<hbm>>
      tpu.wait_dma2 semaphore(%run_scoped3A : memref<!tpu.dma_semaphore, #tpu.memory_space<semaphore_mem>>) src(%dma_wait3A_177 : memref<40x128xi32, #tpu.memory_space<hbm>>) dst(%arg7 : memref<40x128xi32, #tpu.memory_space<vmem>>)
      tpu.yield
    }) : () -> ()
    "tpu.region"() ({
      %run_scoped3A = tpu.sem_alloc : memref<!tpu.dma_semaphore, #tpu.memory_space<semaphore_mem>>
      %dma_start3A_150 = arith.constant 0 : i32
      %dma_start3A_151 = arith.constant 0 : i32
      %dma_start3A_152 = tpu.memref_slice %arg4[%arg1, %dma_start3A_150, %dma_start3A_151] : memref<16x80x128xi32, #tpu.memory_space<hbm>> -> memref<1x80x128xi32, #tpu.memory_space<hbm>>
      %dma_start3A_153 = tpu.memref_squeeze %dma_start3A_152 : memref<1x80x128xi32, #tpu.memory_space<hbm>> -> memref<80x128xi32, #tpu.memory_space<hbm>>
      %dma_start3A_154 = arith.constant 0 : i32
      %dma_start3A_155 = arith.constant 0 : i32
      %dma_start3A_156 = tpu.memref_slice %dma_start3A_153[%dma_start3A_154, %dma_start3A_155] : memref<80x128xi32, #tpu.memory_space<hbm>> -> memref<40x128xi32, #tpu.memory_space<hbm>>
      %dma_start3A_157 = arith.constant 0 : i32
      %dma_start3A_158 = arith.constant 0 : i32
      %dma_start3A_159 = tpu.memref_slice %arg4[%arg1, %dma_start3A_157, %dma_start3A_158] : memref<16x80x128xi32, #tpu.memory_space<hbm>> -> memref<1x80x128xi32, #tpu.memory_space<hbm>>
      %dma_start3A_160 = tpu.memref_squeeze %dma_start3A_159 : memref<1x80x128xi32, #tpu.memory_space<hbm>> -> memref<80x128xi32, #tpu.memory_space<hbm>>
      %dma_start3A_161 = arith.constant 0 : i32
      %dma_start3A_162 = arith.constant 0 : i32
      %dma_start3A_163 = tpu.memref_slice %dma_start3A_160[%dma_start3A_161, %dma_start3A_162] : memref<80x128xi32, #tpu.memory_space<hbm>> -> memref<40x128xi32, #tpu.memory_space<hbm>>
      tpu.enqueue_dma source(%dma_start3A_163 : memref<40x128xi32, #tpu.memory_space<hbm>>) target(%arg8 : memref<40x128xi32, #tpu.memory_space<vmem>>) target_semaphore(%run_scoped3A : memref<!tpu.dma_semaphore, #tpu.memory_space<semaphore_mem>>)
      %dma_wait3A_164 = arith.constant 0 : i32
      %dma_wait3A_165 = arith.constant 0 : i32
      %dma_wait3A_166 = tpu.memref_slice %arg4[%arg1, %dma_wait3A_164, %dma_wait3A_165] : memref<16x80x128xi32, #tpu.memory_space<hbm>> -> memref<1x80x128xi32, #tpu.memory_space<hbm>>
      %dma_wait3A_167 = tpu.memref_squeeze %dma_wait3A_166 : memref<1x80x128xi32, #tpu.memory_space<hbm>> -> memref<80x128xi32, #tpu.memory_space<hbm>>
      %dma_wait3A_168 = arith.constant 0 : i32
      %dma_wait3A_169 = arith.constant 0 : i32
      %dma_wait3A_170 = tpu.memref_slice %dma_wait3A_167[%dma_wait3A_168, %dma_wait3A_169] : memref<80x128xi32, #tpu.memory_space<hbm>> -> memref<40x128xi32, #tpu.memory_space<hbm>>
      %dma_wait3A_171 = arith.constant 0 : i32
      %dma_wait3A_172 = arith.constant 0 : i32
      %dma_wait3A_173 = tpu.memref_slice %arg4[%arg1, %dma_wait3A_171, %dma_wait3A_172] : memref<16x80x128xi32, #tpu.memory_space<hbm>> -> memref<1x80x128xi32, #tpu.memory_space<hbm>>
      %dma_wait3A_174 = tpu.memref_squeeze %dma_wait3A_173 : memref<1x80x128xi32, #tpu.memory_space<hbm>> -> memref<80x128xi32, #tpu.memory_space<hbm>>
      %dma_wait3A_175 = arith.constant 0 : i32
      %dma_wait3A_176 = arith.constant 0 : i32
      %dma_wait3A_177 = tpu.memref_slice %dma_wait3A_174[%dma_wait3A_175, %dma_wait3A_176] : memref<80x128xi32, #tpu.memory_space<hbm>> -> memref<40x128xi32, #tpu.memory_space<hbm>>
      tpu.wait_dma2 semaphore(%run_scoped3A : memref<!tpu.dma_semaphore, #tpu.memory_space<semaphore_mem>>) src(%dma_wait3A_177 : memref<40x128xi32, #tpu.memory_space<hbm>>) dst(%arg8 : memref<40x128xi32, #tpu.memory_space<vmem>>)
      tpu.yield
    }) : () -> ()
    %dma_start3A = arith.constant 0 : i32
    %dma_start3A_4 = arith.constant 0 : i32
    %dma_start3A_5 = tpu.memref_slice %arg7[%dma_start3A, %dma_start3A_4] : memref<40x128xi32, #tpu.memory_space<vmem>> -> memref<1x128xi32, #tpu.memory_space<vmem>>
    %dma_start3A_6 = tpu.memref_squeeze %dma_start3A_5 : memref<1x128xi32, #tpu.memory_space<vmem>> -> memref<128xi32, #tpu.memory_space<vmem>>
    %dma_start3A_7 = arith.constant 0 : i32
    %dma_start3A_8 = arith.constant 0 : i32
    %dma_start3A_9 = tpu.memref_slice %arg2[%dma_start3A_7, %dma_start3A_8] : memref<40960x128xf32, #tpu.memory_space<hbm>> -> memref<40960x128xf32, #tpu.memory_space<hbm>>
    tpu.enqueue_indirect_dma source(%dma_start3A_9 : memref<40960x128xf32, #tpu.memory_space<hbm>>) target(%arg10 : memref<128x128xf32, #tpu.memory_space<vmem>>) offsets(%dma_start3A_6 : memref<128xi32, #tpu.memory_space<vmem>>) semaphore(%arg12 : memref<!tpu.dma_semaphore, #tpu.memory_space<semaphore_mem>>)
    %dma_start3A_10 = arith.constant 1 : i32
    %dma_start3A_11 = arith.constant 0 : i32
    %dma_start3A_12 = tpu.memref_slice %arg7[%dma_start3A_10, %dma_start3A_11] : memref<40x128xi32, #tpu.memory_space<vmem>> -> memref<1x128xi32, #tpu.memory_space<vmem>>
    %dma_start3A_13 = tpu.memref_squeeze %dma_start3A_12 : memref<1x128xi32, #tpu.memory_space<vmem>> -> memref<128xi32, #tpu.memory_space<vmem>>
    %dma_start3A_14 = arith.constant 0 : i32
    %dma_start3A_15 = arith.constant 0 : i32
    %dma_start3A_16 = tpu.memref_slice %arg2[%dma_start3A_14, %dma_start3A_15] : memref<40960x128xf32, #tpu.memory_space<hbm>> -> memref<40960x128xf32, #tpu.memory_space<hbm>>
    tpu.enqueue_indirect_dma source(%dma_start3A_16 : memref<40960x128xf32, #tpu.memory_space<hbm>>) target(%arg11 : memref<128x128xf32, #tpu.memory_space<vmem>>) offsets(%dma_start3A_13 : memref<128xi32, #tpu.memory_space<vmem>>) semaphore(%arg13 : memref<!tpu.dma_semaphore, #tpu.memory_space<semaphore_mem>>)
    %scan3A = arith.constant 0 : i32
    %scan3A_17 = arith.constant 20 : i32
    %scan3A_18 = arith.addi %scan3A, %scan3A_17 : i32
    %scan3A_19 = arith.constant 1 : i32
    scf.for %scan3A_150 = %scan3A to %scan3A_18 step %scan3A_19  : i32 {
      %mul3A_151 = arith.constant 1 : i32
      %mul3A_152 = arith.muli %scan3A_150, %mul3A_151 : i32
      %add3A_153 = arith.constant 0 : i32
      %add3A_154 = arith.addi %add3A_153, %mul3A_152 : i32
      %mul3A_155 = arith.constant 2 : i32
      %mul3A_156 = arith.muli %add3A_154, %mul3A_155 : i32
      %add3A_157 = arith.constant 0 : i32
      %add3A_158 = arith.addi %mul3A_156, %add3A_157 : i32
      %dma_wait3A_159 = arith.constant 0 : i32
      %dma_wait3A_160 = tpu.memref_slice %arg7[%add3A_158, %dma_wait3A_159] : memref<40x128xi32, #tpu.memory_space<vmem>> -> memref<1x128xi32, #tpu.memory_space<vmem>>
      %dma_wait3A_161 = tpu.memref_squeeze %dma_wait3A_160 : memref<1x128xi32, #tpu.memory_space<vmem>> -> memref<128xi32, #tpu.memory_space<vmem>>
      %dma_wait3A_162 = arith.constant 0 : i32
      %dma_wait3A_163 = arith.constant 0 : i32
      %dma_wait3A_164 = tpu.memref_slice %arg2[%dma_wait3A_162, %dma_wait3A_163] : memref<40960x128xf32, #tpu.memory_space<hbm>> -> memref<40960x128xf32, #tpu.memory_space<hbm>>
      tpu.wait_indirect_dma semaphore(%arg12 : memref<!tpu.dma_semaphore, #tpu.memory_space<semaphore_mem>>) src(%dma_wait3A_164 : memref<40960x128xf32, #tpu.memory_space<hbm>>) dst(%arg10 : memref<128x128xf32, #tpu.memory_space<vmem>>)
      %dma_start3A_165 = arith.constant 0 : i32
      %dma_start3A_166 = tpu.memref_slice %arg8[%add3A_158, %dma_start3A_165] : memref<40x128xi32, #tpu.memory_space<vmem>> -> memref<1x128xi32, #tpu.memory_space<vmem>>
      %dma_start3A_167 = tpu.memref_squeeze %dma_start3A_166 : memref<1x128xi32, #tpu.memory_space<vmem>> -> memref<128xi32, #tpu.memory_space<vmem>>
      %dma_start3A_168 = arith.constant 0 : i32
      %dma_start3A_169 = arith.constant 0 : i32
      %dma_start3A_170 = tpu.memref_slice %arg9[%dma_start3A_168, %dma_start3A_169] : memref<10240x128xf32, #tpu.memory_space<vmem_shared>> -> memref<10240x128xf32, #tpu.memory_space<vmem_shared>>
      tpu.enqueue_indirect_dma source(%arg10 : memref<128x128xf32, #tpu.memory_space<vmem>>) target(%dma_start3A_170 : memref<10240x128xf32, #tpu.memory_space<vmem_shared>>) offsets(%dma_start3A_167 : memref<128xi32, #tpu.memory_space<vmem>>) semaphore(%arg14 : memref<!tpu.dma_semaphore, #tpu.memory_space<semaphore_mem>>) {add = true}
      %lt3A = arith.constant 19 : i32
      %lt3A_171 = arith.cmpi slt, %add3A_154, %lt3A : i32
      %convert_element_type3A = arith.extui %lt3A_171 : i1 to i32
      %cond3A = arith.constant 0 : i32
      %cond3A_172 = arith.cmpi ne, %convert_element_type3A, %cond3A : i32
      scf.if %cond3A_172 {
        %dma_wait3A_192 = arith.constant 0 : i32
        %dma_wait3A_193 = tpu.memref_slice %arg8[%add3A_158, %dma_wait3A_192] : memref<40x128xi32, #tpu.memory_space<vmem>> -> memref<1x128xi32, #tpu.memory_space<vmem>>
        %dma_wait3A_194 = tpu.memref_squeeze %dma_wait3A_193 : memref<1x128xi32, #tpu.memory_space<vmem>> -> memref<128xi32, #tpu.memory_space<vmem>>
        %dma_wait3A_195 = arith.constant 0 : i32
        %dma_wait3A_196 = arith.constant 0 : i32
        %dma_wait3A_197 = tpu.memref_slice %arg9[%dma_wait3A_195, %dma_wait3A_196] : memref<10240x128xf32, #tpu.memory_space<vmem_shared>> -> memref<10240x128xf32, #tpu.memory_space<vmem_shared>>
        tpu.wait_indirect_dma semaphore(%arg14 : memref<!tpu.dma_semaphore, #tpu.memory_space<semaphore_mem>>) src(%arg10 : memref<128x128xf32, #tpu.memory_space<vmem>>) dst(%dma_wait3A_197 : memref<10240x128xf32, #tpu.memory_space<vmem_shared>>)
        %add3A_198 = arith.constant 2 : i32
        %add3A_199 = arith.addi %add3A_158, %add3A_198 : i32
        %dma_start3A_200 = arith.constant 0 : i32
        %dma_start3A_201 = tpu.memref_slice %arg7[%add3A_199, %dma_start3A_200] : memref<40x128xi32, #tpu.memory_space<vmem>> -> memref<1x128xi32, #tpu.memory_space<vmem>>
        %dma_start3A_202 = tpu.memref_squeeze %dma_start3A_201 : memref<1x128xi32, #tpu.memory_space<vmem>> -> memref<128xi32, #tpu.memory_space<vmem>>
        %dma_start3A_203 = arith.constant 0 : i32
        %dma_start3A_204 = arith.constant 0 : i32
        %dma_start3A_205 = tpu.memref_slice %arg2[%dma_start3A_203, %dma_start3A_204] : memref<40960x128xf32, #tpu.memory_space<hbm>> -> memref<40960x128xf32, #tpu.memory_space<hbm>>
        tpu.enqueue_indirect_dma source(%dma_start3A_205 : memref<40960x128xf32, #tpu.memory_space<hbm>>) target(%arg10 : memref<128x128xf32, #tpu.memory_space<vmem>>) offsets(%dma_start3A_202 : memref<128xi32, #tpu.memory_space<vmem>>) semaphore(%arg12 : memref<!tpu.dma_semaphore, #tpu.memory_space<semaphore_mem>>)
      } else {
      }
      %add3A_173 = arith.constant 1 : i32
      %add3A_174 = arith.addi %mul3A_156, %add3A_173 : i32
      %dma_wait3A_175 = arith.constant 0 : i32
      %dma_wait3A_176 = tpu.memref_slice %arg7[%add3A_174, %dma_wait3A_175] : memref<40x128xi32, #tpu.memory_space<vmem>> -> memref<1x128xi32, #tpu.memory_space<vmem>>
      %dma_wait3A_177 = tpu.memref_squeeze %dma_wait3A_176 : memref<1x128xi32, #tpu.memory_space<vmem>> -> memref<128xi32, #tpu.memory_space<vmem>>
      %dma_wait3A_178 = arith.constant 0 : i32
      %dma_wait3A_179 = arith.constant 0 : i32
      %dma_wait3A_180 = tpu.memref_slice %arg2[%dma_wait3A_178, %dma_wait3A_179] : memref<40960x128xf32, #tpu.memory_space<hbm>> -> memref<40960x128xf32, #tpu.memory_space<hbm>>
      tpu.wait_indirect_dma semaphore(%arg13 : memref<!tpu.dma_semaphore, #tpu.memory_space<semaphore_mem>>) src(%dma_wait3A_180 : memref<40960x128xf32, #tpu.memory_space<hbm>>) dst(%arg11 : memref<128x128xf32, #tpu.memory_space<vmem>>)
      %dma_start3A_181 = arith.constant 0 : i32
      %dma_start3A_182 = tpu.memref_slice %arg8[%add3A_174, %dma_start3A_181] : memref<40x128xi32, #tpu.memory_space<vmem>> -> memref<1x128xi32, #tpu.memory_space<vmem>>
      %dma_start3A_183 = tpu.memref_squeeze %dma_start3A_182 : memref<1x128xi32, #tpu.memory_space<vmem>> -> memref<128xi32, #tpu.memory_space<vmem>>
      %dma_start3A_184 = arith.constant 0 : i32
      %dma_start3A_185 = arith.constant 0 : i32
      %dma_start3A_186 = tpu.memref_slice %arg9[%dma_start3A_184, %dma_start3A_185] : memref<10240x128xf32, #tpu.memory_space<vmem_shared>> -> memref<10240x128xf32, #tpu.memory_space<vmem_shared>>
      tpu.enqueue_indirect_dma source(%arg11 : memref<128x128xf32, #tpu.memory_space<vmem>>) target(%dma_start3A_186 : memref<10240x128xf32, #tpu.memory_space<vmem_shared>>) offsets(%dma_start3A_183 : memref<128xi32, #tpu.memory_space<vmem>>) semaphore(%arg15 : memref<!tpu.dma_semaphore, #tpu.memory_space<semaphore_mem>>) {add = true}
      %lt3A_187 = arith.constant 19 : i32
      %lt3A_188 = arith.cmpi slt, %add3A_154, %lt3A_187 : i32
      %convert_element_type3A_189 = arith.extui %lt3A_188 : i1 to i32
      %cond3A_190 = arith.constant 0 : i32
      %cond3A_191 = arith.cmpi ne, %convert_element_type3A_189, %cond3A_190 : i32
      scf.if %cond3A_191 {
        %dma_wait3A_192 = arith.constant 0 : i32
        %dma_wait3A_193 = tpu.memref_slice %arg8[%add3A_174, %dma_wait3A_192] : memref<40x128xi32, #tpu.memory_space<vmem>> -> memref<1x128xi32, #tpu.memory_space<vmem>>
        %dma_wait3A_194 = tpu.memref_squeeze %dma_wait3A_193 : memref<1x128xi32, #tpu.memory_space<vmem>> -> memref<128xi32, #tpu.memory_space<vmem>>
        %dma_wait3A_195 = arith.constant 0 : i32
        %dma_wait3A_196 = arith.constant 0 : i32
        %dma_wait3A_197 = tpu.memref_slice %arg9[%dma_wait3A_195, %dma_wait3A_196] : memref<10240x128xf32, #tpu.memory_space<vmem_shared>> -> memref<10240x128xf32, #tpu.memory_space<vmem_shared>>
        tpu.wait_indirect_dma semaphore(%arg15 : memref<!tpu.dma_semaphore, #tpu.memory_space<semaphore_mem>>) src(%arg11 : memref<128x128xf32, #tpu.memory_space<vmem>>) dst(%dma_wait3A_197 : memref<10240x128xf32, #tpu.memory_space<vmem_shared>>)
        %add3A_198 = arith.constant 2 : i32
        %add3A_199 = arith.addi %add3A_174, %add3A_198 : i32
        %dma_start3A_200 = arith.constant 0 : i32
        %dma_start3A_201 = tpu.memref_slice %arg7[%add3A_199, %dma_start3A_200] : memref<40x128xi32, #tpu.memory_space<vmem>> -> memref<1x128xi32, #tpu.memory_space<vmem>>
        %dma_start3A_202 = tpu.memref_squeeze %dma_start3A_201 : memref<1x128xi32, #tpu.memory_space<vmem>> -> memref<128xi32, #tpu.memory_space<vmem>>
        %dma_start3A_203 = arith.constant 0 : i32
        %dma_start3A_204 = arith.constant 0 : i32
        %dma_start3A_205 = tpu.memref_slice %arg2[%dma_start3A_203, %dma_start3A_204] : memref<40960x128xf32, #tpu.memory_space<hbm>> -> memref<40960x128xf32, #tpu.memory_space<hbm>>
        tpu.enqueue_indirect_dma source(%dma_start3A_205 : memref<40960x128xf32, #tpu.memory_space<hbm>>) target(%arg11 : memref<128x128xf32, #tpu.memory_space<vmem>>) offsets(%dma_start3A_202 : memref<128xi32, #tpu.memory_space<vmem>>) semaphore(%arg13 : memref<!tpu.dma_semaphore, #tpu.memory_space<semaphore_mem>>)
      } else {
      }
    }
    %scan3A_20 = arith.constant 20 : i32
    %dma_wait3A = arith.constant 0 : i32
    %dma_wait3A_21 = arith.constant 0 : i32
    %dma_wait3A_22 = tpu.memref_slice %arg8[%dma_wait3A, %dma_wait3A_21] : memref<40x128xi32, #tpu.memory_space<vmem>> -> memref<1x128xi32, #tpu.memory_space<vmem>>
    %dma_wait3A_23 = tpu.memref_squeeze %dma_wait3A_22 : memref<1x128xi32, #tpu.memory_space<vmem>> -> memref<128xi32, #tpu.memory_space<vmem>>
    %dma_wait3A_24 = arith.constant 0 : i32
    %dma_wait3A_25 = arith.constant 0 : i32
    %dma_wait3A_26 = tpu.memref_slice %arg9[%dma_wait3A_24, %dma_wait3A_25] : memref<10240x128xf32, #tpu.memory_space<vmem_shared>> -> memref<10240x128xf32, #tpu.memory_space<vmem_shared>>
    tpu.wait_indirect_dma semaphore(%arg14 : memref<!tpu.dma_semaphore, #tpu.memory_space<semaphore_mem>>) src(%arg10 : memref<128x128xf32, #tpu.memory_space<vmem>>) dst(%dma_wait3A_26 : memref<10240x128xf32, #tpu.memory_space<vmem_shared>>)
    %dma_wait3A_27 = arith.constant 1 : i32
    %dma_wait3A_28 = arith.constant 0 : i32
    %dma_wait3A_29 = tpu.memref_slice %arg8[%dma_wait3A_27, %dma_wait3A_28] : memref<40x128xi32, #tpu.memory_space<vmem>> -> memref<1x128xi32, #tpu.memory_space<vmem>>
    %dma_wait3A_30 = tpu.memref_squeeze %dma_wait3A_29 : memref<1x128xi32, #tpu.memory_space<vmem>> -> memref<128xi32, #tpu.memory_space<vmem>>
    %dma_wait3A_31 = arith.constant 0 : i32
    %dma_wait3A_32 = arith.constant 0 : i32
    %dma_wait3A_33 = tpu.memref_slice %arg9[%dma_wait3A_31, %dma_wait3A_32] : memref<10240x128xf32, #tpu.memory_space<vmem_shared>> -> memref<10240x128xf32, #tpu.memory_space<vmem_shared>>
    tpu.wait_indirect_dma semaphore(%arg15 : memref<!tpu.dma_semaphore, #tpu.memory_space<semaphore_mem>>) src(%arg11 : memref<128x128xf32, #tpu.memory_space<vmem>>) dst(%dma_wait3A_33 : memref<10240x128xf32, #tpu.memory_space<vmem_shared>>)
    "tpu.region"() ({
      %run_scoped3A = tpu.sem_alloc : memref<!tpu.dma_semaphore, #tpu.memory_space<semaphore_mem>>
      %dma_start3A_150 = arith.constant 0 : i32
      %dma_start3A_151 = arith.constant 0 : i32
      %dma_start3A_152 = tpu.memref_slice %arg3[%add3A_1, %arg1, %dma_start3A_150, %dma_start3A_151] : memref<4x16x80x128xi32, #tpu.memory_space<hbm>> -> memref<1x1x80x128xi32, #tpu.memory_space<hbm>>
      %dma_start3A_153 = tpu.memref_squeeze %dma_start3A_152 : memref<1x1x80x128xi32, #tpu.memory_space<hbm>> -> memref<80x128xi32, #tpu.memory_space<hbm>>
      %dma_start3A_154 = arith.constant 40 : i32
      %dma_start3A_155 = arith.constant 0 : i32
      %dma_start3A_156 = tpu.memref_slice %dma_start3A_153[%dma_start3A_154, %dma_start3A_155] : memref<80x128xi32, #tpu.memory_space<hbm>> -> memref<40x128xi32, #tpu.memory_space<hbm>>
      %dma_start3A_157 = arith.constant 0 : i32
      %dma_start3A_158 = arith.constant 0 : i32
      %dma_start3A_159 = tpu.memref_slice %arg3[%add3A_1, %arg1, %dma_start3A_157, %dma_start3A_158] : memref<4x16x80x128xi32, #tpu.memory_space<hbm>> -> memref<1x1x80x128xi32, #tpu.memory_space<hbm>>
      %dma_start3A_160 = tpu.memref_squeeze %dma_start3A_159 : memref<1x1x80x128xi32, #tpu.memory_space<hbm>> -> memref<80x128xi32, #tpu.memory_space<hbm>>
      %dma_start3A_161 = arith.constant 40 : i32
      %dma_start3A_162 = arith.constant 0 : i32
      %dma_start3A_163 = tpu.memref_slice %dma_start3A_160[%dma_start3A_161, %dma_start3A_162] : memref<80x128xi32, #tpu.memory_space<hbm>> -> memref<40x128xi32, #tpu.memory_space<hbm>>
      tpu.enqueue_dma source(%dma_start3A_163 : memref<40x128xi32, #tpu.memory_space<hbm>>) target(%arg7 : memref<40x128xi32, #tpu.memory_space<vmem>>) target_semaphore(%run_scoped3A : memref<!tpu.dma_semaphore, #tpu.memory_space<semaphore_mem>>)
      %dma_wait3A_164 = arith.constant 0 : i32
      %dma_wait3A_165 = arith.constant 0 : i32
      %dma_wait3A_166 = tpu.memref_slice %arg3[%add3A_1, %arg1, %dma_wait3A_164, %dma_wait3A_165] : memref<4x16x80x128xi32, #tpu.memory_space<hbm>> -> memref<1x1x80x128xi32, #tpu.memory_space<hbm>>
      %dma_wait3A_167 = tpu.memref_squeeze %dma_wait3A_166 : memref<1x1x80x128xi32, #tpu.memory_space<hbm>> -> memref<80x128xi32, #tpu.memory_space<hbm>>
      %dma_wait3A_168 = arith.constant 40 : i32
      %dma_wait3A_169 = arith.constant 0 : i32
      %dma_wait3A_170 = tpu.memref_slice %dma_wait3A_167[%dma_wait3A_168, %dma_wait3A_169] : memref<80x128xi32, #tpu.memory_space<hbm>> -> memref<40x128xi32, #tpu.memory_space<hbm>>
      %dma_wait3A_171 = arith.constant 0 : i32
      %dma_wait3A_172 = arith.constant 0 : i32
      %dma_wait3A_173 = tpu.memref_slice %arg3[%add3A_1, %arg1, %dma_wait3A_171, %dma_wait3A_172] : memref<4x16x80x128xi32, #tpu.memory_space<hbm>> -> memref<1x1x80x128xi32, #tpu.memory_space<hbm>>
      %dma_wait3A_174 = tpu.memref_squeeze %dma_wait3A_173 : memref<1x1x80x128xi32, #tpu.memory_space<hbm>> -> memref<80x128xi32, #tpu.memory_space<hbm>>
      %dma_wait3A_175 = arith.constant 40 : i32
      %dma_wait3A_176 = arith.constant 0 : i32
      %dma_wait3A_177 = tpu.memref_slice %dma_wait3A_174[%dma_wait3A_175, %dma_wait3A_176] : memref<80x128xi32, #tpu.memory_space<hbm>> -> memref<40x128xi32, #tpu.memory_space<hbm>>
      tpu.wait_dma2 semaphore(%run_scoped3A : memref<!tpu.dma_semaphore, #tpu.memory_space<semaphore_mem>>) src(%dma_wait3A_177 : memref<40x128xi32, #tpu.memory_space<hbm>>) dst(%arg7 : memref<40x128xi32, #tpu.memory_space<vmem>>)
      tpu.yield
    }) : () -> ()
    "tpu.region"() ({
      %run_scoped3A = tpu.sem_alloc : memref<!tpu.dma_semaphore, #tpu.memory_space<semaphore_mem>>
      %dma_start3A_150 = arith.constant 0 : i32
      %dma_start3A_151 = arith.constant 0 : i32
      %dma_start3A_152 = tpu.memref_slice %arg4[%arg1, %dma_start3A_150, %dma_start3A_151] : memref<16x80x128xi32, #tpu.memory_space<hbm>> -> memref<1x80x128xi32, #tpu.memory_space<hbm>>
      %dma_start3A_153 = tpu.memref_squeeze %dma_start3A_152 : memref<1x80x128xi32, #tpu.memory_space<hbm>> -> memref<80x128xi32, #tpu.memory_space<hbm>>
      %dma_start3A_154 = arith.constant 40 : i32
      %dma_start3A_155 = arith.constant 0 : i32
      %dma_start3A_156 = tpu.memref_slice %dma_start3A_153[%dma_start3A_154, %dma_start3A_155] : memref<80x128xi32, #tpu.memory_space<hbm>> -> memref<40x128xi32, #tpu.memory_space<hbm>>
      %dma_start3A_157 = arith.constant 0 : i32
      %dma_start3A_158 = arith.constant 0 : i32
      %dma_start3A_159 = tpu.memref_slice %arg4[%arg1, %dma_start3A_157, %dma_start3A_158] : memref<16x80x128xi32, #tpu.memory_space<hbm>> -> memref<1x80x128xi32, #tpu.memory_space<hbm>>
      %dma_start3A_160 = tpu.memref_squeeze %dma_start3A_159 : memref<1x80x128xi32, #tpu.memory_space<hbm>> -> memref<80x128xi32, #tpu.memory_space<hbm>>
      %dma_start3A_161 = arith.constant 40 : i32
      %dma_start3A_162 = arith.constant 0 : i32
      %dma_start3A_163 = tpu.memref_slice %dma_start3A_160[%dma_start3A_161, %dma_start3A_162] : memref<80x128xi32, #tpu.memory_space<hbm>> -> memref<40x128xi32, #tpu.memory_space<hbm>>
      tpu.enqueue_dma source(%dma_start3A_163 : memref<40x128xi32, #tpu.memory_space<hbm>>) target(%arg8 : memref<40x128xi32, #tpu.memory_space<vmem>>) target_semaphore(%run_scoped3A : memref<!tpu.dma_semaphore, #tpu.memory_space<semaphore_mem>>)
      %dma_wait3A_164 = arith.constant 0 : i32
      %dma_wait3A_165 = arith.constant 0 : i32
      %dma_wait3A_166 = tpu.memref_slice %arg4[%arg1, %dma_wait3A_164, %dma_wait3A_165] : memref<16x80x128xi32, #tpu.memory_space<hbm>> -> memref<1x80x128xi32, #tpu.memory_space<hbm>>
      %dma_wait3A_167 = tpu.memref_squeeze %dma_wait3A_166 : memref<1x80x128xi32, #tpu.memory_space<hbm>> -> memref<80x128xi32, #tpu.memory_space<hbm>>
      %dma_wait3A_168 = arith.constant 40 : i32
      %dma_wait3A_169 = arith.constant 0 : i32
      %dma_wait3A_170 = tpu.memref_slice %dma_wait3A_167[%dma_wait3A_168, %dma_wait3A_169] : memref<80x128xi32, #tpu.memory_space<hbm>> -> memref<40x128xi32, #tpu.memory_space<hbm>>
      %dma_wait3A_171 = arith.constant 0 : i32
      %dma_wait3A_172 = arith.constant 0 : i32
      %dma_wait3A_173 = tpu.memref_slice %arg4[%arg1, %dma_wait3A_171, %dma_wait3A_172] : memref<16x80x128xi32, #tpu.memory_space<hbm>> -> memref<1x80x128xi32, #tpu.memory_space<hbm>>
      %dma_wait3A_174 = tpu.memref_squeeze %dma_wait3A_173 : memref<1x80x128xi32, #tpu.memory_space<hbm>> -> memref<80x128xi32, #tpu.memory_space<hbm>>
      %dma_wait3A_175 = arith.constant 40 : i32
      %dma_wait3A_176 = arith.constant 0 : i32
      %dma_wait3A_177 = tpu.memref_slice %dma_wait3A_174[%dma_wait3A_175, %dma_wait3A_176] : memref<80x128xi32, #tpu.memory_space<hbm>> -> memref<40x128xi32, #tpu.memory_space<hbm>>
      tpu.wait_dma2 semaphore(%run_scoped3A : memref<!tpu.dma_semaphore, #tpu.memory_space<semaphore_mem>>) src(%dma_wait3A_177 : memref<40x128xi32, #tpu.memory_space<hbm>>) dst(%arg8 : memref<40x128xi32, #tpu.memory_space<vmem>>)
      tpu.yield
    }) : () -> ()
    %dma_start3A_34 = arith.constant 0 : i32
    %dma_start3A_35 = arith.constant 0 : i32
    %dma_start3A_36 = tpu.memref_slice %arg7[%dma_start3A_34, %dma_start3A_35] : memref<40x128xi32, #tpu.memory_space<vmem>> -> memref<1x128xi32, #tpu.memory_space<vmem>>
    %dma_start3A_37 = tpu.memref_squeeze %dma_start3A_36 : memref<1x128xi32, #tpu.memory_space<vmem>> -> memref<128xi32, #tpu.memory_space<vmem>>
    %dma_start3A_38 = arith.constant 0 : i32
    %dma_start3A_39 = arith.constant 0 : i32
    %dma_start3A_40 = tpu.memref_slice %arg2[%dma_start3A_38, %dma_start3A_39] : memref<40960x128xf32, #tpu.memory_space<hbm>> -> memref<40960x128xf32, #tpu.memory_space<hbm>>
    tpu.enqueue_indirect_dma source(%dma_start3A_40 : memref<40960x128xf32, #tpu.memory_space<hbm>>) target(%arg10 : memref<128x128xf32, #tpu.memory_space<vmem>>) offsets(%dma_start3A_37 : memref<128xi32, #tpu.memory_space<vmem>>) semaphore(%arg12 : memref<!tpu.dma_semaphore, #tpu.memory_space<semaphore_mem>>)
    %dma_start3A_41 = arith.constant 1 : i32
    %dma_start3A_42 = arith.constant 0 : i32
    %dma_start3A_43 = tpu.memref_slice %arg7[%dma_start3A_41, %dma_start3A_42] : memref<40x128xi32, #tpu.memory_space<vmem>> -> memref<1x128xi32, #tpu.memory_space<vmem>>
    %dma_start3A_44 = tpu.memref_squeeze %dma_start3A_43 : memref<1x128xi32, #tpu.memory_space<vmem>> -> memref<128xi32, #tpu.memory_space<vmem>>
    %dma_start3A_45 = arith.constant 0 : i32
    %dma_start3A_46 = arith.constant 0 : i32
    %dma_start3A_47 = tpu.memref_slice %arg2[%dma_start3A_45, %dma_start3A_46] : memref<40960x128xf32, #tpu.memory_space<hbm>> -> memref<40960x128xf32, #tpu.memory_space<hbm>>
    tpu.enqueue_indirect_dma source(%dma_start3A_47 : memref<40960x128xf32, #tpu.memory_space<hbm>>) target(%arg11 : memref<128x128xf32, #tpu.memory_space<vmem>>) offsets(%dma_start3A_44 : memref<128xi32, #tpu.memory_space<vmem>>) semaphore(%arg13 : memref<!tpu.dma_semaphore, #tpu.memory_space<semaphore_mem>>)
    %scan3A_48 = arith.constant 0 : i32
    %scan3A_49 = arith.constant 20 : i32
    %scan3A_50 = arith.addi %scan3A_48, %scan3A_49 : i32
    %scan3A_51 = arith.constant 1 : i32
    scf.for %scan3A_150 = %scan3A_48 to %scan3A_50 step %scan3A_51  : i32 {
      %mul3A_151 = arith.constant 1 : i32
      %mul3A_152 = arith.muli %scan3A_150, %mul3A_151 : i32
      %add3A_153 = arith.constant 0 : i32
      %add3A_154 = arith.addi %add3A_153, %mul3A_152 : i32
      %mul3A_155 = arith.constant 2 : i32
      %mul3A_156 = arith.muli %add3A_154, %mul3A_155 : i32
      %add3A_157 = arith.constant 0 : i32
      %add3A_158 = arith.addi %mul3A_156, %add3A_157 : i32
      %dma_wait3A_159 = arith.constant 0 : i32
      %dma_wait3A_160 = tpu.memref_slice %arg7[%add3A_158, %dma_wait3A_159] : memref<40x128xi32, #tpu.memory_space<vmem>> -> memref<1x128xi32, #tpu.memory_space<vmem>>
      %dma_wait3A_161 = tpu.memref_squeeze %dma_wait3A_160 : memref<1x128xi32, #tpu.memory_space<vmem>> -> memref<128xi32, #tpu.memory_space<vmem>>
      %dma_wait3A_162 = arith.constant 0 : i32
      %dma_wait3A_163 = arith.constant 0 : i32
      %dma_wait3A_164 = tpu.memref_slice %arg2[%dma_wait3A_162, %dma_wait3A_163] : memref<40960x128xf32, #tpu.memory_space<hbm>> -> memref<40960x128xf32, #tpu.memory_space<hbm>>
      tpu.wait_indirect_dma semaphore(%arg12 : memref<!tpu.dma_semaphore, #tpu.memory_space<semaphore_mem>>) src(%dma_wait3A_164 : memref<40960x128xf32, #tpu.memory_space<hbm>>) dst(%arg10 : memref<128x128xf32, #tpu.memory_space<vmem>>)
      %dma_start3A_165 = arith.constant 0 : i32
      %dma_start3A_166 = tpu.memref_slice %arg8[%add3A_158, %dma_start3A_165] : memref<40x128xi32, #tpu.memory_space<vmem>> -> memref<1x128xi32, #tpu.memory_space<vmem>>
      %dma_start3A_167 = tpu.memref_squeeze %dma_start3A_166 : memref<1x128xi32, #tpu.memory_space<vmem>> -> memref<128xi32, #tpu.memory_space<vmem>>
      %dma_start3A_168 = arith.constant 0 : i32
      %dma_start3A_169 = arith.constant 0 : i32
      %dma_start3A_170 = tpu.memref_slice %arg9[%dma_start3A_168, %dma_start3A_169] : memref<10240x128xf32, #tpu.memory_space<vmem_shared>> -> memref<10240x128xf32, #tpu.memory_space<vmem_shared>>
      tpu.enqueue_indirect_dma source(%arg10 : memref<128x128xf32, #tpu.memory_space<vmem>>) target(%dma_start3A_170 : memref<10240x128xf32, #tpu.memory_space<vmem_shared>>) offsets(%dma_start3A_167 : memref<128xi32, #tpu.memory_space<vmem>>) semaphore(%arg14 : memref<!tpu.dma_semaphore, #tpu.memory_space<semaphore_mem>>) {add = true}
      %lt3A = arith.constant 19 : i32
      %lt3A_171 = arith.cmpi slt, %add3A_154, %lt3A : i32
      %convert_element_type3A = arith.extui %lt3A_171 : i1 to i32
      %cond3A = arith.constant 0 : i32
      %cond3A_172 = arith.cmpi ne, %convert_element_type3A, %cond3A : i32
      scf.if %cond3A_172 {
        %dma_wait3A_192 = arith.constant 0 : i32
        %dma_wait3A_193 = tpu.memref_slice %arg8[%add3A_158, %dma_wait3A_192] : memref<40x128xi32, #tpu.memory_space<vmem>> -> memref<1x128xi32, #tpu.memory_space<vmem>>
        %dma_wait3A_194 = tpu.memref_squeeze %dma_wait3A_193 : memref<1x128xi32, #tpu.memory_space<vmem>> -> memref<128xi32, #tpu.memory_space<vmem>>
        %dma_wait3A_195 = arith.constant 0 : i32
        %dma_wait3A_196 = arith.constant 0 : i32
        %dma_wait3A_197 = tpu.memref_slice %arg9[%dma_wait3A_195, %dma_wait3A_196] : memref<10240x128xf32, #tpu.memory_space<vmem_shared>> -> memref<10240x128xf32, #tpu.memory_space<vmem_shared>>
        tpu.wait_indirect_dma semaphore(%arg14 : memref<!tpu.dma_semaphore, #tpu.memory_space<semaphore_mem>>) src(%arg10 : memref<128x128xf32, #tpu.memory_space<vmem>>) dst(%dma_wait3A_197 : memref<10240x128xf32, #tpu.memory_space<vmem_shared>>)
        %add3A_198 = arith.constant 2 : i32
        %add3A_199 = arith.addi %add3A_158, %add3A_198 : i32
        %dma_start3A_200 = arith.constant 0 : i32
        %dma_start3A_201 = tpu.memref_slice %arg7[%add3A_199, %dma_start3A_200] : memref<40x128xi32, #tpu.memory_space<vmem>> -> memref<1x128xi32, #tpu.memory_space<vmem>>
        %dma_start3A_202 = tpu.memref_squeeze %dma_start3A_201 : memref<1x128xi32, #tpu.memory_space<vmem>> -> memref<128xi32, #tpu.memory_space<vmem>>
        %dma_start3A_203 = arith.constant 0 : i32
        %dma_start3A_204 = arith.constant 0 : i32
        %dma_start3A_205 = tpu.memref_slice %arg2[%dma_start3A_203, %dma_start3A_204] : memref<40960x128xf32, #tpu.memory_space<hbm>> -> memref<40960x128xf32, #tpu.memory_space<hbm>>
        tpu.enqueue_indirect_dma source(%dma_start3A_205 : memref<40960x128xf32, #tpu.memory_space<hbm>>) target(%arg10 : memref<128x128xf32, #tpu.memory_space<vmem>>) offsets(%dma_start3A_202 : memref<128xi32, #tpu.memory_space<vmem>>) semaphore(%arg12 : memref<!tpu.dma_semaphore, #tpu.memory_space<semaphore_mem>>)
      } else {
      }
      %add3A_173 = arith.constant 1 : i32
      %add3A_174 = arith.addi %mul3A_156, %add3A_173 : i32
      %dma_wait3A_175 = arith.constant 0 : i32
      %dma_wait3A_176 = tpu.memref_slice %arg7[%add3A_174, %dma_wait3A_175] : memref<40x128xi32, #tpu.memory_space<vmem>> -> memref<1x128xi32, #tpu.memory_space<vmem>>
      %dma_wait3A_177 = tpu.memref_squeeze %dma_wait3A_176 : memref<1x128xi32, #tpu.memory_space<vmem>> -> memref<128xi32, #tpu.memory_space<vmem>>
      %dma_wait3A_178 = arith.constant 0 : i32
      %dma_wait3A_179 = arith.constant 0 : i32
      %dma_wait3A_180 = tpu.memref_slice %arg2[%dma_wait3A_178, %dma_wait3A_179] : memref<40960x128xf32, #tpu.memory_space<hbm>> -> memref<40960x128xf32, #tpu.memory_space<hbm>>
      tpu.wait_indirect_dma semaphore(%arg13 : memref<!tpu.dma_semaphore, #tpu.memory_space<semaphore_mem>>) src(%dma_wait3A_180 : memref<40960x128xf32, #tpu.memory_space<hbm>>) dst(%arg11 : memref<128x128xf32, #tpu.memory_space<vmem>>)
      %dma_start3A_181 = arith.constant 0 : i32
      %dma_start3A_182 = tpu.memref_slice %arg8[%add3A_174, %dma_start3A_181] : memref<40x128xi32, #tpu.memory_space<vmem>> -> memref<1x128xi32, #tpu.memory_space<vmem>>
      %dma_start3A_183 = tpu.memref_squeeze %dma_start3A_182 : memref<1x128xi32, #tpu.memory_space<vmem>> -> memref<128xi32, #tpu.memory_space<vmem>>
      %dma_start3A_184 = arith.constant 0 : i32
      %dma_start3A_185 = arith.constant 0 : i32
      %dma_start3A_186 = tpu.memref_slice %arg9[%dma_start3A_184, %dma_start3A_185] : memref<10240x128xf32, #tpu.memory_space<vmem_shared>> -> memref<10240x128xf32, #tpu.memory_space<vmem_shared>>
      tpu.enqueue_indirect_dma source(%arg11 : memref<128x128xf32, #tpu.memory_space<vmem>>) target(%dma_start3A_186 : memref<10240x128xf32, #tpu.memory_space<vmem_shared>>) offsets(%dma_start3A_183 : memref<128xi32, #tpu.memory_space<vmem>>) semaphore(%arg15 : memref<!tpu.dma_semaphore, #tpu.memory_space<semaphore_mem>>) {add = true}
      %lt3A_187 = arith.constant 19 : i32
      %lt3A_188 = arith.cmpi slt, %add3A_154, %lt3A_187 : i32
      %convert_element_type3A_189 = arith.extui %lt3A_188 : i1 to i32
      %cond3A_190 = arith.constant 0 : i32
      %cond3A_191 = arith.cmpi ne, %convert_element_type3A_189, %cond3A_190 : i32
      scf.if %cond3A_191 {
        %dma_wait3A_192 = arith.constant 0 : i32
        %dma_wait3A_193 = tpu.memref_slice %arg8[%add3A_174, %dma_wait3A_192] : memref<40x128xi32, #tpu.memory_space<vmem>> -> memref<1x128xi32, #tpu.memory_space<vmem>>
        %dma_wait3A_194 = tpu.memref_squeeze %dma_wait3A_193 : memref<1x128xi32, #tpu.memory_space<vmem>> -> memref<128xi32, #tpu.memory_space<vmem>>
        %dma_wait3A_195 = arith.constant 0 : i32
        %dma_wait3A_196 = arith.constant 0 : i32
        %dma_wait3A_197 = tpu.memref_slice %arg9[%dma_wait3A_195, %dma_wait3A_196] : memref<10240x128xf32, #tpu.memory_space<vmem_shared>> -> memref<10240x128xf32, #tpu.memory_space<vmem_shared>>
        tpu.wait_indirect_dma semaphore(%arg15 : memref<!tpu.dma_semaphore, #tpu.memory_space<semaphore_mem>>) src(%arg11 : memref<128x128xf32, #tpu.memory_space<vmem>>) dst(%dma_wait3A_197 : memref<10240x128xf32, #tpu.memory_space<vmem_shared>>)
        %add3A_198 = arith.constant 2 : i32
        %add3A_199 = arith.addi %add3A_174, %add3A_198 : i32
        %dma_start3A_200 = arith.constant 0 : i32
        %dma_start3A_201 = tpu.memref_slice %arg7[%add3A_199, %dma_start3A_200] : memref<40x128xi32, #tpu.memory_space<vmem>> -> memref<1x128xi32, #tpu.memory_space<vmem>>
        %dma_start3A_202 = tpu.memref_squeeze %dma_start3A_201 : memref<1x128xi32, #tpu.memory_space<vmem>> -> memref<128xi32, #tpu.memory_space<vmem>>
        %dma_start3A_203 = arith.constant 0 : i32
        %dma_start3A_204 = arith.constant 0 : i32
        %dma_start3A_205 = tpu.memref_slice %arg2[%dma_start3A_203, %dma_start3A_204] : memref<40960x128xf32, #tpu.memory_space<hbm>> -> memref<40960x128xf32, #tpu.memory_space<hbm>>
        tpu.enqueue_indirect_dma source(%dma_start3A_205 : memref<40960x128xf32, #tpu.memory_space<hbm>>) target(%arg11 : memref<128x128xf32, #tpu.memory_space<vmem>>) offsets(%dma_start3A_202 : memref<128xi32, #tpu.memory_space<vmem>>) semaphore(%arg13 : memref<!tpu.dma_semaphore, #tpu.memory_space<semaphore_mem>>)
      } else {
      }
    }
    %scan3A_52 = arith.constant 20 : i32
    %dma_wait3A_53 = arith.constant 0 : i32
    %dma_wait3A_54 = arith.constant 0 : i32
    %dma_wait3A_55 = tpu.memref_slice %arg8[%dma_wait3A_53, %dma_wait3A_54] : memref<40x128xi32, #tpu.memory_space<vmem>> -> memref<1x128xi32, #tpu.memory_space<vmem>>
    %dma_wait3A_56 = tpu.memref_squeeze %dma_wait3A_55 : memref<1x128xi32, #tpu.memory_space<vmem>> -> memref<128xi32, #tpu.memory_space<vmem>>
    %dma_wait3A_57 = arith.constant 0 : i32
    %dma_wait3A_58 = arith.constant 0 : i32
    %dma_wait3A_59 = tpu.memref_slice %arg9[%dma_wait3A_57, %dma_wait3A_58] : memref<10240x128xf32, #tpu.memory_space<vmem_shared>> -> memref<10240x128xf32, #tpu.memory_space<vmem_shared>>
    tpu.wait_indirect_dma semaphore(%arg14 : memref<!tpu.dma_semaphore, #tpu.memory_space<semaphore_mem>>) src(%arg10 : memref<128x128xf32, #tpu.memory_space<vmem>>) dst(%dma_wait3A_59 : memref<10240x128xf32, #tpu.memory_space<vmem_shared>>)
    %dma_wait3A_60 = arith.constant 1 : i32
    %dma_wait3A_61 = arith.constant 0 : i32
    %dma_wait3A_62 = tpu.memref_slice %arg8[%dma_wait3A_60, %dma_wait3A_61] : memref<40x128xi32, #tpu.memory_space<vmem>> -> memref<1x128xi32, #tpu.memory_space<vmem>>
    %dma_wait3A_63 = tpu.memref_squeeze %dma_wait3A_62 : memref<1x128xi32, #tpu.memory_space<vmem>> -> memref<128xi32, #tpu.memory_space<vmem>>
    %dma_wait3A_64 = arith.constant 0 : i32
    %dma_wait3A_65 = arith.constant 0 : i32
    %dma_wait3A_66 = tpu.memref_slice %arg9[%dma_wait3A_64, %dma_wait3A_65] : memref<10240x128xf32, #tpu.memory_space<vmem_shared>> -> memref<10240x128xf32, #tpu.memory_space<vmem_shared>>
    tpu.wait_indirect_dma semaphore(%arg15 : memref<!tpu.dma_semaphore, #tpu.memory_space<semaphore_mem>>) src(%arg11 : memref<128x128xf32, #tpu.memory_space<vmem>>) dst(%dma_wait3A_66 : memref<10240x128xf32, #tpu.memory_space<vmem_shared>>)
    %barrier3A_67 = arith.constant 0 : index
    tpu.barrier barrier_id(%barrier3A_67)
    %mul3A_68 = arith.constant 640 : i32
    %mul3A_69 = arith.muli %arg1, %mul3A_68 : i32
    %mul3A_70 = arith.constant 640 : i32
    %mul3A_71 = arith.muli %arg1, %mul3A_70 : i32
    "tpu.region"() ({
      %run_scoped3A = tpu.sem_alloc : memref<!tpu.dma_semaphore, #tpu.memory_space<semaphore_mem>>
      %dma_start3A_150 = arith.constant 0 : i32
      %dma_start3A_151 = arith.constant 0 : i32
      %dma_start3A_152 = tpu.memref_slice %arg6[%add3A_1, %dma_start3A_150, %dma_start3A_151] : memref<4x10240x128xf32, #tpu.memory_space<hbm>> -> memref<1x10240x128xf32, #tpu.memory_space<hbm>>
      %dma_start3A_153 = tpu.memref_squeeze %dma_start3A_152 : memref<1x10240x128xf32, #tpu.memory_space<hbm>> -> memref<10240x128xf32, #tpu.memory_space<hbm>>
      %dma_start3A_154 = arith.constant 0 : i32
      %dma_start3A_155 = tpu.memref_slice %dma_start3A_153[%mul3A_71, %dma_start3A_154] : memref<10240x128xf32, #tpu.memory_space<hbm>> -> memref<640x128xf32, #tpu.memory_space<hbm>>
      %dma_start3A_156 = arith.constant 0 : i32
      %dma_start3A_157 = tpu.memref_slice %arg9[%mul3A_69, %dma_start3A_156] : memref<10240x128xf32, #tpu.memory_space<vmem_shared>> -> memref<640x128xf32, #tpu.memory_space<vmem_shared>>
      tpu.enqueue_dma source(%dma_start3A_157 : memref<640x128xf32, #tpu.memory_space<vmem_shared>>) target(%dma_start3A_155 : memref<640x128xf32, #tpu.memory_space<hbm>>) target_semaphore(%run_scoped3A : memref<!tpu.dma_semaphore, #tpu.memory_space<semaphore_mem>>)
      %dma_wait3A_158 = arith.constant 0 : i32
      %dma_wait3A_159 = arith.constant 0 : i32
      %dma_wait3A_160 = tpu.memref_slice %arg6[%add3A_1, %dma_wait3A_158, %dma_wait3A_159] : memref<4x10240x128xf32, #tpu.memory_space<hbm>> -> memref<1x10240x128xf32, #tpu.memory_space<hbm>>
      %dma_wait3A_161 = tpu.memref_squeeze %dma_wait3A_160 : memref<1x10240x128xf32, #tpu.memory_space<hbm>> -> memref<10240x128xf32, #tpu.memory_space<hbm>>
      %dma_wait3A_162 = arith.constant 0 : i32
      %dma_wait3A_163 = tpu.memref_slice %dma_wait3A_161[%mul3A_71, %dma_wait3A_162] : memref<10240x128xf32, #tpu.memory_space<hbm>> -> memref<640x128xf32, #tpu.memory_space<hbm>>
      %dma_wait3A_164 = arith.constant 0 : i32
      %dma_wait3A_165 = tpu.memref_slice %arg9[%mul3A_69, %dma_wait3A_164] : memref<10240x128xf32, #tpu.memory_space<vmem_shared>> -> memref<640x128xf32, #tpu.memory_space<vmem_shared>>
      tpu.wait_dma2 semaphore(%run_scoped3A : memref<!tpu.dma_semaphore, #tpu.memory_space<semaphore_mem>>) src(%dma_wait3A_165 : memref<640x128xf32, #tpu.memory_space<vmem_shared>>) dst(%dma_wait3A_163 : memref<640x128xf32, #tpu.memory_space<hbm>>)
      tpu.yield
    }) : () -> ()
    %mul3A_72 = arith.constant 2 : i32
    %mul3A_73 = arith.muli %arg0, %mul3A_72 : i32
    %add3A_74 = arith.constant 1 : i32
    %add3A_75 = arith.addi %mul3A_73, %add3A_74 : i32
    %mul3A_76 = arith.constant 640 : i32
    %mul3A_77 = arith.muli %arg1, %mul3A_76 : i32
    "tpu.region"() ({
      %run_scoped3A = tpu.sem_alloc : memref<!tpu.dma_semaphore, #tpu.memory_space<semaphore_mem>>
      %dma_start3A_150 = arith.constant 0 : i32
      %dma_start3A_151 = tpu.memref_slice %arg9[%mul3A_77, %dma_start3A_150] : memref<10240x128xf32, #tpu.memory_space<vmem_shared>> -> memref<640x128xf32, #tpu.memory_space<vmem_shared>>
      tpu.enqueue_dma source(%arg5 : memref<640x128xf32, #tpu.memory_space<hbm>>) target(%dma_start3A_151 : memref<640x128xf32, #tpu.memory_space<vmem_shared>>) target_semaphore(%run_scoped3A : memref<!tpu.dma_semaphore, #tpu.memory_space<semaphore_mem>>)
      %dma_wait3A_152 = arith.constant 0 : i32
      %dma_wait3A_153 = tpu.memref_slice %arg9[%mul3A_77, %dma_wait3A_152] : memref<10240x128xf32, #tpu.memory_space<vmem_shared>> -> memref<640x128xf32, #tpu.memory_space<vmem_shared>>
      tpu.wait_dma2 semaphore(%run_scoped3A : memref<!tpu.dma_semaphore, #tpu.memory_space<semaphore_mem>>) src(%arg5 : memref<640x128xf32, #tpu.memory_space<hbm>>) dst(%dma_wait3A_153 : memref<640x128xf32, #tpu.memory_space<vmem_shared>>)
      tpu.yield
    }) : () -> ()
    %barrier3A_78 = arith.constant 0 : index
    tpu.barrier barrier_id(%barrier3A_78)
    "tpu.region"() ({
      %run_scoped3A = tpu.sem_alloc : memref<!tpu.dma_semaphore, #tpu.memory_space<semaphore_mem>>
      %dma_start3A_150 = arith.constant 0 : i32
      %dma_start3A_151 = arith.constant 0 : i32
      %dma_start3A_152 = tpu.memref_slice %arg3[%add3A_75, %arg1, %dma_start3A_150, %dma_start3A_151] : memref<4x16x80x128xi32, #tpu.memory_space<hbm>> -> memref<1x1x80x128xi32, #tpu.memory_space<hbm>>
      %dma_start3A_153 = tpu.memref_squeeze %dma_start3A_152 : memref<1x1x80x128xi32, #tpu.memory_space<hbm>> -> memref<80x128xi32, #tpu.memory_space<hbm>>
      %dma_start3A_154 = arith.constant 0 : i32
      %dma_start3A_155 = arith.constant 0 : i32
      %dma_start3A_156 = tpu.memref_slice %dma_start3A_153[%dma_start3A_154, %dma_start3A_155] : memref<80x128xi32, #tpu.memory_space<hbm>> -> memref<40x128xi32, #tpu.memory_space<hbm>>
      %dma_start3A_157 = arith.constant 0 : i32
      %dma_start3A_158 = arith.constant 0 : i32
      %dma_start3A_159 = tpu.memref_slice %arg3[%add3A_75, %arg1, %dma_start3A_157, %dma_start3A_158] : memref<4x16x80x128xi32, #tpu.memory_space<hbm>> -> memref<1x1x80x128xi32, #tpu.memory_space<hbm>>
      %dma_start3A_160 = tpu.memref_squeeze %dma_start3A_159 : memref<1x1x80x128xi32, #tpu.memory_space<hbm>> -> memref<80x128xi32, #tpu.memory_space<hbm>>
      %dma_start3A_161 = arith.constant 0 : i32
      %dma_start3A_162 = arith.constant 0 : i32
      %dma_start3A_163 = tpu.memref_slice %dma_start3A_160[%dma_start3A_161, %dma_start3A_162] : memref<80x128xi32, #tpu.memory_space<hbm>> -> memref<40x128xi32, #tpu.memory_space<hbm>>
      tpu.enqueue_dma source(%dma_start3A_163 : memref<40x128xi32, #tpu.memory_space<hbm>>) target(%arg7 : memref<40x128xi32, #tpu.memory_space<vmem>>) target_semaphore(%run_scoped3A : memref<!tpu.dma_semaphore, #tpu.memory_space<semaphore_mem>>)
      %dma_wait3A_164 = arith.constant 0 : i32
      %dma_wait3A_165 = arith.constant 0 : i32
      %dma_wait3A_166 = tpu.memref_slice %arg3[%add3A_75, %arg1, %dma_wait3A_164, %dma_wait3A_165] : memref<4x16x80x128xi32, #tpu.memory_space<hbm>> -> memref<1x1x80x128xi32, #tpu.memory_space<hbm>>
      %dma_wait3A_167 = tpu.memref_squeeze %dma_wait3A_166 : memref<1x1x80x128xi32, #tpu.memory_space<hbm>> -> memref<80x128xi32, #tpu.memory_space<hbm>>
      %dma_wait3A_168 = arith.constant 0 : i32
      %dma_wait3A_169 = arith.constant 0 : i32
      %dma_wait3A_170 = tpu.memref_slice %dma_wait3A_167[%dma_wait3A_168, %dma_wait3A_169] : memref<80x128xi32, #tpu.memory_space<hbm>> -> memref<40x128xi32, #tpu.memory_space<hbm>>
      %dma_wait3A_171 = arith.constant 0 : i32
      %dma_wait3A_172 = arith.constant 0 : i32
      %dma_wait3A_173 = tpu.memref_slice %arg3[%add3A_75, %arg1, %dma_wait3A_171, %dma_wait3A_172] : memref<4x16x80x128xi32, #tpu.memory_space<hbm>> -> memref<1x1x80x128xi32, #tpu.memory_space<hbm>>
      %dma_wait3A_174 = tpu.memref_squeeze %dma_wait3A_173 : memref<1x1x80x128xi32, #tpu.memory_space<hbm>> -> memref<80x128xi32, #tpu.memory_space<hbm>>
      %dma_wait3A_175 = arith.constant 0 : i32
      %dma_wait3A_176 = arith.constant 0 : i32
      %dma_wait3A_177 = tpu.memref_slice %dma_wait3A_174[%dma_wait3A_175, %dma_wait3A_176] : memref<80x128xi32, #tpu.memory_space<hbm>> -> memref<40x128xi32, #tpu.memory_space<hbm>>
      tpu.wait_dma2 semaphore(%run_scoped3A : memref<!tpu.dma_semaphore, #tpu.memory_space<semaphore_mem>>) src(%dma_wait3A_177 : memref<40x128xi32, #tpu.memory_space<hbm>>) dst(%arg7 : memref<40x128xi32, #tpu.memory_space<vmem>>)
      tpu.yield
    }) : () -> ()
    "tpu.region"() ({
      %run_scoped3A = tpu.sem_alloc : memref<!tpu.dma_semaphore, #tpu.memory_space<semaphore_mem>>
      %dma_start3A_150 = arith.constant 0 : i32
      %dma_start3A_151 = arith.constant 0 : i32
      %dma_start3A_152 = tpu.memref_slice %arg4[%arg1, %dma_start3A_150, %dma_start3A_151] : memref<16x80x128xi32, #tpu.memory_space<hbm>> -> memref<1x80x128xi32, #tpu.memory_space<hbm>>
      %dma_start3A_153 = tpu.memref_squeeze %dma_start3A_152 : memref<1x80x128xi32, #tpu.memory_space<hbm>> -> memref<80x128xi32, #tpu.memory_space<hbm>>
      %dma_start3A_154 = arith.constant 0 : i32
      %dma_start3A_155 = arith.constant 0 : i32
      %dma_start3A_156 = tpu.memref_slice %dma_start3A_153[%dma_start3A_154, %dma_start3A_155] : memref<80x128xi32, #tpu.memory_space<hbm>> -> memref<40x128xi32, #tpu.memory_space<hbm>>
      %dma_start3A_157 = arith.constant 0 : i32
      %dma_start3A_158 = arith.constant 0 : i32
      %dma_start3A_159 = tpu.memref_slice %arg4[%arg1, %dma_start3A_157, %dma_start3A_158] : memref<16x80x128xi32, #tpu.memory_space<hbm>> -> memref<1x80x128xi32, #tpu.memory_space<hbm>>
      %dma_start3A_160 = tpu.memref_squeeze %dma_start3A_159 : memref<1x80x128xi32, #tpu.memory_space<hbm>> -> memref<80x128xi32, #tpu.memory_space<hbm>>
      %dma_start3A_161 = arith.constant 0 : i32
      %dma_start3A_162 = arith.constant 0 : i32
      %dma_start3A_163 = tpu.memref_slice %dma_start3A_160[%dma_start3A_161, %dma_start3A_162] : memref<80x128xi32, #tpu.memory_space<hbm>> -> memref<40x128xi32, #tpu.memory_space<hbm>>
      tpu.enqueue_dma source(%dma_start3A_163 : memref<40x128xi32, #tpu.memory_space<hbm>>) target(%arg8 : memref<40x128xi32, #tpu.memory_space<vmem>>) target_semaphore(%run_scoped3A : memref<!tpu.dma_semaphore, #tpu.memory_space<semaphore_mem>>)
      %dma_wait3A_164 = arith.constant 0 : i32
      %dma_wait3A_165 = arith.constant 0 : i32
      %dma_wait3A_166 = tpu.memref_slice %arg4[%arg1, %dma_wait3A_164, %dma_wait3A_165] : memref<16x80x128xi32, #tpu.memory_space<hbm>> -> memref<1x80x128xi32, #tpu.memory_space<hbm>>
      %dma_wait3A_167 = tpu.memref_squeeze %dma_wait3A_166 : memref<1x80x128xi32, #tpu.memory_space<hbm>> -> memref<80x128xi32, #tpu.memory_space<hbm>>
      %dma_wait3A_168 = arith.constant 0 : i32
      %dma_wait3A_169 = arith.constant 0 : i32
      %dma_wait3A_170 = tpu.memref_slice %dma_wait3A_167[%dma_wait3A_168, %dma_wait3A_169] : memref<80x128xi32, #tpu.memory_space<hbm>> -> memref<40x128xi32, #tpu.memory_space<hbm>>
      %dma_wait3A_171 = arith.constant 0 : i32
      %dma_wait3A_172 = arith.constant 0 : i32
      %dma_wait3A_173 = tpu.memref_slice %arg4[%arg1, %dma_wait3A_171, %dma_wait3A_172] : memref<16x80x128xi32, #tpu.memory_space<hbm>> -> memref<1x80x128xi32, #tpu.memory_space<hbm>>
      %dma_wait3A_174 = tpu.memref_squeeze %dma_wait3A_173 : memref<1x80x128xi32, #tpu.memory_space<hbm>> -> memref<80x128xi32, #tpu.memory_space<hbm>>
      %dma_wait3A_175 = arith.constant 0 : i32
      %dma_wait3A_176 = arith.constant 0 : i32
      %dma_wait3A_177 = tpu.memref_slice %dma_wait3A_174[%dma_wait3A_175, %dma_wait3A_176] : memref<80x128xi32, #tpu.memory_space<hbm>> -> memref<40x128xi32, #tpu.memory_space<hbm>>
      tpu.wait_dma2 semaphore(%run_scoped3A : memref<!tpu.dma_semaphore, #tpu.memory_space<semaphore_mem>>) src(%dma_wait3A_177 : memref<40x128xi32, #tpu.memory_space<hbm>>) dst(%arg8 : memref<40x128xi32, #tpu.memory_space<vmem>>)
      tpu.yield
    }) : () -> ()
    %dma_start3A_79 = arith.constant 0 : i32
    %dma_start3A_80 = arith.constant 0 : i32
    %dma_start3A_81 = tpu.memref_slice %arg7[%dma_start3A_79, %dma_start3A_80] : memref<40x128xi32, #tpu.memory_space<vmem>> -> memref<1x128xi32, #tpu.memory_space<vmem>>
    %dma_start3A_82 = tpu.memref_squeeze %dma_start3A_81 : memref<1x128xi32, #tpu.memory_space<vmem>> -> memref<128xi32, #tpu.memory_space<vmem>>
    %dma_start3A_83 = arith.constant 0 : i32
    %dma_start3A_84 = arith.constant 0 : i32
    %dma_start3A_85 = tpu.memref_slice %arg2[%dma_start3A_83, %dma_start3A_84] : memref<40960x128xf32, #tpu.memory_space<hbm>> -> memref<40960x128xf32, #tpu.memory_space<hbm>>
    tpu.enqueue_indirect_dma source(%dma_start3A_85 : memref<40960x128xf32, #tpu.memory_space<hbm>>) target(%arg10 : memref<128x128xf32, #tpu.memory_space<vmem>>) offsets(%dma_start3A_82 : memref<128xi32, #tpu.memory_space<vmem>>) semaphore(%arg12 : memref<!tpu.dma_semaphore, #tpu.memory_space<semaphore_mem>>)
    %dma_start3A_86 = arith.constant 1 : i32
    %dma_start3A_87 = arith.constant 0 : i32
    %dma_start3A_88 = tpu.memref_slice %arg7[%dma_start3A_86, %dma_start3A_87] : memref<40x128xi32, #tpu.memory_space<vmem>> -> memref<1x128xi32, #tpu.memory_space<vmem>>
    %dma_start3A_89 = tpu.memref_squeeze %dma_start3A_88 : memref<1x128xi32, #tpu.memory_space<vmem>> -> memref<128xi32, #tpu.memory_space<vmem>>
    %dma_start3A_90 = arith.constant 0 : i32
    %dma_start3A_91 = arith.constant 0 : i32
    %dma_start3A_92 = tpu.memref_slice %arg2[%dma_start3A_90, %dma_start3A_91] : memref<40960x128xf32, #tpu.memory_space<hbm>> -> memref<40960x128xf32, #tpu.memory_space<hbm>>
    tpu.enqueue_indirect_dma source(%dma_start3A_92 : memref<40960x128xf32, #tpu.memory_space<hbm>>) target(%arg11 : memref<128x128xf32, #tpu.memory_space<vmem>>) offsets(%dma_start3A_89 : memref<128xi32, #tpu.memory_space<vmem>>) semaphore(%arg13 : memref<!tpu.dma_semaphore, #tpu.memory_space<semaphore_mem>>)
    %scan3A_93 = arith.constant 0 : i32
    %scan3A_94 = arith.constant 20 : i32
    %scan3A_95 = arith.addi %scan3A_93, %scan3A_94 : i32
    %scan3A_96 = arith.constant 1 : i32
    scf.for %scan3A_150 = %scan3A_93 to %scan3A_95 step %scan3A_96  : i32 {
      %mul3A_151 = arith.constant 1 : i32
      %mul3A_152 = arith.muli %scan3A_150, %mul3A_151 : i32
      %add3A_153 = arith.constant 0 : i32
      %add3A_154 = arith.addi %add3A_153, %mul3A_152 : i32
      %mul3A_155 = arith.constant 2 : i32
      %mul3A_156 = arith.muli %add3A_154, %mul3A_155 : i32
      %add3A_157 = arith.constant 0 : i32
      %add3A_158 = arith.addi %mul3A_156, %add3A_157 : i32
      %dma_wait3A_159 = arith.constant 0 : i32
      %dma_wait3A_160 = tpu.memref_slice %arg7[%add3A_158, %dma_wait3A_159] : memref<40x128xi32, #tpu.memory_space<vmem>> -> memref<1x128xi32, #tpu.memory_space<vmem>>
      %dma_wait3A_161 = tpu.memref_squeeze %dma_wait3A_160 : memref<1x128xi32, #tpu.memory_space<vmem>> -> memref<128xi32, #tpu.memory_space<vmem>>
      %dma_wait3A_162 = arith.constant 0 : i32
      %dma_wait3A_163 = arith.constant 0 : i32
      %dma_wait3A_164 = tpu.memref_slice %arg2[%dma_wait3A_162, %dma_wait3A_163] : memref<40960x128xf32, #tpu.memory_space<hbm>> -> memref<40960x128xf32, #tpu.memory_space<hbm>>
      tpu.wait_indirect_dma semaphore(%arg12 : memref<!tpu.dma_semaphore, #tpu.memory_space<semaphore_mem>>) src(%dma_wait3A_164 : memref<40960x128xf32, #tpu.memory_space<hbm>>) dst(%arg10 : memref<128x128xf32, #tpu.memory_space<vmem>>)
      %dma_start3A_165 = arith.constant 0 : i32
      %dma_start3A_166 = tpu.memref_slice %arg8[%add3A_158, %dma_start3A_165] : memref<40x128xi32, #tpu.memory_space<vmem>> -> memref<1x128xi32, #tpu.memory_space<vmem>>
      %dma_start3A_167 = tpu.memref_squeeze %dma_start3A_166 : memref<1x128xi32, #tpu.memory_space<vmem>> -> memref<128xi32, #tpu.memory_space<vmem>>
      %dma_start3A_168 = arith.constant 0 : i32
      %dma_start3A_169 = arith.constant 0 : i32
      %dma_start3A_170 = tpu.memref_slice %arg9[%dma_start3A_168, %dma_start3A_169] : memref<10240x128xf32, #tpu.memory_space<vmem_shared>> -> memref<10240x128xf32, #tpu.memory_space<vmem_shared>>
      tpu.enqueue_indirect_dma source(%arg10 : memref<128x128xf32, #tpu.memory_space<vmem>>) target(%dma_start3A_170 : memref<10240x128xf32, #tpu.memory_space<vmem_shared>>) offsets(%dma_start3A_167 : memref<128xi32, #tpu.memory_space<vmem>>) semaphore(%arg14 : memref<!tpu.dma_semaphore, #tpu.memory_space<semaphore_mem>>) {add = true}
      %lt3A = arith.constant 19 : i32
      %lt3A_171 = arith.cmpi slt, %add3A_154, %lt3A : i32
      %convert_element_type3A = arith.extui %lt3A_171 : i1 to i32
      %cond3A = arith.constant 0 : i32
      %cond3A_172 = arith.cmpi ne, %convert_element_type3A, %cond3A : i32
      scf.if %cond3A_172 {
        %dma_wait3A_192 = arith.constant 0 : i32
        %dma_wait3A_193 = tpu.memref_slice %arg8[%add3A_158, %dma_wait3A_192] : memref<40x128xi32, #tpu.memory_space<vmem>> -> memref<1x128xi32, #tpu.memory_space<vmem>>
        %dma_wait3A_194 = tpu.memref_squeeze %dma_wait3A_193 : memref<1x128xi32, #tpu.memory_space<vmem>> -> memref<128xi32, #tpu.memory_space<vmem>>
        %dma_wait3A_195 = arith.constant 0 : i32
        %dma_wait3A_196 = arith.constant 0 : i32
        %dma_wait3A_197 = tpu.memref_slice %arg9[%dma_wait3A_195, %dma_wait3A_196] : memref<10240x128xf32, #tpu.memory_space<vmem_shared>> -> memref<10240x128xf32, #tpu.memory_space<vmem_shared>>
        tpu.wait_indirect_dma semaphore(%arg14 : memref<!tpu.dma_semaphore, #tpu.memory_space<semaphore_mem>>) src(%arg10 : memref<128x128xf32, #tpu.memory_space<vmem>>) dst(%dma_wait3A_197 : memref<10240x128xf32, #tpu.memory_space<vmem_shared>>)
        %add3A_198 = arith.constant 2 : i32
        %add3A_199 = arith.addi %add3A_158, %add3A_198 : i32
        %dma_start3A_200 = arith.constant 0 : i32
        %dma_start3A_201 = tpu.memref_slice %arg7[%add3A_199, %dma_start3A_200] : memref<40x128xi32, #tpu.memory_space<vmem>> -> memref<1x128xi32, #tpu.memory_space<vmem>>
        %dma_start3A_202 = tpu.memref_squeeze %dma_start3A_201 : memref<1x128xi32, #tpu.memory_space<vmem>> -> memref<128xi32, #tpu.memory_space<vmem>>
        %dma_start3A_203 = arith.constant 0 : i32
        %dma_start3A_204 = arith.constant 0 : i32
        %dma_start3A_205 = tpu.memref_slice %arg2[%dma_start3A_203, %dma_start3A_204] : memref<40960x128xf32, #tpu.memory_space<hbm>> -> memref<40960x128xf32, #tpu.memory_space<hbm>>
        tpu.enqueue_indirect_dma source(%dma_start3A_205 : memref<40960x128xf32, #tpu.memory_space<hbm>>) target(%arg10 : memref<128x128xf32, #tpu.memory_space<vmem>>) offsets(%dma_start3A_202 : memref<128xi32, #tpu.memory_space<vmem>>) semaphore(%arg12 : memref<!tpu.dma_semaphore, #tpu.memory_space<semaphore_mem>>)
      } else {
      }
      %add3A_173 = arith.constant 1 : i32
      %add3A_174 = arith.addi %mul3A_156, %add3A_173 : i32
      %dma_wait3A_175 = arith.constant 0 : i32
      %dma_wait3A_176 = tpu.memref_slice %arg7[%add3A_174, %dma_wait3A_175] : memref<40x128xi32, #tpu.memory_space<vmem>> -> memref<1x128xi32, #tpu.memory_space<vmem>>
      %dma_wait3A_177 = tpu.memref_squeeze %dma_wait3A_176 : memref<1x128xi32, #tpu.memory_space<vmem>> -> memref<128xi32, #tpu.memory_space<vmem>>
      %dma_wait3A_178 = arith.constant 0 : i32
      %dma_wait3A_179 = arith.constant 0 : i32
      %dma_wait3A_180 = tpu.memref_slice %arg2[%dma_wait3A_178, %dma_wait3A_179] : memref<40960x128xf32, #tpu.memory_space<hbm>> -> memref<40960x128xf32, #tpu.memory_space<hbm>>
      tpu.wait_indirect_dma semaphore(%arg13 : memref<!tpu.dma_semaphore, #tpu.memory_space<semaphore_mem>>) src(%dma_wait3A_180 : memref<40960x128xf32, #tpu.memory_space<hbm>>) dst(%arg11 : memref<128x128xf32, #tpu.memory_space<vmem>>)
      %dma_start3A_181 = arith.constant 0 : i32
      %dma_start3A_182 = tpu.memref_slice %arg8[%add3A_174, %dma_start3A_181] : memref<40x128xi32, #tpu.memory_space<vmem>> -> memref<1x128xi32, #tpu.memory_space<vmem>>
      %dma_start3A_183 = tpu.memref_squeeze %dma_start3A_182 : memref<1x128xi32, #tpu.memory_space<vmem>> -> memref<128xi32, #tpu.memory_space<vmem>>
      %dma_start3A_184 = arith.constant 0 : i32
      %dma_start3A_185 = arith.constant 0 : i32
      %dma_start3A_186 = tpu.memref_slice %arg9[%dma_start3A_184, %dma_start3A_185] : memref<10240x128xf32, #tpu.memory_space<vmem_shared>> -> memref<10240x128xf32, #tpu.memory_space<vmem_shared>>
      tpu.enqueue_indirect_dma source(%arg11 : memref<128x128xf32, #tpu.memory_space<vmem>>) target(%dma_start3A_186 : memref<10240x128xf32, #tpu.memory_space<vmem_shared>>) offsets(%dma_start3A_183 : memref<128xi32, #tpu.memory_space<vmem>>) semaphore(%arg15 : memref<!tpu.dma_semaphore, #tpu.memory_space<semaphore_mem>>) {add = true}
      %lt3A_187 = arith.constant 19 : i32
      %lt3A_188 = arith.cmpi slt, %add3A_154, %lt3A_187 : i32
      %convert_element_type3A_189 = arith.extui %lt3A_188 : i1 to i32
      %cond3A_190 = arith.constant 0 : i32
      %cond3A_191 = arith.cmpi ne, %convert_element_type3A_189, %cond3A_190 : i32
      scf.if %cond3A_191 {
        %dma_wait3A_192 = arith.constant 0 : i32
        %dma_wait3A_193 = tpu.memref_slice %arg8[%add3A_174, %dma_wait3A_192] : memref<40x128xi32, #tpu.memory_space<vmem>> -> memref<1x128xi32, #tpu.memory_space<vmem>>
        %dma_wait3A_194 = tpu.memref_squeeze %dma_wait3A_193 : memref<1x128xi32, #tpu.memory_space<vmem>> -> memref<128xi32, #tpu.memory_space<vmem>>
        %dma_wait3A_195 = arith.constant 0 : i32
        %dma_wait3A_196 = arith.constant 0 : i32
        %dma_wait3A_197 = tpu.memref_slice %arg9[%dma_wait3A_195, %dma_wait3A_196] : memref<10240x128xf32, #tpu.memory_space<vmem_shared>> -> memref<10240x128xf32, #tpu.memory_space<vmem_shared>>
        tpu.wait_indirect_dma semaphore(%arg15 : memref<!tpu.dma_semaphore, #tpu.memory_space<semaphore_mem>>) src(%arg11 : memref<128x128xf32, #tpu.memory_space<vmem>>) dst(%dma_wait3A_197 : memref<10240x128xf32, #tpu.memory_space<vmem_shared>>)
        %add3A_198 = arith.constant 2 : i32
        %add3A_199 = arith.addi %add3A_174, %add3A_198 : i32
        %dma_start3A_200 = arith.constant 0 : i32
        %dma_start3A_201 = tpu.memref_slice %arg7[%add3A_199, %dma_start3A_200] : memref<40x128xi32, #tpu.memory_space<vmem>> -> memref<1x128xi32, #tpu.memory_space<vmem>>
        %dma_start3A_202 = tpu.memref_squeeze %dma_start3A_201 : memref<1x128xi32, #tpu.memory_space<vmem>> -> memref<128xi32, #tpu.memory_space<vmem>>
        %dma_start3A_203 = arith.constant 0 : i32
        %dma_start3A_204 = arith.constant 0 : i32
        %dma_start3A_205 = tpu.memref_slice %arg2[%dma_start3A_203, %dma_start3A_204] : memref<40960x128xf32, #tpu.memory_space<hbm>> -> memref<40960x128xf32, #tpu.memory_space<hbm>>
        tpu.enqueue_indirect_dma source(%dma_start3A_205 : memref<40960x128xf32, #tpu.memory_space<hbm>>) target(%arg11 : memref<128x128xf32, #tpu.memory_space<vmem>>) offsets(%dma_start3A_202 : memref<128xi32, #tpu.memory_space<vmem>>) semaphore(%arg13 : memref<!tpu.dma_semaphore, #tpu.memory_space<semaphore_mem>>)
      } else {
      }
    }
    %scan3A_97 = arith.constant 20 : i32
    %dma_wait3A_98 = arith.constant 0 : i32
    %dma_wait3A_99 = arith.constant 0 : i32
    %dma_wait3A_100 = tpu.memref_slice %arg8[%dma_wait3A_98, %dma_wait3A_99] : memref<40x128xi32, #tpu.memory_space<vmem>> -> memref<1x128xi32, #tpu.memory_space<vmem>>
    %dma_wait3A_101 = tpu.memref_squeeze %dma_wait3A_100 : memref<1x128xi32, #tpu.memory_space<vmem>> -> memref<128xi32, #tpu.memory_space<vmem>>
    %dma_wait3A_102 = arith.constant 0 : i32
    %dma_wait3A_103 = arith.constant 0 : i32
    %dma_wait3A_104 = tpu.memref_slice %arg9[%dma_wait3A_102, %dma_wait3A_103] : memref<10240x128xf32, #tpu.memory_space<vmem_shared>> -> memref<10240x128xf32, #tpu.memory_space<vmem_shared>>
    tpu.wait_indirect_dma semaphore(%arg14 : memref<!tpu.dma_semaphore, #tpu.memory_space<semaphore_mem>>) src(%arg10 : memref<128x128xf32, #tpu.memory_space<vmem>>) dst(%dma_wait3A_104 : memref<10240x128xf32, #tpu.memory_space<vmem_shared>>)
    %dma_wait3A_105 = arith.constant 1 : i32
    %dma_wait3A_106 = arith.constant 0 : i32
    %dma_wait3A_107 = tpu.memref_slice %arg8[%dma_wait3A_105, %dma_wait3A_106] : memref<40x128xi32, #tpu.memory_space<vmem>> -> memref<1x128xi32, #tpu.memory_space<vmem>>
    %dma_wait3A_108 = tpu.memref_squeeze %dma_wait3A_107 : memref<1x128xi32, #tpu.memory_space<vmem>> -> memref<128xi32, #tpu.memory_space<vmem>>
    %dma_wait3A_109 = arith.constant 0 : i32
    %dma_wait3A_110 = arith.constant 0 : i32
    %dma_wait3A_111 = tpu.memref_slice %arg9[%dma_wait3A_109, %dma_wait3A_110] : memref<10240x128xf32, #tpu.memory_space<vmem_shared>> -> memref<10240x128xf32, #tpu.memory_space<vmem_shared>>
    tpu.wait_indirect_dma semaphore(%arg15 : memref<!tpu.dma_semaphore, #tpu.memory_space<semaphore_mem>>) src(%arg11 : memref<128x128xf32, #tpu.memory_space<vmem>>) dst(%dma_wait3A_111 : memref<10240x128xf32, #tpu.memory_space<vmem_shared>>)
    "tpu.region"() ({
      %run_scoped3A = tpu.sem_alloc : memref<!tpu.dma_semaphore, #tpu.memory_space<semaphore_mem>>
      %dma_start3A_150 = arith.constant 0 : i32
      %dma_start3A_151 = arith.constant 0 : i32
      %dma_start3A_152 = tpu.memref_slice %arg3[%add3A_75, %arg1, %dma_start3A_150, %dma_start3A_151] : memref<4x16x80x128xi32, #tpu.memory_space<hbm>> -> memref<1x1x80x128xi32, #tpu.memory_space<hbm>>
      %dma_start3A_153 = tpu.memref_squeeze %dma_start3A_152 : memref<1x1x80x128xi32, #tpu.memory_space<hbm>> -> memref<80x128xi32, #tpu.memory_space<hbm>>
      %dma_start3A_154 = arith.constant 40 : i32
      %dma_start3A_155 = arith.constant 0 : i32
      %dma_start3A_156 = tpu.memref_slice %dma_start3A_153[%dma_start3A_154, %dma_start3A_155] : memref<80x128xi32, #tpu.memory_space<hbm>> -> memref<40x128xi32, #tpu.memory_space<hbm>>
      %dma_start3A_157 = arith.constant 0 : i32
      %dma_start3A_158 = arith.constant 0 : i32
      %dma_start3A_159 = tpu.memref_slice %arg3[%add3A_75, %arg1, %dma_start3A_157, %dma_start3A_158] : memref<4x16x80x128xi32, #tpu.memory_space<hbm>> -> memref<1x1x80x128xi32, #tpu.memory_space<hbm>>
      %dma_start3A_160 = tpu.memref_squeeze %dma_start3A_159 : memref<1x1x80x128xi32, #tpu.memory_space<hbm>> -> memref<80x128xi32, #tpu.memory_space<hbm>>
      %dma_start3A_161 = arith.constant 40 : i32
      %dma_start3A_162 = arith.constant 0 : i32
      %dma_start3A_163 = tpu.memref_slice %dma_start3A_160[%dma_start3A_161, %dma_start3A_162] : memref<80x128xi32, #tpu.memory_space<hbm>> -> memref<40x128xi32, #tpu.memory_space<hbm>>
      tpu.enqueue_dma source(%dma_start3A_163 : memref<40x128xi32, #tpu.memory_space<hbm>>) target(%arg7 : memref<40x128xi32, #tpu.memory_space<vmem>>) target_semaphore(%run_scoped3A : memref<!tpu.dma_semaphore, #tpu.memory_space<semaphore_mem>>)
      %dma_wait3A_164 = arith.constant 0 : i32
      %dma_wait3A_165 = arith.constant 0 : i32
      %dma_wait3A_166 = tpu.memref_slice %arg3[%add3A_75, %arg1, %dma_wait3A_164, %dma_wait3A_165] : memref<4x16x80x128xi32, #tpu.memory_space<hbm>> -> memref<1x1x80x128xi32, #tpu.memory_space<hbm>>
      %dma_wait3A_167 = tpu.memref_squeeze %dma_wait3A_166 : memref<1x1x80x128xi32, #tpu.memory_space<hbm>> -> memref<80x128xi32, #tpu.memory_space<hbm>>
      %dma_wait3A_168 = arith.constant 40 : i32
      %dma_wait3A_169 = arith.constant 0 : i32
      %dma_wait3A_170 = tpu.memref_slice %dma_wait3A_167[%dma_wait3A_168, %dma_wait3A_169] : memref<80x128xi32, #tpu.memory_space<hbm>> -> memref<40x128xi32, #tpu.memory_space<hbm>>
      %dma_wait3A_171 = arith.constant 0 : i32
      %dma_wait3A_172 = arith.constant 0 : i32
      %dma_wait3A_173 = tpu.memref_slice %arg3[%add3A_75, %arg1, %dma_wait3A_171, %dma_wait3A_172] : memref<4x16x80x128xi32, #tpu.memory_space<hbm>> -> memref<1x1x80x128xi32, #tpu.memory_space<hbm>>
      %dma_wait3A_174 = tpu.memref_squeeze %dma_wait3A_173 : memref<1x1x80x128xi32, #tpu.memory_space<hbm>> -> memref<80x128xi32, #tpu.memory_space<hbm>>
      %dma_wait3A_175 = arith.constant 40 : i32
      %dma_wait3A_176 = arith.constant 0 : i32
      %dma_wait3A_177 = tpu.memref_slice %dma_wait3A_174[%dma_wait3A_175, %dma_wait3A_176] : memref<80x128xi32, #tpu.memory_space<hbm>> -> memref<40x128xi32, #tpu.memory_space<hbm>>
      tpu.wait_dma2 semaphore(%run_scoped3A : memref<!tpu.dma_semaphore, #tpu.memory_space<semaphore_mem>>) src(%dma_wait3A_177 : memref<40x128xi32, #tpu.memory_space<hbm>>) dst(%arg7 : memref<40x128xi32, #tpu.memory_space<vmem>>)
      tpu.yield
    }) : () -> ()
    "tpu.region"() ({
      %run_scoped3A = tpu.sem_alloc : memref<!tpu.dma_semaphore, #tpu.memory_space<semaphore_mem>>
      %dma_start3A_150 = arith.constant 0 : i32
      %dma_start3A_151 = arith.constant 0 : i32
      %dma_start3A_152 = tpu.memref_slice %arg4[%arg1, %dma_start3A_150, %dma_start3A_151] : memref<16x80x128xi32, #tpu.memory_space<hbm>> -> memref<1x80x128xi32, #tpu.memory_space<hbm>>
      %dma_start3A_153 = tpu.memref_squeeze %dma_start3A_152 : memref<1x80x128xi32, #tpu.memory_space<hbm>> -> memref<80x128xi32, #tpu.memory_space<hbm>>
      %dma_start3A_154 = arith.constant 40 : i32
      %dma_start3A_155 = arith.constant 0 : i32
      %dma_start3A_156 = tpu.memref_slice %dma_start3A_153[%dma_start3A_154, %dma_start3A_155] : memref<80x128xi32, #tpu.memory_space<hbm>> -> memref<40x128xi32, #tpu.memory_space<hbm>>
      %dma_start3A_157 = arith.constant 0 : i32
      %dma_start3A_158 = arith.constant 0 : i32
      %dma_start3A_159 = tpu.memref_slice %arg4[%arg1, %dma_start3A_157, %dma_start3A_158] : memref<16x80x128xi32, #tpu.memory_space<hbm>> -> memref<1x80x128xi32, #tpu.memory_space<hbm>>
      %dma_start3A_160 = tpu.memref_squeeze %dma_start3A_159 : memref<1x80x128xi32, #tpu.memory_space<hbm>> -> memref<80x128xi32, #tpu.memory_space<hbm>>
      %dma_start3A_161 = arith.constant 40 : i32
      %dma_start3A_162 = arith.constant 0 : i32
      %dma_start3A_163 = tpu.memref_slice %dma_start3A_160[%dma_start3A_161, %dma_start3A_162] : memref<80x128xi32, #tpu.memory_space<hbm>> -> memref<40x128xi32, #tpu.memory_space<hbm>>
      tpu.enqueue_dma source(%dma_start3A_163 : memref<40x128xi32, #tpu.memory_space<hbm>>) target(%arg8 : memref<40x128xi32, #tpu.memory_space<vmem>>) target_semaphore(%run_scoped3A : memref<!tpu.dma_semaphore, #tpu.memory_space<semaphore_mem>>)
      %dma_wait3A_164 = arith.constant 0 : i32
      %dma_wait3A_165 = arith.constant 0 : i32
      %dma_wait3A_166 = tpu.memref_slice %arg4[%arg1, %dma_wait3A_164, %dma_wait3A_165] : memref<16x80x128xi32, #tpu.memory_space<hbm>> -> memref<1x80x128xi32, #tpu.memory_space<hbm>>
      %dma_wait3A_167 = tpu.memref_squeeze %dma_wait3A_166 : memref<1x80x128xi32, #tpu.memory_space<hbm>> -> memref<80x128xi32, #tpu.memory_space<hbm>>
      %dma_wait3A_168 = arith.constant 40 : i32
      %dma_wait3A_169 = arith.constant 0 : i32
      %dma_wait3A_170 = tpu.memref_slice %dma_wait3A_167[%dma_wait3A_168, %dma_wait3A_169] : memref<80x128xi32, #tpu.memory_space<hbm>> -> memref<40x128xi32, #tpu.memory_space<hbm>>
      %dma_wait3A_171 = arith.constant 0 : i32
      %dma_wait3A_172 = arith.constant 0 : i32
      %dma_wait3A_173 = tpu.memref_slice %arg4[%arg1, %dma_wait3A_171, %dma_wait3A_172] : memref<16x80x128xi32, #tpu.memory_space<hbm>> -> memref<1x80x128xi32, #tpu.memory_space<hbm>>
      %dma_wait3A_174 = tpu.memref_squeeze %dma_wait3A_173 : memref<1x80x128xi32, #tpu.memory_space<hbm>> -> memref<80x128xi32, #tpu.memory_space<hbm>>
      %dma_wait3A_175 = arith.constant 40 : i32
      %dma_wait3A_176 = arith.constant 0 : i32
      %dma_wait3A_177 = tpu.memref_slice %dma_wait3A_174[%dma_wait3A_175, %dma_wait3A_176] : memref<80x128xi32, #tpu.memory_space<hbm>> -> memref<40x128xi32, #tpu.memory_space<hbm>>
      tpu.wait_dma2 semaphore(%run_scoped3A : memref<!tpu.dma_semaphore, #tpu.memory_space<semaphore_mem>>) src(%dma_wait3A_177 : memref<40x128xi32, #tpu.memory_space<hbm>>) dst(%arg8 : memref<40x128xi32, #tpu.memory_space<vmem>>)
      tpu.yield
    }) : () -> ()
    %dma_start3A_112 = arith.constant 0 : i32
    %dma_start3A_113 = arith.constant 0 : i32
    %dma_start3A_114 = tpu.memref_slice %arg7[%dma_start3A_112, %dma_start3A_113] : memref<40x128xi32, #tpu.memory_space<vmem>> -> memref<1x128xi32, #tpu.memory_space<vmem>>
    %dma_start3A_115 = tpu.memref_squeeze %dma_start3A_114 : memref<1x128xi32, #tpu.memory_space<vmem>> -> memref<128xi32, #tpu.memory_space<vmem>>
    %dma_start3A_116 = arith.constant 0 : i32
    %dma_start3A_117 = arith.constant 0 : i32
    %dma_start3A_118 = tpu.memref_slice %arg2[%dma_start3A_116, %dma_start3A_117] : memref<40960x128xf32, #tpu.memory_space<hbm>> -> memref<40960x128xf32, #tpu.memory_space<hbm>>
    tpu.enqueue_indirect_dma source(%dma_start3A_118 : memref<40960x128xf32, #tpu.memory_space<hbm>>) target(%arg10 : memref<128x128xf32, #tpu.memory_space<vmem>>) offsets(%dma_start3A_115 : memref<128xi32, #tpu.memory_space<vmem>>) semaphore(%arg12 : memref<!tpu.dma_semaphore, #tpu.memory_space<semaphore_mem>>)
    %dma_start3A_119 = arith.constant 1 : i32
    %dma_start3A_120 = arith.constant 0 : i32
    %dma_start3A_121 = tpu.memref_slice %arg7[%dma_start3A_119, %dma_start3A_120] : memref<40x128xi32, #tpu.memory_space<vmem>> -> memref<1x128xi32, #tpu.memory_space<vmem>>
    %dma_start3A_122 = tpu.memref_squeeze %dma_start3A_121 : memref<1x128xi32, #tpu.memory_space<vmem>> -> memref<128xi32, #tpu.memory_space<vmem>>
    %dma_start3A_123 = arith.constant 0 : i32
    %dma_start3A_124 = arith.constant 0 : i32
    %dma_start3A_125 = tpu.memref_slice %arg2[%dma_start3A_123, %dma_start3A_124] : memref<40960x128xf32, #tpu.memory_space<hbm>> -> memref<40960x128xf32, #tpu.memory_space<hbm>>
    tpu.enqueue_indirect_dma source(%dma_start3A_125 : memref<40960x128xf32, #tpu.memory_space<hbm>>) target(%arg11 : memref<128x128xf32, #tpu.memory_space<vmem>>) offsets(%dma_start3A_122 : memref<128xi32, #tpu.memory_space<vmem>>) semaphore(%arg13 : memref<!tpu.dma_semaphore, #tpu.memory_space<semaphore_mem>>)
    %scan3A_126 = arith.constant 0 : i32
    %scan3A_127 = arith.constant 20 : i32
    %scan3A_128 = arith.addi %scan3A_126, %scan3A_127 : i32
    %scan3A_129 = arith.constant 1 : i32
    scf.for %scan3A_150 = %scan3A_126 to %scan3A_128 step %scan3A_129  : i32 {
      %mul3A_151 = arith.constant 1 : i32
      %mul3A_152 = arith.muli %scan3A_150, %mul3A_151 : i32
      %add3A_153 = arith.constant 0 : i32
      %add3A_154 = arith.addi %add3A_153, %mul3A_152 : i32
      %mul3A_155 = arith.constant 2 : i32
      %mul3A_156 = arith.muli %add3A_154, %mul3A_155 : i32
      %add3A_157 = arith.constant 0 : i32
      %add3A_158 = arith.addi %mul3A_156, %add3A_157 : i32
      %dma_wait3A_159 = arith.constant 0 : i32
      %dma_wait3A_160 = tpu.memref_slice %arg7[%add3A_158, %dma_wait3A_159] : memref<40x128xi32, #tpu.memory_space<vmem>> -> memref<1x128xi32, #tpu.memory_space<vmem>>
      %dma_wait3A_161 = tpu.memref_squeeze %dma_wait3A_160 : memref<1x128xi32, #tpu.memory_space<vmem>> -> memref<128xi32, #tpu.memory_space<vmem>>
      %dma_wait3A_162 = arith.constant 0 : i32
      %dma_wait3A_163 = arith.constant 0 : i32
      %dma_wait3A_164 = tpu.memref_slice %arg2[%dma_wait3A_162, %dma_wait3A_163] : memref<40960x128xf32, #tpu.memory_space<hbm>> -> memref<40960x128xf32, #tpu.memory_space<hbm>>
      tpu.wait_indirect_dma semaphore(%arg12 : memref<!tpu.dma_semaphore, #tpu.memory_space<semaphore_mem>>) src(%dma_wait3A_164 : memref<40960x128xf32, #tpu.memory_space<hbm>>) dst(%arg10 : memref<128x128xf32, #tpu.memory_space<vmem>>)
      %dma_start3A_165 = arith.constant 0 : i32
      %dma_start3A_166 = tpu.memref_slice %arg8[%add3A_158, %dma_start3A_165] : memref<40x128xi32, #tpu.memory_space<vmem>> -> memref<1x128xi32, #tpu.memory_space<vmem>>
      %dma_start3A_167 = tpu.memref_squeeze %dma_start3A_166 : memref<1x128xi32, #tpu.memory_space<vmem>> -> memref<128xi32, #tpu.memory_space<vmem>>
      %dma_start3A_168 = arith.constant 0 : i32
      %dma_start3A_169 = arith.constant 0 : i32
      %dma_start3A_170 = tpu.memref_slice %arg9[%dma_start3A_168, %dma_start3A_169] : memref<10240x128xf32, #tpu.memory_space<vmem_shared>> -> memref<10240x128xf32, #tpu.memory_space<vmem_shared>>
      tpu.enqueue_indirect_dma source(%arg10 : memref<128x128xf32, #tpu.memory_space<vmem>>) target(%dma_start3A_170 : memref<10240x128xf32, #tpu.memory_space<vmem_shared>>) offsets(%dma_start3A_167 : memref<128xi32, #tpu.memory_space<vmem>>) semaphore(%arg14 : memref<!tpu.dma_semaphore, #tpu.memory_space<semaphore_mem>>) {add = true}
      %lt3A = arith.constant 19 : i32
      %lt3A_171 = arith.cmpi slt, %add3A_154, %lt3A : i32
      %convert_element_type3A = arith.extui %lt3A_171 : i1 to i32
      %cond3A = arith.constant 0 : i32
      %cond3A_172 = arith.cmpi ne, %convert_element_type3A, %cond3A : i32
      scf.if %cond3A_172 {
        %dma_wait3A_192 = arith.constant 0 : i32
        %dma_wait3A_193 = tpu.memref_slice %arg8[%add3A_158, %dma_wait3A_192] : memref<40x128xi32, #tpu.memory_space<vmem>> -> memref<1x128xi32, #tpu.memory_space<vmem>>
        %dma_wait3A_194 = tpu.memref_squeeze %dma_wait3A_193 : memref<1x128xi32, #tpu.memory_space<vmem>> -> memref<128xi32, #tpu.memory_space<vmem>>
        %dma_wait3A_195 = arith.constant 0 : i32
        %dma_wait3A_196 = arith.constant 0 : i32
        %dma_wait3A_197 = tpu.memref_slice %arg9[%dma_wait3A_195, %dma_wait3A_196] : memref<10240x128xf32, #tpu.memory_space<vmem_shared>> -> memref<10240x128xf32, #tpu.memory_space<vmem_shared>>
        tpu.wait_indirect_dma semaphore(%arg14 : memref<!tpu.dma_semaphore, #tpu.memory_space<semaphore_mem>>) src(%arg10 : memref<128x128xf32, #tpu.memory_space<vmem>>) dst(%dma_wait3A_197 : memref<10240x128xf32, #tpu.memory_space<vmem_shared>>)
        %add3A_198 = arith.constant 2 : i32
        %add3A_199 = arith.addi %add3A_158, %add3A_198 : i32
        %dma_start3A_200 = arith.constant 0 : i32
        %dma_start3A_201 = tpu.memref_slice %arg7[%add3A_199, %dma_start3A_200] : memref<40x128xi32, #tpu.memory_space<vmem>> -> memref<1x128xi32, #tpu.memory_space<vmem>>
        %dma_start3A_202 = tpu.memref_squeeze %dma_start3A_201 : memref<1x128xi32, #tpu.memory_space<vmem>> -> memref<128xi32, #tpu.memory_space<vmem>>
        %dma_start3A_203 = arith.constant 0 : i32
        %dma_start3A_204 = arith.constant 0 : i32
        %dma_start3A_205 = tpu.memref_slice %arg2[%dma_start3A_203, %dma_start3A_204] : memref<40960x128xf32, #tpu.memory_space<hbm>> -> memref<40960x128xf32, #tpu.memory_space<hbm>>
        tpu.enqueue_indirect_dma source(%dma_start3A_205 : memref<40960x128xf32, #tpu.memory_space<hbm>>) target(%arg10 : memref<128x128xf32, #tpu.memory_space<vmem>>) offsets(%dma_start3A_202 : memref<128xi32, #tpu.memory_space<vmem>>) semaphore(%arg12 : memref<!tpu.dma_semaphore, #tpu.memory_space<semaphore_mem>>)
      } else {
      }
      %add3A_173 = arith.constant 1 : i32
      %add3A_174 = arith.addi %mul3A_156, %add3A_173 : i32
      %dma_wait3A_175 = arith.constant 0 : i32
      %dma_wait3A_176 = tpu.memref_slice %arg7[%add3A_174, %dma_wait3A_175] : memref<40x128xi32, #tpu.memory_space<vmem>> -> memref<1x128xi32, #tpu.memory_space<vmem>>
      %dma_wait3A_177 = tpu.memref_squeeze %dma_wait3A_176 : memref<1x128xi32, #tpu.memory_space<vmem>> -> memref<128xi32, #tpu.memory_space<vmem>>
      %dma_wait3A_178 = arith.constant 0 : i32
      %dma_wait3A_179 = arith.constant 0 : i32
      %dma_wait3A_180 = tpu.memref_slice %arg2[%dma_wait3A_178, %dma_wait3A_179] : memref<40960x128xf32, #tpu.memory_space<hbm>> -> memref<40960x128xf32, #tpu.memory_space<hbm>>
      tpu.wait_indirect_dma semaphore(%arg13 : memref<!tpu.dma_semaphore, #tpu.memory_space<semaphore_mem>>) src(%dma_wait3A_180 : memref<40960x128xf32, #tpu.memory_space<hbm>>) dst(%arg11 : memref<128x128xf32, #tpu.memory_space<vmem>>)
      %dma_start3A_181 = arith.constant 0 : i32
      %dma_start3A_182 = tpu.memref_slice %arg8[%add3A_174, %dma_start3A_181] : memref<40x128xi32, #tpu.memory_space<vmem>> -> memref<1x128xi32, #tpu.memory_space<vmem>>
      %dma_start3A_183 = tpu.memref_squeeze %dma_start3A_182 : memref<1x128xi32, #tpu.memory_space<vmem>> -> memref<128xi32, #tpu.memory_space<vmem>>
      %dma_start3A_184 = arith.constant 0 : i32
      %dma_start3A_185 = arith.constant 0 : i32
      %dma_start3A_186 = tpu.memref_slice %arg9[%dma_start3A_184, %dma_start3A_185] : memref<10240x128xf32, #tpu.memory_space<vmem_shared>> -> memref<10240x128xf32, #tpu.memory_space<vmem_shared>>
      tpu.enqueue_indirect_dma source(%arg11 : memref<128x128xf32, #tpu.memory_space<vmem>>) target(%dma_start3A_186 : memref<10240x128xf32, #tpu.memory_space<vmem_shared>>) offsets(%dma_start3A_183 : memref<128xi32, #tpu.memory_space<vmem>>) semaphore(%arg15 : memref<!tpu.dma_semaphore, #tpu.memory_space<semaphore_mem>>) {add = true}
      %lt3A_187 = arith.constant 19 : i32
      %lt3A_188 = arith.cmpi slt, %add3A_154, %lt3A_187 : i32
      %convert_element_type3A_189 = arith.extui %lt3A_188 : i1 to i32
      %cond3A_190 = arith.constant 0 : i32
      %cond3A_191 = arith.cmpi ne, %convert_element_type3A_189, %cond3A_190 : i32
      scf.if %cond3A_191 {
        %dma_wait3A_192 = arith.constant 0 : i32
        %dma_wait3A_193 = tpu.memref_slice %arg8[%add3A_174, %dma_wait3A_192] : memref<40x128xi32, #tpu.memory_space<vmem>> -> memref<1x128xi32, #tpu.memory_space<vmem>>
        %dma_wait3A_194 = tpu.memref_squeeze %dma_wait3A_193 : memref<1x128xi32, #tpu.memory_space<vmem>> -> memref<128xi32, #tpu.memory_space<vmem>>
        %dma_wait3A_195 = arith.constant 0 : i32
        %dma_wait3A_196 = arith.constant 0 : i32
        %dma_wait3A_197 = tpu.memref_slice %arg9[%dma_wait3A_195, %dma_wait3A_196] : memref<10240x128xf32, #tpu.memory_space<vmem_shared>> -> memref<10240x128xf32, #tpu.memory_space<vmem_shared>>
        tpu.wait_indirect_dma semaphore(%arg15 : memref<!tpu.dma_semaphore, #tpu.memory_space<semaphore_mem>>) src(%arg11 : memref<128x128xf32, #tpu.memory_space<vmem>>) dst(%dma_wait3A_197 : memref<10240x128xf32, #tpu.memory_space<vmem_shared>>)
        %add3A_198 = arith.constant 2 : i32
        %add3A_199 = arith.addi %add3A_174, %add3A_198 : i32
        %dma_start3A_200 = arith.constant 0 : i32
        %dma_start3A_201 = tpu.memref_slice %arg7[%add3A_199, %dma_start3A_200] : memref<40x128xi32, #tpu.memory_space<vmem>> -> memref<1x128xi32, #tpu.memory_space<vmem>>
        %dma_start3A_202 = tpu.memref_squeeze %dma_start3A_201 : memref<1x128xi32, #tpu.memory_space<vmem>> -> memref<128xi32, #tpu.memory_space<vmem>>
        %dma_start3A_203 = arith.constant 0 : i32
        %dma_start3A_204 = arith.constant 0 : i32
        %dma_start3A_205 = tpu.memref_slice %arg2[%dma_start3A_203, %dma_start3A_204] : memref<40960x128xf32, #tpu.memory_space<hbm>> -> memref<40960x128xf32, #tpu.memory_space<hbm>>
        tpu.enqueue_indirect_dma source(%dma_start3A_205 : memref<40960x128xf32, #tpu.memory_space<hbm>>) target(%arg11 : memref<128x128xf32, #tpu.memory_space<vmem>>) offsets(%dma_start3A_202 : memref<128xi32, #tpu.memory_space<vmem>>) semaphore(%arg13 : memref<!tpu.dma_semaphore, #tpu.memory_space<semaphore_mem>>)
      } else {
      }
    }
    %scan3A_130 = arith.constant 20 : i32
    %dma_wait3A_131 = arith.constant 0 : i32
    %dma_wait3A_132 = arith.constant 0 : i32
    %dma_wait3A_133 = tpu.memref_slice %arg8[%dma_wait3A_131, %dma_wait3A_132] : memref<40x128xi32, #tpu.memory_space<vmem>> -> memref<1x128xi32, #tpu.memory_space<vmem>>
    %dma_wait3A_134 = tpu.memref_squeeze %dma_wait3A_133 : memref<1x128xi32, #tpu.memory_space<vmem>> -> memref<128xi32, #tpu.memory_space<vmem>>
    %dma_wait3A_135 = arith.constant 0 : i32
    %dma_wait3A_136 = arith.constant 0 : i32
    %dma_wait3A_137 = tpu.memref_slice %arg9[%dma_wait3A_135, %dma_wait3A_136] : memref<10240x128xf32, #tpu.memory_space<vmem_shared>> -> memref<10240x128xf32, #tpu.memory_space<vmem_shared>>
    tpu.wait_indirect_dma semaphore(%arg14 : memref<!tpu.dma_semaphore, #tpu.memory_space<semaphore_mem>>) src(%arg10 : memref<128x128xf32, #tpu.memory_space<vmem>>) dst(%dma_wait3A_137 : memref<10240x128xf32, #tpu.memory_space<vmem_shared>>)
    %dma_wait3A_138 = arith.constant 1 : i32
    %dma_wait3A_139 = arith.constant 0 : i32
    %dma_wait3A_140 = tpu.memref_slice %arg8[%dma_wait3A_138, %dma_wait3A_139] : memref<40x128xi32, #tpu.memory_space<vmem>> -> memref<1x128xi32, #tpu.memory_space<vmem>>
    %dma_wait3A_141 = tpu.memref_squeeze %dma_wait3A_140 : memref<1x128xi32, #tpu.memory_space<vmem>> -> memref<128xi32, #tpu.memory_space<vmem>>
    %dma_wait3A_142 = arith.constant 0 : i32
    %dma_wait3A_143 = arith.constant 0 : i32
    %dma_wait3A_144 = tpu.memref_slice %arg9[%dma_wait3A_142, %dma_wait3A_143] : memref<10240x128xf32, #tpu.memory_space<vmem_shared>> -> memref<10240x128xf32, #tpu.memory_space<vmem_shared>>
    tpu.wait_indirect_dma semaphore(%arg15 : memref<!tpu.dma_semaphore, #tpu.memory_space<semaphore_mem>>) src(%arg11 : memref<128x128xf32, #tpu.memory_space<vmem>>) dst(%dma_wait3A_144 : memref<10240x128xf32, #tpu.memory_space<vmem_shared>>)
    %barrier3A_145 = arith.constant 0 : index
    tpu.barrier barrier_id(%barrier3A_145)
    %mul3A_146 = arith.constant 640 : i32
    %mul3A_147 = arith.muli %arg1, %mul3A_146 : i32
    %mul3A_148 = arith.constant 640 : i32
    %mul3A_149 = arith.muli %arg1, %mul3A_148 : i32
    "tpu.region"() ({
      %run_scoped3A = tpu.sem_alloc : memref<!tpu.dma_semaphore, #tpu.memory_space<semaphore_mem>>
      %dma_start3A_150 = arith.constant 0 : i32
      %dma_start3A_151 = arith.constant 0 : i32
      %dma_start3A_152 = tpu.memref_slice %arg6[%add3A_75, %dma_start3A_150, %dma_start3A_151] : memref<4x10240x128xf32, #tpu.memory_space<hbm>> -> memref<1x10240x128xf32, #tpu.memory_space<hbm>>
      %dma_start3A_153 = tpu.memref_squeeze %dma_start3A_152 : memref<1x10240x128xf32, #tpu.memory_space<hbm>> -> memref<10240x128xf32, #tpu.memory_space<hbm>>
      %dma_start3A_154 = arith.constant 0 : i32
      %dma_start3A_155 = tpu.memref_slice %dma_start3A_153[%mul3A_149, %dma_start3A_154] : memref<10240x128xf32, #tpu.memory_space<hbm>> -> memref<640x128xf32, #tpu.memory_space<hbm>>
      %dma_start3A_156 = arith.constant 0 : i32
      %dma_start3A_157 = tpu.memref_slice %arg9[%mul3A_147, %dma_start3A_156] : memref<10240x128xf32, #tpu.memory_space<vmem_shared>> -> memref<640x128xf32, #tpu.memory_space<vmem_shared>>
      tpu.enqueue_dma source(%dma_start3A_157 : memref<640x128xf32, #tpu.memory_space<vmem_shared>>) target(%dma_start3A_155 : memref<640x128xf32, #tpu.memory_space<hbm>>) target_semaphore(%run_scoped3A : memref<!tpu.dma_semaphore, #tpu.memory_space<semaphore_mem>>)
      %dma_wait3A_158 = arith.constant 0 : i32
      %dma_wait3A_159 = arith.constant 0 : i32
      %dma_wait3A_160 = tpu.memref_slice %arg6[%add3A_75, %dma_wait3A_158, %dma_wait3A_159] : memref<4x10240x128xf32, #tpu.memory_space<hbm>> -> memref<1x10240x128xf32, #tpu.memory_space<hbm>>
      %dma_wait3A_161 = tpu.memref_squeeze %dma_wait3A_160 : memref<1x10240x128xf32, #tpu.memory_space<hbm>> -> memref<10240x128xf32, #tpu.memory_space<hbm>>
      %dma_wait3A_162 = arith.constant 0 : i32
      %dma_wait3A_163 = tpu.memref_slice %dma_wait3A_161[%mul3A_149, %dma_wait3A_162] : memref<10240x128xf32, #tpu.memory_space<hbm>> -> memref<640x128xf32, #tpu.memory_space<hbm>>
      %dma_wait3A_164 = arith.constant 0 : i32
      %dma_wait3A_165 = tpu.memref_slice %arg9[%mul3A_147, %dma_wait3A_164] : memref<10240x128xf32, #tpu.memory_space<vmem_shared>> -> memref<640x128xf32, #tpu.memory_space<vmem_shared>>
      tpu.wait_dma2 semaphore(%run_scoped3A : memref<!tpu.dma_semaphore, #tpu.memory_space<semaphore_mem>>) src(%dma_wait3A_165 : memref<640x128xf32, #tpu.memory_space<vmem_shared>>) dst(%dma_wait3A_163 : memref<640x128xf32, #tpu.memory_space<hbm>>)
      tpu.yield
    }) : () -> ()
    return
  }
}

#map = affine_map<(d0, d1) -> (0, 0)>
#map1 = affine_map<(d0, d1) -> (0, 0, 0, 0)>
#map2 = affine_map<(d0, d1) -> (0, 0, 0)>
module attributes {stable_mosaic.version = 14 : i64} {
  func.func @_edgesum_body(%arg0: i32, %arg1: i32, %arg2: memref<40960x128xf32, #tpu.memory_space<hbm>>, %arg3: memref<4x16x80x128xi32, #tpu.memory_space<hbm>>, %arg4: memref<16x80x128xi32, #tpu.memory_space<hbm>>, %arg5: memref<640x128xf32, #tpu.memory_space<hbm>>, %arg6: memref<4x10240x128xf32, #tpu.memory_space<hbm>>, %arg7: memref<40x128xi32, #tpu.memory_space<vmem>>, %arg8: memref<40x128xi32, #tpu.memory_space<vmem>>, %arg9: memref<10240x128xf32, #tpu.memory_space<vmem_shared>>, %arg10: memref<128x128xf32, #tpu.memory_space<vmem>>, %arg11: memref<128x128xf32, #tpu.memory_space<vmem>>, %arg12: memref<!tpu.dma_semaphore, #tpu.memory_space<semaphore_mem>>, %arg13: memref<!tpu.dma_semaphore, #tpu.memory_space<semaphore_mem>>, %arg14: memref<!tpu.dma_semaphore, #tpu.memory_space<semaphore_mem>>, %arg15: memref<!tpu.dma_semaphore, #tpu.memory_space<semaphore_mem>>) attributes {dimension_semantics = [#tpu.dimension_semantics<core_parallel>, #tpu.dimension_semantics<subcore_parallel>], iteration_bounds = array<i64: 2, 16>, scalar_prefetch = 0 : i64, scratch_operands = 9 : i64, tpu.core_type = #tpu.core_type<sc_vector_subcore>, window_params = [{transform_indices = #map}, {transform_indices = #map1}, {transform_indices = #map2}, {transform_indices = #map}, {transform_indices = #map2}]} {
    %mul3A = arith.constant 2 : i32
    %mul3A_0 = arith.muli %arg0, %mul3A : i32
    %add3A = arith.constant 0 : i32
    %add3A_1 = arith.addi %mul3A_0, %add3A : i32
    %mul3A_2 = arith.constant 640 : i32
    %mul3A_3 = arith.muli %arg1, %mul3A_2 : i32
    "tpu.region"() ({
      %run_scoped3A = tpu.sem_alloc : memref<!tpu.dma_semaphore, #tpu.memory_space<semaphore_mem>>
      %dma_start3A_150 = arith.constant 0 : i32
      %dma_start3A_151 = tpu.memref_slice %arg9[%mul3A_3, %dma_start3A_150] : memref<10240x128xf32, #tpu.memory_space<vmem_shared>> -> memref<640x128xf32, #tpu.memory_space<vmem_shared>>
      tpu.enqueue_dma source(%arg5 : memref<640x128xf32, #tpu.memory_space<hbm>>) target(%dma_start3A_151 : memref<640x128xf32, #tpu.memory_space<vmem_shared>>) target_semaphore(%run_scoped3A : memref<!tpu.dma_semaphore, #tpu.memory_space<semaphore_mem>>)
      %dma_wait3A_152 = arith.constant 0 : i32
      %dma_wait3A_153 = tpu.memref_slice %arg9[%mul3A_3, %dma_wait3A_152] : memref<10240x128xf32, #tpu.memory_space<vmem_shared>> -> memref<640x128xf32, #tpu.memory_space<vmem_shared>>
      tpu.wait_dma2 semaphore(%run_scoped3A : memref<!tpu.dma_semaphore, #tpu.memory_space<semaphore_mem>>) src(%arg5 : memref<640x128xf32, #tpu.memory_space<hbm>>) dst(%dma_wait3A_153 : memref<640x128xf32, #tpu.memory_space<vmem_shared>>)
      tpu.yield
    }) : () -> ()
    %barrier3A = arith.constant 0 : index
    tpu.barrier barrier_id(%barrier3A)
    "tpu.region"() ({
      %run_scoped3A = tpu.sem_alloc : memref<!tpu.dma_semaphore, #tpu.memory_space<semaphore_mem>>
      %dma_start3A_150 = arith.constant 0 : i32
      %dma_start3A_151 = arith.constant 0 : i32
      %dma_start3A_152 = tpu.memref_slice %arg3[%add3A_1, %arg1, %dma_start3A_150, %dma_start3A_151] : memref<4x16x80x128xi32, #tpu.memory_space<hbm>> -> memref<1x1x80x128xi32, #tpu.memory_space<hbm>>
      %dma_start3A_153 = tpu.memref_squeeze %dma_start3A_152 : memref<1x1x80x128xi32, #tpu.memory_space<hbm>> -> memref<80x128xi32, #tpu.memory_space<hbm>>
      %dma_start3A_154 = arith.constant 0 : i32
      %dma_start3A_155 = arith.constant 0 : i32
      %dma_start3A_156 = tpu.memref_slice %dma_start3A_153[%dma_start3A_154, %dma_start3A_155] : memref<80x128xi32, #tpu.memory_space<hbm>> -> memref<40x128xi32, #tpu.memory_space<hbm>>
      %dma_start3A_157 = arith.constant 0 : i32
      %dma_start3A_158 = arith.constant 0 : i32
      %dma_start3A_159 = tpu.memref_slice %arg3[%add3A_1, %arg1, %dma_start3A_157, %dma_start3A_158] : memref<4x16x80x128xi32, #tpu.memory_space<hbm>> -> memref<1x1x80x128xi32, #tpu.memory_space<hbm>>
      %dma_start3A_160 = tpu.memref_squeeze %dma_start3A_159 : memref<1x1x80x128xi32, #tpu.memory_space<hbm>> -> memref<80x128xi32, #tpu.memory_space<hbm>>
      %dma_start3A_161 = arith.constant 0 : i32
      %dma_start3A_162 = arith.constant 0 : i32
      %dma_start3A_163 = tpu.memref_slice %dma_start3A_160[%dma_start3A_161, %dma_start3A_162] : memref<80x128xi32, #tpu.memory_space<hbm>> -> memref<40x128xi32, #tpu.memory_space<hbm>>
      tpu.enqueue_dma source(%dma_start3A_163 : memref<40x128xi32, #tpu.memory_space<hbm>>) target(%arg7 : memref<40x128xi32, #tpu.memory_space<vmem>>) target_semaphore(%run_scoped3A : memref<!tpu.dma_semaphore, #tpu.memory_space<semaphore_mem>>)
      %dma_wait3A_164 = arith.constant 0 : i32
      %dma_wait3A_165 = arith.constant 0 : i32
      %dma_wait3A_166 = tpu.memref_slice %arg3[%add3A_1, %arg1, %dma_wait3A_164, %dma_wait3A_165] : memref<4x16x80x128xi32, #tpu.memory_space<hbm>> -> memref<1x1x80x128xi32, #tpu.memory_space<hbm>>
      %dma_wait3A_167 = tpu.memref_squeeze %dma_wait3A_166 : memref<1x1x80x128xi32, #tpu.memory_space<hbm>> -> memref<80x128xi32, #tpu.memory_space<hbm>>
      %dma_wait3A_168 = arith.constant 0 : i32
      %dma_wait3A_169 = arith.constant 0 : i32
      %dma_wait3A_170 = tpu.memref_slice %dma_wait3A_167[%dma_wait3A_168, %dma_wait3A_169] : memref<80x128xi32, #tpu.memory_space<hbm>> -> memref<40x128xi32, #tpu.memory_space<hbm>>
      %dma_wait3A_171 = arith.constant 0 : i32
      %dma_wait3A_172 = arith.constant 0 : i32
      %dma_wait3A_173 = tpu.memref_slice %arg3[%add3A_1, %arg1, %dma_wait3A_171, %dma_wait3A_172] : memref<4x16x80x128xi32, #tpu.memory_space<hbm>> -> memref<1x1x80x128xi32, #tpu.memory_space<hbm>>
      %dma_wait3A_174 = tpu.memref_squeeze %dma_wait3A_173 : memref<1x1x80x128xi32, #tpu.memory_space<hbm>> -> memref<80x128xi32, #tpu.memory_space<hbm>>
      %dma_wait3A_175 = arith.constant 0 : i32
      %dma_wait3A_176 = arith.constant 0 : i32
      %dma_wait3A_177 = tpu.memref_slice %dma_wait3A_174[%dma_wait3A_175, %dma_wait3A_176] : memref<80x128xi32, #tpu.memory_space<hbm>> -> memref<40x128xi32, #tpu.memory_space<hbm>>
      tpu.wait_dma2 semaphore(%run_scoped3A : memref<!tpu.dma_semaphore, #tpu.memory_space<semaphore_mem>>) src(%dma_wait3A_177 : memref<40x128xi32, #tpu.memory_space<hbm>>) dst(%arg7 : memref<40x128xi32, #tpu.memory_space<vmem>>)
      tpu.yield
    }) : () -> ()
    "tpu.region"() ({
      %run_scoped3A = tpu.sem_alloc : memref<!tpu.dma_semaphore, #tpu.memory_space<semaphore_mem>>
      %dma_start3A_150 = arith.constant 0 : i32
      %dma_start3A_151 = arith.constant 0 : i32
      %dma_start3A_152 = tpu.memref_slice %arg4[%arg1, %dma_start3A_150, %dma_start3A_151] : memref<16x80x128xi32, #tpu.memory_space<hbm>> -> memref<1x80x128xi32, #tpu.memory_space<hbm>>
      %dma_start3A_153 = tpu.memref_squeeze %dma_start3A_152 : memref<1x80x128xi32, #tpu.memory_space<hbm>> -> memref<80x128xi32, #tpu.memory_space<hbm>>
      %dma_start3A_154 = arith.constant 0 : i32
      %dma_start3A_155 = arith.constant 0 : i32
      %dma_start3A_156 = tpu.memref_slice %dma_start3A_153[%dma_start3A_154, %dma_start3A_155] : memref<80x128xi32, #tpu.memory_space<hbm>> -> memref<40x128xi32, #tpu.memory_space<hbm>>
      %dma_start3A_157 = arith.constant 0 : i32
      %dma_start3A_158 = arith.constant 0 : i32
      %dma_start3A_159 = tpu.memref_slice %arg4[%arg1, %dma_start3A_157, %dma_start3A_158] : memref<16x80x128xi32, #tpu.memory_space<hbm>> -> memref<1x80x128xi32, #tpu.memory_space<hbm>>
      %dma_start3A_160 = tpu.memref_squeeze %dma_start3A_159 : memref<1x80x128xi32, #tpu.memory_space<hbm>> -> memref<80x128xi32, #tpu.memory_space<hbm>>
      %dma_start3A_161 = arith.constant 0 : i32
      %dma_start3A_162 = arith.constant 0 : i32
      %dma_start3A_163 = tpu.memref_slice %dma_start3A_160[%dma_start3A_161, %dma_start3A_162] : memref<80x128xi32, #tpu.memory_space<hbm>> -> memref<40x128xi32, #tpu.memory_space<hbm>>
      tpu.enqueue_dma source(%dma_start3A_163 : memref<40x128xi32, #tpu.memory_space<hbm>>) target(%arg8 : memref<40x128xi32, #tpu.memory_space<vmem>>) target_semaphore(%run_scoped3A : memref<!tpu.dma_semaphore, #tpu.memory_space<semaphore_mem>>)
      %dma_wait3A_164 = arith.constant 0 : i32
      %dma_wait3A_165 = arith.constant 0 : i32
      %dma_wait3A_166 = tpu.memref_slice %arg4[%arg1, %dma_wait3A_164, %dma_wait3A_165] : memref<16x80x128xi32, #tpu.memory_space<hbm>> -> memref<1x80x128xi32, #tpu.memory_space<hbm>>
      %dma_wait3A_167 = tpu.memref_squeeze %dma_wait3A_166 : memref<1x80x128xi32, #tpu.memory_space<hbm>> -> memref<80x128xi32, #tpu.memory_space<hbm>>
      %dma_wait3A_168 = arith.constant 0 : i32
      %dma_wait3A_169 = arith.constant 0 : i32
      %dma_wait3A_170 = tpu.memref_slice %dma_wait3A_167[%dma_wait3A_168, %dma_wait3A_169] : memref<80x128xi32, #tpu.memory_space<hbm>> -> memref<40x128xi32, #tpu.memory_space<hbm>>
      %dma_wait3A_171 = arith.constant 0 : i32
      %dma_wait3A_172 = arith.constant 0 : i32
      %dma_wait3A_173 = tpu.memref_slice %arg4[%arg1, %dma_wait3A_171, %dma_wait3A_172] : memref<16x80x128xi32, #tpu.memory_space<hbm>> -> memref<1x80x128xi32, #tpu.memory_space<hbm>>
      %dma_wait3A_174 = tpu.memref_squeeze %dma_wait3A_173 : memref<1x80x128xi32, #tpu.memory_space<hbm>> -> memref<80x128xi32, #tpu.memory_space<hbm>>
      %dma_wait3A_175 = arith.constant 0 : i32
      %dma_wait3A_176 = arith.constant 0 : i32
      %dma_wait3A_177 = tpu.memref_slice %dma_wait3A_174[%dma_wait3A_175, %dma_wait3A_176] : memref<80x128xi32, #tpu.memory_space<hbm>> -> memref<40x128xi32, #tpu.memory_space<hbm>>
      tpu.wait_dma2 semaphore(%run_scoped3A : memref<!tpu.dma_semaphore, #tpu.memory_space<semaphore_mem>>) src(%dma_wait3A_177 : memref<40x128xi32, #tpu.memory_space<hbm>>) dst(%arg8 : memref<40x128xi32, #tpu.memory_space<vmem>>)
      tpu.yield
    }) : () -> ()
    %dma_start3A = arith.constant 0 : i32
    %dma_start3A_4 = arith.constant 0 : i32
    %dma_start3A_5 = tpu.memref_slice %arg7[%dma_start3A, %dma_start3A_4] : memref<40x128xi32, #tpu.memory_space<vmem>> -> memref<1x128xi32, #tpu.memory_space<vmem>>
    %dma_start3A_6 = tpu.memref_squeeze %dma_start3A_5 : memref<1x128xi32, #tpu.memory_space<vmem>> -> memref<128xi32, #tpu.memory_space<vmem>>
    %dma_start3A_7 = arith.constant 0 : i32
    %dma_start3A_8 = arith.constant 0 : i32
    %dma_start3A_9 = tpu.memref_slice %arg2[%dma_start3A_7, %dma_start3A_8] : memref<40960x128xf32, #tpu.memory_space<hbm>> -> memref<40960x128xf32, #tpu.memory_space<hbm>>
    tpu.enqueue_indirect_dma source(%dma_start3A_9 : memref<40960x128xf32, #tpu.memory_space<hbm>>) target(%arg10 : memref<128x128xf32, #tpu.memory_space<vmem>>) offsets(%dma_start3A_6 : memref<128xi32, #tpu.memory_space<vmem>>) semaphore(%arg12 : memref<!tpu.dma_semaphore, #tpu.memory_space<semaphore_mem>>)
    %dma_start3A_10 = arith.constant 1 : i32
    %dma_start3A_11 = arith.constant 0 : i32
    %dma_start3A_12 = tpu.memref_slice %arg7[%dma_start3A_10, %dma_start3A_11] : memref<40x128xi32, #tpu.memory_space<vmem>> -> memref<1x128xi32, #tpu.memory_space<vmem>>
    %dma_start3A_13 = tpu.memref_squeeze %dma_start3A_12 : memref<1x128xi32, #tpu.memory_space<vmem>> -> memref<128xi32, #tpu.memory_space<vmem>>
    %dma_start3A_14 = arith.constant 0 : i32
    %dma_start3A_15 = arith.constant 0 : i32
    %dma_start3A_16 = tpu.memref_slice %arg2[%dma_start3A_14, %dma_start3A_15] : memref<40960x128xf32, #tpu.memory_space<hbm>> -> memref<40960x128xf32, #tpu.memory_space<hbm>>
    tpu.enqueue_indirect_dma source(%dma_start3A_16 : memref<40960x128xf32, #tpu.memory_space<hbm>>) target(%arg11 : memref<128x128xf32, #tpu.memory_space<vmem>>) offsets(%dma_start3A_13 : memref<128xi32, #tpu.memory_space<vmem>>) semaphore(%arg13 : memref<!tpu.dma_semaphore, #tpu.memory_space<semaphore_mem>>)
    %scan3A = arith.constant 0 : i32
    %scan3A_17 = arith.constant 20 : i32
    %scan3A_18 = arith.addi %scan3A, %scan3A_17 : i32
    %scan3A_19 = arith.constant 1 : i32
    scf.for %scan3A_150 = %scan3A to %scan3A_18 step %scan3A_19  : i32 {
      %mul3A_151 = arith.constant 1 : i32
      %mul3A_152 = arith.muli %scan3A_150, %mul3A_151 : i32
      %add3A_153 = arith.constant 0 : i32
      %add3A_154 = arith.addi %add3A_153, %mul3A_152 : i32
      %mul3A_155 = arith.constant 2 : i32
      %mul3A_156 = arith.muli %add3A_154, %mul3A_155 : i32
      %add3A_157 = arith.constant 0 : i32
      %add3A_158 = arith.addi %mul3A_156, %add3A_157 : i32
      %dma_wait3A_159 = arith.constant 0 : i32
      %dma_wait3A_160 = tpu.memref_slice %arg7[%add3A_158, %dma_wait3A_159] : memref<40x128xi32, #tpu.memory_space<vmem>> -> memref<1x128xi32, #tpu.memory_space<vmem>>
      %dma_wait3A_161 = tpu.memref_squeeze %dma_wait3A_160 : memref<1x128xi32, #tpu.memory_space<vmem>> -> memref<128xi32, #tpu.memory_space<vmem>>
      %dma_wait3A_162 = arith.constant 0 : i32
      %dma_wait3A_163 = arith.constant 0 : i32
      %dma_wait3A_164 = tpu.memref_slice %arg2[%dma_wait3A_162, %dma_wait3A_163] : memref<40960x128xf32, #tpu.memory_space<hbm>> -> memref<40960x128xf32, #tpu.memory_space<hbm>>
      tpu.wait_indirect_dma semaphore(%arg12 : memref<!tpu.dma_semaphore, #tpu.memory_space<semaphore_mem>>) src(%dma_wait3A_164 : memref<40960x128xf32, #tpu.memory_space<hbm>>) dst(%arg10 : memref<128x128xf32, #tpu.memory_space<vmem>>)
      %dma_start3A_165 = arith.constant 0 : i32
      %dma_start3A_166 = tpu.memref_slice %arg8[%add3A_158, %dma_start3A_165] : memref<40x128xi32, #tpu.memory_space<vmem>> -> memref<1x128xi32, #tpu.memory_space<vmem>>
      %dma_start3A_167 = tpu.memref_squeeze %dma_start3A_166 : memref<1x128xi32, #tpu.memory_space<vmem>> -> memref<128xi32, #tpu.memory_space<vmem>>
      %dma_start3A_168 = arith.constant 0 : i32
      %dma_start3A_169 = arith.constant 0 : i32
      %dma_start3A_170 = tpu.memref_slice %arg9[%dma_start3A_168, %dma_start3A_169] : memref<10240x128xf32, #tpu.memory_space<vmem_shared>> -> memref<10240x128xf32, #tpu.memory_space<vmem_shared>>
      tpu.enqueue_indirect_dma source(%arg10 : memref<128x128xf32, #tpu.memory_space<vmem>>) target(%dma_start3A_170 : memref<10240x128xf32, #tpu.memory_space<vmem_shared>>) offsets(%dma_start3A_167 : memref<128xi32, #tpu.memory_space<vmem>>) semaphore(%arg14 : memref<!tpu.dma_semaphore, #tpu.memory_space<semaphore_mem>>) {add = true}
      %lt3A = arith.constant 19 : i32
      %lt3A_171 = arith.cmpi slt, %add3A_154, %lt3A : i32
      %convert_element_type3A = arith.extui %lt3A_171 : i1 to i32
      %cond3A = arith.constant 0 : i32
      %cond3A_172 = arith.cmpi ne, %convert_element_type3A, %cond3A : i32
      scf.if %cond3A_172 {
        %dma_wait3A_192 = arith.constant 0 : i32
        %dma_wait3A_193 = tpu.memref_slice %arg8[%add3A_158, %dma_wait3A_192] : memref<40x128xi32, #tpu.memory_space<vmem>> -> memref<1x128xi32, #tpu.memory_space<vmem>>
        %dma_wait3A_194 = tpu.memref_squeeze %dma_wait3A_193 : memref<1x128xi32, #tpu.memory_space<vmem>> -> memref<128xi32, #tpu.memory_space<vmem>>
        %dma_wait3A_195 = arith.constant 0 : i32
        %dma_wait3A_196 = arith.constant 0 : i32
        %dma_wait3A_197 = tpu.memref_slice %arg9[%dma_wait3A_195, %dma_wait3A_196] : memref<10240x128xf32, #tpu.memory_space<vmem_shared>> -> memref<10240x128xf32, #tpu.memory_space<vmem_shared>>
        tpu.wait_indirect_dma semaphore(%arg14 : memref<!tpu.dma_semaphore, #tpu.memory_space<semaphore_mem>>) src(%arg10 : memref<128x128xf32, #tpu.memory_space<vmem>>) dst(%dma_wait3A_197 : memref<10240x128xf32, #tpu.memory_space<vmem_shared>>)
        %add3A_198 = arith.constant 2 : i32
        %add3A_199 = arith.addi %add3A_158, %add3A_198 : i32
        %dma_start3A_200 = arith.constant 0 : i32
        %dma_start3A_201 = tpu.memref_slice %arg7[%add3A_199, %dma_start3A_200] : memref<40x128xi32, #tpu.memory_space<vmem>> -> memref<1x128xi32, #tpu.memory_space<vmem>>
        %dma_start3A_202 = tpu.memref_squeeze %dma_start3A_201 : memref<1x128xi32, #tpu.memory_space<vmem>> -> memref<128xi32, #tpu.memory_space<vmem>>
        %dma_start3A_203 = arith.constant 0 : i32
        %dma_start3A_204 = arith.constant 0 : i32
        %dma_start3A_205 = tpu.memref_slice %arg2[%dma_start3A_203, %dma_start3A_204] : memref<40960x128xf32, #tpu.memory_space<hbm>> -> memref<40960x128xf32, #tpu.memory_space<hbm>>
        tpu.enqueue_indirect_dma source(%dma_start3A_205 : memref<40960x128xf32, #tpu.memory_space<hbm>>) target(%arg10 : memref<128x128xf32, #tpu.memory_space<vmem>>) offsets(%dma_start3A_202 : memref<128xi32, #tpu.memory_space<vmem>>) semaphore(%arg12 : memref<!tpu.dma_semaphore, #tpu.memory_space<semaphore_mem>>)
      } else {
      }
      %add3A_173 = arith.constant 1 : i32
      %add3A_174 = arith.addi %mul3A_156, %add3A_173 : i32
      %dma_wait3A_175 = arith.constant 0 : i32
      %dma_wait3A_176 = tpu.memref_slice %arg7[%add3A_174, %dma_wait3A_175] : memref<40x128xi32, #tpu.memory_space<vmem>> -> memref<1x128xi32, #tpu.memory_space<vmem>>
      %dma_wait3A_177 = tpu.memref_squeeze %dma_wait3A_176 : memref<1x128xi32, #tpu.memory_space<vmem>> -> memref<128xi32, #tpu.memory_space<vmem>>
      %dma_wait3A_178 = arith.constant 0 : i32
      %dma_wait3A_179 = arith.constant 0 : i32
      %dma_wait3A_180 = tpu.memref_slice %arg2[%dma_wait3A_178, %dma_wait3A_179] : memref<40960x128xf32, #tpu.memory_space<hbm>> -> memref<40960x128xf32, #tpu.memory_space<hbm>>
      tpu.wait_indirect_dma semaphore(%arg13 : memref<!tpu.dma_semaphore, #tpu.memory_space<semaphore_mem>>) src(%dma_wait3A_180 : memref<40960x128xf32, #tpu.memory_space<hbm>>) dst(%arg11 : memref<128x128xf32, #tpu.memory_space<vmem>>)
      %dma_start3A_181 = arith.constant 0 : i32
      %dma_start3A_182 = tpu.memref_slice %arg8[%add3A_174, %dma_start3A_181] : memref<40x128xi32, #tpu.memory_space<vmem>> -> memref<1x128xi32, #tpu.memory_space<vmem>>
      %dma_start3A_183 = tpu.memref_squeeze %dma_start3A_182 : memref<1x128xi32, #tpu.memory_space<vmem>> -> memref<128xi32, #tpu.memory_space<vmem>>
      %dma_start3A_184 = arith.constant 0 : i32
      %dma_start3A_185 = arith.constant 0 : i32
      %dma_start3A_186 = tpu.memref_slice %arg9[%dma_start3A_184, %dma_start3A_185] : memref<10240x128xf32, #tpu.memory_space<vmem_shared>> -> memref<10240x128xf32, #tpu.memory_space<vmem_shared>>
      tpu.enqueue_indirect_dma source(%arg11 : memref<128x128xf32, #tpu.memory_space<vmem>>) target(%dma_start3A_186 : memref<10240x128xf32, #tpu.memory_space<vmem_shared>>) offsets(%dma_start3A_183 : memref<128xi32, #tpu.memory_space<vmem>>) semaphore(%arg15 : memref<!tpu.dma_semaphore, #tpu.memory_space<semaphore_mem>>) {add = true}
      %lt3A_187 = arith.constant 19 : i32
      %lt3A_188 = arith.cmpi slt, %add3A_154, %lt3A_187 : i32
      %convert_element_type3A_189 = arith.extui %lt3A_188 : i1 to i32
      %cond3A_190 = arith.constant 0 : i32
      %cond3A_191 = arith.cmpi ne, %convert_element_type3A_189, %cond3A_190 : i32
      scf.if %cond3A_191 {
        %dma_wait3A_192 = arith.constant 0 : i32
        %dma_wait3A_193 = tpu.memref_slice %arg8[%add3A_174, %dma_wait3A_192] : memref<40x128xi32, #tpu.memory_space<vmem>> -> memref<1x128xi32, #tpu.memory_space<vmem>>
        %dma_wait3A_194 = tpu.memref_squeeze %dma_wait3A_193 : memref<1x128xi32, #tpu.memory_space<vmem>> -> memref<128xi32, #tpu.memory_space<vmem>>
        %dma_wait3A_195 = arith.constant 0 : i32
        %dma_wait3A_196 = arith.constant 0 : i32
        %dma_wait3A_197 = tpu.memref_slice %arg9[%dma_wait3A_195, %dma_wait3A_196] : memref<10240x128xf32, #tpu.memory_space<vmem_shared>> -> memref<10240x128xf32, #tpu.memory_space<vmem_shared>>
        tpu.wait_indirect_dma semaphore(%arg15 : memref<!tpu.dma_semaphore, #tpu.memory_space<semaphore_mem>>) src(%arg11 : memref<128x128xf32, #tpu.memory_space<vmem>>) dst(%dma_wait3A_197 : memref<10240x128xf32, #tpu.memory_space<vmem_shared>>)
        %add3A_198 = arith.constant 2 : i32
        %add3A_199 = arith.addi %add3A_174, %add3A_198 : i32
        %dma_start3A_200 = arith.constant 0 : i32
        %dma_start3A_201 = tpu.memref_slice %arg7[%add3A_199, %dma_start3A_200] : memref<40x128xi32, #tpu.memory_space<vmem>> -> memref<1x128xi32, #tpu.memory_space<vmem>>
        %dma_start3A_202 = tpu.memref_squeeze %dma_start3A_201 : memref<1x128xi32, #tpu.memory_space<vmem>> -> memref<128xi32, #tpu.memory_space<vmem>>
        %dma_start3A_203 = arith.constant 0 : i32
        %dma_start3A_204 = arith.constant 0 : i32
        %dma_start3A_205 = tpu.memref_slice %arg2[%dma_start3A_203, %dma_start3A_204] : memref<40960x128xf32, #tpu.memory_space<hbm>> -> memref<40960x128xf32, #tpu.memory_space<hbm>>
        tpu.enqueue_indirect_dma source(%dma_start3A_205 : memref<40960x128xf32, #tpu.memory_space<hbm>>) target(%arg11 : memref<128x128xf32, #tpu.memory_space<vmem>>) offsets(%dma_start3A_202 : memref<128xi32, #tpu.memory_space<vmem>>) semaphore(%arg13 : memref<!tpu.dma_semaphore, #tpu.memory_space<semaphore_mem>>)
      } else {
      }
    }
    %scan3A_20 = arith.constant 20 : i32
    %dma_wait3A = arith.constant 0 : i32
    %dma_wait3A_21 = arith.constant 0 : i32
    %dma_wait3A_22 = tpu.memref_slice %arg8[%dma_wait3A, %dma_wait3A_21] : memref<40x128xi32, #tpu.memory_space<vmem>> -> memref<1x128xi32, #tpu.memory_space<vmem>>
    %dma_wait3A_23 = tpu.memref_squeeze %dma_wait3A_22 : memref<1x128xi32, #tpu.memory_space<vmem>> -> memref<128xi32, #tpu.memory_space<vmem>>
    %dma_wait3A_24 = arith.constant 0 : i32
    %dma_wait3A_25 = arith.constant 0 : i32
    %dma_wait3A_26 = tpu.memref_slice %arg9[%dma_wait3A_24, %dma_wait3A_25] : memref<10240x128xf32, #tpu.memory_space<vmem_shared>> -> memref<10240x128xf32, #tpu.memory_space<vmem_shared>>
    tpu.wait_indirect_dma semaphore(%arg14 : memref<!tpu.dma_semaphore, #tpu.memory_space<semaphore_mem>>) src(%arg10 : memref<128x128xf32, #tpu.memory_space<vmem>>) dst(%dma_wait3A_26 : memref<10240x128xf32, #tpu.memory_space<vmem_shared>>)
    %dma_wait3A_27 = arith.constant 1 : i32
    %dma_wait3A_28 = arith.constant 0 : i32
    %dma_wait3A_29 = tpu.memref_slice %arg8[%dma_wait3A_27, %dma_wait3A_28] : memref<40x128xi32, #tpu.memory_space<vmem>> -> memref<1x128xi32, #tpu.memory_space<vmem>>
    %dma_wait3A_30 = tpu.memref_squeeze %dma_wait3A_29 : memref<1x128xi32, #tpu.memory_space<vmem>> -> memref<128xi32, #tpu.memory_space<vmem>>
    %dma_wait3A_31 = arith.constant 0 : i32
    %dma_wait3A_32 = arith.constant 0 : i32
    %dma_wait3A_33 = tpu.memref_slice %arg9[%dma_wait3A_31, %dma_wait3A_32] : memref<10240x128xf32, #tpu.memory_space<vmem_shared>> -> memref<10240x128xf32, #tpu.memory_space<vmem_shared>>
    tpu.wait_indirect_dma semaphore(%arg15 : memref<!tpu.dma_semaphore, #tpu.memory_space<semaphore_mem>>) src(%arg11 : memref<128x128xf32, #tpu.memory_space<vmem>>) dst(%dma_wait3A_33 : memref<10240x128xf32, #tpu.memory_space<vmem_shared>>)
    "tpu.region"() ({
      %run_scoped3A = tpu.sem_alloc : memref<!tpu.dma_semaphore, #tpu.memory_space<semaphore_mem>>
      %dma_start3A_150 = arith.constant 0 : i32
      %dma_start3A_151 = arith.constant 0 : i32
      %dma_start3A_152 = tpu.memref_slice %arg3[%add3A_1, %arg1, %dma_start3A_150, %dma_start3A_151] : memref<4x16x80x128xi32, #tpu.memory_space<hbm>> -> memref<1x1x80x128xi32, #tpu.memory_space<hbm>>
      %dma_start3A_153 = tpu.memref_squeeze %dma_start3A_152 : memref<1x1x80x128xi32, #tpu.memory_space<hbm>> -> memref<80x128xi32, #tpu.memory_space<hbm>>
      %dma_start3A_154 = arith.constant 40 : i32
      %dma_start3A_155 = arith.constant 0 : i32
      %dma_start3A_156 = tpu.memref_slice %dma_start3A_153[%dma_start3A_154, %dma_start3A_155] : memref<80x128xi32, #tpu.memory_space<hbm>> -> memref<40x128xi32, #tpu.memory_space<hbm>>
      %dma_start3A_157 = arith.constant 0 : i32
      %dma_start3A_158 = arith.constant 0 : i32
      %dma_start3A_159 = tpu.memref_slice %arg3[%add3A_1, %arg1, %dma_start3A_157, %dma_start3A_158] : memref<4x16x80x128xi32, #tpu.memory_space<hbm>> -> memref<1x1x80x128xi32, #tpu.memory_space<hbm>>
      %dma_start3A_160 = tpu.memref_squeeze %dma_start3A_159 : memref<1x1x80x128xi32, #tpu.memory_space<hbm>> -> memref<80x128xi32, #tpu.memory_space<hbm>>
      %dma_start3A_161 = arith.constant 40 : i32
      %dma_start3A_162 = arith.constant 0 : i32
      %dma_start3A_163 = tpu.memref_slice %dma_start3A_160[%dma_start3A_161, %dma_start3A_162] : memref<80x128xi32, #tpu.memory_space<hbm>> -> memref<40x128xi32, #tpu.memory_space<hbm>>
      tpu.enqueue_dma source(%dma_start3A_163 : memref<40x128xi32, #tpu.memory_space<hbm>>) target(%arg7 : memref<40x128xi32, #tpu.memory_space<vmem>>) target_semaphore(%run_scoped3A : memref<!tpu.dma_semaphore, #tpu.memory_space<semaphore_mem>>)
      %dma_wait3A_164 = arith.constant 0 : i32
      %dma_wait3A_165 = arith.constant 0 : i32
      %dma_wait3A_166 = tpu.memref_slice %arg3[%add3A_1, %arg1, %dma_wait3A_164, %dma_wait3A_165] : memref<4x16x80x128xi32, #tpu.memory_space<hbm>> -> memref<1x1x80x128xi32, #tpu.memory_space<hbm>>
      %dma_wait3A_167 = tpu.memref_squeeze %dma_wait3A_166 : memref<1x1x80x128xi32, #tpu.memory_space<hbm>> -> memref<80x128xi32, #tpu.memory_space<hbm>>
      %dma_wait3A_168 = arith.constant 40 : i32
      %dma_wait3A_169 = arith.constant 0 : i32
      %dma_wait3A_170 = tpu.memref_slice %dma_wait3A_167[%dma_wait3A_168, %dma_wait3A_169] : memref<80x128xi32, #tpu.memory_space<hbm>> -> memref<40x128xi32, #tpu.memory_space<hbm>>
      %dma_wait3A_171 = arith.constant 0 : i32
      %dma_wait3A_172 = arith.constant 0 : i32
      %dma_wait3A_173 = tpu.memref_slice %arg3[%add3A_1, %arg1, %dma_wait3A_171, %dma_wait3A_172] : memref<4x16x80x128xi32, #tpu.memory_space<hbm>> -> memref<1x1x80x128xi32, #tpu.memory_space<hbm>>
      %dma_wait3A_174 = tpu.memref_squeeze %dma_wait3A_173 : memref<1x1x80x128xi32, #tpu.memory_space<hbm>> -> memref<80x128xi32, #tpu.memory_space<hbm>>
      %dma_wait3A_175 = arith.constant 40 : i32
      %dma_wait3A_176 = arith.constant 0 : i32
      %dma_wait3A_177 = tpu.memref_slice %dma_wait3A_174[%dma_wait3A_175, %dma_wait3A_176] : memref<80x128xi32, #tpu.memory_space<hbm>> -> memref<40x128xi32, #tpu.memory_space<hbm>>
      tpu.wait_dma2 semaphore(%run_scoped3A : memref<!tpu.dma_semaphore, #tpu.memory_space<semaphore_mem>>) src(%dma_wait3A_177 : memref<40x128xi32, #tpu.memory_space<hbm>>) dst(%arg7 : memref<40x128xi32, #tpu.memory_space<vmem>>)
      tpu.yield
    }) : () -> ()
    "tpu.region"() ({
      %run_scoped3A = tpu.sem_alloc : memref<!tpu.dma_semaphore, #tpu.memory_space<semaphore_mem>>
      %dma_start3A_150 = arith.constant 0 : i32
      %dma_start3A_151 = arith.constant 0 : i32
      %dma_start3A_152 = tpu.memref_slice %arg4[%arg1, %dma_start3A_150, %dma_start3A_151] : memref<16x80x128xi32, #tpu.memory_space<hbm>> -> memref<1x80x128xi32, #tpu.memory_space<hbm>>
      %dma_start3A_153 = tpu.memref_squeeze %dma_start3A_152 : memref<1x80x128xi32, #tpu.memory_space<hbm>> -> memref<80x128xi32, #tpu.memory_space<hbm>>
      %dma_start3A_154 = arith.constant 40 : i32
      %dma_start3A_155 = arith.constant 0 : i32
      %dma_start3A_156 = tpu.memref_slice %dma_start3A_153[%dma_start3A_154, %dma_start3A_155] : memref<80x128xi32, #tpu.memory_space<hbm>> -> memref<40x128xi32, #tpu.memory_space<hbm>>
      %dma_start3A_157 = arith.constant 0 : i32
      %dma_start3A_158 = arith.constant 0 : i32
      %dma_start3A_159 = tpu.memref_slice %arg4[%arg1, %dma_start3A_157, %dma_start3A_158] : memref<16x80x128xi32, #tpu.memory_space<hbm>> -> memref<1x80x128xi32, #tpu.memory_space<hbm>>
      %dma_start3A_160 = tpu.memref_squeeze %dma_start3A_159 : memref<1x80x128xi32, #tpu.memory_space<hbm>> -> memref<80x128xi32, #tpu.memory_space<hbm>>
      %dma_start3A_161 = arith.constant 40 : i32
      %dma_start3A_162 = arith.constant 0 : i32
      %dma_start3A_163 = tpu.memref_slice %dma_start3A_160[%dma_start3A_161, %dma_start3A_162] : memref<80x128xi32, #tpu.memory_space<hbm>> -> memref<40x128xi32, #tpu.memory_space<hbm>>
      tpu.enqueue_dma source(%dma_start3A_163 : memref<40x128xi32, #tpu.memory_space<hbm>>) target(%arg8 : memref<40x128xi32, #tpu.memory_space<vmem>>) target_semaphore(%run_scoped3A : memref<!tpu.dma_semaphore, #tpu.memory_space<semaphore_mem>>)
      %dma_wait3A_164 = arith.constant 0 : i32
      %dma_wait3A_165 = arith.constant 0 : i32
      %dma_wait3A_166 = tpu.memref_slice %arg4[%arg1, %dma_wait3A_164, %dma_wait3A_165] : memref<16x80x128xi32, #tpu.memory_space<hbm>> -> memref<1x80x128xi32, #tpu.memory_space<hbm>>
      %dma_wait3A_167 = tpu.memref_squeeze %dma_wait3A_166 : memref<1x80x128xi32, #tpu.memory_space<hbm>> -> memref<80x128xi32, #tpu.memory_space<hbm>>
      %dma_wait3A_168 = arith.constant 40 : i32
      %dma_wait3A_169 = arith.constant 0 : i32
      %dma_wait3A_170 = tpu.memref_slice %dma_wait3A_167[%dma_wait3A_168, %dma_wait3A_169] : memref<80x128xi32, #tpu.memory_space<hbm>> -> memref<40x128xi32, #tpu.memory_space<hbm>>
      %dma_wait3A_171 = arith.constant 0 : i32
      %dma_wait3A_172 = arith.constant 0 : i32
      %dma_wait3A_173 = tpu.memref_slice %arg4[%arg1, %dma_wait3A_171, %dma_wait3A_172] : memref<16x80x128xi32, #tpu.memory_space<hbm>> -> memref<1x80x128xi32, #tpu.memory_space<hbm>>
      %dma_wait3A_174 = tpu.memref_squeeze %dma_wait3A_173 : memref<1x80x128xi32, #tpu.memory_space<hbm>> -> memref<80x128xi32, #tpu.memory_space<hbm>>
      %dma_wait3A_175 = arith.constant 40 : i32
      %dma_wait3A_176 = arith.constant 0 : i32
      %dma_wait3A_177 = tpu.memref_slice %dma_wait3A_174[%dma_wait3A_175, %dma_wait3A_176] : memref<80x128xi32, #tpu.memory_space<hbm>> -> memref<40x128xi32, #tpu.memory_space<hbm>>
      tpu.wait_dma2 semaphore(%run_scoped3A : memref<!tpu.dma_semaphore, #tpu.memory_space<semaphore_mem>>) src(%dma_wait3A_177 : memref<40x128xi32, #tpu.memory_space<hbm>>) dst(%arg8 : memref<40x128xi32, #tpu.memory_space<vmem>>)
      tpu.yield
    }) : () -> ()
    %dma_start3A_34 = arith.constant 0 : i32
    %dma_start3A_35 = arith.constant 0 : i32
    %dma_start3A_36 = tpu.memref_slice %arg7[%dma_start3A_34, %dma_start3A_35] : memref<40x128xi32, #tpu.memory_space<vmem>> -> memref<1x128xi32, #tpu.memory_space<vmem>>
    %dma_start3A_37 = tpu.memref_squeeze %dma_start3A_36 : memref<1x128xi32, #tpu.memory_space<vmem>> -> memref<128xi32, #tpu.memory_space<vmem>>
    %dma_start3A_38 = arith.constant 0 : i32
    %dma_start3A_39 = arith.constant 0 : i32
    %dma_start3A_40 = tpu.memref_slice %arg2[%dma_start3A_38, %dma_start3A_39] : memref<40960x128xf32, #tpu.memory_space<hbm>> -> memref<40960x128xf32, #tpu.memory_space<hbm>>
    tpu.enqueue_indirect_dma source(%dma_start3A_40 : memref<40960x128xf32, #tpu.memory_space<hbm>>) target(%arg10 : memref<128x128xf32, #tpu.memory_space<vmem>>) offsets(%dma_start3A_37 : memref<128xi32, #tpu.memory_space<vmem>>) semaphore(%arg12 : memref<!tpu.dma_semaphore, #tpu.memory_space<semaphore_mem>>)
    %dma_start3A_41 = arith.constant 1 : i32
    %dma_start3A_42 = arith.constant 0 : i32
    %dma_start3A_43 = tpu.memref_slice %arg7[%dma_start3A_41, %dma_start3A_42] : memref<40x128xi32, #tpu.memory_space<vmem>> -> memref<1x128xi32, #tpu.memory_space<vmem>>
    %dma_start3A_44 = tpu.memref_squeeze %dma_start3A_43 : memref<1x128xi32, #tpu.memory_space<vmem>> -> memref<128xi32, #tpu.memory_space<vmem>>
    %dma_start3A_45 = arith.constant 0 : i32
    %dma_start3A_46 = arith.constant 0 : i32
    %dma_start3A_47 = tpu.memref_slice %arg2[%dma_start3A_45, %dma_start3A_46] : memref<40960x128xf32, #tpu.memory_space<hbm>> -> memref<40960x128xf32, #tpu.memory_space<hbm>>
    tpu.enqueue_indirect_dma source(%dma_start3A_47 : memref<40960x128xf32, #tpu.memory_space<hbm>>) target(%arg11 : memref<128x128xf32, #tpu.memory_space<vmem>>) offsets(%dma_start3A_44 : memref<128xi32, #tpu.memory_space<vmem>>) semaphore(%arg13 : memref<!tpu.dma_semaphore, #tpu.memory_space<semaphore_mem>>)
    %scan3A_48 = arith.constant 0 : i32
    %scan3A_49 = arith.constant 20 : i32
    %scan3A_50 = arith.addi %scan3A_48, %scan3A_49 : i32
    %scan3A_51 = arith.constant 1 : i32
    scf.for %scan3A_150 = %scan3A_48 to %scan3A_50 step %scan3A_51  : i32 {
      %mul3A_151 = arith.constant 1 : i32
      %mul3A_152 = arith.muli %scan3A_150, %mul3A_151 : i32
      %add3A_153 = arith.constant 0 : i32
      %add3A_154 = arith.addi %add3A_153, %mul3A_152 : i32
      %mul3A_155 = arith.constant 2 : i32
      %mul3A_156 = arith.muli %add3A_154, %mul3A_155 : i32
      %add3A_157 = arith.constant 0 : i32
      %add3A_158 = arith.addi %mul3A_156, %add3A_157 : i32
      %dma_wait3A_159 = arith.constant 0 : i32
      %dma_wait3A_160 = tpu.memref_slice %arg7[%add3A_158, %dma_wait3A_159] : memref<40x128xi32, #tpu.memory_space<vmem>> -> memref<1x128xi32, #tpu.memory_space<vmem>>
      %dma_wait3A_161 = tpu.memref_squeeze %dma_wait3A_160 : memref<1x128xi32, #tpu.memory_space<vmem>> -> memref<128xi32, #tpu.memory_space<vmem>>
      %dma_wait3A_162 = arith.constant 0 : i32
      %dma_wait3A_163 = arith.constant 0 : i32
      %dma_wait3A_164 = tpu.memref_slice %arg2[%dma_wait3A_162, %dma_wait3A_163] : memref<40960x128xf32, #tpu.memory_space<hbm>> -> memref<40960x128xf32, #tpu.memory_space<hbm>>
      tpu.wait_indirect_dma semaphore(%arg12 : memref<!tpu.dma_semaphore, #tpu.memory_space<semaphore_mem>>) src(%dma_wait3A_164 : memref<40960x128xf32, #tpu.memory_space<hbm>>) dst(%arg10 : memref<128x128xf32, #tpu.memory_space<vmem>>)
      %dma_start3A_165 = arith.constant 0 : i32
      %dma_start3A_166 = tpu.memref_slice %arg8[%add3A_158, %dma_start3A_165] : memref<40x128xi32, #tpu.memory_space<vmem>> -> memref<1x128xi32, #tpu.memory_space<vmem>>
      %dma_start3A_167 = tpu.memref_squeeze %dma_start3A_166 : memref<1x128xi32, #tpu.memory_space<vmem>> -> memref<128xi32, #tpu.memory_space<vmem>>
      %dma_start3A_168 = arith.constant 0 : i32
      %dma_start3A_169 = arith.constant 0 : i32
      %dma_start3A_170 = tpu.memref_slice %arg9[%dma_start3A_168, %dma_start3A_169] : memref<10240x128xf32, #tpu.memory_space<vmem_shared>> -> memref<10240x128xf32, #tpu.memory_space<vmem_shared>>
      tpu.enqueue_indirect_dma source(%arg10 : memref<128x128xf32, #tpu.memory_space<vmem>>) target(%dma_start3A_170 : memref<10240x128xf32, #tpu.memory_space<vmem_shared>>) offsets(%dma_start3A_167 : memref<128xi32, #tpu.memory_space<vmem>>) semaphore(%arg14 : memref<!tpu.dma_semaphore, #tpu.memory_space<semaphore_mem>>) {add = true}
      %lt3A = arith.constant 19 : i32
      %lt3A_171 = arith.cmpi slt, %add3A_154, %lt3A : i32
      %convert_element_type3A = arith.extui %lt3A_171 : i1 to i32
      %cond3A = arith.constant 0 : i32
      %cond3A_172 = arith.cmpi ne, %convert_element_type3A, %cond3A : i32
      scf.if %cond3A_172 {
        %dma_wait3A_192 = arith.constant 0 : i32
        %dma_wait3A_193 = tpu.memref_slice %arg8[%add3A_158, %dma_wait3A_192] : memref<40x128xi32, #tpu.memory_space<vmem>> -> memref<1x128xi32, #tpu.memory_space<vmem>>
        %dma_wait3A_194 = tpu.memref_squeeze %dma_wait3A_193 : memref<1x128xi32, #tpu.memory_space<vmem>> -> memref<128xi32, #tpu.memory_space<vmem>>
        %dma_wait3A_195 = arith.constant 0 : i32
        %dma_wait3A_196 = arith.constant 0 : i32
        %dma_wait3A_197 = tpu.memref_slice %arg9[%dma_wait3A_195, %dma_wait3A_196] : memref<10240x128xf32, #tpu.memory_space<vmem_shared>> -> memref<10240x128xf32, #tpu.memory_space<vmem_shared>>
        tpu.wait_indirect_dma semaphore(%arg14 : memref<!tpu.dma_semaphore, #tpu.memory_space<semaphore_mem>>) src(%arg10 : memref<128x128xf32, #tpu.memory_space<vmem>>) dst(%dma_wait3A_197 : memref<10240x128xf32, #tpu.memory_space<vmem_shared>>)
        %add3A_198 = arith.constant 2 : i32
        %add3A_199 = arith.addi %add3A_158, %add3A_198 : i32
        %dma_start3A_200 = arith.constant 0 : i32
        %dma_start3A_201 = tpu.memref_slice %arg7[%add3A_199, %dma_start3A_200] : memref<40x128xi32, #tpu.memory_space<vmem>> -> memref<1x128xi32, #tpu.memory_space<vmem>>
        %dma_start3A_202 = tpu.memref_squeeze %dma_start3A_201 : memref<1x128xi32, #tpu.memory_space<vmem>> -> memref<128xi32, #tpu.memory_space<vmem>>
        %dma_start3A_203 = arith.constant 0 : i32
        %dma_start3A_204 = arith.constant 0 : i32
        %dma_start3A_205 = tpu.memref_slice %arg2[%dma_start3A_203, %dma_start3A_204] : memref<40960x128xf32, #tpu.memory_space<hbm>> -> memref<40960x128xf32, #tpu.memory_space<hbm>>
        tpu.enqueue_indirect_dma source(%dma_start3A_205 : memref<40960x128xf32, #tpu.memory_space<hbm>>) target(%arg10 : memref<128x128xf32, #tpu.memory_space<vmem>>) offsets(%dma_start3A_202 : memref<128xi32, #tpu.memory_space<vmem>>) semaphore(%arg12 : memref<!tpu.dma_semaphore, #tpu.memory_space<semaphore_mem>>)
      } else {
      }
      %add3A_173 = arith.constant 1 : i32
      %add3A_174 = arith.addi %mul3A_156, %add3A_173 : i32
      %dma_wait3A_175 = arith.constant 0 : i32
      %dma_wait3A_176 = tpu.memref_slice %arg7[%add3A_174, %dma_wait3A_175] : memref<40x128xi32, #tpu.memory_space<vmem>> -> memref<1x128xi32, #tpu.memory_space<vmem>>
      %dma_wait3A_177 = tpu.memref_squeeze %dma_wait3A_176 : memref<1x128xi32, #tpu.memory_space<vmem>> -> memref<128xi32, #tpu.memory_space<vmem>>
      %dma_wait3A_178 = arith.constant 0 : i32
      %dma_wait3A_179 = arith.constant 0 : i32
      %dma_wait3A_180 = tpu.memref_slice %arg2[%dma_wait3A_178, %dma_wait3A_179] : memref<40960x128xf32, #tpu.memory_space<hbm>> -> memref<40960x128xf32, #tpu.memory_space<hbm>>
      tpu.wait_indirect_dma semaphore(%arg13 : memref<!tpu.dma_semaphore, #tpu.memory_space<semaphore_mem>>) src(%dma_wait3A_180 : memref<40960x128xf32, #tpu.memory_space<hbm>>) dst(%arg11 : memref<128x128xf32, #tpu.memory_space<vmem>>)
      %dma_start3A_181 = arith.constant 0 : i32
      %dma_start3A_182 = tpu.memref_slice %arg8[%add3A_174, %dma_start3A_181] : memref<40x128xi32, #tpu.memory_space<vmem>> -> memref<1x128xi32, #tpu.memory_space<vmem>>
      %dma_start3A_183 = tpu.memref_squeeze %dma_start3A_182 : memref<1x128xi32, #tpu.memory_space<vmem>> -> memref<128xi32, #tpu.memory_space<vmem>>
      %dma_start3A_184 = arith.constant 0 : i32
      %dma_start3A_185 = arith.constant 0 : i32
      %dma_start3A_186 = tpu.memref_slice %arg9[%dma_start3A_184, %dma_start3A_185] : memref<10240x128xf32, #tpu.memory_space<vmem_shared>> -> memref<10240x128xf32, #tpu.memory_space<vmem_shared>>
      tpu.enqueue_indirect_dma source(%arg11 : memref<128x128xf32, #tpu.memory_space<vmem>>) target(%dma_start3A_186 : memref<10240x128xf32, #tpu.memory_space<vmem_shared>>) offsets(%dma_start3A_183 : memref<128xi32, #tpu.memory_space<vmem>>) semaphore(%arg15 : memref<!tpu.dma_semaphore, #tpu.memory_space<semaphore_mem>>) {add = true}
      %lt3A_187 = arith.constant 19 : i32
      %lt3A_188 = arith.cmpi slt, %add3A_154, %lt3A_187 : i32
      %convert_element_type3A_189 = arith.extui %lt3A_188 : i1 to i32
      %cond3A_190 = arith.constant 0 : i32
      %cond3A_191 = arith.cmpi ne, %convert_element_type3A_189, %cond3A_190 : i32
      scf.if %cond3A_191 {
        %dma_wait3A_192 = arith.constant 0 : i32
        %dma_wait3A_193 = tpu.memref_slice %arg8[%add3A_174, %dma_wait3A_192] : memref<40x128xi32, #tpu.memory_space<vmem>> -> memref<1x128xi32, #tpu.memory_space<vmem>>
        %dma_wait3A_194 = tpu.memref_squeeze %dma_wait3A_193 : memref<1x128xi32, #tpu.memory_space<vmem>> -> memref<128xi32, #tpu.memory_space<vmem>>
        %dma_wait3A_195 = arith.constant 0 : i32
        %dma_wait3A_196 = arith.constant 0 : i32
        %dma_wait3A_197 = tpu.memref_slice %arg9[%dma_wait3A_195, %dma_wait3A_196] : memref<10240x128xf32, #tpu.memory_space<vmem_shared>> -> memref<10240x128xf32, #tpu.memory_space<vmem_shared>>
        tpu.wait_indirect_dma semaphore(%arg15 : memref<!tpu.dma_semaphore, #tpu.memory_space<semaphore_mem>>) src(%arg11 : memref<128x128xf32, #tpu.memory_space<vmem>>) dst(%dma_wait3A_197 : memref<10240x128xf32, #tpu.memory_space<vmem_shared>>)
        %add3A_198 = arith.constant 2 : i32
        %add3A_199 = arith.addi %add3A_174, %add3A_198 : i32
        %dma_start3A_200 = arith.constant 0 : i32
        %dma_start3A_201 = tpu.memref_slice %arg7[%add3A_199, %dma_start3A_200] : memref<40x128xi32, #tpu.memory_space<vmem>> -> memref<1x128xi32, #tpu.memory_space<vmem>>
        %dma_start3A_202 = tpu.memref_squeeze %dma_start3A_201 : memref<1x128xi32, #tpu.memory_space<vmem>> -> memref<128xi32, #tpu.memory_space<vmem>>
        %dma_start3A_203 = arith.constant 0 : i32
        %dma_start3A_204 = arith.constant 0 : i32
        %dma_start3A_205 = tpu.memref_slice %arg2[%dma_start3A_203, %dma_start3A_204] : memref<40960x128xf32, #tpu.memory_space<hbm>> -> memref<40960x128xf32, #tpu.memory_space<hbm>>
        tpu.enqueue_indirect_dma source(%dma_start3A_205 : memref<40960x128xf32, #tpu.memory_space<hbm>>) target(%arg11 : memref<128x128xf32, #tpu.memory_space<vmem>>) offsets(%dma_start3A_202 : memref<128xi32, #tpu.memory_space<vmem>>) semaphore(%arg13 : memref<!tpu.dma_semaphore, #tpu.memory_space<semaphore_mem>>)
      } else {
      }
    }
    %scan3A_52 = arith.constant 20 : i32
    %dma_wait3A_53 = arith.constant 0 : i32
    %dma_wait3A_54 = arith.constant 0 : i32
    %dma_wait3A_55 = tpu.memref_slice %arg8[%dma_wait3A_53, %dma_wait3A_54] : memref<40x128xi32, #tpu.memory_space<vmem>> -> memref<1x128xi32, #tpu.memory_space<vmem>>
    %dma_wait3A_56 = tpu.memref_squeeze %dma_wait3A_55 : memref<1x128xi32, #tpu.memory_space<vmem>> -> memref<128xi32, #tpu.memory_space<vmem>>
    %dma_wait3A_57 = arith.constant 0 : i32
    %dma_wait3A_58 = arith.constant 0 : i32
    %dma_wait3A_59 = tpu.memref_slice %arg9[%dma_wait3A_57, %dma_wait3A_58] : memref<10240x128xf32, #tpu.memory_space<vmem_shared>> -> memref<10240x128xf32, #tpu.memory_space<vmem_shared>>
    tpu.wait_indirect_dma semaphore(%arg14 : memref<!tpu.dma_semaphore, #tpu.memory_space<semaphore_mem>>) src(%arg10 : memref<128x128xf32, #tpu.memory_space<vmem>>) dst(%dma_wait3A_59 : memref<10240x128xf32, #tpu.memory_space<vmem_shared>>)
    %dma_wait3A_60 = arith.constant 1 : i32
    %dma_wait3A_61 = arith.constant 0 : i32
    %dma_wait3A_62 = tpu.memref_slice %arg8[%dma_wait3A_60, %dma_wait3A_61] : memref<40x128xi32, #tpu.memory_space<vmem>> -> memref<1x128xi32, #tpu.memory_space<vmem>>
    %dma_wait3A_63 = tpu.memref_squeeze %dma_wait3A_62 : memref<1x128xi32, #tpu.memory_space<vmem>> -> memref<128xi32, #tpu.memory_space<vmem>>
    %dma_wait3A_64 = arith.constant 0 : i32
    %dma_wait3A_65 = arith.constant 0 : i32
    %dma_wait3A_66 = tpu.memref_slice %arg9[%dma_wait3A_64, %dma_wait3A_65] : memref<10240x128xf32, #tpu.memory_space<vmem_shared>> -> memref<10240x128xf32, #tpu.memory_space<vmem_shared>>
    tpu.wait_indirect_dma semaphore(%arg15 : memref<!tpu.dma_semaphore, #tpu.memory_space<semaphore_mem>>) src(%arg11 : memref<128x128xf32, #tpu.memory_space<vmem>>) dst(%dma_wait3A_66 : memref<10240x128xf32, #tpu.memory_space<vmem_shared>>)
    %barrier3A_67 = arith.constant 0 : index
    tpu.barrier barrier_id(%barrier3A_67)
    %mul3A_68 = arith.constant 640 : i32
    %mul3A_69 = arith.muli %arg1, %mul3A_68 : i32
    %mul3A_70 = arith.constant 640 : i32
    %mul3A_71 = arith.muli %arg1, %mul3A_70 : i32
    "tpu.region"() ({
      %run_scoped3A = tpu.sem_alloc : memref<!tpu.dma_semaphore, #tpu.memory_space<semaphore_mem>>
      %dma_start3A_150 = arith.constant 0 : i32
      %dma_start3A_151 = arith.constant 0 : i32
      %dma_start3A_152 = tpu.memref_slice %arg6[%add3A_1, %dma_start3A_150, %dma_start3A_151] : memref<4x10240x128xf32, #tpu.memory_space<hbm>> -> memref<1x10240x128xf32, #tpu.memory_space<hbm>>
      %dma_start3A_153 = tpu.memref_squeeze %dma_start3A_152 : memref<1x10240x128xf32, #tpu.memory_space<hbm>> -> memref<10240x128xf32, #tpu.memory_space<hbm>>
      %dma_start3A_154 = arith.constant 0 : i32
      %dma_start3A_155 = tpu.memref_slice %dma_start3A_153[%mul3A_71, %dma_start3A_154] : memref<10240x128xf32, #tpu.memory_space<hbm>> -> memref<640x128xf32, #tpu.memory_space<hbm>>
      %dma_start3A_156 = arith.constant 0 : i32
      %dma_start3A_157 = tpu.memref_slice %arg9[%mul3A_69, %dma_start3A_156] : memref<10240x128xf32, #tpu.memory_space<vmem_shared>> -> memref<640x128xf32, #tpu.memory_space<vmem_shared>>
      tpu.enqueue_dma source(%dma_start3A_157 : memref<640x128xf32, #tpu.memory_space<vmem_shared>>) target(%dma_start3A_155 : memref<640x128xf32, #tpu.memory_space<hbm>>) target_semaphore(%run_scoped3A : memref<!tpu.dma_semaphore, #tpu.memory_space<semaphore_mem>>)
      %dma_wait3A_158 = arith.constant 0 : i32
      %dma_wait3A_159 = arith.constant 0 : i32
      %dma_wait3A_160 = tpu.memref_slice %arg6[%add3A_1, %dma_wait3A_158, %dma_wait3A_159] : memref<4x10240x128xf32, #tpu.memory_space<hbm>> -> memref<1x10240x128xf32, #tpu.memory_space<hbm>>
      %dma_wait3A_161 = tpu.memref_squeeze %dma_wait3A_160 : memref<1x10240x128xf32, #tpu.memory_space<hbm>> -> memref<10240x128xf32, #tpu.memory_space<hbm>>
      %dma_wait3A_162 = arith.constant 0 : i32
      %dma_wait3A_163 = tpu.memref_slice %dma_wait3A_161[%mul3A_71, %dma_wait3A_162] : memref<10240x128xf32, #tpu.memory_space<hbm>> -> memref<640x128xf32, #tpu.memory_space<hbm>>
      %dma_wait3A_164 = arith.constant 0 : i32
      %dma_wait3A_165 = tpu.memref_slice %arg9[%mul3A_69, %dma_wait3A_164] : memref<10240x128xf32, #tpu.memory_space<vmem_shared>> -> memref<640x128xf32, #tpu.memory_space<vmem_shared>>
      tpu.wait_dma2 semaphore(%run_scoped3A : memref<!tpu.dma_semaphore, #tpu.memory_space<semaphore_mem>>) src(%dma_wait3A_165 : memref<640x128xf32, #tpu.memory_space<vmem_shared>>) dst(%dma_wait3A_163 : memref<640x128xf32, #tpu.memory_space<hbm>>)
      tpu.yield
    }) : () -> ()
    %mul3A_72 = arith.constant 2 : i32
    %mul3A_73 = arith.muli %arg0, %mul3A_72 : i32
    %add3A_74 = arith.constant 1 : i32
    %add3A_75 = arith.addi %mul3A_73, %add3A_74 : i32
    %mul3A_76 = arith.constant 640 : i32
    %mul3A_77 = arith.muli %arg1, %mul3A_76 : i32
    "tpu.region"() ({
      %run_scoped3A = tpu.sem_alloc : memref<!tpu.dma_semaphore, #tpu.memory_space<semaphore_mem>>
      %dma_start3A_150 = arith.constant 0 : i32
      %dma_start3A_151 = tpu.memref_slice %arg9[%mul3A_77, %dma_start3A_150] : memref<10240x128xf32, #tpu.memory_space<vmem_shared>> -> memref<640x128xf32, #tpu.memory_space<vmem_shared>>
      tpu.enqueue_dma source(%arg5 : memref<640x128xf32, #tpu.memory_space<hbm>>) target(%dma_start3A_151 : memref<640x128xf32, #tpu.memory_space<vmem_shared>>) target_semaphore(%run_scoped3A : memref<!tpu.dma_semaphore, #tpu.memory_space<semaphore_mem>>)
      %dma_wait3A_152 = arith.constant 0 : i32
      %dma_wait3A_153 = tpu.memref_slice %arg9[%mul3A_77, %dma_wait3A_152] : memref<10240x128xf32, #tpu.memory_space<vmem_shared>> -> memref<640x128xf32, #tpu.memory_space<vmem_shared>>
      tpu.wait_dma2 semaphore(%run_scoped3A : memref<!tpu.dma_semaphore, #tpu.memory_space<semaphore_mem>>) src(%arg5 : memref<640x128xf32, #tpu.memory_space<hbm>>) dst(%dma_wait3A_153 : memref<640x128xf32, #tpu.memory_space<vmem_shared>>)
      tpu.yield
    }) : () -> ()
    %barrier3A_78 = arith.constant 0 : index
    tpu.barrier barrier_id(%barrier3A_78)
    "tpu.region"() ({
      %run_scoped3A = tpu.sem_alloc : memref<!tpu.dma_semaphore, #tpu.memory_space<semaphore_mem>>
      %dma_start3A_150 = arith.constant 0 : i32
      %dma_start3A_151 = arith.constant 0 : i32
      %dma_start3A_152 = tpu.memref_slice %arg3[%add3A_75, %arg1, %dma_start3A_150, %dma_start3A_151] : memref<4x16x80x128xi32, #tpu.memory_space<hbm>> -> memref<1x1x80x128xi32, #tpu.memory_space<hbm>>
      %dma_start3A_153 = tpu.memref_squeeze %dma_start3A_152 : memref<1x1x80x128xi32, #tpu.memory_space<hbm>> -> memref<80x128xi32, #tpu.memory_space<hbm>>
      %dma_start3A_154 = arith.constant 0 : i32
      %dma_start3A_155 = arith.constant 0 : i32
      %dma_start3A_156 = tpu.memref_slice %dma_start3A_153[%dma_start3A_154, %dma_start3A_155] : memref<80x128xi32, #tpu.memory_space<hbm>> -> memref<40x128xi32, #tpu.memory_space<hbm>>
      %dma_start3A_157 = arith.constant 0 : i32
      %dma_start3A_158 = arith.constant 0 : i32
      %dma_start3A_159 = tpu.memref_slice %arg3[%add3A_75, %arg1, %dma_start3A_157, %dma_start3A_158] : memref<4x16x80x128xi32, #tpu.memory_space<hbm>> -> memref<1x1x80x128xi32, #tpu.memory_space<hbm>>
      %dma_start3A_160 = tpu.memref_squeeze %dma_start3A_159 : memref<1x1x80x128xi32, #tpu.memory_space<hbm>> -> memref<80x128xi32, #tpu.memory_space<hbm>>
      %dma_start3A_161 = arith.constant 0 : i32
      %dma_start3A_162 = arith.constant 0 : i32
      %dma_start3A_163 = tpu.memref_slice %dma_start3A_160[%dma_start3A_161, %dma_start3A_162] : memref<80x128xi32, #tpu.memory_space<hbm>> -> memref<40x128xi32, #tpu.memory_space<hbm>>
      tpu.enqueue_dma source(%dma_start3A_163 : memref<40x128xi32, #tpu.memory_space<hbm>>) target(%arg7 : memref<40x128xi32, #tpu.memory_space<vmem>>) target_semaphore(%run_scoped3A : memref<!tpu.dma_semaphore, #tpu.memory_space<semaphore_mem>>)
      %dma_wait3A_164 = arith.constant 0 : i32
      %dma_wait3A_165 = arith.constant 0 : i32
      %dma_wait3A_166 = tpu.memref_slice %arg3[%add3A_75, %arg1, %dma_wait3A_164, %dma_wait3A_165] : memref<4x16x80x128xi32, #tpu.memory_space<hbm>> -> memref<1x1x80x128xi32, #tpu.memory_space<hbm>>
      %dma_wait3A_167 = tpu.memref_squeeze %dma_wait3A_166 : memref<1x1x80x128xi32, #tpu.memory_space<hbm>> -> memref<80x128xi32, #tpu.memory_space<hbm>>
      %dma_wait3A_168 = arith.constant 0 : i32
      %dma_wait3A_169 = arith.constant 0 : i32
      %dma_wait3A_170 = tpu.memref_slice %dma_wait3A_167[%dma_wait3A_168, %dma_wait3A_169] : memref<80x128xi32, #tpu.memory_space<hbm>> -> memref<40x128xi32, #tpu.memory_space<hbm>>
      %dma_wait3A_171 = arith.constant 0 : i32
      %dma_wait3A_172 = arith.constant 0 : i32
      %dma_wait3A_173 = tpu.memref_slice %arg3[%add3A_75, %arg1, %dma_wait3A_171, %dma_wait3A_172] : memref<4x16x80x128xi32, #tpu.memory_space<hbm>> -> memref<1x1x80x128xi32, #tpu.memory_space<hbm>>
      %dma_wait3A_174 = tpu.memref_squeeze %dma_wait3A_173 : memref<1x1x80x128xi32, #tpu.memory_space<hbm>> -> memref<80x128xi32, #tpu.memory_space<hbm>>
      %dma_wait3A_175 = arith.constant 0 : i32
      %dma_wait3A_176 = arith.constant 0 : i32
      %dma_wait3A_177 = tpu.memref_slice %dma_wait3A_174[%dma_wait3A_175, %dma_wait3A_176] : memref<80x128xi32, #tpu.memory_space<hbm>> -> memref<40x128xi32, #tpu.memory_space<hbm>>
      tpu.wait_dma2 semaphore(%run_scoped3A : memref<!tpu.dma_semaphore, #tpu.memory_space<semaphore_mem>>) src(%dma_wait3A_177 : memref<40x128xi32, #tpu.memory_space<hbm>>) dst(%arg7 : memref<40x128xi32, #tpu.memory_space<vmem>>)
      tpu.yield
    }) : () -> ()
    "tpu.region"() ({
      %run_scoped3A = tpu.sem_alloc : memref<!tpu.dma_semaphore, #tpu.memory_space<semaphore_mem>>
      %dma_start3A_150 = arith.constant 0 : i32
      %dma_start3A_151 = arith.constant 0 : i32
      %dma_start3A_152 = tpu.memref_slice %arg4[%arg1, %dma_start3A_150, %dma_start3A_151] : memref<16x80x128xi32, #tpu.memory_space<hbm>> -> memref<1x80x128xi32, #tpu.memory_space<hbm>>
      %dma_start3A_153 = tpu.memref_squeeze %dma_start3A_152 : memref<1x80x128xi32, #tpu.memory_space<hbm>> -> memref<80x128xi32, #tpu.memory_space<hbm>>
      %dma_start3A_154 = arith.constant 0 : i32
      %dma_start3A_155 = arith.constant 0 : i32
      %dma_start3A_156 = tpu.memref_slice %dma_start3A_153[%dma_start3A_154, %dma_start3A_155] : memref<80x128xi32, #tpu.memory_space<hbm>> -> memref<40x128xi32, #tpu.memory_space<hbm>>
      %dma_start3A_157 = arith.constant 0 : i32
      %dma_start3A_158 = arith.constant 0 : i32
      %dma_start3A_159 = tpu.memref_slice %arg4[%arg1, %dma_start3A_157, %dma_start3A_158] : memref<16x80x128xi32, #tpu.memory_space<hbm>> -> memref<1x80x128xi32, #tpu.memory_space<hbm>>
      %dma_start3A_160 = tpu.memref_squeeze %dma_start3A_159 : memref<1x80x128xi32, #tpu.memory_space<hbm>> -> memref<80x128xi32, #tpu.memory_space<hbm>>
      %dma_start3A_161 = arith.constant 0 : i32
      %dma_start3A_162 = arith.constant 0 : i32
      %dma_start3A_163 = tpu.memref_slice %dma_start3A_160[%dma_start3A_161, %dma_start3A_162] : memref<80x128xi32, #tpu.memory_space<hbm>> -> memref<40x128xi32, #tpu.memory_space<hbm>>
      tpu.enqueue_dma source(%dma_start3A_163 : memref<40x128xi32, #tpu.memory_space<hbm>>) target(%arg8 : memref<40x128xi32, #tpu.memory_space<vmem>>) target_semaphore(%run_scoped3A : memref<!tpu.dma_semaphore, #tpu.memory_space<semaphore_mem>>)
      %dma_wait3A_164 = arith.constant 0 : i32
      %dma_wait3A_165 = arith.constant 0 : i32
      %dma_wait3A_166 = tpu.memref_slice %arg4[%arg1, %dma_wait3A_164, %dma_wait3A_165] : memref<16x80x128xi32, #tpu.memory_space<hbm>> -> memref<1x80x128xi32, #tpu.memory_space<hbm>>
      %dma_wait3A_167 = tpu.memref_squeeze %dma_wait3A_166 : memref<1x80x128xi32, #tpu.memory_space<hbm>> -> memref<80x128xi32, #tpu.memory_space<hbm>>
      %dma_wait3A_168 = arith.constant 0 : i32
      %dma_wait3A_169 = arith.constant 0 : i32
      %dma_wait3A_170 = tpu.memref_slice %dma_wait3A_167[%dma_wait3A_168, %dma_wait3A_169] : memref<80x128xi32, #tpu.memory_space<hbm>> -> memref<40x128xi32, #tpu.memory_space<hbm>>
      %dma_wait3A_171 = arith.constant 0 : i32
      %dma_wait3A_172 = arith.constant 0 : i32
      %dma_wait3A_173 = tpu.memref_slice %arg4[%arg1, %dma_wait3A_171, %dma_wait3A_172] : memref<16x80x128xi32, #tpu.memory_space<hbm>> -> memref<1x80x128xi32, #tpu.memory_space<hbm>>
      %dma_wait3A_174 = tpu.memref_squeeze %dma_wait3A_173 : memref<1x80x128xi32, #tpu.memory_space<hbm>> -> memref<80x128xi32, #tpu.memory_space<hbm>>
      %dma_wait3A_175 = arith.constant 0 : i32
      %dma_wait3A_176 = arith.constant 0 : i32
      %dma_wait3A_177 = tpu.memref_slice %dma_wait3A_174[%dma_wait3A_175, %dma_wait3A_176] : memref<80x128xi32, #tpu.memory_space<hbm>> -> memref<40x128xi32, #tpu.memory_space<hbm>>
      tpu.wait_dma2 semaphore(%run_scoped3A : memref<!tpu.dma_semaphore, #tpu.memory_space<semaphore_mem>>) src(%dma_wait3A_177 : memref<40x128xi32, #tpu.memory_space<hbm>>) dst(%arg8 : memref<40x128xi32, #tpu.memory_space<vmem>>)
      tpu.yield
    }) : () -> ()
    %dma_start3A_79 = arith.constant 0 : i32
    %dma_start3A_80 = arith.constant 0 : i32
    %dma_start3A_81 = tpu.memref_slice %arg7[%dma_start3A_79, %dma_start3A_80] : memref<40x128xi32, #tpu.memory_space<vmem>> -> memref<1x128xi32, #tpu.memory_space<vmem>>
    %dma_start3A_82 = tpu.memref_squeeze %dma_start3A_81 : memref<1x128xi32, #tpu.memory_space<vmem>> -> memref<128xi32, #tpu.memory_space<vmem>>
    %dma_start3A_83 = arith.constant 0 : i32
    %dma_start3A_84 = arith.constant 0 : i32
    %dma_start3A_85 = tpu.memref_slice %arg2[%dma_start3A_83, %dma_start3A_84] : memref<40960x128xf32, #tpu.memory_space<hbm>> -> memref<40960x128xf32, #tpu.memory_space<hbm>>
    tpu.enqueue_indirect_dma source(%dma_start3A_85 : memref<40960x128xf32, #tpu.memory_space<hbm>>) target(%arg10 : memref<128x128xf32, #tpu.memory_space<vmem>>) offsets(%dma_start3A_82 : memref<128xi32, #tpu.memory_space<vmem>>) semaphore(%arg12 : memref<!tpu.dma_semaphore, #tpu.memory_space<semaphore_mem>>)
    %dma_start3A_86 = arith.constant 1 : i32
    %dma_start3A_87 = arith.constant 0 : i32
    %dma_start3A_88 = tpu.memref_slice %arg7[%dma_start3A_86, %dma_start3A_87] : memref<40x128xi32, #tpu.memory_space<vmem>> -> memref<1x128xi32, #tpu.memory_space<vmem>>
    %dma_start3A_89 = tpu.memref_squeeze %dma_start3A_88 : memref<1x128xi32, #tpu.memory_space<vmem>> -> memref<128xi32, #tpu.memory_space<vmem>>
    %dma_start3A_90 = arith.constant 0 : i32
    %dma_start3A_91 = arith.constant 0 : i32
    %dma_start3A_92 = tpu.memref_slice %arg2[%dma_start3A_90, %dma_start3A_91] : memref<40960x128xf32, #tpu.memory_space<hbm>> -> memref<40960x128xf32, #tpu.memory_space<hbm>>
    tpu.enqueue_indirect_dma source(%dma_start3A_92 : memref<40960x128xf32, #tpu.memory_space<hbm>>) target(%arg11 : memref<128x128xf32, #tpu.memory_space<vmem>>) offsets(%dma_start3A_89 : memref<128xi32, #tpu.memory_space<vmem>>) semaphore(%arg13 : memref<!tpu.dma_semaphore, #tpu.memory_space<semaphore_mem>>)
    %scan3A_93 = arith.constant 0 : i32
    %scan3A_94 = arith.constant 20 : i32
    %scan3A_95 = arith.addi %scan3A_93, %scan3A_94 : i32
    %scan3A_96 = arith.constant 1 : i32
    scf.for %scan3A_150 = %scan3A_93 to %scan3A_95 step %scan3A_96  : i32 {
      %mul3A_151 = arith.constant 1 : i32
      %mul3A_152 = arith.muli %scan3A_150, %mul3A_151 : i32
      %add3A_153 = arith.constant 0 : i32
      %add3A_154 = arith.addi %add3A_153, %mul3A_152 : i32
      %mul3A_155 = arith.constant 2 : i32
      %mul3A_156 = arith.muli %add3A_154, %mul3A_155 : i32
      %add3A_157 = arith.constant 0 : i32
      %add3A_158 = arith.addi %mul3A_156, %add3A_157 : i32
      %dma_wait3A_159 = arith.constant 0 : i32
      %dma_wait3A_160 = tpu.memref_slice %arg7[%add3A_158, %dma_wait3A_159] : memref<40x128xi32, #tpu.memory_space<vmem>> -> memref<1x128xi32, #tpu.memory_space<vmem>>
      %dma_wait3A_161 = tpu.memref_squeeze %dma_wait3A_160 : memref<1x128xi32, #tpu.memory_space<vmem>> -> memref<128xi32, #tpu.memory_space<vmem>>
      %dma_wait3A_162 = arith.constant 0 : i32
      %dma_wait3A_163 = arith.constant 0 : i32
      %dma_wait3A_164 = tpu.memref_slice %arg2[%dma_wait3A_162, %dma_wait3A_163] : memref<40960x128xf32, #tpu.memory_space<hbm>> -> memref<40960x128xf32, #tpu.memory_space<hbm>>
      tpu.wait_indirect_dma semaphore(%arg12 : memref<!tpu.dma_semaphore, #tpu.memory_space<semaphore_mem>>) src(%dma_wait3A_164 : memref<40960x128xf32, #tpu.memory_space<hbm>>) dst(%arg10 : memref<128x128xf32, #tpu.memory_space<vmem>>)
      %dma_start3A_165 = arith.constant 0 : i32
      %dma_start3A_166 = tpu.memref_slice %arg8[%add3A_158, %dma_start3A_165] : memref<40x128xi32, #tpu.memory_space<vmem>> -> memref<1x128xi32, #tpu.memory_space<vmem>>
      %dma_start3A_167 = tpu.memref_squeeze %dma_start3A_166 : memref<1x128xi32, #tpu.memory_space<vmem>> -> memref<128xi32, #tpu.memory_space<vmem>>
      %dma_start3A_168 = arith.constant 0 : i32
      %dma_start3A_169 = arith.constant 0 : i32
      %dma_start3A_170 = tpu.memref_slice %arg9[%dma_start3A_168, %dma_start3A_169] : memref<10240x128xf32, #tpu.memory_space<vmem_shared>> -> memref<10240x128xf32, #tpu.memory_space<vmem_shared>>
      tpu.enqueue_indirect_dma source(%arg10 : memref<128x128xf32, #tpu.memory_space<vmem>>) target(%dma_start3A_170 : memref<10240x128xf32, #tpu.memory_space<vmem_shared>>) offsets(%dma_start3A_167 : memref<128xi32, #tpu.memory_space<vmem>>) semaphore(%arg14 : memref<!tpu.dma_semaphore, #tpu.memory_space<semaphore_mem>>) {add = true}
      %lt3A = arith.constant 19 : i32
      %lt3A_171 = arith.cmpi slt, %add3A_154, %lt3A : i32
      %convert_element_type3A = arith.extui %lt3A_171 : i1 to i32
      %cond3A = arith.constant 0 : i32
      %cond3A_172 = arith.cmpi ne, %convert_element_type3A, %cond3A : i32
      scf.if %cond3A_172 {
        %dma_wait3A_192 = arith.constant 0 : i32
        %dma_wait3A_193 = tpu.memref_slice %arg8[%add3A_158, %dma_wait3A_192] : memref<40x128xi32, #tpu.memory_space<vmem>> -> memref<1x128xi32, #tpu.memory_space<vmem>>
        %dma_wait3A_194 = tpu.memref_squeeze %dma_wait3A_193 : memref<1x128xi32, #tpu.memory_space<vmem>> -> memref<128xi32, #tpu.memory_space<vmem>>
        %dma_wait3A_195 = arith.constant 0 : i32
        %dma_wait3A_196 = arith.constant 0 : i32
        %dma_wait3A_197 = tpu.memref_slice %arg9[%dma_wait3A_195, %dma_wait3A_196] : memref<10240x128xf32, #tpu.memory_space<vmem_shared>> -> memref<10240x128xf32, #tpu.memory_space<vmem_shared>>
        tpu.wait_indirect_dma semaphore(%arg14 : memref<!tpu.dma_semaphore, #tpu.memory_space<semaphore_mem>>) src(%arg10 : memref<128x128xf32, #tpu.memory_space<vmem>>) dst(%dma_wait3A_197 : memref<10240x128xf32, #tpu.memory_space<vmem_shared>>)
        %add3A_198 = arith.constant 2 : i32
        %add3A_199 = arith.addi %add3A_158, %add3A_198 : i32
        %dma_start3A_200 = arith.constant 0 : i32
        %dma_start3A_201 = tpu.memref_slice %arg7[%add3A_199, %dma_start3A_200] : memref<40x128xi32, #tpu.memory_space<vmem>> -> memref<1x128xi32, #tpu.memory_space<vmem>>
        %dma_start3A_202 = tpu.memref_squeeze %dma_start3A_201 : memref<1x128xi32, #tpu.memory_space<vmem>> -> memref<128xi32, #tpu.memory_space<vmem>>
        %dma_start3A_203 = arith.constant 0 : i32
        %dma_start3A_204 = arith.constant 0 : i32
        %dma_start3A_205 = tpu.memref_slice %arg2[%dma_start3A_203, %dma_start3A_204] : memref<40960x128xf32, #tpu.memory_space<hbm>> -> memref<40960x128xf32, #tpu.memory_space<hbm>>
        tpu.enqueue_indirect_dma source(%dma_start3A_205 : memref<40960x128xf32, #tpu.memory_space<hbm>>) target(%arg10 : memref<128x128xf32, #tpu.memory_space<vmem>>) offsets(%dma_start3A_202 : memref<128xi32, #tpu.memory_space<vmem>>) semaphore(%arg12 : memref<!tpu.dma_semaphore, #tpu.memory_space<semaphore_mem>>)
      } else {
      }
      %add3A_173 = arith.constant 1 : i32
      %add3A_174 = arith.addi %mul3A_156, %add3A_173 : i32
      %dma_wait3A_175 = arith.constant 0 : i32
      %dma_wait3A_176 = tpu.memref_slice %arg7[%add3A_174, %dma_wait3A_175] : memref<40x128xi32, #tpu.memory_space<vmem>> -> memref<1x128xi32, #tpu.memory_space<vmem>>
      %dma_wait3A_177 = tpu.memref_squeeze %dma_wait3A_176 : memref<1x128xi32, #tpu.memory_space<vmem>> -> memref<128xi32, #tpu.memory_space<vmem>>
      %dma_wait3A_178 = arith.constant 0 : i32
      %dma_wait3A_179 = arith.constant 0 : i32
      %dma_wait3A_180 = tpu.memref_slice %arg2[%dma_wait3A_178, %dma_wait3A_179] : memref<40960x128xf32, #tpu.memory_space<hbm>> -> memref<40960x128xf32, #tpu.memory_space<hbm>>
      tpu.wait_indirect_dma semaphore(%arg13 : memref<!tpu.dma_semaphore, #tpu.memory_space<semaphore_mem>>) src(%dma_wait3A_180 : memref<40960x128xf32, #tpu.memory_space<hbm>>) dst(%arg11 : memref<128x128xf32, #tpu.memory_space<vmem>>)
      %dma_start3A_181 = arith.constant 0 : i32
      %dma_start3A_182 = tpu.memref_slice %arg8[%add3A_174, %dma_start3A_181] : memref<40x128xi32, #tpu.memory_space<vmem>> -> memref<1x128xi32, #tpu.memory_space<vmem>>
      %dma_start3A_183 = tpu.memref_squeeze %dma_start3A_182 : memref<1x128xi32, #tpu.memory_space<vmem>> -> memref<128xi32, #tpu.memory_space<vmem>>
      %dma_start3A_184 = arith.constant 0 : i32
      %dma_start3A_185 = arith.constant 0 : i32
      %dma_start3A_186 = tpu.memref_slice %arg9[%dma_start3A_184, %dma_start3A_185] : memref<10240x128xf32, #tpu.memory_space<vmem_shared>> -> memref<10240x128xf32, #tpu.memory_space<vmem_shared>>
      tpu.enqueue_indirect_dma source(%arg11 : memref<128x128xf32, #tpu.memory_space<vmem>>) target(%dma_start3A_186 : memref<10240x128xf32, #tpu.memory_space<vmem_shared>>) offsets(%dma_start3A_183 : memref<128xi32, #tpu.memory_space<vmem>>) semaphore(%arg15 : memref<!tpu.dma_semaphore, #tpu.memory_space<semaphore_mem>>) {add = true}
      %lt3A_187 = arith.constant 19 : i32
      %lt3A_188 = arith.cmpi slt, %add3A_154, %lt3A_187 : i32
      %convert_element_type3A_189 = arith.extui %lt3A_188 : i1 to i32
      %cond3A_190 = arith.constant 0 : i32
      %cond3A_191 = arith.cmpi ne, %convert_element_type3A_189, %cond3A_190 : i32
      scf.if %cond3A_191 {
        %dma_wait3A_192 = arith.constant 0 : i32
        %dma_wait3A_193 = tpu.memref_slice %arg8[%add3A_174, %dma_wait3A_192] : memref<40x128xi32, #tpu.memory_space<vmem>> -> memref<1x128xi32, #tpu.memory_space<vmem>>
        %dma_wait3A_194 = tpu.memref_squeeze %dma_wait3A_193 : memref<1x128xi32, #tpu.memory_space<vmem>> -> memref<128xi32, #tpu.memory_space<vmem>>
        %dma_wait3A_195 = arith.constant 0 : i32
        %dma_wait3A_196 = arith.constant 0 : i32
        %dma_wait3A_197 = tpu.memref_slice %arg9[%dma_wait3A_195, %dma_wait3A_196] : memref<10240x128xf32, #tpu.memory_space<vmem_shared>> -> memref<10240x128xf32, #tpu.memory_space<vmem_shared>>
        tpu.wait_indirect_dma semaphore(%arg15 : memref<!tpu.dma_semaphore, #tpu.memory_space<semaphore_mem>>) src(%arg11 : memref<128x128xf32, #tpu.memory_space<vmem>>) dst(%dma_wait3A_197 : memref<10240x128xf32, #tpu.memory_space<vmem_shared>>)
        %add3A_198 = arith.constant 2 : i32
        %add3A_199 = arith.addi %add3A_174, %add3A_198 : i32
        %dma_start3A_200 = arith.constant 0 : i32
        %dma_start3A_201 = tpu.memref_slice %arg7[%add3A_199, %dma_start3A_200] : memref<40x128xi32, #tpu.memory_space<vmem>> -> memref<1x128xi32, #tpu.memory_space<vmem>>
        %dma_start3A_202 = tpu.memref_squeeze %dma_start3A_201 : memref<1x128xi32, #tpu.memory_space<vmem>> -> memref<128xi32, #tpu.memory_space<vmem>>
        %dma_start3A_203 = arith.constant 0 : i32
        %dma_start3A_204 = arith.constant 0 : i32
        %dma_start3A_205 = tpu.memref_slice %arg2[%dma_start3A_203, %dma_start3A_204] : memref<40960x128xf32, #tpu.memory_space<hbm>> -> memref<40960x128xf32, #tpu.memory_space<hbm>>
        tpu.enqueue_indirect_dma source(%dma_start3A_205 : memref<40960x128xf32, #tpu.memory_space<hbm>>) target(%arg11 : memref<128x128xf32, #tpu.memory_space<vmem>>) offsets(%dma_start3A_202 : memref<128xi32, #tpu.memory_space<vmem>>) semaphore(%arg13 : memref<!tpu.dma_semaphore, #tpu.memory_space<semaphore_mem>>)
      } else {
      }
    }
    %scan3A_97 = arith.constant 20 : i32
    %dma_wait3A_98 = arith.constant 0 : i32
    %dma_wait3A_99 = arith.constant 0 : i32
    %dma_wait3A_100 = tpu.memref_slice %arg8[%dma_wait3A_98, %dma_wait3A_99] : memref<40x128xi32, #tpu.memory_space<vmem>> -> memref<1x128xi32, #tpu.memory_space<vmem>>
    %dma_wait3A_101 = tpu.memref_squeeze %dma_wait3A_100 : memref<1x128xi32, #tpu.memory_space<vmem>> -> memref<128xi32, #tpu.memory_space<vmem>>
    %dma_wait3A_102 = arith.constant 0 : i32
    %dma_wait3A_103 = arith.constant 0 : i32
    %dma_wait3A_104 = tpu.memref_slice %arg9[%dma_wait3A_102, %dma_wait3A_103] : memref<10240x128xf32, #tpu.memory_space<vmem_shared>> -> memref<10240x128xf32, #tpu.memory_space<vmem_shared>>
    tpu.wait_indirect_dma semaphore(%arg14 : memref<!tpu.dma_semaphore, #tpu.memory_space<semaphore_mem>>) src(%arg10 : memref<128x128xf32, #tpu.memory_space<vmem>>) dst(%dma_wait3A_104 : memref<10240x128xf32, #tpu.memory_space<vmem_shared>>)
    %dma_wait3A_105 = arith.constant 1 : i32
    %dma_wait3A_106 = arith.constant 0 : i32
    %dma_wait3A_107 = tpu.memref_slice %arg8[%dma_wait3A_105, %dma_wait3A_106] : memref<40x128xi32, #tpu.memory_space<vmem>> -> memref<1x128xi32, #tpu.memory_space<vmem>>
    %dma_wait3A_108 = tpu.memref_squeeze %dma_wait3A_107 : memref<1x128xi32, #tpu.memory_space<vmem>> -> memref<128xi32, #tpu.memory_space<vmem>>
    %dma_wait3A_109 = arith.constant 0 : i32
    %dma_wait3A_110 = arith.constant 0 : i32
    %dma_wait3A_111 = tpu.memref_slice %arg9[%dma_wait3A_109, %dma_wait3A_110] : memref<10240x128xf32, #tpu.memory_space<vmem_shared>> -> memref<10240x128xf32, #tpu.memory_space<vmem_shared>>
    tpu.wait_indirect_dma semaphore(%arg15 : memref<!tpu.dma_semaphore, #tpu.memory_space<semaphore_mem>>) src(%arg11 : memref<128x128xf32, #tpu.memory_space<vmem>>) dst(%dma_wait3A_111 : memref<10240x128xf32, #tpu.memory_space<vmem_shared>>)
    "tpu.region"() ({
      %run_scoped3A = tpu.sem_alloc : memref<!tpu.dma_semaphore, #tpu.memory_space<semaphore_mem>>
      %dma_start3A_150 = arith.constant 0 : i32
      %dma_start3A_151 = arith.constant 0 : i32
      %dma_start3A_152 = tpu.memref_slice %arg3[%add3A_75, %arg1, %dma_start3A_150, %dma_start3A_151] : memref<4x16x80x128xi32, #tpu.memory_space<hbm>> -> memref<1x1x80x128xi32, #tpu.memory_space<hbm>>
      %dma_start3A_153 = tpu.memref_squeeze %dma_start3A_152 : memref<1x1x80x128xi32, #tpu.memory_space<hbm>> -> memref<80x128xi32, #tpu.memory_space<hbm>>
      %dma_start3A_154 = arith.constant 40 : i32
      %dma_start3A_155 = arith.constant 0 : i32
      %dma_start3A_156 = tpu.memref_slice %dma_start3A_153[%dma_start3A_154, %dma_start3A_155] : memref<80x128xi32, #tpu.memory_space<hbm>> -> memref<40x128xi32, #tpu.memory_space<hbm>>
      %dma_start3A_157 = arith.constant 0 : i32
      %dma_start3A_158 = arith.constant 0 : i32
      %dma_start3A_159 = tpu.memref_slice %arg3[%add3A_75, %arg1, %dma_start3A_157, %dma_start3A_158] : memref<4x16x80x128xi32, #tpu.memory_space<hbm>> -> memref<1x1x80x128xi32, #tpu.memory_space<hbm>>
      %dma_start3A_160 = tpu.memref_squeeze %dma_start3A_159 : memref<1x1x80x128xi32, #tpu.memory_space<hbm>> -> memref<80x128xi32, #tpu.memory_space<hbm>>
      %dma_start3A_161 = arith.constant 40 : i32
      %dma_start3A_162 = arith.constant 0 : i32
      %dma_start3A_163 = tpu.memref_slice %dma_start3A_160[%dma_start3A_161, %dma_start3A_162] : memref<80x128xi32, #tpu.memory_space<hbm>> -> memref<40x128xi32, #tpu.memory_space<hbm>>
      tpu.enqueue_dma source(%dma_start3A_163 : memref<40x128xi32, #tpu.memory_space<hbm>>) target(%arg7 : memref<40x128xi32, #tpu.memory_space<vmem>>) target_semaphore(%run_scoped3A : memref<!tpu.dma_semaphore, #tpu.memory_space<semaphore_mem>>)
      %dma_wait3A_164 = arith.constant 0 : i32
      %dma_wait3A_165 = arith.constant 0 : i32
      %dma_wait3A_166 = tpu.memref_slice %arg3[%add3A_75, %arg1, %dma_wait3A_164, %dma_wait3A_165] : memref<4x16x80x128xi32, #tpu.memory_space<hbm>> -> memref<1x1x80x128xi32, #tpu.memory_space<hbm>>
      %dma_wait3A_167 = tpu.memref_squeeze %dma_wait3A_166 : memref<1x1x80x128xi32, #tpu.memory_space<hbm>> -> memref<80x128xi32, #tpu.memory_space<hbm>>
      %dma_wait3A_168 = arith.constant 40 : i32
      %dma_wait3A_169 = arith.constant 0 : i32
      %dma_wait3A_170 = tpu.memref_slice %dma_wait3A_167[%dma_wait3A_168, %dma_wait3A_169] : memref<80x128xi32, #tpu.memory_space<hbm>> -> memref<40x128xi32, #tpu.memory_space<hbm>>
      %dma_wait3A_171 = arith.constant 0 : i32
      %dma_wait3A_172 = arith.constant 0 : i32
      %dma_wait3A_173 = tpu.memref_slice %arg3[%add3A_75, %arg1, %dma_wait3A_171, %dma_wait3A_172] : memref<4x16x80x128xi32, #tpu.memory_space<hbm>> -> memref<1x1x80x128xi32, #tpu.memory_space<hbm>>
      %dma_wait3A_174 = tpu.memref_squeeze %dma_wait3A_173 : memref<1x1x80x128xi32, #tpu.memory_space<hbm>> -> memref<80x128xi32, #tpu.memory_space<hbm>>
      %dma_wait3A_175 = arith.constant 40 : i32
      %dma_wait3A_176 = arith.constant 0 : i32
      %dma_wait3A_177 = tpu.memref_slice %dma_wait3A_174[%dma_wait3A_175, %dma_wait3A_176] : memref<80x128xi32, #tpu.memory_space<hbm>> -> memref<40x128xi32, #tpu.memory_space<hbm>>
      tpu.wait_dma2 semaphore(%run_scoped3A : memref<!tpu.dma_semaphore, #tpu.memory_space<semaphore_mem>>) src(%dma_wait3A_177 : memref<40x128xi32, #tpu.memory_space<hbm>>) dst(%arg7 : memref<40x128xi32, #tpu.memory_space<vmem>>)
      tpu.yield
    }) : () -> ()
    "tpu.region"() ({
      %run_scoped3A = tpu.sem_alloc : memref<!tpu.dma_semaphore, #tpu.memory_space<semaphore_mem>>
      %dma_start3A_150 = arith.constant 0 : i32
      %dma_start3A_151 = arith.constant 0 : i32
      %dma_start3A_152 = tpu.memref_slice %arg4[%arg1, %dma_start3A_150, %dma_start3A_151] : memref<16x80x128xi32, #tpu.memory_space<hbm>> -> memref<1x80x128xi32, #tpu.memory_space<hbm>>
      %dma_start3A_153 = tpu.memref_squeeze %dma_start3A_152 : memref<1x80x128xi32, #tpu.memory_space<hbm>> -> memref<80x128xi32, #tpu.memory_space<hbm>>
      %dma_start3A_154 = arith.constant 40 : i32
      %dma_start3A_155 = arith.constant 0 : i32
      %dma_start3A_156 = tpu.memref_slice %dma_start3A_153[%dma_start3A_154, %dma_start3A_155] : memref<80x128xi32, #tpu.memory_space<hbm>> -> memref<40x128xi32, #tpu.memory_space<hbm>>
      %dma_start3A_157 = arith.constant 0 : i32
      %dma_start3A_158 = arith.constant 0 : i32
      %dma_start3A_159 = tpu.memref_slice %arg4[%arg1, %dma_start3A_157, %dma_start3A_158] : memref<16x80x128xi32, #tpu.memory_space<hbm>> -> memref<1x80x128xi32, #tpu.memory_space<hbm>>
      %dma_start3A_160 = tpu.memref_squeeze %dma_start3A_159 : memref<1x80x128xi32, #tpu.memory_space<hbm>> -> memref<80x128xi32, #tpu.memory_space<hbm>>
      %dma_start3A_161 = arith.constant 40 : i32
      %dma_start3A_162 = arith.constant 0 : i32
      %dma_start3A_163 = tpu.memref_slice %dma_start3A_160[%dma_start3A_161, %dma_start3A_162] : memref<80x128xi32, #tpu.memory_space<hbm>> -> memref<40x128xi32, #tpu.memory_space<hbm>>
      tpu.enqueue_dma source(%dma_start3A_163 : memref<40x128xi32, #tpu.memory_space<hbm>>) target(%arg8 : memref<40x128xi32, #tpu.memory_space<vmem>>) target_semaphore(%run_scoped3A : memref<!tpu.dma_semaphore, #tpu.memory_space<semaphore_mem>>)
      %dma_wait3A_164 = arith.constant 0 : i32
      %dma_wait3A_165 = arith.constant 0 : i32
      %dma_wait3A_166 = tpu.memref_slice %arg4[%arg1, %dma_wait3A_164, %dma_wait3A_165] : memref<16x80x128xi32, #tpu.memory_space<hbm>> -> memref<1x80x128xi32, #tpu.memory_space<hbm>>
      %dma_wait3A_167 = tpu.memref_squeeze %dma_wait3A_166 : memref<1x80x128xi32, #tpu.memory_space<hbm>> -> memref<80x128xi32, #tpu.memory_space<hbm>>
      %dma_wait3A_168 = arith.constant 40 : i32
      %dma_wait3A_169 = arith.constant 0 : i32
      %dma_wait3A_170 = tpu.memref_slice %dma_wait3A_167[%dma_wait3A_168, %dma_wait3A_169] : memref<80x128xi32, #tpu.memory_space<hbm>> -> memref<40x128xi32, #tpu.memory_space<hbm>>
      %dma_wait3A_171 = arith.constant 0 : i32
      %dma_wait3A_172 = arith.constant 0 : i32
      %dma_wait3A_173 = tpu.memref_slice %arg4[%arg1, %dma_wait3A_171, %dma_wait3A_172] : memref<16x80x128xi32, #tpu.memory_space<hbm>> -> memref<1x80x128xi32, #tpu.memory_space<hbm>>
      %dma_wait3A_174 = tpu.memref_squeeze %dma_wait3A_173 : memref<1x80x128xi32, #tpu.memory_space<hbm>> -> memref<80x128xi32, #tpu.memory_space<hbm>>
      %dma_wait3A_175 = arith.constant 40 : i32
      %dma_wait3A_176 = arith.constant 0 : i32
      %dma_wait3A_177 = tpu.memref_slice %dma_wait3A_174[%dma_wait3A_175, %dma_wait3A_176] : memref<80x128xi32, #tpu.memory_space<hbm>> -> memref<40x128xi32, #tpu.memory_space<hbm>>
      tpu.wait_dma2 semaphore(%run_scoped3A : memref<!tpu.dma_semaphore, #tpu.memory_space<semaphore_mem>>) src(%dma_wait3A_177 : memref<40x128xi32, #tpu.memory_space<hbm>>) dst(%arg8 : memref<40x128xi32, #tpu.memory_space<vmem>>)
      tpu.yield
    }) : () -> ()
    %dma_start3A_112 = arith.constant 0 : i32
    %dma_start3A_113 = arith.constant 0 : i32
    %dma_start3A_114 = tpu.memref_slice %arg7[%dma_start3A_112, %dma_start3A_113] : memref<40x128xi32, #tpu.memory_space<vmem>> -> memref<1x128xi32, #tpu.memory_space<vmem>>
    %dma_start3A_115 = tpu.memref_squeeze %dma_start3A_114 : memref<1x128xi32, #tpu.memory_space<vmem>> -> memref<128xi32, #tpu.memory_space<vmem>>
    %dma_start3A_116 = arith.constant 0 : i32
    %dma_start3A_117 = arith.constant 0 : i32
    %dma_start3A_118 = tpu.memref_slice %arg2[%dma_start3A_116, %dma_start3A_117] : memref<40960x128xf32, #tpu.memory_space<hbm>> -> memref<40960x128xf32, #tpu.memory_space<hbm>>
    tpu.enqueue_indirect_dma source(%dma_start3A_118 : memref<40960x128xf32, #tpu.memory_space<hbm>>) target(%arg10 : memref<128x128xf32, #tpu.memory_space<vmem>>) offsets(%dma_start3A_115 : memref<128xi32, #tpu.memory_space<vmem>>) semaphore(%arg12 : memref<!tpu.dma_semaphore, #tpu.memory_space<semaphore_mem>>)
    %dma_start3A_119 = arith.constant 1 : i32
    %dma_start3A_120 = arith.constant 0 : i32
    %dma_start3A_121 = tpu.memref_slice %arg7[%dma_start3A_119, %dma_start3A_120] : memref<40x128xi32, #tpu.memory_space<vmem>> -> memref<1x128xi32, #tpu.memory_space<vmem>>
    %dma_start3A_122 = tpu.memref_squeeze %dma_start3A_121 : memref<1x128xi32, #tpu.memory_space<vmem>> -> memref<128xi32, #tpu.memory_space<vmem>>
    %dma_start3A_123 = arith.constant 0 : i32
    %dma_start3A_124 = arith.constant 0 : i32
    %dma_start3A_125 = tpu.memref_slice %arg2[%dma_start3A_123, %dma_start3A_124] : memref<40960x128xf32, #tpu.memory_space<hbm>> -> memref<40960x128xf32, #tpu.memory_space<hbm>>
    tpu.enqueue_indirect_dma source(%dma_start3A_125 : memref<40960x128xf32, #tpu.memory_space<hbm>>) target(%arg11 : memref<128x128xf32, #tpu.memory_space<vmem>>) offsets(%dma_start3A_122 : memref<128xi32, #tpu.memory_space<vmem>>) semaphore(%arg13 : memref<!tpu.dma_semaphore, #tpu.memory_space<semaphore_mem>>)
    %scan3A_126 = arith.constant 0 : i32
    %scan3A_127 = arith.constant 20 : i32
    %scan3A_128 = arith.addi %scan3A_126, %scan3A_127 : i32
    %scan3A_129 = arith.constant 1 : i32
    scf.for %scan3A_150 = %scan3A_126 to %scan3A_128 step %scan3A_129  : i32 {
      %mul3A_151 = arith.constant 1 : i32
      %mul3A_152 = arith.muli %scan3A_150, %mul3A_151 : i32
      %add3A_153 = arith.constant 0 : i32
      %add3A_154 = arith.addi %add3A_153, %mul3A_152 : i32
      %mul3A_155 = arith.constant 2 : i32
      %mul3A_156 = arith.muli %add3A_154, %mul3A_155 : i32
      %add3A_157 = arith.constant 0 : i32
      %add3A_158 = arith.addi %mul3A_156, %add3A_157 : i32
      %dma_wait3A_159 = arith.constant 0 : i32
      %dma_wait3A_160 = tpu.memref_slice %arg7[%add3A_158, %dma_wait3A_159] : memref<40x128xi32, #tpu.memory_space<vmem>> -> memref<1x128xi32, #tpu.memory_space<vmem>>
      %dma_wait3A_161 = tpu.memref_squeeze %dma_wait3A_160 : memref<1x128xi32, #tpu.memory_space<vmem>> -> memref<128xi32, #tpu.memory_space<vmem>>
      %dma_wait3A_162 = arith.constant 0 : i32
      %dma_wait3A_163 = arith.constant 0 : i32
      %dma_wait3A_164 = tpu.memref_slice %arg2[%dma_wait3A_162, %dma_wait3A_163] : memref<40960x128xf32, #tpu.memory_space<hbm>> -> memref<40960x128xf32, #tpu.memory_space<hbm>>
      tpu.wait_indirect_dma semaphore(%arg12 : memref<!tpu.dma_semaphore, #tpu.memory_space<semaphore_mem>>) src(%dma_wait3A_164 : memref<40960x128xf32, #tpu.memory_space<hbm>>) dst(%arg10 : memref<128x128xf32, #tpu.memory_space<vmem>>)
      %dma_start3A_165 = arith.constant 0 : i32
      %dma_start3A_166 = tpu.memref_slice %arg8[%add3A_158, %dma_start3A_165] : memref<40x128xi32, #tpu.memory_space<vmem>> -> memref<1x128xi32, #tpu.memory_space<vmem>>
      %dma_start3A_167 = tpu.memref_squeeze %dma_start3A_166 : memref<1x128xi32, #tpu.memory_space<vmem>> -> memref<128xi32, #tpu.memory_space<vmem>>
      %dma_start3A_168 = arith.constant 0 : i32
      %dma_start3A_169 = arith.constant 0 : i32
      %dma_start3A_170 = tpu.memref_slice %arg9[%dma_start3A_168, %dma_start3A_169] : memref<10240x128xf32, #tpu.memory_space<vmem_shared>> -> memref<10240x128xf32, #tpu.memory_space<vmem_shared>>
      tpu.enqueue_indirect_dma source(%arg10 : memref<128x128xf32, #tpu.memory_space<vmem>>) target(%dma_start3A_170 : memref<10240x128xf32, #tpu.memory_space<vmem_shared>>) offsets(%dma_start3A_167 : memref<128xi32, #tpu.memory_space<vmem>>) semaphore(%arg14 : memref<!tpu.dma_semaphore, #tpu.memory_space<semaphore_mem>>) {add = true}
      %lt3A = arith.constant 19 : i32
      %lt3A_171 = arith.cmpi slt, %add3A_154, %lt3A : i32
      %convert_element_type3A = arith.extui %lt3A_171 : i1 to i32
      %cond3A = arith.constant 0 : i32
      %cond3A_172 = arith.cmpi ne, %convert_element_type3A, %cond3A : i32
      scf.if %cond3A_172 {
        %dma_wait3A_192 = arith.constant 0 : i32
        %dma_wait3A_193 = tpu.memref_slice %arg8[%add3A_158, %dma_wait3A_192] : memref<40x128xi32, #tpu.memory_space<vmem>> -> memref<1x128xi32, #tpu.memory_space<vmem>>
        %dma_wait3A_194 = tpu.memref_squeeze %dma_wait3A_193 : memref<1x128xi32, #tpu.memory_space<vmem>> -> memref<128xi32, #tpu.memory_space<vmem>>
        %dma_wait3A_195 = arith.constant 0 : i32
        %dma_wait3A_196 = arith.constant 0 : i32
        %dma_wait3A_197 = tpu.memref_slice %arg9[%dma_wait3A_195, %dma_wait3A_196] : memref<10240x128xf32, #tpu.memory_space<vmem_shared>> -> memref<10240x128xf32, #tpu.memory_space<vmem_shared>>
        tpu.wait_indirect_dma semaphore(%arg14 : memref<!tpu.dma_semaphore, #tpu.memory_space<semaphore_mem>>) src(%arg10 : memref<128x128xf32, #tpu.memory_space<vmem>>) dst(%dma_wait3A_197 : memref<10240x128xf32, #tpu.memory_space<vmem_shared>>)
        %add3A_198 = arith.constant 2 : i32
        %add3A_199 = arith.addi %add3A_158, %add3A_198 : i32
        %dma_start3A_200 = arith.constant 0 : i32
        %dma_start3A_201 = tpu.memref_slice %arg7[%add3A_199, %dma_start3A_200] : memref<40x128xi32, #tpu.memory_space<vmem>> -> memref<1x128xi32, #tpu.memory_space<vmem>>
        %dma_start3A_202 = tpu.memref_squeeze %dma_start3A_201 : memref<1x128xi32, #tpu.memory_space<vmem>> -> memref<128xi32, #tpu.memory_space<vmem>>
        %dma_start3A_203 = arith.constant 0 : i32
        %dma_start3A_204 = arith.constant 0 : i32
        %dma_start3A_205 = tpu.memref_slice %arg2[%dma_start3A_203, %dma_start3A_204] : memref<40960x128xf32, #tpu.memory_space<hbm>> -> memref<40960x128xf32, #tpu.memory_space<hbm>>
        tpu.enqueue_indirect_dma source(%dma_start3A_205 : memref<40960x128xf32, #tpu.memory_space<hbm>>) target(%arg10 : memref<128x128xf32, #tpu.memory_space<vmem>>) offsets(%dma_start3A_202 : memref<128xi32, #tpu.memory_space<vmem>>) semaphore(%arg12 : memref<!tpu.dma_semaphore, #tpu.memory_space<semaphore_mem>>)
      } else {
      }
      %add3A_173 = arith.constant 1 : i32
      %add3A_174 = arith.addi %mul3A_156, %add3A_173 : i32
      %dma_wait3A_175 = arith.constant 0 : i32
      %dma_wait3A_176 = tpu.memref_slice %arg7[%add3A_174, %dma_wait3A_175] : memref<40x128xi32, #tpu.memory_space<vmem>> -> memref<1x128xi32, #tpu.memory_space<vmem>>
      %dma_wait3A_177 = tpu.memref_squeeze %dma_wait3A_176 : memref<1x128xi32, #tpu.memory_space<vmem>> -> memref<128xi32, #tpu.memory_space<vmem>>
      %dma_wait3A_178 = arith.constant 0 : i32
      %dma_wait3A_179 = arith.constant 0 : i32
      %dma_wait3A_180 = tpu.memref_slice %arg2[%dma_wait3A_178, %dma_wait3A_179] : memref<40960x128xf32, #tpu.memory_space<hbm>> -> memref<40960x128xf32, #tpu.memory_space<hbm>>
      tpu.wait_indirect_dma semaphore(%arg13 : memref<!tpu.dma_semaphore, #tpu.memory_space<semaphore_mem>>) src(%dma_wait3A_180 : memref<40960x128xf32, #tpu.memory_space<hbm>>) dst(%arg11 : memref<128x128xf32, #tpu.memory_space<vmem>>)
      %dma_start3A_181 = arith.constant 0 : i32
      %dma_start3A_182 = tpu.memref_slice %arg8[%add3A_174, %dma_start3A_181] : memref<40x128xi32, #tpu.memory_space<vmem>> -> memref<1x128xi32, #tpu.memory_space<vmem>>
      %dma_start3A_183 = tpu.memref_squeeze %dma_start3A_182 : memref<1x128xi32, #tpu.memory_space<vmem>> -> memref<128xi32, #tpu.memory_space<vmem>>
      %dma_start3A_184 = arith.constant 0 : i32
      %dma_start3A_185 = arith.constant 0 : i32
      %dma_start3A_186 = tpu.memref_slice %arg9[%dma_start3A_184, %dma_start3A_185] : memref<10240x128xf32, #tpu.memory_space<vmem_shared>> -> memref<10240x128xf32, #tpu.memory_space<vmem_shared>>
      tpu.enqueue_indirect_dma source(%arg11 : memref<128x128xf32, #tpu.memory_space<vmem>>) target(%dma_start3A_186 : memref<10240x128xf32, #tpu.memory_space<vmem_shared>>) offsets(%dma_start3A_183 : memref<128xi32, #tpu.memory_space<vmem>>) semaphore(%arg15 : memref<!tpu.dma_semaphore, #tpu.memory_space<semaphore_mem>>) {add = true}
      %lt3A_187 = arith.constant 19 : i32
      %lt3A_188 = arith.cmpi slt, %add3A_154, %lt3A_187 : i32
      %convert_element_type3A_189 = arith.extui %lt3A_188 : i1 to i32
      %cond3A_190 = arith.constant 0 : i32
      %cond3A_191 = arith.cmpi ne, %convert_element_type3A_189, %cond3A_190 : i32
      scf.if %cond3A_191 {
        %dma_wait3A_192 = arith.constant 0 : i32
        %dma_wait3A_193 = tpu.memref_slice %arg8[%add3A_174, %dma_wait3A_192] : memref<40x128xi32, #tpu.memory_space<vmem>> -> memref<1x128xi32, #tpu.memory_space<vmem>>
        %dma_wait3A_194 = tpu.memref_squeeze %dma_wait3A_193 : memref<1x128xi32, #tpu.memory_space<vmem>> -> memref<128xi32, #tpu.memory_space<vmem>>
        %dma_wait3A_195 = arith.constant 0 : i32
        %dma_wait3A_196 = arith.constant 0 : i32
        %dma_wait3A_197 = tpu.memref_slice %arg9[%dma_wait3A_195, %dma_wait3A_196] : memref<10240x128xf32, #tpu.memory_space<vmem_shared>> -> memref<10240x128xf32, #tpu.memory_space<vmem_shared>>
        tpu.wait_indirect_dma semaphore(%arg15 : memref<!tpu.dma_semaphore, #tpu.memory_space<semaphore_mem>>) src(%arg11 : memref<128x128xf32, #tpu.memory_space<vmem>>) dst(%dma_wait3A_197 : memref<10240x128xf32, #tpu.memory_space<vmem_shared>>)
        %add3A_198 = arith.constant 2 : i32
        %add3A_199 = arith.addi %add3A_174, %add3A_198 : i32
        %dma_start3A_200 = arith.constant 0 : i32
        %dma_start3A_201 = tpu.memref_slice %arg7[%add3A_199, %dma_start3A_200] : memref<40x128xi32, #tpu.memory_space<vmem>> -> memref<1x128xi32, #tpu.memory_space<vmem>>
        %dma_start3A_202 = tpu.memref_squeeze %dma_start3A_201 : memref<1x128xi32, #tpu.memory_space<vmem>> -> memref<128xi32, #tpu.memory_space<vmem>>
        %dma_start3A_203 = arith.constant 0 : i32
        %dma_start3A_204 = arith.constant 0 : i32
        %dma_start3A_205 = tpu.memref_slice %arg2[%dma_start3A_203, %dma_start3A_204] : memref<40960x128xf32, #tpu.memory_space<hbm>> -> memref<40960x128xf32, #tpu.memory_space<hbm>>
        tpu.enqueue_indirect_dma source(%dma_start3A_205 : memref<40960x128xf32, #tpu.memory_space<hbm>>) target(%arg11 : memref<128x128xf32, #tpu.memory_space<vmem>>) offsets(%dma_start3A_202 : memref<128xi32, #tpu.memory_space<vmem>>) semaphore(%arg13 : memref<!tpu.dma_semaphore, #tpu.memory_space<semaphore_mem>>)
      } else {
      }
    }
    %scan3A_130 = arith.constant 20 : i32
    %dma_wait3A_131 = arith.constant 0 : i32
    %dma_wait3A_132 = arith.constant 0 : i32
    %dma_wait3A_133 = tpu.memref_slice %arg8[%dma_wait3A_131, %dma_wait3A_132] : memref<40x128xi32, #tpu.memory_space<vmem>> -> memref<1x128xi32, #tpu.memory_space<vmem>>
    %dma_wait3A_134 = tpu.memref_squeeze %dma_wait3A_133 : memref<1x128xi32, #tpu.memory_space<vmem>> -> memref<128xi32, #tpu.memory_space<vmem>>
    %dma_wait3A_135 = arith.constant 0 : i32
    %dma_wait3A_136 = arith.constant 0 : i32
    %dma_wait3A_137 = tpu.memref_slice %arg9[%dma_wait3A_135, %dma_wait3A_136] : memref<10240x128xf32, #tpu.memory_space<vmem_shared>> -> memref<10240x128xf32, #tpu.memory_space<vmem_shared>>
    tpu.wait_indirect_dma semaphore(%arg14 : memref<!tpu.dma_semaphore, #tpu.memory_space<semaphore_mem>>) src(%arg10 : memref<128x128xf32, #tpu.memory_space<vmem>>) dst(%dma_wait3A_137 : memref<10240x128xf32, #tpu.memory_space<vmem_shared>>)
    %dma_wait3A_138 = arith.constant 1 : i32
    %dma_wait3A_139 = arith.constant 0 : i32
    %dma_wait3A_140 = tpu.memref_slice %arg8[%dma_wait3A_138, %dma_wait3A_139] : memref<40x128xi32, #tpu.memory_space<vmem>> -> memref<1x128xi32, #tpu.memory_space<vmem>>
    %dma_wait3A_141 = tpu.memref_squeeze %dma_wait3A_140 : memref<1x128xi32, #tpu.memory_space<vmem>> -> memref<128xi32, #tpu.memory_space<vmem>>
    %dma_wait3A_142 = arith.constant 0 : i32
    %dma_wait3A_143 = arith.constant 0 : i32
    %dma_wait3A_144 = tpu.memref_slice %arg9[%dma_wait3A_142, %dma_wait3A_143] : memref<10240x128xf32, #tpu.memory_space<vmem_shared>> -> memref<10240x128xf32, #tpu.memory_space<vmem_shared>>
    tpu.wait_indirect_dma semaphore(%arg15 : memref<!tpu.dma_semaphore, #tpu.memory_space<semaphore_mem>>) src(%arg11 : memref<128x128xf32, #tpu.memory_space<vmem>>) dst(%dma_wait3A_144 : memref<10240x128xf32, #tpu.memory_space<vmem_shared>>)
    %barrier3A_145 = arith.constant 0 : index
    tpu.barrier barrier_id(%barrier3A_145)
    %mul3A_146 = arith.constant 640 : i32
    %mul3A_147 = arith.muli %arg1, %mul3A_146 : i32
    %mul3A_148 = arith.constant 640 : i32
    %mul3A_149 = arith.muli %arg1, %mul3A_148 : i32
    "tpu.region"() ({
      %run_scoped3A = tpu.sem_alloc : memref<!tpu.dma_semaphore, #tpu.memory_space<semaphore_mem>>
      %dma_start3A_150 = arith.constant 0 : i32
      %dma_start3A_151 = arith.constant 0 : i32
      %dma_start3A_152 = tpu.memref_slice %arg6[%add3A_75, %dma_start3A_150, %dma_start3A_151] : memref<4x10240x128xf32, #tpu.memory_space<hbm>> -> memref<1x10240x128xf32, #tpu.memory_space<hbm>>
      %dma_start3A_153 = tpu.memref_squeeze %dma_start3A_152 : memref<1x10240x128xf32, #tpu.memory_space<hbm>> -> memref<10240x128xf32, #tpu.memory_space<hbm>>
      %dma_start3A_154 = arith.constant 0 : i32
      %dma_start3A_155 = tpu.memref_slice %dma_start3A_153[%mul3A_149, %dma_start3A_154] : memref<10240x128xf32, #tpu.memory_space<hbm>> -> memref<640x128xf32, #tpu.memory_space<hbm>>
      %dma_start3A_156 = arith.constant 0 : i32
      %dma_start3A_157 = tpu.memref_slice %arg9[%mul3A_147, %dma_start3A_156] : memref<10240x128xf32, #tpu.memory_space<vmem_shared>> -> memref<640x128xf32, #tpu.memory_space<vmem_shared>>
      tpu.enqueue_dma source(%dma_start3A_157 : memref<640x128xf32, #tpu.memory_space<vmem_shared>>) target(%dma_start3A_155 : memref<640x128xf32, #tpu.memory_space<hbm>>) target_semaphore(%run_scoped3A : memref<!tpu.dma_semaphore, #tpu.memory_space<semaphore_mem>>)
      %dma_wait3A_158 = arith.constant 0 : i32
      %dma_wait3A_159 = arith.constant 0 : i32
      %dma_wait3A_160 = tpu.memref_slice %arg6[%add3A_75, %dma_wait3A_158, %dma_wait3A_159] : memref<4x10240x128xf32, #tpu.memory_space<hbm>> -> memref<1x10240x128xf32, #tpu.memory_space<hbm>>
      %dma_wait3A_161 = tpu.memref_squeeze %dma_wait3A_160 : memref<1x10240x128xf32, #tpu.memory_space<hbm>> -> memref<10240x128xf32, #tpu.memory_space<hbm>>
      %dma_wait3A_162 = arith.constant 0 : i32
      %dma_wait3A_163 = tpu.memref_slice %dma_wait3A_161[%mul3A_149, %dma_wait3A_162] : memref<10240x128xf32, #tpu.memory_space<hbm>> -> memref<640x128xf32, #tpu.memory_space<hbm>>
      %dma_wait3A_164 = arith.constant 0 : i32
      %dma_wait3A_165 = tpu.memref_slice %arg9[%mul3A_147, %dma_wait3A_164] : memref<10240x128xf32, #tpu.memory_space<vmem_shared>> -> memref<640x128xf32, #tpu.memory_space<vmem_shared>>
      tpu.wait_dma2 semaphore(%run_scoped3A : memref<!tpu.dma_semaphore, #tpu.memory_space<semaphore_mem>>) src(%dma_wait3A_165 : memref<640x128xf32, #tpu.memory_space<vmem_shared>>) dst(%dma_wait3A_163 : memref<640x128xf32, #tpu.memory_space<hbm>>)
      tpu.yield
    }) : () -> ()
    return
  }
}

module attributes {stable_mosaic.version = 14 : i64} {
  func.func @_fuse_body(%arg0: i32, %arg1: memref<1000x256xf32, #tpu.memory_space<vmem>>, %arg2: memref<1000x256xf32, #tpu.memory_space<vmem>>, %arg3: memref<512x256xf32, #tpu.memory_space<vmem>>, %arg4: memref<1x256xf32, #tpu.memory_space<vmem>>, %arg5: memref<1000x32xf32, #tpu.memory_space<vmem>>, %arg6: memref<2x1000x128xf32, #tpu.memory_space<vmem>>, %arg7: memref<1000x256xf32, #tpu.memory_space<vmem>>, %arg8: memref<1000x1xf32, #tpu.memory_space<vmem>>) attributes {dimension_semantics = [#tpu.dimension_semantics<arbitrary>], iteration_bounds = array<i64: 10>, scalar_prefetch = 0 : i64, scratch_operands = 0 : i64, tpu.core_type = #tpu.core_type<tc>, window_params = [{transform_indices = @transform_0, window_bounds = array<i64: 1000, 256>}, {transform_indices = @transform_1, window_bounds = array<i64: 1000, 256>}, {pipeline_mode = #tpu.pipeline_mode<synchronous>, transform_indices = @transform_2, window_bounds = array<i64: 512, 256>}, {pipeline_mode = #tpu.pipeline_mode<synchronous>, transform_indices = @transform_3, window_bounds = array<i64: 1, 256>}, {transform_indices = @transform_4, window_bounds = array<i64: 1000, 32>}, {transform_indices = @transform_5, window_bounds = array<i64: 2, 1000, 128>}, {transform_indices = @transform_6, window_bounds = array<i64: 1000, 256>}, {transform_indices = @transform_7, window_bounds = array<i64: 1000, 1>}]} {
    %get3A = arith.constant 0 : index
    %get3A_0 = arith.constant 0 : index
    %get3A_1 = vector.load %arg5[%get3A, %get3A_0] : memref<1000x32xf32, #tpu.memory_space<vmem>>, vector<1000x32xf32>
    %reduce_sum3A = arith.constant dense<0.000000e+00> : vector<1000xf32>
    %reduce_sum3A_2 = vector.multi_reduction <add>, %get3A_1, %reduce_sum3A [1] : vector<1000x32xf32> to vector<1000xf32>
    %add3A = arith.constant 1.000000e+00 : f32
    %add3A_3 = vector.broadcast %add3A : f32 to vector<1000xf32>
    %add3A_4 = arith.addf %reduce_sum3A_2, %add3A_3 : vector<1000xf32>
    %max3A = arith.constant 1.000000e+00 : f32
    %max3A_5 = vector.broadcast %max3A : f32 to vector<1000xf32>
    %max3A_6 = arith.maximumf %add3A_4, %max3A_5 : vector<1000xf32>
    %rsqrt3A = math.rsqrt %max3A_6 : vector<1000xf32>
    %reshape3A = vector.shape_cast %rsqrt3A : vector<1000xf32> to vector<1000x1xf32>
    %get3A_7 = arith.constant 0 : index
    %get3A_8 = arith.constant 0 : index
    %get3A_9 = vector.load %arg1[%get3A_7, %get3A_8] : memref<1000x256xf32, #tpu.memory_space<vmem>>, vector<1000x256xf32>
    %get3A_10 = arith.constant 0 : index
    %get3A_11 = arith.constant 0 : index
    %get3A_12 = vector.load %arg2[%get3A_10, %get3A_11] : memref<1000x256xf32, #tpu.memory_space<vmem>>, vector<1000x256xf32>
    %concatenate3A = tpu.concatenate %get3A_9, %get3A_12 in 1 : vector<1000x256xf32>, vector<1000x256xf32> -> vector<1000x512xf32>
    %get3A_13 = arith.constant 0 : index
    %get3A_14 = arith.constant 0 : index
    %get3A_15 = vector.load %arg3[%get3A_13, %get3A_14] : memref<512x256xf32, #tpu.memory_space<vmem>>, vector<512x256xf32>
    %dot_general3A = arith.constant dense<0.000000e+00> : vector<1000x256xf32>
    %dot_general3A_16 = tpu.matmul %concatenate3A, %get3A_15, %dot_general3A {dimension_numbers = #tpu.dot_dimension_numbers<[1], [0], [0], [1], [0, 0, 1, 1], [], []>, transpose_lhs_hint = false} : vector<1000x512xf32>, vector<512x256xf32>, vector<1000x256xf32> -> vector<1000x256xf32>
    %get3A_17 = arith.constant 0 : index
    %get3A_18 = arith.constant 0 : index
    %get3A_19 = vector.load %arg4[%get3A_17, %get3A_18] : memref<1x256xf32, #tpu.memory_space<vmem>>, vector<1x256xf32>
    %add3A_20 = vector.broadcast %get3A_19 : vector<1x256xf32> to vector<1000x256xf32>
    %add3A_21 = arith.addf %dot_general3A_16, %add3A_20 : vector<1000x256xf32>
    %max3A_22 = arith.constant 0.000000e+00 : f32
    %max3A_23 = vector.broadcast %max3A_22 : f32 to vector<1000x256xf32>
    %max3A_24 = arith.maximumf %add3A_21, %max3A_23 : vector<1000x256xf32>
    %mul3A = vector.broadcast %reshape3A : vector<1000x1xf32> to vector<1000x256xf32>
    %mul3A_25 = arith.mulf %mul3A, %max3A_24 : vector<1000x256xf32>
    %reshape3A_26 = vector.shape_cast %mul3A_25 : vector<1000x256xf32> to vector<1000x2x128xf32>
    %transpose3A = tpu.transpose %reshape3A_26, [1, 0, 2] : vector<1000x2x128xf32> -> vector<2x1000x128xf32>
    %swap3A = arith.constant 0 : index
    %swap3A_27 = arith.constant 0 : index
    %swap3A_28 = arith.constant 0 : index
    %swap3A_29 = vector.load %arg6[%swap3A, %swap3A_27, %swap3A_28] : memref<2x1000x128xf32, #tpu.memory_space<vmem>>, vector<2x1000x128xf32>
    tpu.vector_store %arg6[%swap3A, %swap3A_27, %swap3A_28], %transpose3A {strides = array<i32>} : memref<2x1000x128xf32, #tpu.memory_space<vmem>>, vector<2x1000x128xf32>,
    %mul3A_30 = arith.mulf %reshape3A, %reshape3A : vector<1000x1xf32>
    %mul3A_31 = vector.broadcast %mul3A_30 : vector<1000x1xf32> to vector<1000x256xf32>
    %mul3A_32 = arith.mulf %mul3A_31, %max3A_24 : vector<1000x256xf32>
    %swap3A_33 = arith.constant 0 : index
    %swap3A_34 = arith.constant 0 : index
    %swap3A_35 = vector.load %arg7[%swap3A_33, %swap3A_34] : memref<1000x256xf32, #tpu.memory_space<vmem>>, vector<1000x256xf32>
    tpu.vector_store %arg7[%swap3A_33, %swap3A_34], %mul3A_32 {strides = array<i32>} : memref<1000x256xf32, #tpu.memory_space<vmem>>, vector<1000x256xf32>,
    %swap3A_36 = arith.constant 0 : index
    %swap3A_37 = arith.constant 0 : index
    %swap3A_38 = vector.load %arg8[%swap3A_36, %swap3A_37] : memref<1000x1xf32, #tpu.memory_space<vmem>>, vector<1000x1xf32>
    tpu.vector_store %arg8[%swap3A_36, %swap3A_37], %reshape3A {strides = array<i32>} : memref<1000x1xf32, #tpu.memory_space<vmem>>, vector<1000x1xf32>,
    return
  }
  func.func @transform_0(%arg0: i32) -> (i32, i32) {
    %c0_i32 = arith.constant 0 : i32
    %c0_i32_0 = arith.constant 0 : i32
    return %arg0, %c0_i32 : i32, i32
  }
  func.func @transform_1(%arg0: i32) -> (i32, i32) {
    %c0_i32 = arith.constant 0 : i32
    %c0_i32_0 = arith.constant 0 : i32
    return %arg0, %c0_i32 : i32, i32
  }
  func.func @transform_2(%arg0: i32) -> (i32, i32) {
    %c0_i32 = arith.constant 0 : i32
    %c0_i32_0 = arith.constant 0 : i32
    %c0_i32_1 = arith.constant 0 : i32
    return %c0_i32, %c0_i32_0 : i32, i32
  }
  func.func @transform_3(%arg0: i32) -> (i32, i32) {
    %c0_i32 = arith.constant 0 : i32
    %c0_i32_0 = arith.constant 0 : i32
    %c0_i32_1 = arith.constant 0 : i32
    return %c0_i32, %c0_i32_0 : i32, i32
  }
  func.func @transform_4(%arg0: i32) -> (i32, i32) {
    %c0_i32 = arith.constant 0 : i32
    %c0_i32_0 = arith.constant 0 : i32
    return %arg0, %c0_i32 : i32, i32
  }
  func.func @transform_5(%arg0: i32) -> (i32, i32, i32) {
    %c0_i32 = arith.constant 0 : i32
    %c0_i32_0 = arith.constant 0 : i32
    %c0_i32_1 = arith.constant 0 : i32
    return %c0_i32, %arg0, %c0_i32_0 : i32, i32, i32
  }
  func.func @transform_6(%arg0: i32) -> (i32, i32) {
    %c0_i32 = arith.constant 0 : i32
    %c0_i32_0 = arith.constant 0 : i32
    return %arg0, %c0_i32 : i32, i32
  }
  func.func @transform_7(%arg0: i32) -> (i32, i32) {
    %c0_i32 = arith.constant 0 : i32
    %c0_i32_0 = arith.constant 0 : i32
    return %arg0, %c0_i32 : i32, i32
  }
}

module attributes {stable_mosaic.version = 14 : i64} {
  func.func @_layer2_body(%arg0: i32, %arg1: memref<4x1000x128xf32, #tpu.memory_space<vmem>>, %arg2: memref<1000x512xf32, #tpu.memory_space<vmem>>, %arg3: memref<1000x1xf32, #tpu.memory_space<vmem>>, %arg4: memref<512x512xf32, #tpu.memory_space<vmem>>, %arg5: memref<1x512xf32, #tpu.memory_space<vmem>>, %arg6: memref<4x1000x128xf32, #tpu.memory_space<vmem>>, %arg7: memref<1000x512xf32, #tpu.memory_space<vmem>>) attributes {dimension_semantics = [#tpu.dimension_semantics<arbitrary>], iteration_bounds = array<i64: 10>, scalar_prefetch = 0 : i64, scratch_operands = 0 : i64, tpu.core_type = #tpu.core_type<tc>, window_params = [{transform_indices = @transform_0, window_bounds = array<i64: 4, 1000, 128>}, {transform_indices = @transform_1, window_bounds = array<i64: 1000, 512>}, {transform_indices = @transform_2, window_bounds = array<i64: 1000, 1>}, {pipeline_mode = #tpu.pipeline_mode<synchronous>, transform_indices = @transform_3, window_bounds = array<i64: 512, 512>}, {pipeline_mode = #tpu.pipeline_mode<synchronous>, transform_indices = @transform_4, window_bounds = array<i64: 1, 512>}, {transform_indices = @transform_5, window_bounds = array<i64: 4, 1000, 128>}, {transform_indices = @transform_6, window_bounds = array<i64: 1000, 512>}]} {
    %get3A = arith.constant 0 : index
    %get3A_0 = arith.constant 0 : index
    %get3A_1 = vector.load %arg3[%get3A, %get3A_0] : memref<1000x1xf32, #tpu.memory_space<vmem>>, vector<1000x1xf32>
    %get3A_2 = arith.constant 0 : index
    %get3A_3 = arith.constant 0 : index
    %get3A_4 = arith.constant 0 : index
    %get3A_5 = vector.load %arg1[%get3A_2, %get3A_3, %get3A_4] : memref<4x1000x128xf32, #tpu.memory_space<vmem>>, vector<4x1000x128xf32>
    %transpose3A = tpu.transpose %get3A_5, [1, 0, 2] : vector<4x1000x128xf32> -> vector<1000x4x128xf32>
    %reshape3A = vector.shape_cast %transpose3A : vector<1000x4x128xf32> to vector<1000x512xf32>
    %mul3A = vector.broadcast %get3A_1 : vector<1000x1xf32> to vector<1000x512xf32>
    %mul3A_6 = arith.mulf %mul3A, %reshape3A : vector<1000x512xf32>
    %get3A_7 = arith.constant 0 : index
    %get3A_8 = arith.constant 0 : index
    %get3A_9 = vector.load %arg2[%get3A_7, %get3A_8] : memref<1000x512xf32, #tpu.memory_space<vmem>>, vector<1000x512xf32>
    %add3A = arith.addf %mul3A_6, %get3A_9 : vector<1000x512xf32>
    %max3A = arith.constant 0.000000e+00 : f32
    %max3A_10 = vector.broadcast %max3A : f32 to vector<1000x512xf32>
    %max3A_11 = arith.maximumf %add3A, %max3A_10 : vector<1000x512xf32>
    %get3A_12 = arith.constant 0 : index
    %get3A_13 = arith.constant 0 : index
    %get3A_14 = vector.load %arg4[%get3A_12, %get3A_13] : memref<512x512xf32, #tpu.memory_space<vmem>>, vector<512x512xf32>
    %dot_general3A = arith.constant dense<0.000000e+00> : vector<1000x512xf32>
    %dot_general3A_15 = tpu.matmul %max3A_11, %get3A_14, %dot_general3A {dimension_numbers = #tpu.dot_dimension_numbers<[1], [0], [0], [1], [0, 0, 1, 1], [], []>, transpose_lhs_hint = false} : vector<1000x512xf32>, vector<512x512xf32>, vector<1000x512xf32> -> vector<1000x512xf32>
    %mul3A_16 = vector.broadcast %get3A_1 : vector<1000x1xf32> to vector<1000x512xf32>
    %mul3A_17 = arith.mulf %mul3A_16, %dot_general3A_15 : vector<1000x512xf32>
    %reshape3A_18 = vector.shape_cast %mul3A_17 : vector<1000x512xf32> to vector<1000x4x128xf32>
    %transpose3A_19 = tpu.transpose %reshape3A_18, [1, 0, 2] : vector<1000x4x128xf32> -> vector<4x1000x128xf32>
    %swap3A = arith.constant 0 : index
    %swap3A_20 = arith.constant 0 : index
    %swap3A_21 = arith.constant 0 : index
    %swap3A_22 = vector.load %arg6[%swap3A, %swap3A_20, %swap3A_21] : memref<4x1000x128xf32, #tpu.memory_space<vmem>>, vector<4x1000x128xf32>
    tpu.vector_store %arg6[%swap3A, %swap3A_20, %swap3A_21], %transpose3A_19 {strides = array<i32>} : memref<4x1000x128xf32, #tpu.memory_space<vmem>>, vector<4x1000x128xf32>,
    %mul3A_23 = arith.mulf %get3A_1, %get3A_1 : vector<1000x1xf32>
    %mul3A_24 = vector.broadcast %mul3A_23 : vector<1000x1xf32> to vector<1000x512xf32>
    %mul3A_25 = arith.mulf %mul3A_24, %dot_general3A_15 : vector<1000x512xf32>
    %get3A_26 = arith.constant 0 : index
    %get3A_27 = arith.constant 0 : index
    %get3A_28 = vector.load %arg5[%get3A_26, %get3A_27] : memref<1x512xf32, #tpu.memory_space<vmem>>, vector<1x512xf32>
    %add3A_29 = vector.broadcast %get3A_28 : vector<1x512xf32> to vector<1000x512xf32>
    %add3A_30 = arith.addf %mul3A_25, %add3A_29 : vector<1000x512xf32>
    %swap3A_31 = arith.constant 0 : index
    %swap3A_32 = arith.constant 0 : index
    %swap3A_33 = vector.load %arg7[%swap3A_31, %swap3A_32] : memref<1000x512xf32, #tpu.memory_space<vmem>>, vector<1000x512xf32>
    tpu.vector_store %arg7[%swap3A_31, %swap3A_32], %add3A_30 {strides = array<i32>} : memref<1000x512xf32, #tpu.memory_space<vmem>>, vector<1000x512xf32>,
    return
  }
  func.func @transform_0(%arg0: i32) -> (i32, i32, i32) {
    %c0_i32 = arith.constant 0 : i32
    %c0_i32_0 = arith.constant 0 : i32
    %c0_i32_1 = arith.constant 0 : i32
    return %c0_i32, %arg0, %c0_i32_0 : i32, i32, i32
  }
  func.func @transform_1(%arg0: i32) -> (i32, i32) {
    %c0_i32 = arith.constant 0 : i32
    %c0_i32_0 = arith.constant 0 : i32
    return %arg0, %c0_i32 : i32, i32
  }
  func.func @transform_2(%arg0: i32) -> (i32, i32) {
    %c0_i32 = arith.constant 0 : i32
    %c0_i32_0 = arith.constant 0 : i32
    return %arg0, %c0_i32 : i32, i32
  }
  func.func @transform_3(%arg0: i32) -> (i32, i32) {
    %c0_i32 = arith.constant 0 : i32
    %c0_i32_0 = arith.constant 0 : i32
    %c0_i32_1 = arith.constant 0 : i32
    return %c0_i32, %c0_i32_0 : i32, i32
  }
  func.func @transform_4(%arg0: i32) -> (i32, i32) {
    %c0_i32 = arith.constant 0 : i32
    %c0_i32_0 = arith.constant 0 : i32
    %c0_i32_1 = arith.constant 0 : i32
    return %c0_i32, %c0_i32_0 : i32, i32
  }
  func.func @transform_5(%arg0: i32) -> (i32, i32, i32) {
    %c0_i32 = arith.constant 0 : i32
    %c0_i32_0 = arith.constant 0 : i32
    %c0_i32_1 = arith.constant 0 : i32
    return %c0_i32, %arg0, %c0_i32_0 : i32, i32, i32
  }
  func.func @transform_6(%arg0: i32) -> (i32, i32) {
    %c0_i32 = arith.constant 0 : i32
    %c0_i32_0 = arith.constant 0 : i32
    return %arg0, %c0_i32 : i32, i32
  }
}

module attributes {stable_mosaic.version = 14 : i64} {
  func.func @_layer1_body(%arg0: i32, %arg1: memref<2x1000x128xf32, #tpu.memory_space<vmem>>, %arg2: memref<1000x256xf32, #tpu.memory_space<vmem>>, %arg3: memref<1000x1xf32, #tpu.memory_space<vmem>>, %arg4: memref<256x512xf32, #tpu.memory_space<vmem>>, %arg5: memref<1x512xf32, #tpu.memory_space<vmem>>, %arg6: memref<512x512xf32, #tpu.memory_space<vmem>>, %arg7: memref<1x512xf32, #tpu.memory_space<vmem>>, %arg8: memref<4x1000x128xf32, #tpu.memory_space<vmem>>, %arg9: memref<1000x512xf32, #tpu.memory_space<vmem>>) attributes {dimension_semantics = [#tpu.dimension_semantics<arbitrary>], iteration_bounds = array<i64: 10>, scalar_prefetch = 0 : i64, scratch_operands = 0 : i64, tpu.core_type = #tpu.core_type<tc>, window_params = [{transform_indices = @transform_0, window_bounds = array<i64: 2, 1000, 128>}, {transform_indices = @transform_1, window_bounds = array<i64: 1000, 256>}, {transform_indices = @transform_2, window_bounds = array<i64: 1000, 1>}, {pipeline_mode = #tpu.pipeline_mode<synchronous>, transform_indices = @transform_3, window_bounds = array<i64: 256, 512>}, {pipeline_mode = #tpu.pipeline_mode<synchronous>, transform_indices = @transform_4, window_bounds = array<i64: 1, 512>}, {pipeline_mode = #tpu.pipeline_mode<synchronous>, transform_indices = @transform_5, window_bounds = array<i64: 512, 512>}, {pipeline_mode = #tpu.pipeline_mode<synchronous>, transform_indices = @transform_6, window_bounds = array<i64: 1, 512>}, {transform_indices = @transform_7, window_bounds = array<i64: 4, 1000, 128>}, {transform_indices = @transform_8, window_bounds = array<i64: 1000, 512>}]} {
    %get3A = arith.constant 0 : index
    %get3A_0 = arith.constant 0 : index
    %get3A_1 = vector.load %arg3[%get3A, %get3A_0] : memref<1000x1xf32, #tpu.memory_space<vmem>>, vector<1000x1xf32>
    %get3A_2 = arith.constant 0 : index
    %get3A_3 = arith.constant 0 : index
    %get3A_4 = arith.constant 0 : index
    %get3A_5 = vector.load %arg1[%get3A_2, %get3A_3, %get3A_4] : memref<2x1000x128xf32, #tpu.memory_space<vmem>>, vector<2x1000x128xf32>
    %transpose3A = tpu.transpose %get3A_5, [1, 0, 2] : vector<2x1000x128xf32> -> vector<1000x2x128xf32>
    %reshape3A = vector.shape_cast %transpose3A : vector<1000x2x128xf32> to vector<1000x256xf32>
    %mul3A = vector.broadcast %get3A_1 : vector<1000x1xf32> to vector<1000x256xf32>
    %mul3A_6 = arith.mulf %mul3A, %reshape3A : vector<1000x256xf32>
    %get3A_7 = arith.constant 0 : index
    %get3A_8 = arith.constant 0 : index
    %get3A_9 = vector.load %arg2[%get3A_7, %get3A_8] : memref<1000x256xf32, #tpu.memory_space<vmem>>, vector<1000x256xf32>
    %add3A = arith.addf %mul3A_6, %get3A_9 : vector<1000x256xf32>
    %get3A_10 = arith.constant 0 : index
    %get3A_11 = arith.constant 0 : index
    %get3A_12 = vector.load %arg4[%get3A_10, %get3A_11] : memref<256x512xf32, #tpu.memory_space<vmem>>, vector<256x512xf32>
    %dot_general3A = arith.constant dense<0.000000e+00> : vector<1000x512xf32>
    %dot_general3A_13 = tpu.matmul %add3A, %get3A_12, %dot_general3A {dimension_numbers = #tpu.dot_dimension_numbers<[1], [0], [0], [1], [0, 0, 1, 1], [], []>, transpose_lhs_hint = false} : vector<1000x256xf32>, vector<256x512xf32>, vector<1000x512xf32> -> vector<1000x512xf32>
    %get3A_14 = arith.constant 0 : index
    %get3A_15 = arith.constant 0 : index
    %get3A_16 = vector.load %arg5[%get3A_14, %get3A_15] : memref<1x512xf32, #tpu.memory_space<vmem>>, vector<1x512xf32>
    %add3A_17 = vector.broadcast %get3A_16 : vector<1x512xf32> to vector<1000x512xf32>
    %add3A_18 = arith.addf %dot_general3A_13, %add3A_17 : vector<1000x512xf32>
    %max3A = arith.constant 0.000000e+00 : f32
    %max3A_19 = vector.broadcast %max3A : f32 to vector<1000x512xf32>
    %max3A_20 = arith.maximumf %add3A_18, %max3A_19 : vector<1000x512xf32>
    %get3A_21 = arith.constant 0 : index
    %get3A_22 = arith.constant 0 : index
    %get3A_23 = vector.load %arg6[%get3A_21, %get3A_22] : memref<512x512xf32, #tpu.memory_space<vmem>>, vector<512x512xf32>
    %dot_general3A_24 = arith.constant dense<0.000000e+00> : vector<1000x512xf32>
    %dot_general3A_25 = tpu.matmul %max3A_20, %get3A_23, %dot_general3A_24 {dimension_numbers = #tpu.dot_dimension_numbers<[1], [0], [0], [1], [0, 0, 1, 1], [], []>, transpose_lhs_hint = false} : vector<1000x512xf32>, vector<512x512xf32>, vector<1000x512xf32> -> vector<1000x512xf32>
    %mul3A_26 = vector.broadcast %get3A_1 : vector<1000x1xf32> to vector<1000x512xf32>
    %mul3A_27 = arith.mulf %mul3A_26, %dot_general3A_25 : vector<1000x512xf32>
    %reshape3A_28 = vector.shape_cast %mul3A_27 : vector<1000x512xf32> to vector<1000x4x128xf32>
    %transpose3A_29 = tpu.transpose %reshape3A_28, [1, 0, 2] : vector<1000x4x128xf32> -> vector<4x1000x128xf32>
    %swap3A = arith.constant 0 : index
    %swap3A_30 = arith.constant 0 : index
    %swap3A_31 = arith.constant 0 : index
    %swap3A_32 = vector.load %arg8[%swap3A, %swap3A_30, %swap3A_31] : memref<4x1000x128xf32, #tpu.memory_space<vmem>>, vector<4x1000x128xf32>
    tpu.vector_store %arg8[%swap3A, %swap3A_30, %swap3A_31], %transpose3A_29 {strides = array<i32>} : memref<4x1000x128xf32, #tpu.memory_space<vmem>>, vector<4x1000x128xf32>,
    %mul3A_33 = arith.mulf %get3A_1, %get3A_1 : vector<1000x1xf32>
    %mul3A_34 = vector.broadcast %mul3A_33 : vector<1000x1xf32> to vector<1000x512xf32>
    %mul3A_35 = arith.mulf %mul3A_34, %dot_general3A_25 : vector<1000x512xf32>
    %get3A_36 = arith.constant 0 : index
    %get3A_37 = arith.constant 0 : index
    %get3A_38 = vector.load %arg7[%get3A_36, %get3A_37] : memref<1x512xf32, #tpu.memory_space<vmem>>, vector<1x512xf32>
    %add3A_39 = vector.broadcast %get3A_38 : vector<1x512xf32> to vector<1000x512xf32>
    %add3A_40 = arith.addf %mul3A_35, %add3A_39 : vector<1000x512xf32>
    %swap3A_41 = arith.constant 0 : index
    %swap3A_42 = arith.constant 0 : index
    %swap3A_43 = vector.load %arg9[%swap3A_41, %swap3A_42] : memref<1000x512xf32, #tpu.memory_space<vmem>>, vector<1000x512xf32>
    tpu.vector_store %arg9[%swap3A_41, %swap3A_42], %add3A_40 {strides = array<i32>} : memref<1000x512xf32, #tpu.memory_space<vmem>>, vector<1000x512xf32>,
    return
  }
  func.func @transform_0(%arg0: i32) -> (i32, i32, i32) {
    %c0_i32 = arith.constant 0 : i32
    %c0_i32_0 = arith.constant 0 : i32
    %c0_i32_1 = arith.constant 0 : i32
    return %c0_i32, %arg0, %c0_i32_0 : i32, i32, i32
  }
  func.func @transform_1(%arg0: i32) -> (i32, i32) {
    %c0_i32 = arith.constant 0 : i32
    %c0_i32_0 = arith.constant 0 : i32
    return %arg0, %c0_i32 : i32, i32
  }
  func.func @transform_2(%arg0: i32) -> (i32, i32) {
    %c0_i32 = arith.constant 0 : i32
    %c0_i32_0 = arith.constant 0 : i32
    return %arg0, %c0_i32 : i32, i32
  }
  func.func @transform_3(%arg0: i32) -> (i32, i32) {
    %c0_i32 = arith.constant 0 : i32
    %c0_i32_0 = arith.constant 0 : i32
    %c0_i32_1 = arith.constant 0 : i32
    return %c0_i32, %c0_i32_0 : i32, i32
  }
  func.func @transform_4(%arg0: i32) -> (i32, i32) {
    %c0_i32 = arith.constant 0 : i32
    %c0_i32_0 = arith.constant 0 : i32
    %c0_i32_1 = arith.constant 0 : i32
    return %c0_i32, %c0_i32_0 : i32, i32
  }
  func.func @transform_5(%arg0: i32) -> (i32, i32) {
    %c0_i32 = arith.constant 0 : i32
    %c0_i32_0 = arith.constant 0 : i32
    %c0_i32_1 = arith.constant 0 : i32
    return %c0_i32, %c0_i32_0 : i32, i32
  }
  func.func @transform_6(%arg0: i32) -> (i32, i32) {
    %c0_i32 = arith.constant 0 : i32
    %c0_i32_0 = arith.constant 0 : i32
    %c0_i32_1 = arith.constant 0 : i32
    return %c0_i32, %c0_i32_0 : i32, i32
  }
  func.func @transform_7(%arg0: i32) -> (i32, i32, i32) {
    %c0_i32 = arith.constant 0 : i32
    %c0_i32_0 = arith.constant 0 : i32
    %c0_i32_1 = arith.constant 0 : i32
    return %c0_i32, %arg0, %c0_i32_0 : i32, i32, i32
  }
  func.func @transform_8(%arg0: i32) -> (i32, i32) {
    %c0_i32 = arith.constant 0 : i32
    %c0_i32_0 = arith.constant 0 : i32
    return %arg0, %c0_i32 : i32, i32
  }
}

module attributes {stable_mosaic.version = 14 : i64} {
  func.func @_final_body(%arg0: i32, %arg1: memref<4x1000x128xf32, #tpu.memory_space<vmem>>, %arg2: memref<1000x512xf32, #tpu.memory_space<vmem>>, %arg3: memref<1000x1xf32, #tpu.memory_space<vmem>>, %arg4: memref<1000x512xf32, #tpu.memory_space<vmem>>) attributes {dimension_semantics = [#tpu.dimension_semantics<arbitrary>], iteration_bounds = array<i64: 10>, scalar_prefetch = 0 : i64, scratch_operands = 0 : i64, tpu.core_type = #tpu.core_type<tc>, window_params = [{transform_indices = @transform_0, window_bounds = array<i64: 4, 1000, 128>}, {transform_indices = @transform_1, window_bounds = array<i64: 1000, 512>}, {transform_indices = @transform_2, window_bounds = array<i64: 1000, 1>}, {transform_indices = @transform_3, window_bounds = array<i64: 1000, 512>}]} {
    %get3A = arith.constant 0 : index
    %get3A_0 = arith.constant 0 : index
    %get3A_1 = vector.load %arg3[%get3A, %get3A_0] : memref<1000x1xf32, #tpu.memory_space<vmem>>, vector<1000x1xf32>
    %get3A_2 = arith.constant 0 : index
    %get3A_3 = arith.constant 0 : index
    %get3A_4 = arith.constant 0 : index
    %get3A_5 = vector.load %arg1[%get3A_2, %get3A_3, %get3A_4] : memref<4x1000x128xf32, #tpu.memory_space<vmem>>, vector<4x1000x128xf32>
    %transpose3A = tpu.transpose %get3A_5, [1, 0, 2] : vector<4x1000x128xf32> -> vector<1000x4x128xf32>
    %reshape3A = vector.shape_cast %transpose3A : vector<1000x4x128xf32> to vector<1000x512xf32>
    %mul3A = vector.broadcast %get3A_1 : vector<1000x1xf32> to vector<1000x512xf32>
    %mul3A_6 = arith.mulf %mul3A, %reshape3A : vector<1000x512xf32>
    %get3A_7 = arith.constant 0 : index
    %get3A_8 = arith.constant 0 : index
    %get3A_9 = vector.load %arg2[%get3A_7, %get3A_8] : memref<1000x512xf32, #tpu.memory_space<vmem>>, vector<1000x512xf32>
    %add3A = arith.addf %mul3A_6, %get3A_9 : vector<1000x512xf32>
    %swap3A = arith.constant 0 : index
    %swap3A_10 = arith.constant 0 : index
    %swap3A_11 = vector.load %arg4[%swap3A, %swap3A_10] : memref<1000x512xf32, #tpu.memory_space<vmem>>, vector<1000x512xf32>
    tpu.vector_store %arg4[%swap3A, %swap3A_10], %add3A {strides = array<i32>} : memref<1000x512xf32, #tpu.memory_space<vmem>>, vector<1000x512xf32>,
    return
  }
  func.func @transform_0(%arg0: i32) -> (i32, i32, i32) {
    %c0_i32 = arith.constant 0 : i32
    %c0_i32_0 = arith.constant 0 : i32
    %c0_i32_1 = arith.constant 0 : i32
    return %c0_i32, %arg0, %c0_i32_0 : i32, i32, i32
  }
  func.func @transform_1(%arg0: i32) -> (i32, i32) {
    %c0_i32 = arith.constant 0 : i32
    %c0_i32_0 = arith.constant 0 : i32
    return %arg0, %c0_i32 : i32, i32
  }
  func.func @transform_2(%arg0: i32) -> (i32, i32) {
    %c0_i32 = arith.constant 0 : i32
    %c0_i32_0 = arith.constant 0 : i32
    return %arg0, %c0_i32 : i32, i32
  }
  func.func @transform_3(%arg0: i32) -> (i32, i32) {
    %c0_i32 = arith.constant 0 : i32
    %c0_i32_0 = arith.constant 0 : i32
    return %arg0, %c0_i32 : i32, i32
  }
}

</mosaic_0001>

<sc_bundles>
// kernel: kernel.10.cloned.1.call-start
scs
__scs_entry_jumppad:
0x0: {  	(pc) =	sbr.rel $0x88, $3  }
0x1: {  	(tag) =	ssettag $0x0;
	lr =	simm.s32 $0x1  }
0x2: {  	[smem:$0x3F96] =	sst lr;
	_ =	strace $0xD0000000  }
0x3: {  	_ = 	snop  }
0x4: {  	_ = 	snop  }
0x5: {  	_ = 	snop  }
0x6: {  	_ = 	snop  }
0x7: {  	_ = 	snop  }
__scs_overlays_trampoline_lowered:
0x8: {  	[smem:$0x3FA5] =	sst s0  }
0x9: {  	[smem:$0x3FA6] =	sst s1  }
0xa: {  	[smem:$0x3FA7] =	sst s2  }
0xb: {  	[smem:$0x3FA8] =	sst s3  }
0xc: {  	[smem:$0x3FA9] =	sst s4  }
0xd: {  	[smem:$0x3FAA] =	sst s5  }
0xe: {  	[smem:$0x3FAB] =	sst s6  }
0xf: {  	[smem:$0x3FAC] =	sst s7  }
0x10: {  	[smem:$0x3FAD] =	sst s8  }
0x11: {  	[smem:$0x3FAE] =	sst s9;
	s0 =	simm.s32 @!p0 $0x0  }
0x12: {  	s1 =	sld [smem:$0x3F94];
	s0 =	simm.s32 @p0 $0x1  }
0x13: {  	[smem:$0x3FAF] =	sst s0;
	s0 =	simm.s32 @!p1 $0x0  }
0x14: {  	s2 =	sld [smem:$0x3F93];
	s0 =	simm.s32 @p1 $0x1  }
0x15: {  	[smem:$0x3FB0] =	sst s0;
	s0 =	simm.s32 @!p2 $0x0  }
0x16: {  	s3 =	sld [smem:$0x3FDB];
	s0 =	simm.s32 @p2 $0x1  }
0x17: {  	s4 =	simm.s32 $0x1BF5;
	[smem:$0x3FB2] =	sst s0  }
0x18: {  	s0 =	sld [smem:$0x3F95];
	_ =	swait.ge [sflag:s4], $0x0  }
0x19: {  	s7 =	sld [smem:$0x3F96]  }
0x1a: {  	s8 =	sadd.s32 $0xFFFFE003, lr  }
0x1b: {  	s9 =	sadd.s32 $0xFFFFFEF7, lr;
	s5 =	simm.s32 $0xFFFFFFFF;
	p2 =	slt.u32 s8, $0xFFFFF086  }
0x1c: {  	p1 =	slt.u32 s9, $0xF7A;
	s5 =	simm.s32 @!p2 $0x0  }
0x1d: {  	s5 =	simm.s32 @p1 $0x1;
	p0 =	seq.s32 s7, s2  }
0x1e: {  	s7 =	smul.u32 @!p0 $0xF7A, s2;
	p2 =	seq.s32 @!p0 s5, $0x0  }
0x1f: {  	s9 =	smul.u32 $0xF7A, s1;
	s8 =	simm.s32 @!p0 $0x1BF5;
	p2 =	por !p2, p0  }
0x20: {  	[sflag:s8] =	ssyncset.s32 @!p0 $0xFFFFF086;
	s6 =	sadd.s32 @!p0 s3, s7;
	s7 =	simm.s32 @!p0 $0x108  }
0x21: {  	s3 =	sadd.s32 s3, s9;
	s6 =	sadd.s32 @!p0 $0x88, s6;
	s7 =	simm.s32 @p2 $0x1082  }
0x22: {  	[simem:s7], [sflag:s8] =	dma.local @!p0 [hbm:s6], $0xF7A  }
0x23: {  	s9 =	sor.u32 $0xD0000000, s2;
	s6 =	simm.s32 $0x108;
	_ =	swait.ge @!p0 [sflag:s8], $0x0  }
0x24: {  	s3 =	sadd.s32 $0x88, s3;
	s6 =	simm.s32 @!p1 $0x1082;
	[sflag:s4] =	ssyncset.s32 $0xFFFFF086  }
0x25: {  	[simem:s6], [sflag:s4] =	dma.local [hbm:s3], $0xF7A  }
0x26: {  	[smem:$0x3F96] =	sst s1;
	(tag) =	ssettag s2;
	_ =	strace s9  }
0x27: {  	s1 =	sld [smem:$0x3FA6]  }
0x28: {  	s2 =	sld [smem:$0x3FA7]  }
0x29: {  	s4 =	sld [smem:$0x3FA9]  }
0x2a: {  	p0 =	seq.s32 s5, $0x0;
	s5 =	sld [smem:$0x3FAA]  }
0x2b: {  	s6 =	sld [smem:$0x3FAB]  }
0x2c: {  	s7 =	sld [smem:$0x3FAC]  }
0x2d: {  	s3 =	simm.s32 $0x108;
	s8 =	sld [smem:$0x3FAD]  }
0x2e: {  	s3 =	simm.s32 @!p0 $0x1082;
	s9 =	sld [smem:$0x3FAE]  }
0x2f: {  	lr =	sadd.s32 s0, s3;
	s0 =	sld [smem:$0x3FA5]  }
0x30: {  	s3 =	sld [smem:$0x3FA8]  }
0x31: {  	[smem:$0x3FB1] =	sst s10  }
0x32: {  	s10 =	sld [smem:$0x3FAF];
	_ =	sdelay $0x3  }
0x33: {  	p0 =	seq.s32 s10, $0x1;
	s10 =	sld [smem:$0x3FB1];
	_ =	sdelay $0x3  }
0x34: {  	[smem:$0x3FB1] =	sst s10  }
0x35: {  	s10 =	sld [smem:$0x3FB0];
	_ =	sdelay $0x3  }
0x36: {  	p1 =	seq.s32 s10, $0x1;
	s10 =	sld [smem:$0x3FB1];
	_ =	sdelay $0x3  }
0x37: {  	[smem:$0x3FB1] =	sst s10  }
0x38: {  	s10 =	sld [smem:$0x3FB2]  }
0x39: {  	_ = 	snop;
	(pc) =	sbr.ind lr, $3  }
0x3a: {  	_ = 	snop  }
0x3b: {  	_ = 	snop  }
0x3c: {  	p2 =	seq.s32 s10, $0x1;
	s10 =	sld [smem:$0x3FB1]  }
0x3d: {  	_ =	shalt  }
0x3e: {  	_ =	shalt  }
0x3f: {  	_ =	shalt  }
0x40: {  	_ =	shalt  }
0x41: {  	_ =	shalt  }
0x42: {  	_ =	shalt  }
0x43: {  	_ =	shalt  }
0x44: {  	_ =	shalt  }
0x45: {  	_ =	shalt  }
0x46: {  	_ =	shalt  }
0x47: {  	_ =	shalt  }
0x48: {  	_ =	shalt  }
0x49: {  	_ =	shalt  }
0x4a: {  	_ =	shalt  }
0x4b: {  	_ =	shalt  }
0x4c: {  	_ =	shalt  }
0x4d: {  	_ =	shalt  }
0x4e: {  	_ =	shalt  }
0x4f: {  	_ =	shalt  }
0x50: {  	_ =	shalt  }
0x51: {  	_ =	shalt  }
0x52: {  	_ =	shalt  }
0x53: {  	_ =	shalt  }
0x54: {  	_ =	shalt  }
0x55: {  	_ =	shalt  }
0x56: {  	_ =	shalt  }
0x57: {  	_ =	shalt  }
0x58: {  	_ =	shalt  }
0x59: {  	_ =	shalt  }
0x5a: {  	_ =	shalt  }
0x5b: {  	_ =	shalt  }
0x5c: {  	_ =	shalt  }
0x5d: {  	_ =	shalt  }
0x5e: {  	_ =	shalt  }
0x5f: {  	_ =	shalt  }
0x60: {  	_ =	shalt  }
0x61: {  	_ =	shalt  }
0x62: {  	_ =	shalt  }
0x63: {  	_ =	shalt  }
0x64: {  	_ =	shalt  }
0x65: {  	_ =	shalt  }
0x66: {  	_ =	shalt  }
0x67: {  	_ =	shalt  }
0x68: {  	_ =	shalt  }
0x69: {  	_ =	shalt  }
0x6a: {  	_ =	shalt  }
0x6b: {  	_ =	shalt  }
0x6c: {  	_ =	shalt  }
0x6d: {  	_ =	shalt  }
0x6e: {  	_ =	shalt  }
0x6f: {  	_ =	shalt  }
0x70: {  	_ =	shalt  }
0x71: {  	_ =	shalt  }
0x72: {  	_ =	shalt  }
0x73: {  	_ =	shalt  }
0x74: {  	_ =	shalt  }
0x75: {  	_ =	shalt  }
0x76: {  	_ =	shalt  }
0x77: {  	_ =	shalt  }
0x78: {  	_ =	shalt  }
0x79: {  	_ =	shalt  }
0x7a: {  	_ =	shalt  }
0x7b: {  	_ =	shalt  }
0x7c: {  	_ =	shalt  }
0x7d: {  	_ =	shalt  }
0x7e: {  	_ =	shalt  }
0x7f: {  	_ =	shalt  }
0x80: {  	_ =	shalt  }
0x81: {  	_ =	shalt  }
0x82: {  	_ =	shalt  }
0x83: {  	_ =	shalt  }
0x84: {  	_ =	shalt  }
0x85: {  	_ =	shalt  }
0x86: {  	_ =	shalt  }
0x87: {  	_ =	shalt  }
.Lfunc_end0:
.L_simem_size_0:
called_computation_lowered:
.L_overlay_start_0:
0x88: {  	s2 =	sld [smem:$0x3FD9]  }
0x89: {  	s3 =	sld [smem:$0x3FFE];
	_ =	sdelay $0x1  }
0x8a: {  	s1 =	srdreg.scid  }
0x8b: {  	s0 =	sand.u32 $0x1, s1  }
0x8c: {  	s17 =	sshll.u32 s0, $0xA;
	s2 =	sadd.s32 s3, s2  }
0x8d: {  	s2 =	sadd.s32 s2, s17  }
0x8e: {  	[smem:$0x3FBD] =	sst s2  }
0x8f: {  	_ = 	snop  }
0x90: {  	s2 =	sld [smem:$0x3FD0];
	(tm) =	ssettm $0x1  }
0x91: {  	s18 =	sld [smem:$0x3FFB];
	_ =	sdelay $0x3  }
0x92: {  	_ =	strace s18  }
0x93: {  	s3 =	sld [smem:$0x3FFC];
	_ =	sdelay $0x3  }
0x94: {  	_ =	strace s3  }
0x95: {  	s3 =	sld [smem:$0x3FFD];
	_ =	sdelay $0x3  }
0x96: {  	_ =	strace s3  }
0x97: {  	_ =	strace $0x8FFFFFFF  }
0x98: {  	s19 =	sld [smem:$0x3FDB];
	_ =	sdelay $0x1  }
0x99: {  	s4 =	simm.s32 $_scs_section_size  }
0x9a: {  	s5 =	simm.s32 $_size__tile_overlayer_lowered;
	s6 =	simm.s32 $_tile_overlayer_lowered  }
0x9b: {  	s22 =	simm.s32 $0x1BFF;
	s21 =	sshll.u32 s6, $0x1;
	s3 =	sadd.s32 s4, s19  }
0x9c: {  	s7 =	simm.s32 $0x0;
	s20 =	sshll.u32 s5, $0x1;
	s5 =	sadd.s32 s21, s3  }
0x9d: {  	[timem:s7], [sflag:s22] =	dma.local [hbm:s5], s20  }
0x9e: {  	_ =	swait.ge [sflag:s22], s20  }
0x9f: {  	s4 =	ssub.s32 $0x0, s20;
	[sflag:s22] =	ssyncset.done $0x0  }
0xa0: {  	[sflag:s22] =	ssyncadd.s32 s4;
	_ =	sdelay $0x1  }
0xa1: {  	s23 =	simm.s32 $0x1B8B  }
0xa2: {  	_ =	swait.ge [sflag:s23], $0x1  }
0xa3: {  	[sflag:s23] =	ssyncset.done $0x0  }
0xa4: {  	s25 =	simm.s32 $0x1B8E;
	s24 =	sld [smem:$0x3FFE];
	[sflag:s23] =	ssyncadd.s32 $0xFFFFFFFF  }
0xa5: {  	s26 =	simm.s32 $execute0_lowered;
	[smem:$0x3FD2] =	sst s25  }
0xa6: {  	s5 =	sshll.u32 s26, $0x1;
	_ =	strace $0x80000046;
	[dreg:$0x1] =	wrdreg $0xFFFFFFFF  }
0xa7: {  	s28 =	simm.s32 $_size_execute0_lowered;
	s3 =	sadd.s32 s3, s5;
	[dreg:$0x0] =	wrdreg $0x0  }
0xa8: {  	s5 =	sshll.u32 s28, $0x1;
	[dreg:$0x2] =	wrdreg s3  }
0xa9: {  	[dreg:$0x3] =	wrdreg s5  }
0xaa: {  	[dreg:$0x4] =	wrdreg $0xC0  }
0xab: {  	_ =	task [dreg:s7], $0x5FFFF  }
0xac: {  	[dreg:$0x1] =	wrdreg $0xFFFFFFFF  }
0xad: {  	[dreg:$0x0] =	wrdreg $0x60  }
0xae: {  	[dreg:$0x2] =	wrdreg s24  }
0xaf: {  	[dreg:$0x3] =	wrdreg s2  }
0xb0: {  	[dreg:$0x4] =	wrdreg $0x9  }
0xb1: {  	_ =	task.clear_ibuf [dreg:s7], $0x5FFFF;
	_ =	strace $0x90000046  }
0xb2: {  	s29 =	simm.s32 $0x9;
	_ =	strace $0x80000048  }
0xb3: {  	_ =	swait.ge [sflag:s29], $0x1  }
0xb4: {  	[sflag:s29] =	ssyncadd.s32 $0xFFFFFFFF  }
0xb5: {  	_ =	strace $0x90000048  }
0xb6: {  	_ =	sfence  }
0xb7: {  	s30 =	sld [smem:$0x0];
	_ =	sdelay $0x2  }
0xb8: {  	s31 =	sshll.u32 s1, $0xD;
	s1 =	sshrl.u32 s1, $0x2  }
0xb9: {  	s3 =	sand.u32 $0x4000, s31;
	s1 =	sadd.s32 s1, s30  }
0xba: {  	s0 =	sor.u32 s3, s0;
	s1 =	sshll.u32 s1, $0x11  }
0xbb: {  	s0 =	sor.u32 s1, s0  }
0xbc: {  	s0 =	sadd.s32 $0x8F2B, s0  }
0xbd: {  	[sflag:s0] =	ssyncadd.remote.s32 $0x1  }
0xbe: {  	_ =	sfence.sel $0xFFFF  }
0xbf: {  	[dreg:$0x0] =	wrdreg $0xFFFFFFFF;
	(pc) =	sbr.abs _section_cstart, $3  }
0xc0: {  	[dreg:$0x1] =	wrdreg $0xFFFFFFFF  }
0xc1: {  	_ =	task.clear_ibuf [dreg:s7], $0x2FFFF;
	_ =	strace $0x9FFFFFFF  }
0xc2: {  	(tm) =	ssettm $0x7FFFFFFF  }
0xc3: {  	_ =	shalt  }
tec
execute0_lowered:
.L_overlay_start_1:
0x0: {  	(tag) =	ssettag $0x1  }
0x1: {  	s0 =	srdreg.scid  }
0x2: {  	s4 =	rddreg [dreg:$0x0];
	s3 =	sand.u32 $0x1, s0  }
0x3: {  	s6 =	rddreg [dreg:$0x1];
	s0 =	stileid.u32;
	s1 =	sshll.u32 s3, $0x4  }
0x4: {  	s2 =	simm.s32 $0x0;
	s10 =	simm.s32 $0x400;
	s1 =	sor.u32 s0, s1  }
0x5: {  	s11 =	simm.s32 $0x0;
	[smem:$0x7FF] =	sst s2;
	s5 =	sshrl.u32 s1, $0x3  }
0x6: {  	s7 =	sshll.u32 s0, $0x7;
	s9 =	ssub.s32 $0x2, s3;
	s8 =	smul.u32 $0xA000, s5  }
0x7: {  	s3 =	sadd.s32 $0xC000, s4;
	s7 =	sand.u32 $0x380, s7;
	s5 =	smul.u32 $0x14000, s5  }
0x8: {  	s30 =	sshrl.u32 s9, $0x1;
	s1 =	rddreg [dreg:$0x2];
	_ =	strace $0x80000047  }
0x9: {  	s31 =	ssub.s32 s9, s30;
	s8 =	sor.u32 s7, s8;
	s5 =	sor.u32 s7, s5  }
0xa: {  	s9 =	simm.s32 $0x80;
	s8 =	sshrl.u32 s8, $0x3;
	s5 =	sshrl.u32 s5, $0x3  }
0xb: {  	s7 =	simm.s32 $0x1400;
	s8 =	sadd.s32 s8, s4;
	s5 =	sadd.s32 s6, s5  }
0xc: {  	v0 =	vimm.f32 $1.000000000e+00;
	s6 =	smax.u32 s31, $0x1;
	s4 =	sadd.s32 $0x7000, s8;
	s8 =	simm.s32 $0x1  }
.LBB2_1:
0xd: {  	[tilespmem:s7], [sflag:$0x1] =	stream.linear.gather [hbm4b:s3+s2], $0x2800, $0x38;
	[tilespmem:$0x3C00] =	vst v63  }
0xe: {  	_ =	swait.ge [sflag:s8], $0x2800  }
0xf: {  	[sflag:s8] =	ssyncset.done $0x0  }
0x10: {  	[sflag:s8] =	ssyncadd.s32 $0xFFFFD800  }
0x11: {  	[tilespmem:s2], [sflag:$0x1] =	stream.strided.gather [hbm4b:s4+s9], $0x1400, s10, s9, $0x38;
	[tilespmem:$0x3C00] =	vst v63  }
0x12: {  	_ =	swait.ge [sflag:s8], $0x1400  }
0x13: {  	[sflag:s8] =	ssyncset.done $0x0  }
0x14: {  	s13 =	simm.s32 $0x0;
	s12 =	simm.s32 $0x40;
	[sflag:s8] =	ssyncadd.s32 $0xFFFFEC00  }
.LBB2_2:
0x15: {  	p0 =	sne.s32 s12, $0x4FC0;
	v1 =	vld [tilespmem:s13+$0x0];
	_ =	sdelay $0x3  }
.Ltmp0:
0x16: {  	(pc) =	sbr.rel @p0 .LBB2_2-.Ltmp0, $2  }
0x17: {  	_ =	sdelay $0x2  }
0x18: {  	s13 =	sshra.s32 s12, $0x2;
	s12 =	sadd.s32 $0x40, s12;
	[tilespmem:v1+s7+$0x0] =	vst.idx.add.f32.msk $0xffff, v0  }
0x19: {  	v1 =	vld [tilespmem:s13+$0x0];
	_ =	sdelay $0x5  }
0x1a: {  	s11 =	sadd.s32 $0x1, s11  }
0x1b: {  	p0 =	sne.s32 s11, s6  }
.Ltmp1:
0x1c: {  	[tilespmem:v1+s7+$0x0] =	vst.idx.add.f32.msk $0xffff, v0;
	(pc) =	sbr.rel @p0 .LBB2_1-.Ltmp1, $4  }
0x1d: {  	[hbm4b:s5+s9] =	stream.strided.scatter [tilespmem:s7], [sflag:$0x1], $0x2800, s10, s9, $0x38;
	[tilespmem:$0x3C00] =	vst v63  }
0x1e: {  	_ =	swait.ge [sflag:s8], $0x2800  }
0x1f: {  	[sflag:s8] =	ssyncset.done $0x0  }
0x20: {  	[sflag:s8] =	ssyncadd.s32 $0xFFFFD800  }
0x21: {  	_ =	sfence.sel $0x180000  }
0x22: {  	[bflag:$0x0] =	sbarrier.arrive $0xFFFF  }
0x23: {  	p0 =	sne.s32 s0, $0x0;
	_ =	strace $0x90000047  }
0x24: {  	s0 =	sadd.s32 @!p0 $0x100000, s1;
	[bflag:$0x2] =	sbarrier.arrive $0xFFFF  }
0x25: {  	[sflag:s0] =	ssyncadd.tile.s32 @!p0 $0x1;
	_ =	shalt  }
.Lfunc_end2:
_tile_overlayer_lowered:
.L_overlay_start_2:
0x26: {  	(tag) =	ssettag $0x2  }
0x27: {  	s0 =	rddreg [dreg:$0x0];
	s2 =	stileid.u32  }
0x28: {  	s1 =	rddreg [dreg:$0x1];
	p0 =	sne.s32 s2, $0x0  }
0x29: {  	s3 =	rddreg [dreg:$0x2];
	[bflag:$0x3] =	sbarrier.arrive $0xFFFF;
	s2 =	simm.s32 @!p0 $0x1C01  }
0x2a: {  	[timem:s3], [sflag:s2] =	dma.local @!p0 [hbm:s0], s1  }
0x2b: {  	s0 =	simm.s32 @!p0 $0x1  }
0x2c: {  	_ =	swait.ge @!p0 [sflag:s0], s1  }
0x2d: {  	s1 =	ssub.s32 @!p0 $0x0, s1;
	[sflag:s0] =	ssyncset.done @!p0 $0x0  }
0x2e: {  	[sflag:s0] =	ssyncadd.s32 @!p0 s1  }
0x2f: {  	[bflag:$0x3] =	sbarrier.arrive $0xFFFF  }
0x30: {  	_ =	shalt  }

// kernel: kernel.13.cloned.1.call-start
scs
__scs_entry_jumppad:
0x0: {  	(pc) =	sbr.rel $0x88, $3  }
0x1: {  	(tag) =	ssettag $0x0;
	lr =	simm.s32 $0x1  }
0x2: {  	[smem:$0x3F96] =	sst lr;
	_ =	strace $0xD0000000  }
0x3: {  	_ = 	snop  }
0x4: {  	_ = 	snop  }
0x5: {  	_ = 	snop  }
0x6: {  	_ = 	snop  }
0x7: {  	_ = 	snop  }
__scs_overlays_trampoline_lowered:
0x8: {  	[smem:$0x3FA5] =	sst s0  }
0x9: {  	[smem:$0x3FA6] =	sst s1  }
0xa: {  	[smem:$0x3FA7] =	sst s2  }
0xb: {  	[smem:$0x3FA8] =	sst s3  }
0xc: {  	[smem:$0x3FA9] =	sst s4  }
0xd: {  	[smem:$0x3FAA] =	sst s5  }
0xe: {  	[smem:$0x3FAB] =	sst s6  }
0xf: {  	[smem:$0x3FAC] =	sst s7  }
0x10: {  	[smem:$0x3FAD] =	sst s8  }
0x11: {  	[smem:$0x3FAE] =	sst s9;
	s0 =	simm.s32 @!p0 $0x0  }
0x12: {  	s1 =	sld [smem:$0x3F94];
	s0 =	simm.s32 @p0 $0x1  }
0x13: {  	[smem:$0x3FAF] =	sst s0;
	s0 =	simm.s32 @!p1 $0x0  }
0x14: {  	s2 =	sld [smem:$0x3F93];
	s0 =	simm.s32 @p1 $0x1  }
0x15: {  	[smem:$0x3FB0] =	sst s0;
	s0 =	simm.s32 @!p2 $0x0  }
0x16: {  	s3 =	sld [smem:$0x3FDB];
	s0 =	simm.s32 @p2 $0x1  }
0x17: {  	s4 =	simm.s32 $0x1BF5;
	[smem:$0x3FB2] =	sst s0  }
0x18: {  	s0 =	sld [smem:$0x3F95];
	_ =	swait.ge [sflag:s4], $0x0  }
0x19: {  	s7 =	sld [smem:$0x3F96]  }
0x1a: {  	s8 =	sadd.s32 $0xFFFFE003, lr  }
0x1b: {  	s9 =	sadd.s32 $0xFFFFFEF7, lr;
	s5 =	simm.s32 $0xFFFFFFFF;
	p2 =	slt.u32 s8, $0xFFFFF086  }
0x1c: {  	p1 =	slt.u32 s9, $0xF7A;
	s5 =	simm.s32 @!p2 $0x0  }
0x1d: {  	s5 =	simm.s32 @p1 $0x1;
	p0 =	seq.s32 s7, s2  }
0x1e: {  	s7 =	smul.u32 @!p0 $0xF7A, s2;
	p2 =	seq.s32 @!p0 s5, $0x0  }
0x1f: {  	s9 =	smul.u32 $0xF7A, s1;
	s8 =	simm.s32 @!p0 $0x1BF5;
	p2 =	por !p2, p0  }
0x20: {  	[sflag:s8] =	ssyncset.s32 @!p0 $0xFFFFF086;
	s6 =	sadd.s32 @!p0 s3, s7;
	s7 =	simm.s32 @!p0 $0x108  }
0x21: {  	s3 =	sadd.s32 s3, s9;
	s6 =	sadd.s32 @!p0 $0x88, s6;
	s7 =	simm.s32 @p2 $0x1082  }
0x22: {  	[simem:s7], [sflag:s8] =	dma.local @!p0 [hbm:s6], $0xF7A  }
0x23: {  	s9 =	sor.u32 $0xD0000000, s2;
	s6 =	simm.s32 $0x108;
	_ =	swait.ge @!p0 [sflag:s8], $0x0  }
0x24: {  	s3 =	sadd.s32 $0x88, s3;
	s6 =	simm.s32 @!p1 $0x1082;
	[sflag:s4] =	ssyncset.s32 $0xFFFFF086  }
0x25: {  	[simem:s6], [sflag:s4] =	dma.local [hbm:s3], $0xF7A  }
0x26: {  	[smem:$0x3F96] =	sst s1;
	(tag) =	ssettag s2;
	_ =	strace s9  }
0x27: {  	s1 =	sld [smem:$0x3FA6]  }
0x28: {  	s2 =	sld [smem:$0x3FA7]  }
0x29: {  	s4 =	sld [smem:$0x3FA9]  }
0x2a: {  	p0 =	seq.s32 s5, $0x0;
	s5 =	sld [smem:$0x3FAA]  }
0x2b: {  	s6 =	sld [smem:$0x3FAB]  }
0x2c: {  	s7 =	sld [smem:$0x3FAC]  }
0x2d: {  	s3 =	simm.s32 $0x108;
	s8 =	sld [smem:$0x3FAD]  }
0x2e: {  	s3 =	simm.s32 @!p0 $0x1082;
	s9 =	sld [smem:$0x3FAE]  }
0x2f: {  	lr =	sadd.s32 s0, s3;
	s0 =	sld [smem:$0x3FA5]  }
0x30: {  	s3 =	sld [smem:$0x3FA8]  }
0x31: {  	[smem:$0x3FB1] =	sst s10  }
0x32: {  	s10 =	sld [smem:$0x3FAF];
	_ =	sdelay $0x3  }
0x33: {  	p0 =	seq.s32 s10, $0x1;
	s10 =	sld [smem:$0x3FB1];
	_ =	sdelay $0x3  }
0x34: {  	[smem:$0x3FB1] =	sst s10  }
0x35: {  	s10 =	sld [smem:$0x3FB0];
	_ =	sdelay $0x3  }
0x36: {  	p1 =	seq.s32 s10, $0x1;
	s10 =	sld [smem:$0x3FB1];
	_ =	sdelay $0x3  }
0x37: {  	[smem:$0x3FB1] =	sst s10  }
0x38: {  	s10 =	sld [smem:$0x3FB2]  }
0x39: {  	_ = 	snop;
	(pc) =	sbr.ind lr, $3  }
0x3a: {  	_ = 	snop  }
0x3b: {  	_ = 	snop  }
0x3c: {  	p2 =	seq.s32 s10, $0x1;
	s10 =	sld [smem:$0x3FB1]  }
0x3d: {  	_ =	shalt  }
0x3e: {  	_ =	shalt  }
0x3f: {  	_ =	shalt  }
0x40: {  	_ =	shalt  }
0x41: {  	_ =	shalt  }
0x42: {  	_ =	shalt  }
0x43: {  	_ =	shalt  }
0x44: {  	_ =	shalt  }
0x45: {  	_ =	shalt  }
0x46: {  	_ =	shalt  }
0x47: {  	_ =	shalt  }
0x48: {  	_ =	shalt  }
0x49: {  	_ =	shalt  }
0x4a: {  	_ =	shalt  }
0x4b: {  	_ =	shalt  }
0x4c: {  	_ =	shalt  }
0x4d: {  	_ =	shalt  }
0x4e: {  	_ =	shalt  }
0x4f: {  	_ =	shalt  }
0x50: {  	_ =	shalt  }
0x51: {  	_ =	shalt  }
0x52: {  	_ =	shalt  }
0x53: {  	_ =	shalt  }
0x54: {  	_ =	shalt  }
0x55: {  	_ =	shalt  }
0x56: {  	_ =	shalt  }
0x57: {  	_ =	shalt  }
0x58: {  	_ =	shalt  }
0x59: {  	_ =	shalt  }
0x5a: {  	_ =	shalt  }
0x5b: {  	_ =	shalt  }
0x5c: {  	_ =	shalt  }
0x5d: {  	_ =	shalt  }
0x5e: {  	_ =	shalt  }
0x5f: {  	_ =	shalt  }
0x60: {  	_ =	shalt  }
0x61: {  	_ =	shalt  }
0x62: {  	_ =	shalt  }
0x63: {  	_ =	shalt  }
0x64: {  	_ =	shalt  }
0x65: {  	_ =	shalt  }
0x66: {  	_ =	shalt  }
0x67: {  	_ =	shalt  }
0x68: {  	_ =	shalt  }
0x69: {  	_ =	shalt  }
0x6a: {  	_ =	shalt  }
0x6b: {  	_ =	shalt  }
0x6c: {  	_ =	shalt  }
0x6d: {  	_ =	shalt  }
0x6e: {  	_ =	shalt  }
0x6f: {  	_ =	shalt  }
0x70: {  	_ =	shalt  }
0x71: {  	_ =	shalt  }
0x72: {  	_ =	shalt  }
0x73: {  	_ =	shalt  }
0x74: {  	_ =	shalt  }
0x75: {  	_ =	shalt  }
0x76: {  	_ =	shalt  }
0x77: {  	_ =	shalt  }
0x78: {  	_ =	shalt  }
0x79: {  	_ =	shalt  }
0x7a: {  	_ =	shalt  }
0x7b: {  	_ =	shalt  }
0x7c: {  	_ =	shalt  }
0x7d: {  	_ =	shalt  }
0x7e: {  	_ =	shalt  }
0x7f: {  	_ =	shalt  }
0x80: {  	_ =	shalt  }
0x81: {  	_ =	shalt  }
0x82: {  	_ =	shalt  }
0x83: {  	_ =	shalt  }
0x84: {  	_ =	shalt  }
0x85: {  	_ =	shalt  }
0x86: {  	_ =	shalt  }
0x87: {  	_ =	shalt  }
.Lfunc_end0:
.L_simem_size_0:
called_computation.1_lowered:
.L_overlay_start_0:
0x88: {  	s2 =	sld [smem:$0x3FD9]  }
0x89: {  	s3 =	sld [smem:$0x3FFE];
	_ =	sdelay $0x1  }
0x8a: {  	s1 =	srdreg.scid  }
0x8b: {  	s0 =	sand.u32 $0x1, s1  }
0x8c: {  	s17 =	sshll.u32 s0, $0xA;
	s2 =	sadd.s32 s3, s2  }
0x8d: {  	s2 =	sadd.s32 s2, s17  }
0x8e: {  	[smem:$0x3FBD] =	sst s2  }
0x8f: {  	_ = 	snop  }
0x90: {  	s2 =	sld [smem:$0x3FD0];
	(tm) =	ssettm $0x1  }
0x91: {  	s18 =	sld [smem:$0x3FFB];
	_ =	sdelay $0x3  }
0x92: {  	_ =	strace s18  }
0x93: {  	s3 =	sld [smem:$0x3FFC];
	_ =	sdelay $0x3  }
0x94: {  	_ =	strace s3  }
0x95: {  	s3 =	sld [smem:$0x3FFD];
	_ =	sdelay $0x3  }
0x96: {  	_ =	strace s3  }
0x97: {  	_ =	strace $0x8FFFFFFF  }
0x98: {  	s19 =	sld [smem:$0x3FDB];
	_ =	sdelay $0x1  }
0x99: {  	s4 =	simm.s32 $_scs_section_size  }
0x9a: {  	s5 =	simm.s32 $_size__tile_overlayer_lowered;
	s6 =	simm.s32 $_tile_overlayer_lowered  }
0x9b: {  	s22 =	simm.s32 $0x1BFF;
	s21 =	sshll.u32 s6, $0x1;
	s3 =	sadd.s32 s4, s19  }
0x9c: {  	s7 =	simm.s32 $0x0;
	s20 =	sshll.u32 s5, $0x1;
	s5 =	sadd.s32 s21, s3  }
0x9d: {  	[timem:s7], [sflag:s22] =	dma.local [hbm:s5], s20  }
0x9e: {  	_ =	swait.ge [sflag:s22], s20  }
0x9f: {  	s4 =	ssub.s32 $0x0, s20;
	[sflag:s22] =	ssyncset.done $0x0  }
0xa0: {  	[sflag:s22] =	ssyncadd.s32 s4;
	_ =	sdelay $0x1  }
0xa1: {  	s23 =	simm.s32 $0x1B8B  }
0xa2: {  	_ =	swait.ge [sflag:s23], $0x1  }
0xa3: {  	[sflag:s23] =	ssyncset.done $0x0  }
0xa4: {  	s25 =	simm.s32 $0x1B8E;
	s24 =	sld [smem:$0x3FFE];
	[sflag:s23] =	ssyncadd.s32 $0xFFFFFFFF  }
0xa5: {  	s26 =	simm.s32 $execute0_lowered;
	[smem:$0x3FD2] =	sst s25  }
0xa6: {  	s5 =	sshll.u32 s26, $0x1;
	_ =	strace $0x80000049;
	[dreg:$0x1] =	wrdreg $0xFFFFFFFF  }
0xa7: {  	s28 =	simm.s32 $_size_execute0_lowered;
	s3 =	sadd.s32 s3, s5;
	[dreg:$0x0] =	wrdreg $0x0  }
0xa8: {  	s5 =	sshll.u32 s28, $0x1;
	[dreg:$0x2] =	wrdreg s3  }
0xa9: {  	[dreg:$0x3] =	wrdreg s5  }
0xaa: {  	[dreg:$0x4] =	wrdreg $0xC0  }
0xab: {  	_ =	task [dreg:s7], $0x5FFFF  }
0xac: {  	[dreg:$0x1] =	wrdreg $0xFFFFFFFF  }
0xad: {  	[dreg:$0x0] =	wrdreg $0x60  }
0xae: {  	[dreg:$0x2] =	wrdreg s2  }
0xaf: {  	[dreg:$0x3] =	wrdreg s24  }
0xb0: {  	[dreg:$0x4] =	wrdreg $0x28000  }
0xb1: {  	[dreg:$0x5] =	wrdreg $0x9  }
0xb2: {  	_ =	task.clear_ibuf [dreg:s7], $0x6FFFF;
	_ =	strace $0x90000049  }
0xb3: {  	s29 =	simm.s32 $0x9;
	_ =	strace $0x8000004B  }
0xb4: {  	_ =	swait.ge [sflag:s29], $0x1  }
0xb5: {  	[sflag:s29] =	ssyncadd.s32 $0xFFFFFFFF  }
0xb6: {  	_ =	strace $0x9000004B  }
0xb7: {  	_ =	sfence  }
0xb8: {  	s30 =	sld [smem:$0x0];
	_ =	sdelay $0x2  }
0xb9: {  	s31 =	sshll.u32 s1, $0xD;
	s1 =	sshrl.u32 s1, $0x2  }
0xba: {  	s3 =	sand.u32 $0x4000, s31;
	s1 =	sadd.s32 s1, s30  }
0xbb: {  	s0 =	sor.u32 s3, s0;
	s1 =	sshll.u32 s1, $0x11  }
0xbc: {  	s0 =	sor.u32 s1, s0  }
0xbd: {  	s0 =	sadd.s32 $0x8F2B, s0  }
0xbe: {  	[sflag:s0] =	ssyncadd.remote.s32 $0x1  }
0xbf: {  	_ =	sfence.sel $0xFFFF  }
0xc0: {  	[dreg:$0x0] =	wrdreg $0xFFFFFFFF;
	(pc) =	sbr.abs _section_cstart, $3  }
0xc1: {  	[dreg:$0x1] =	wrdreg $0xFFFFFFFF  }
0xc2: {  	_ =	task.clear_ibuf [dreg:s7], $0x2FFFF;
	_ =	strace $0x9FFFFFFF  }
0xc3: {  	(tm) =	ssettm $0x7FFFFFFF  }
tec
execute0_lowered:
.L_overlay_start_1:
0x0: {  	(tag) =	ssettag $0x1  }
0x1: {  	s1 =	rddreg [dreg:$0x0]  }
0x2: {  	s2 =	srdreg.scid;
	s6 =	rddreg [dreg:$0x1]  }
0x3: {  	s0 =	stileid.u32;
	s3 =	rddreg [dreg:$0x2]  }
0x4: {  	s4 =	simm.s32 $0x0;
	s14 =	simm.s32 $0x16800;
	s15 =	simm.s32 $0x1A800  }
0x5: {  	s16 =	simm.s32 $0x1;
	s17 =	simm.s32 $0x3;
	s18 =	simm.s32 $0x2  }
0x6: {  	s19 =	simm.s32 $0x4;
	s20 =	simm.s32 $0x2700;
	s21 =	simm.s32 $0x2780  }
0x7: {  	s7 =	sand.u32 $0x1, s2;
	s24 =	smul.u32 $0x2800, s0;
	s2 =	rddreg [dreg:$0x3]  }
0x8: {  	[smem:$0x7FF] =	sst s4;
	s10 =	smul.u32 $0x50000, s0;
	s31 =	sshll.u32 s0, $0x6  }
0x9: {  	s8 =	smul.u32 $0x28000, s7;
	_ =	strace $0x8000004A;
	s7 =	ssub.s32 $0x2, s7  }
0xa: {  	s26 =	sshrl.u32 s24, $0x3;
	s28 =	sshrl.u32 s7, $0x1;
	s29 =	sshrl.u32 s10, $0x2  }
0xb: {  	s5 =	sadd.s32 s24, s8;
	s11 =	sadd.s32 s26, s6;
	s12 =	sadd.s32 s8, s6  }
0xc: {  	s30 =	ssub.s32 s7, s28;
	s13 =	sadd.s32 s29, s3;
	s5 =	sshrl.u32 s5, $0x3  }
0xd: {  	s8 =	sadd.s32 $0x2000, s11;
	s25 =	sadd.s32 $0x16600, s12;
	s10 =	sshrl.u32 s13, $0x3  }
0xe: {  	s11 =	simm.s32 $0x5;
	s12 =	simm.s32 $0x1400;
	s13 =	simm.s32 $0x80  }
0xf: {  	s9 =	sadd.s32 s5, s6;
	s5 =	sadd.s32 $0x7000, s6;
	s6 =	sor.u32 $0x1C05, s31  }
0x10: {  	s23 =	sadd.s32 $0x280, s8;
	s24 =	sadd.s32 s24, s25;
	s7 =	sadd.s32 $0xC600, s9  }
0x11: {  	s25 =	simm.s32 $0x0;
	s9 =	smax.u32 s30, $0x1;
	s22 =	sadd.s32 $0x280, s7  }
.LBB2_1:
0x12: {  	[spmem:s10], [sflag:s6] =	dma.local [hbm:s5], $0x2800  }
0x13: {  	_ =	swait.ge [sflag:s11], $0x2800  }
0x14: {  	[sflag:s11] =	ssyncset.done $0x0  }
0x15: {  	[sflag:s11] =	ssyncadd.s32 $0xFFFFD800  }
0x16: {  	[bflag:$0x0] =	sbarrier.arrive $0xFFFF  }
0x17: {  	[tilespmem:s4], [sflag:$0x5] =	stream.linear.gather [hbm4b:s7+s4], $0x1400, $0x38;
	[tilespmem:$0x1E800] =	vst v63  }
0x18: {  	_ =	swait.ge [sflag:s11], $0x1400  }
0x19: {  	[sflag:s11] =	ssyncset.done $0x0  }
0x1a: {  	[sflag:s11] =	ssyncadd.s32 $0xFFFFEC00  }
0x1b: {  	[tilespmem:s12], [sflag:$0x5] =	stream.linear.gather [hbm4b:s8+s4], $0x1400, $0x38;
	[tilespmem:$0x1E800] =	vst v63  }
0x1c: {  	_ =	swait.ge [sflag:s11], $0x1400  }
0x1d: {  	[sflag:s11] =	ssyncset.done $0x0  }
0x1e: {  	[sflag:s11] =	ssyncadd.s32 $0xFFFFEC00  }
0x1f: {  	[tilespmem:s14], [sflag:$0x1] =	stream.indirect.gather [hbm4b:s1+s13], $0x80, s4, s13, $0xb8;
	[tilespmem:$0x1E800] =	vst v63  }
0x20: {  	_ = 	snop  }
0x21: {  	[tilespmem:s15], [sflag:$0x2] =	stream.indirect.gather [hbm4b:s1+s13], $0x80, s13, s13, $0xb8;
	[tilespmem:$0x1E800] =	vst v63  }
0x22: {  	_ =	swait.ge [sflag:s16], $0x4000  }
0x23: {  	[sflag:s16] =	ssyncset.done $0x0  }
0x24: {  	s26 =	simm.s32 $0x1400;
	[sflag:s16] =	ssyncadd.s32 $0xFFFFC000  }
0x25: {  	[spmem:s3] =	stream.indirect.scatter.add.f32 [tilespmem:s14], [sflag:$0x3], $0x80, s26, s13, $0xb8;
	[tilespmem:$0x1E800] =	vst v63  }
0x26: {  	_ =	swait.ge [sflag:s17], $0x4000  }
0x27: {  	[sflag:s17] =	ssyncset.done $0x0  }
0x28: {  	s30 =	simm.s32 $0x100;
	[sflag:s17] =	ssyncadd.s32 $0xFFFFC000  }
0x29: {  	[tilespmem:s14], [sflag:$0x1] =	stream.indirect.gather [hbm4b:s1+s13], $0x80, s30, s13, $0xb8;
	[tilespmem:$0x1E800] =	vst v63  }
0x2a: {  	_ =	swait.ge [sflag:s18], $0x4000  }
0x2b: {  	[sflag:s18] =	ssyncset.done $0x0  }
0x2c: {  	s31 =	simm.s32 $0x1480;
	[sflag:s18] =	ssyncadd.s32 $0xFFFFC000  }
0x2d: {  	[spmem:s3] =	stream.indirect.scatter.add.f32 [tilespmem:s15], [sflag:$0x4], $0x80, s31, s13, $0xb8;
	[tilespmem:$0x1E800] =	vst v63  }
0x2e: {  	_ =	swait.ge [sflag:s19], $0x4000  }
0x2f: {  	[sflag:s19] =	ssyncset.done $0x0  }
0x30: {  	s28 =	simm.s32 $0x180;
	s26 =	simm.s32 $0x400;
	[sflag:s19] =	ssyncadd.s32 $0xFFFFC000  }
.LBB2_2:
0x31: {  	[tilespmem:s15], [sflag:$0x2] =	stream.indirect.gather [hbm4b:s1+s13], $0x80, s28, s13, $0xb8;
	[tilespmem:$0x1E800] =	vst v63  }
0x32: {  	s28 =	smov.u32 s26  }
0x33: {  	p0 =	sne.s32 s26, $0x4800;
	s26 =	sadd.s32 $0x400, s26;
	_ =	swait.ge [sflag:s16], $0x4000  }
0x34: {  	s28 =	sshra.s32 s28, $0x2;
	[sflag:s16] =	ssyncset.done $0x0  }
0x35: {  	s29 =	sadd.s32 $0x1400, s28;
	[sflag:s16] =	ssyncadd.s32 $0xFFFFC000  }
0x36: {  	[spmem:s3] =	stream.indirect.scatter.add.f32 [tilespmem:s14], [sflag:$0x3], $0x80, s29, s13, $0xb8;
	[tilespmem:$0x1E800] =	vst v63  }
0x37: {  	_ =	swait.ge [sflag:s17], $0x4000  }
0x38: {  	[sflag:s17] =	ssyncset.done $0x0  }
0x39: {  	s29 =	sadd.s32 $0x100, s28;
	[sflag:s17] =	ssyncadd.s32 $0xFFFFC000  }
0x3a: {  	[tilespmem:s14], [sflag:$0x1] =	stream.indirect.gather [hbm4b:s1+s13], $0x80, s29, s13, $0xb8;
	[tilespmem:$0x1E800] =	vst v63  }
0x3b: {  	_ =	swait.ge [sflag:s18], $0x4000  }
0x3c: {  	[sflag:s18] =	ssyncset.done $0x0  }
.Ltmp0:
0x3d: {  	s29 =	sadd.s32 $0x1480, s28;
	[sflag:s18] =	ssyncadd.s32 $0xFFFFC000;
	(pc) =	sbr.rel @p0 .LBB2_2-.Ltmp0, $4  }
0x3e: {  	[spmem:s3] =	stream.indirect.scatter.add.f32 [tilespmem:s15], [sflag:$0x4], $0x80, s29, s13, $0xb8;
	[tilespmem:$0x1E800] =	vst v63  }
0x3f: {  	_ =	swait.ge [sflag:s19], $0x4000  }
0x40: {  	[sflag:s19] =	ssyncset.done $0x0  }
0x41: {  	s28 =	sadd.s32 $0x180, s28;
	[sflag:s19] =	ssyncadd.s32 $0xFFFFC000  }
0x42: {  	[tilespmem:s15], [sflag:$0x2] =	stream.indirect.gather [hbm4b:s1+s13], $0x80, s28, s13, $0xb8;
	[tilespmem:$0x1E800] =	vst v63  }
0x43: {  	_ =	swait.ge [sflag:s16], $0x4000  }
0x44: {  	[sflag:s16] =	ssyncset.done $0x0  }
0x45: {  	[sflag:s16] =	ssyncadd.s32 $0xFFFFC000  }
0x46: {  	[spmem:s3] =	stream.indirect.scatter.add.f32 [tilespmem:s14], [sflag:$0x3], $0x80, s20, s13, $0xb8;
	[tilespmem:$0x1E800] =	vst v63  }
0x47: {  	_ =	swait.ge [sflag:s18], $0x4000  }
0x48: {  	[sflag:s18] =	ssyncset.done $0x0  }
0x49: {  	[sflag:s18] =	ssyncadd.s32 $0xFFFFC000  }
0x4a: {  	[spmem:s3] =	stream.indirect.scatter.add.f32 [tilespmem:s15], [sflag:$0x4], $0x80, s21, s13, $0xb8;
	[tilespmem:$0x1E800] =	vst v63  }
0x4b: {  	_ =	swait.ge [sflag:s17], $0x4000  }
0x4c: {  	[sflag:s17] =	ssyncset.done $0x0  }
0x4d: {  	[sflag:s17] =	ssyncadd.s32 $0xFFFFC000  }
0x4e: {  	_ =	swait.ge [sflag:s19], $0x4000  }
0x4f: {  	[sflag:s19] =	ssyncset.done $0x0  }
0x50: {  	s26 =	simm.s32 $0x0;
	[sflag:s19] =	ssyncadd.s32 $0xFFFFC000  }
0x51: {  	[tilespmem:s26], [sflag:$0x5] =	stream.linear.gather [hbm4b:s22+s26], $0x1400, $0x38;
	[tilespmem:$0x1E800] =	vst v63  }
0x52: {  	_ =	swait.ge [sflag:s11], $0x1400  }
0x53: {  	[sflag:s11] =	ssyncset.done $0x0  }
0x54: {  	[sflag:s11] =	ssyncadd.s32 $0xFFFFEC00  }
0x55: {  	[tilespmem:s12], [sflag:$0x5] =	stream.linear.gather [hbm4b:s23+s26], $0x1400, $0x38;
	[tilespmem:$0x1E800] =	vst v63  }
0x56: {  	_ =	swait.ge [sflag:s11], $0x1400  }
0x57: {  	[sflag:s11] =	ssyncset.done $0x0  }
0x58: {  	[sflag:s11] =	ssyncadd.s32 $0xFFFFEC00  }
0x59: {  	[tilespmem:s14], [sflag:$0x1] =	stream.indirect.gather [hbm4b:s1+s13], $0x80, s26, s13, $0xb8;
	[tilespmem:$0x1E800] =	vst v63  }
0x5a: {  	_ = 	snop  }
0x5b: {  	[tilespmem:s15], [sflag:$0x2] =	stream.indirect.gather [hbm4b:s1+s13], $0x80, s13, s13, $0xb8;
	[tilespmem:$0x1E800] =	vst v63  }
0x5c: {  	_ =	swait.ge [sflag:s16], $0x4000  }
0x5d: {  	[sflag:s16] =	ssyncset.done $0x0  }
0x5e: {  	s29 =	simm.s32 $0x1400;
	[sflag:s16] =	ssyncadd.s32 $0xFFFFC000  }
0x5f: {  	[spmem:s3] =	stream.indirect.scatter.add.f32 [tilespmem:s14], [sflag:$0x3], $0x80, s29, s13, $0xb8;
	[tilespmem:$0x1E800] =	vst v63  }
0x60: {  	_ =	swait.ge [sflag:s17], $0x4000  }
0x61: {  	[sflag:s17] =	ssyncset.done $0x0  }
0x62: {  	s30 =	simm.s32 $0x100;
	[sflag:s17] =	ssyncadd.s32 $0xFFFFC000  }
0x63: {  	[tilespmem:s14], [sflag:$0x1] =	stream.indirect.gather [hbm4b:s1+s13], $0x80, s30, s13, $0xb8;
	[tilespmem:$0x1E800] =	vst v63  }
0x64: {  	_ =	swait.ge [sflag:s18], $0x4000  }
0x65: {  	[sflag:s18] =	ssyncset.done $0x0  }
0x66: {  	s31 =	simm.s32 $0x1480;
	[sflag:s18] =	ssyncadd.s32 $0xFFFFC000  }
0x67: {  	[spmem:s3] =	stream.indirect.scatter.add.f32 [tilespmem:s15], [sflag:$0x4], $0x80, s31, s13, $0xb8;
	[tilespmem:$0x1E800] =	vst v63  }
0x68: {  	_ =	swait.ge [sflag:s19], $0x4000  }
0x69: {  	[sflag:s19] =	ssyncset.done $0x0  }
0x6a: {  	s28 =	simm.s32 $0x180;
	s26 =	simm.s32 $0x400;
	[sflag:s19] =	ssyncadd.s32 $0xFFFFC000  }
.LBB2_4:
0x6b: {  	[tilespmem:s15], [sflag:$0x2] =	stream.indirect.gather [hbm4b:s1+s13], $0x80, s28, s13, $0xb8;
	[tilespmem:$0x1E800] =	vst v63  }
0x6c: {  	s28 =	smov.u32 s26  }
0x6d: {  	p0 =	sne.s32 s26, $0x4800;
	s26 =	sadd.s32 $0x400, s26;
	_ =	swait.ge [sflag:s16], $0x4000  }
0x6e: {  	s28 =	sshra.s32 s28, $0x2;
	[sflag:s16] =	ssyncset.done $0x0  }
0x6f: {  	s29 =	sadd.s32 $0x1400, s28;
	[sflag:s16] =	ssyncadd.s32 $0xFFFFC000  }
0x70: {  	[spmem:s3] =	stream.indirect.scatter.add.f32 [tilespmem:s14], [sflag:$0x3], $0x80, s29, s13, $0xb8;
	[tilespmem:$0x1E800] =	vst v63  }
0x71: {  	_ =	swait.ge [sflag:s17], $0x4000  }
0x72: {  	[sflag:s17] =	ssyncset.done $0x0  }
0x73: {  	s29 =	sadd.s32 $0x100, s28;
	[sflag:s17] =	ssyncadd.s32 $0xFFFFC000  }
0x74: {  	[tilespmem:s14], [sflag:$0x1] =	stream.indirect.gather [hbm4b:s1+s13], $0x80, s29, s13, $0xb8;
	[tilespmem:$0x1E800] =	vst v63  }
0x75: {  	_ =	swait.ge [sflag:s18], $0x4000  }
0x76: {  	[sflag:s18] =	ssyncset.done $0x0  }
.Ltmp1:
0x77: {  	s29 =	sadd.s32 $0x1480, s28;
	[sflag:s18] =	ssyncadd.s32 $0xFFFFC000;
	(pc) =	sbr.rel @p0 .LBB2_4-.Ltmp1, $4  }
0x78: {  	[spmem:s3] =	stream.indirect.scatter.add.f32 [tilespmem:s15], [sflag:$0x4], $0x80, s29, s13, $0xb8;
	[tilespmem:$0x1E800] =	vst v63  }
0x79: {  	_ =	swait.ge [sflag:s19], $0x4000  }
0x7a: {  	[sflag:s19] =	ssyncset.done $0x0  }
0x7b: {  	s28 =	sadd.s32 $0x180, s28;
	[sflag:s19] =	ssyncadd.s32 $0xFFFFC000  }
0x7c: {  	[tilespmem:s15], [sflag:$0x2] =	stream.indirect.gather [hbm4b:s1+s13], $0x80, s28, s13, $0xb8;
	[tilespmem:$0x1E800] =	vst v63  }
0x7d: {  	_ =	swait.ge [sflag:s16], $0x4000  }
0x7e: {  	[sflag:s16] =	ssyncset.done $0x0  }
0x7f: {  	[sflag:s16] =	ssyncadd.s32 $0xFFFFC000  }
0x80: {  	[spmem:s3] =	stream.indirect.scatter.add.f32 [tilespmem:s14], [sflag:$0x3], $0x80, s20, s13, $0xb8;
	[tilespmem:$0x1E800] =	vst v63  }
0x81: {  	_ =	swait.ge [sflag:s18], $0x4000  }
0x82: {  	[sflag:s18] =	ssyncset.done $0x0  }
0x83: {  	[sflag:s18] =	ssyncadd.s32 $0xFFFFC000  }
0x84: {  	[spmem:s3] =	stream.indirect.scatter.add.f32 [tilespmem:s15], [sflag:$0x4], $0x80, s21, s13, $0xb8;
	[tilespmem:$0x1E800] =	vst v63  }
0x85: {  	_ =	swait.ge [sflag:s17], $0x4000  }
0x86: {  	[sflag:s17] =	ssyncset.done $0x0  }
0x87: {  	[sflag:s17] =	ssyncadd.s32 $0xFFFFC000  }
0x88: {  	_ =	swait.ge [sflag:s19], $0x4000  }
0x89: {  	s25 =	sadd.s32 $0x1, s25;
	[sflag:s19] =	ssyncset.done $0x0  }
0x8a: {  	p0 =	sne.s32 s25, s9;
	[sflag:s19] =	ssyncadd.s32 $0xFFFFC000  }
.Ltmp2:
0x8b: {  	[bflag:$0x0] =	sbarrier.arrive $0xFFFF;
	(pc) =	sbr.rel @p0 .LBB2_1-.Ltmp2, $4  }
0x8c: {  	[hbm:s24], [sflag:s6] =	dma.local [spmem:s10], $0x2800  }
0x8d: {  	_ =	swait.ge [sflag:s11], $0x2800  }
0x8e: {  	[sflag:s11] =	ssyncset.done $0x0  }
0x8f: {  	[sflag:s11] =	ssyncadd.s32 $0xFFFFD800  }
0x90: {  	_ =	sfence.sel $0x180000  }
0x91: {  	[bflag:$0x0] =	sbarrier.arrive $0xFFFF  }
0x92: {  	p0 =	sne.s32 s0, $0x0;
	_ =	strace $0x9000004A  }
0x93: {  	s0 =	sadd.s32 @!p0 $0x100000, s2;
	[bflag:$0x2] =	sbarrier.arrive $0xFFFF  }
0x94: {  	[sflag:s0] =	ssyncadd.tile.s32 @!p0 $0x1;
	_ =	shalt  }
.Lfunc_end2:
_tile_overlayer_lowered:
.L_overlay_start_2:
0x95: {  	(tag) =	ssettag $0x2  }
0x96: {  	s0 =	rddreg [dreg:$0x0];
	s2 =	stileid.u32  }
0x97: {  	s1 =	rddreg [dreg:$0x1];
	p0 =	sne.s32 s2, $0x0  }
0x98: {  	s3 =	rddreg [dreg:$0x2];
	[bflag:$0x3] =	sbarrier.arrive $0xFFFF;
	s2 =	simm.s32 @!p0 $0x1C05  }
0x99: {  	[timem:s3], [sflag:s2] =	dma.local @!p0 [hbm:s0], s1  }
0x9a: {  	s0 =	simm.s32 @!p0 $0x5  }
0x9b: {  	_ =	swait.ge @!p0 [sflag:s0], s1  }
0x9c: {  	s1 =	ssub.s32 @!p0 $0x0, s1;
	[sflag:s0] =	ssyncset.done @!p0 $0x0  }
0x9d: {  	[sflag:s0] =	ssyncadd.s32 @!p0 s1  }
0x9e: {  	[bflag:$0x3] =	sbarrier.arrive $0xFFFF  }
0x9f: {  	_ =	shalt  }

// kernel: kernel.16.cloned.1.call-start
scs
__scs_entry_jumppad:
0x0: {  	(pc) =	sbr.rel $0x88, $3  }
0x1: {  	(tag) =	ssettag $0x0;
	lr =	simm.s32 $0x1  }
0x2: {  	[smem:$0x3F96] =	sst lr;
	_ =	strace $0xD0000000  }
0x3: {  	_ = 	snop  }
0x4: {  	_ = 	snop  }
0x5: {  	_ = 	snop  }
0x6: {  	_ = 	snop  }
0x7: {  	_ = 	snop  }
__scs_overlays_trampoline_lowered:
0x8: {  	[smem:$0x3FA5] =	sst s0  }
0x9: {  	[smem:$0x3FA6] =	sst s1  }
0xa: {  	[smem:$0x3FA7] =	sst s2  }
0xb: {  	[smem:$0x3FA8] =	sst s3  }
0xc: {  	[smem:$0x3FA9] =	sst s4  }
0xd: {  	[smem:$0x3FAA] =	sst s5  }
0xe: {  	[smem:$0x3FAB] =	sst s6  }
0xf: {  	[smem:$0x3FAC] =	sst s7  }
0x10: {  	[smem:$0x3FAD] =	sst s8  }
0x11: {  	[smem:$0x3FAE] =	sst s9;
	s0 =	simm.s32 @!p0 $0x0  }
0x12: {  	s1 =	sld [smem:$0x3F94];
	s0 =	simm.s32 @p0 $0x1  }
0x13: {  	[smem:$0x3FAF] =	sst s0;
	s0 =	simm.s32 @!p1 $0x0  }
0x14: {  	s2 =	sld [smem:$0x3F93];
	s0 =	simm.s32 @p1 $0x1  }
0x15: {  	[smem:$0x3FB0] =	sst s0;
	s0 =	simm.s32 @!p2 $0x0  }
0x16: {  	s3 =	sld [smem:$0x3FDB];
	s0 =	simm.s32 @p2 $0x1  }
0x17: {  	s4 =	simm.s32 $0x1BF5;
	[smem:$0x3FB2] =	sst s0  }
0x18: {  	s0 =	sld [smem:$0x3F95];
	_ =	swait.ge [sflag:s4], $0x0  }
0x19: {  	s7 =	sld [smem:$0x3F96]  }
0x1a: {  	s8 =	sadd.s32 $0xFFFFE003, lr  }
0x1b: {  	s9 =	sadd.s32 $0xFFFFFEF7, lr;
	s5 =	simm.s32 $0xFFFFFFFF;
	p2 =	slt.u32 s8, $0xFFFFF086  }
0x1c: {  	p1 =	slt.u32 s9, $0xF7A;
	s5 =	simm.s32 @!p2 $0x0  }
0x1d: {  	s5 =	simm.s32 @p1 $0x1;
	p0 =	seq.s32 s7, s2  }
0x1e: {  	s7 =	smul.u32 @!p0 $0xF7A, s2;
	p2 =	seq.s32 @!p0 s5, $0x0  }
0x1f: {  	s9 =	smul.u32 $0xF7A, s1;
	s8 =	simm.s32 @!p0 $0x1BF5;
	p2 =	por !p2, p0  }
0x20: {  	[sflag:s8] =	ssyncset.s32 @!p0 $0xFFFFF086;
	s6 =	sadd.s32 @!p0 s3, s7;
	s7 =	simm.s32 @!p0 $0x108  }
0x21: {  	s3 =	sadd.s32 s3, s9;
	s6 =	sadd.s32 @!p0 $0x88, s6;
	s7 =	simm.s32 @p2 $0x1082  }
0x22: {  	[simem:s7], [sflag:s8] =	dma.local @!p0 [hbm:s6], $0xF7A  }
0x23: {  	s9 =	sor.u32 $0xD0000000, s2;
	s6 =	simm.s32 $0x108;
	_ =	swait.ge @!p0 [sflag:s8], $0x0  }
0x24: {  	s3 =	sadd.s32 $0x88, s3;
	s6 =	simm.s32 @!p1 $0x1082;
	[sflag:s4] =	ssyncset.s32 $0xFFFFF086  }
0x25: {  	[simem:s6], [sflag:s4] =	dma.local [hbm:s3], $0xF7A  }
0x26: {  	[smem:$0x3F96] =	sst s1;
	(tag) =	ssettag s2;
	_ =	strace s9  }
0x27: {  	s1 =	sld [smem:$0x3FA6]  }
0x28: {  	s2 =	sld [smem:$0x3FA7]  }
0x29: {  	s4 =	sld [smem:$0x3FA9]  }
0x2a: {  	p0 =	seq.s32 s5, $0x0;
	s5 =	sld [smem:$0x3FAA]  }
0x2b: {  	s6 =	sld [smem:$0x3FAB]  }
0x2c: {  	s7 =	sld [smem:$0x3FAC]  }
0x2d: {  	s3 =	simm.s32 $0x108;
	s8 =	sld [smem:$0x3FAD]  }
0x2e: {  	s3 =	simm.s32 @!p0 $0x1082;
	s9 =	sld [smem:$0x3FAE]  }
0x2f: {  	lr =	sadd.s32 s0, s3;
	s0 =	sld [smem:$0x3FA5]  }
0x30: {  	s3 =	sld [smem:$0x3FA8]  }
0x31: {  	[smem:$0x3FB1] =	sst s10  }
0x32: {  	s10 =	sld [smem:$0x3FAF];
	_ =	sdelay $0x3  }
0x33: {  	p0 =	seq.s32 s10, $0x1;
	s10 =	sld [smem:$0x3FB1];
	_ =	sdelay $0x3  }
0x34: {  	[smem:$0x3FB1] =	sst s10  }
0x35: {  	s10 =	sld [smem:$0x3FB0];
	_ =	sdelay $0x3  }
0x36: {  	p1 =	seq.s32 s10, $0x1;
	s10 =	sld [smem:$0x3FB1];
	_ =	sdelay $0x3  }
0x37: {  	[smem:$0x3FB1] =	sst s10  }
0x38: {  	s10 =	sld [smem:$0x3FB2]  }
0x39: {  	_ = 	snop;
	(pc) =	sbr.ind lr, $3  }
0x3a: {  	_ = 	snop  }
0x3b: {  	_ = 	snop  }
0x3c: {  	p2 =	seq.s32 s10, $0x1;
	s10 =	sld [smem:$0x3FB1]  }
0x3d: {  	_ =	shalt  }
0x3e: {  	_ =	shalt  }
0x3f: {  	_ =	shalt  }
0x40: {  	_ =	shalt  }
0x41: {  	_ =	shalt  }
0x42: {  	_ =	shalt  }
0x43: {  	_ =	shalt  }
0x44: {  	_ =	shalt  }
0x45: {  	_ =	shalt  }
0x46: {  	_ =	shalt  }
0x47: {  	_ =	shalt  }
0x48: {  	_ =	shalt  }
0x49: {  	_ =	shalt  }
0x4a: {  	_ =	shalt  }
0x4b: {  	_ =	shalt  }
0x4c: {  	_ =	shalt  }
0x4d: {  	_ =	shalt  }
0x4e: {  	_ =	shalt  }
0x4f: {  	_ =	shalt  }
0x50: {  	_ =	shalt  }
0x51: {  	_ =	shalt  }
0x52: {  	_ =	shalt  }
0x53: {  	_ =	shalt  }
0x54: {  	_ =	shalt  }
0x55: {  	_ =	shalt  }
0x56: {  	_ =	shalt  }
0x57: {  	_ =	shalt  }
0x58: {  	_ =	shalt  }
0x59: {  	_ =	shalt  }
0x5a: {  	_ =	shalt  }
0x5b: {  	_ =	shalt  }
0x5c: {  	_ =	shalt  }
0x5d: {  	_ =	shalt  }
0x5e: {  	_ =	shalt  }
0x5f: {  	_ =	shalt  }
0x60: {  	_ =	shalt  }
0x61: {  	_ =	shalt  }
0x62: {  	_ =	shalt  }
0x63: {  	_ =	shalt  }
0x64: {  	_ =	shalt  }
0x65: {  	_ =	shalt  }
0x66: {  	_ =	shalt  }
0x67: {  	_ =	shalt  }
0x68: {  	_ =	shalt  }
0x69: {  	_ =	shalt  }
0x6a: {  	_ =	shalt  }
0x6b: {  	_ =	shalt  }
0x6c: {  	_ =	shalt  }
0x6d: {  	_ =	shalt  }
0x6e: {  	_ =	shalt  }
0x6f: {  	_ =	shalt  }
0x70: {  	_ =	shalt  }
0x71: {  	_ =	shalt  }
0x72: {  	_ =	shalt  }
0x73: {  	_ =	shalt  }
0x74: {  	_ =	shalt  }
0x75: {  	_ =	shalt  }
0x76: {  	_ =	shalt  }
0x77: {  	_ =	shalt  }
0x78: {  	_ =	shalt  }
0x79: {  	_ =	shalt  }
0x7a: {  	_ =	shalt  }
0x7b: {  	_ =	shalt  }
0x7c: {  	_ =	shalt  }
0x7d: {  	_ =	shalt  }
0x7e: {  	_ =	shalt  }
0x7f: {  	_ =	shalt  }
0x80: {  	_ =	shalt  }
0x81: {  	_ =	shalt  }
0x82: {  	_ =	shalt  }
0x83: {  	_ =	shalt  }
0x84: {  	_ =	shalt  }
0x85: {  	_ =	shalt  }
0x86: {  	_ =	shalt  }
0x87: {  	_ =	shalt  }
.Lfunc_end0:
.L_simem_size_0:
called_computation.2_lowered:
.L_overlay_start_0:
0x88: {  	s2 =	sld [smem:$0x3FD9]  }
0x89: {  	s3 =	sld [smem:$0x3FFE];
	_ =	sdelay $0x1  }
0x8a: {  	s1 =	srdreg.scid  }
0x8b: {  	s0 =	sand.u32 $0x1, s1  }
0x8c: {  	s16 =	sshll.u32 s0, $0xA;
	s2 =	sadd.s32 s3, s2  }
0x8d: {  	s2 =	sadd.s32 s2, s16  }
0x8e: {  	[smem:$0x3FBD] =	sst s2  }
0x8f: {  	_ = 	snop  }
0x90: {  	(tm) =	ssettm $0x1  }
0x91: {  	s17 =	sld [smem:$0x3FFB];
	_ =	sdelay $0x3  }
0x92: {  	_ =	strace s17  }
0x93: {  	s2 =	sld [smem:$0x3FFC];
	_ =	sdelay $0x3  }
0x94: {  	_ =	strace s2  }
0x95: {  	s2 =	sld [smem:$0x3FFD];
	_ =	sdelay $0x3  }
0x96: {  	_ =	strace s2  }
0x97: {  	_ =	strace $0x8FFFFFFF  }
0x98: {  	s18 =	sld [smem:$0x3FDB];
	_ =	sdelay $0x1  }
0x99: {  	s19 =	simm.s32 $_scs_section_size  }
0x9a: {  	s4 =	simm.s32 $_size__tile_overlayer_lowered;
	s5 =	simm.s32 $_tile_overlayer_lowered  }
0x9b: {  	s22 =	simm.s32 $0x1BFF;
	s21 =	sshll.u32 s5, $0x1;
	s2 =	sadd.s32 s19, s18  }
0x9c: {  	s6 =	simm.s32 $0x0;
	s20 =	sshll.u32 s4, $0x1;
	s4 =	sadd.s32 s21, s2  }
0x9d: {  	[timem:s6], [sflag:s22] =	dma.local [hbm:s4], s20  }
0x9e: {  	_ =	swait.ge [sflag:s22], s20  }
0x9f: {  	s3 =	ssub.s32 $0x0, s20;
	[sflag:s22] =	ssyncset.done $0x0  }
0xa0: {  	[sflag:s22] =	ssyncadd.s32 s3;
	_ =	sdelay $0x1  }
0xa1: {  	s23 =	simm.s32 $0x1B8B  }
0xa2: {  	_ =	swait.ge [sflag:s23], $0x1  }
0xa3: {  	[sflag:s23] =	ssyncset.done $0x0  }
0xa4: {  	s25 =	simm.s32 $0x1B8E;
	s24 =	sld [smem:$0x3FFE];
	[sflag:s23] =	ssyncadd.s32 $0xFFFFFFFF  }
0xa5: {  	s26 =	simm.s32 $execute0_lowered;
	[smem:$0x3FD2] =	sst s25  }
0xa6: {  	s4 =	sshll.u32 s26, $0x1;
	_ =	strace $0x8000004C;
	[dreg:$0x1] =	wrdreg $0xFFFFFFFF  }
0xa7: {  	s28 =	simm.s32 $_size_execute0_lowered;
	s2 =	sadd.s32 s2, s4;
	[dreg:$0x0] =	wrdreg $0x0  }
0xa8: {  	s4 =	sshll.u32 s28, $0x1;
	[dreg:$0x2] =	wrdreg s2  }
0xa9: {  	[dreg:$0x3] =	wrdreg s4  }
0xaa: {  	[dreg:$0x4] =	wrdreg $0xC0  }
0xab: {  	_ =	task [dreg:s6], $0x5FFFF  }
0xac: {  	[dreg:$0x1] =	wrdreg $0xFFFFFFFF  }
0xad: {  	[dreg:$0x0] =	wrdreg $0x60  }
0xae: {  	[dreg:$0x2] =	wrdreg s24  }
0xaf: {  	[dreg:$0x3] =	wrdreg $0x28000  }
0xb0: {  	[dreg:$0x4] =	wrdreg $0x9  }
0xb1: {  	_ =	task.clear_ibuf [dreg:s6], $0x5FFFF;
	_ =	strace $0x9000004C  }
0xb2: {  	s29 =	simm.s32 $0x9;
	_ =	strace $0x8000004E  }
0xb3: {  	_ =	swait.ge [sflag:s29], $0x1  }
0xb4: {  	[sflag:s29] =	ssyncadd.s32 $0xFFFFFFFF  }
0xb5: {  	_ =	strace $0x9000004E  }
0xb6: {  	_ =	sfence  }
0xb7: {  	s30 =	sld [smem:$0x0];
	_ =	sdelay $0x2  }
0xb8: {  	s31 =	sshll.u32 s1, $0xD;
	s1 =	sshrl.u32 s1, $0x2  }
0xb9: {  	s3 =	sand.u32 $0x4000, s31;
	s1 =	sadd.s32 s1, s30  }
0xba: {  	s0 =	sor.u32 s3, s0;
	s1 =	sshll.u32 s1, $0x11  }
0xbb: {  	s0 =	sor.u32 s1, s0  }
0xbc: {  	s0 =	sadd.s32 $0x8F2B, s0  }
0xbd: {  	[sflag:s0] =	ssyncadd.remote.s32 $0x1  }
0xbe: {  	_ =	sfence.sel $0xFFFF  }
0xbf: {  	[dreg:$0x0] =	wrdreg $0xFFFFFFFF;
	(pc) =	sbr.abs _section_cstart, $3  }
0xc0: {  	[dreg:$0x1] =	wrdreg $0xFFFFFFFF  }
0xc1: {  	_ =	task.clear_ibuf [dreg:s6], $0x2FFFF;
	_ =	strace $0x9FFFFFFF  }
0xc2: {  	(tm) =	ssettm $0x7FFFFFFF  }
0xc3: {  	_ =	shalt  }
tec
execute0_lowered:
.L_overlay_start_1:
0x0: {  	(tag) =	ssettag $0x1  }
0x1: {  	s6 =	rddreg [dreg:$0x0]  }
0x2: {  	s2 =	rddreg [dreg:$0x1]  }
0x3: {  	s0 =	rddreg [dreg:$0x2]  }
0x4: {  	s3 =	simm.s32 $0x0;
	s1 =	stileid.u32;
	s7 =	srdreg.scid  }
0x5: {  	s16 =	simm.s32 $0x1A800;
	s17 =	simm.s32 $0x1;
	s18 =	simm.s32 $0x3  }
0x6: {  	s19 =	simm.s32 $0x2;
	[smem:$0x7FF] =	sst s3;
	s24 =	smul.u32 $0x2800, s1  }
0x7: {  	s4 =	sadd.s32 $0x7A600, s6;
	s9 =	sadd.s32 $0x66600, s6;
	s7 =	sand.u32 $0x1, s7  }
0x8: {  	s10 =	smul.u32 $0x50000, s1;
	s13 =	sadd.s32 $0x11A600, s6;
	s29 =	sshll.u32 s1, $0x6  }
0x9: {  	_ =	strace $0x8000004D;
	s11 =	ssub.s32 $0x2, s7;
	s12 =	smul.u32 $0x50000, s7  }
0xa: {  	s5 =	sshrl.u32 s24, $0x3;
	s20 =	sshrl.u32 s11, $0x1;
	s21 =	sshrl.u32 s10, $0x2  }
0xb: {  	s8 =	sadd.s32 s5, s6;
	s5 =	sadd.s32 $0x7000, s6;
	s22 =	ssub.s32 s11, s20  }
0xc: {  	s26 =	sadd.s32 s21, s2;
	s28 =	sadd.s32 s24, s12;
	s15 =	sadd.s32 $0x28000, s12  }
0xd: {  	s6 =	sor.u32 $0x1C05, s29;
	s23 =	sadd.s32 s13, s12;
	s12 =	simm.s32 $0x5  }
0xe: {  	s20 =	simm.s32 $0x4;
	s21 =	simm.s32 $0x2700;
	s14 =	sshrl.u32 s28, $0x3  }
0xf: {  	s30 =	sadd.s32 s24, s15;
	s8 =	sadd.s32 $0x2000, s8;
	s25 =	sadd.s32 s13, s15  }
0x10: {  	s10 =	smax.u32 s22, $0x1;
	s11 =	sshrl.u32 s26, $0x3;
	s13 =	simm.s32 $0x1400  }
0x11: {  	s15 =	simm.s32 $0x16800;
	s22 =	simm.s32 $0x2780;
	s23 =	sadd.s32 s24, s23  }
0x12: {  	s7 =	sadd.s32 s9, s14;
	s31 =	sshrl.u32 s30, $0x3;
	s14 =	simm.s32 $0x80  }
0x13: {  	s24 =	sadd.s32 s24, s25;
	s25 =	simm.s32 $0x0;
	s9 =	sadd.s32 s9, s31  }
.LBB2_1:
0x14: {  	[spmem:s11], [sflag:s6] =	dma.local [hbm:s5], $0x2800  }
0x15: {  	_ =	swait.ge [sflag:s12], $0x2800  }
0x16: {  	[sflag:s12] =	ssyncset.done $0x0  }
0x17: {  	[sflag:s12] =	ssyncadd.s32 $0xFFFFD800  }
0x18: {  	[bflag:$0x0] =	sbarrier.arrive $0xFFFF  }
0x19: {  	[tilespmem:s3], [sflag:$0x5] =	stream.linear.gather [hbm4b:s7+s3], $0x1400, $0x38;
	[tilespmem:$0x1E800] =	vst v63  }
0x1a: {  	_ =	swait.ge [sflag:s12], $0x1400  }
0x1b: {  	[sflag:s12] =	ssyncset.done $0x0  }
0x1c: {  	[sflag:s12] =	ssyncadd.s32 $0xFFFFEC00  }
0x1d: {  	[tilespmem:s13], [sflag:$0x5] =	stream.linear.gather [hbm4b:s8+s3], $0x1400, $0x38;
	[tilespmem:$0x1E800] =	vst v63  }
0x1e: {  	_ =	swait.ge [sflag:s12], $0x1400  }
0x1f: {  	[sflag:s12] =	ssyncset.done $0x0  }
0x20: {  	[sflag:s12] =	ssyncadd.s32 $0xFFFFEC00  }
0x21: {  	[tilespmem:s15], [sflag:$0x1] =	stream.indirect.gather [hbm4b:s4+s14], $0x80, s3, s14, $0xb8;
	[tilespmem:$0x1E800] =	vst v63  }
0x22: {  	_ = 	snop  }
0x23: {  	[tilespmem:s16], [sflag:$0x2] =	stream.indirect.gather [hbm4b:s4+s14], $0x80, s14, s14, $0xb8;
	[tilespmem:$0x1E800] =	vst v63  }
0x24: {  	_ =	swait.ge [sflag:s17], $0x4000  }
0x25: {  	[sflag:s17] =	ssyncset.done $0x0  }
0x26: {  	s26 =	simm.s32 $0x1400;
	[sflag:s17] =	ssyncadd.s32 $0xFFFFC000  }
0x27: {  	[spmem:s2] =	stream.indirect.scatter.add.f32 [tilespmem:s15], [sflag:$0x3], $0x80, s26, s14, $0xb8;
	[tilespmem:$0x1E800] =	vst v63  }
0x28: {  	_ =	swait.ge [sflag:s18], $0x4000  }
0x29: {  	[sflag:s18] =	ssyncset.done $0x0  }
0x2a: {  	s30 =	simm.s32 $0x100;
	[sflag:s18] =	ssyncadd.s32 $0xFFFFC000  }
0x2b: {  	[tilespmem:s15], [sflag:$0x1] =	stream.indirect.gather [hbm4b:s4+s14], $0x80, s30, s14, $0xb8;
	[tilespmem:$0x1E800] =	vst v63  }
0x2c: {  	_ =	swait.ge [sflag:s19], $0x4000  }
0x2d: {  	[sflag:s19] =	ssyncset.done $0x0  }
0x2e: {  	s31 =	simm.s32 $0x1480;
	[sflag:s19] =	ssyncadd.s32 $0xFFFFC000  }
0x2f: {  	[spmem:s2] =	stream.indirect.scatter.add.f32 [tilespmem:s16], [sflag:$0x4], $0x80, s31, s14, $0xb8;
	[tilespmem:$0x1E800] =	vst v63  }
0x30: {  	_ =	swait.ge [sflag:s20], $0x4000  }
0x31: {  	[sflag:s20] =	ssyncset.done $0x0  }
0x32: {  	s28 =	simm.s32 $0x180;
	s26 =	simm.s32 $0x400;
	[sflag:s20] =	ssyncadd.s32 $0xFFFFC000  }
.LBB2_2:
0x33: {  	[tilespmem:s16], [sflag:$0x2] =	stream.indirect.gather [hbm4b:s4+s14], $0x80, s28, s14, $0xb8;
	[tilespmem:$0x1E800] =	vst v63  }
0x34: {  	s28 =	smov.u32 s26  }
0x35: {  	p0 =	sne.s32 s26, $0x4800;
	s26 =	sadd.s32 $0x400, s26;
	_ =	swait.ge [sflag:s17], $0x4000  }
0x36: {  	s28 =	sshra.s32 s28, $0x2;
	[sflag:s17] =	ssyncset.done $0x0  }
0x37: {  	s29 =	sadd.s32 $0x1400, s28;
	[sflag:s17] =	ssyncadd.s32 $0xFFFFC000  }
0x38: {  	[spmem:s2] =	stream.indirect.scatter.add.f32 [tilespmem:s15], [sflag:$0x3], $0x80, s29, s14, $0xb8;
	[tilespmem:$0x1E800] =	vst v63  }
0x39: {  	_ =	swait.ge [sflag:s18], $0x4000  }
0x3a: {  	[sflag:s18] =	ssyncset.done $0x0  }
0x3b: {  	s29 =	sadd.s32 $0x100, s28;
	[sflag:s18] =	ssyncadd.s32 $0xFFFFC000  }
0x3c: {  	[tilespmem:s15], [sflag:$0x1] =	stream.indirect.gather [hbm4b:s4+s14], $0x80, s29, s14, $0xb8;
	[tilespmem:$0x1E800] =	vst v63  }
0x3d: {  	_ =	swait.ge [sflag:s19], $0x4000  }
0x3e: {  	[sflag:s19] =	ssyncset.done $0x0  }
.Ltmp0:
0x3f: {  	s29 =	sadd.s32 $0x1480, s28;
	[sflag:s19] =	ssyncadd.s32 $0xFFFFC000;
	(pc) =	sbr.rel @p0 .LBB2_2-.Ltmp0, $4  }
0x40: {  	[spmem:s2] =	stream.indirect.scatter.add.f32 [tilespmem:s16], [sflag:$0x4], $0x80, s29, s14, $0xb8;
	[tilespmem:$0x1E800] =	vst v63  }
0x41: {  	_ =	swait.ge [sflag:s20], $0x4000  }
0x42: {  	[sflag:s20] =	ssyncset.done $0x0  }
0x43: {  	s28 =	sadd.s32 $0x180, s28;
	[sflag:s20] =	ssyncadd.s32 $0xFFFFC000  }
0x44: {  	[tilespmem:s16], [sflag:$0x2] =	stream.indirect.gather [hbm4b:s4+s14], $0x80, s28, s14, $0xb8;
	[tilespmem:$0x1E800] =	vst v63  }
0x45: {  	_ =	swait.ge [sflag:s17], $0x4000  }
0x46: {  	[sflag:s17] =	ssyncset.done $0x0  }
0x47: {  	[sflag:s17] =	ssyncadd.s32 $0xFFFFC000  }
0x48: {  	[spmem:s2] =	stream.indirect.scatter.add.f32 [tilespmem:s15], [sflag:$0x3], $0x80, s21, s14, $0xb8;
	[tilespmem:$0x1E800] =	vst v63  }
0x49: {  	_ =	swait.ge [sflag:s19], $0x4000  }
0x4a: {  	[sflag:s19] =	ssyncset.done $0x0  }
0x4b: {  	[sflag:s19] =	ssyncadd.s32 $0xFFFFC000  }
0x4c: {  	[spmem:s2] =	stream.indirect.scatter.add.f32 [tilespmem:s16], [sflag:$0x4], $0x80, s22, s14, $0xb8;
	[tilespmem:$0x1E800] =	vst v63  }
0x4d: {  	_ =	swait.ge [sflag:s18], $0x4000  }
0x4e: {  	[sflag:s18] =	ssyncset.done $0x0  }
0x4f: {  	[sflag:s18] =	ssyncadd.s32 $0xFFFFC000  }
0x50: {  	_ =	swait.ge [sflag:s20], $0x4000  }
0x51: {  	[sflag:s20] =	ssyncset.done $0x0  }
0x52: {  	s26 =	sadd.s32 $0x280, s7;
	s28 =	simm.s32 $0x0;
	[sflag:s20] =	ssyncadd.s32 $0xFFFFC000  }
0x53: {  	[tilespmem:s28], [sflag:$0x5] =	stream.linear.gather [hbm4b:s26+s28], $0x1400, $0x38;
	[tilespmem:$0x1E800] =	vst v63  }
0x54: {  	_ =	swait.ge [sflag:s12], $0x1400  }
0x55: {  	[sflag:s12] =	ssyncset.done $0x0  }
0x56: {  	s26 =	sadd.s32 $0x280, s8;
	[sflag:s12] =	ssyncadd.s32 $0xFFFFEC00  }
0x57: {  	[tilespmem:s13], [sflag:$0x5] =	stream.linear.gather [hbm4b:s26+s28], $0x1400, $0x38;
	[tilespmem:$0x1E800] =	vst v63  }
0x58: {  	_ =	swait.ge [sflag:s12], $0x1400  }
0x59: {  	[sflag:s12] =	ssyncset.done $0x0  }
0x5a: {  	[sflag:s12] =	ssyncadd.s32 $0xFFFFEC00  }
0x5b: {  	[tilespmem:s15], [sflag:$0x1] =	stream.indirect.gather [hbm4b:s4+s14], $0x80, s28, s14, $0xb8;
	[tilespmem:$0x1E800] =	vst v63  }
0x5c: {  	_ = 	snop  }
0x5d: {  	[tilespmem:s16], [sflag:$0x2] =	stream.indirect.gather [hbm4b:s4+s14], $0x80, s14, s14, $0xb8;
	[tilespmem:$0x1E800] =	vst v63  }
0x5e: {  	_ =	swait.ge [sflag:s17], $0x4000  }
0x5f: {  	[sflag:s17] =	ssyncset.done $0x0  }
0x60: {  	s28 =	simm.s32 $0x1400;
	[sflag:s17] =	ssyncadd.s32 $0xFFFFC000  }
0x61: {  	[spmem:s2] =	stream.indirect.scatter.add.f32 [tilespmem:s15], [sflag:$0x3], $0x80, s28, s14, $0xb8;
	[tilespmem:$0x1E800] =	vst v63  }
0x62: {  	_ =	swait.ge [sflag:s18], $0x4000  }
0x63: {  	[sflag:s18] =	ssyncset.done $0x0  }
0x64: {  	s28 =	simm.s32 $0x100;
	[sflag:s18] =	ssyncadd.s32 $0xFFFFC000  }
0x65: {  	[tilespmem:s15], [sflag:$0x1] =	stream.indirect.gather [hbm4b:s4+s14], $0x80, s28, s14, $0xb8;
	[tilespmem:$0x1E800] =	vst v63  }
0x66: {  	_ =	swait.ge [sflag:s19], $0x4000  }
0x67: {  	[sflag:s19] =	ssyncset.done $0x0  }
0x68: {  	s28 =	simm.s32 $0x1480;
	[sflag:s19] =	ssyncadd.s32 $0xFFFFC000  }
0x69: {  	[spmem:s2] =	stream.indirect.scatter.add.f32 [tilespmem:s16], [sflag:$0x4], $0x80, s28, s14, $0xb8;
	[tilespmem:$0x1E800] =	vst v63  }
0x6a: {  	_ =	swait.ge [sflag:s20], $0x4000  }
0x6b: {  	[sflag:s20] =	ssyncset.done $0x0  }
0x6c: {  	s29 =	simm.s32 $0x180;
	s28 =	simm.s32 $0x400;
	[sflag:s20] =	ssyncadd.s32 $0xFFFFC000  }
.LBB2_4:
0x6d: {  	[tilespmem:s16], [sflag:$0x2] =	stream.indirect.gather [hbm4b:s4+s14], $0x80, s29, s14, $0xb8;
	[tilespmem:$0x1E800] =	vst v63  }
0x6e: {  	s29 =	smov.u32 s28  }
0x6f: {  	p0 =	sne.s32 s28, $0x4800;
	s28 =	sadd.s32 $0x400, s28;
	_ =	swait.ge [sflag:s17], $0x4000  }
0x70: {  	s29 =	sshra.s32 s29, $0x2;
	[sflag:s17] =	ssyncset.done $0x0  }
0x71: {  	s30 =	sadd.s32 $0x1400, s29;
	[sflag:s17] =	ssyncadd.s32 $0xFFFFC000  }
0x72: {  	[spmem:s2] =	stream.indirect.scatter.add.f32 [tilespmem:s15], [sflag:$0x3], $0x80, s30, s14, $0xb8;
	[tilespmem:$0x1E800] =	vst v63  }
0x73: {  	_ =	swait.ge [sflag:s18], $0x4000  }
0x74: {  	[sflag:s18] =	ssyncset.done $0x0  }
0x75: {  	s30 =	sadd.s32 $0x100, s29;
	[sflag:s18] =	ssyncadd.s32 $0xFFFFC000  }
0x76: {  	[tilespmem:s15], [sflag:$0x1] =	stream.indirect.gather [hbm4b:s4+s14], $0x80, s30, s14, $0xb8;
	[tilespmem:$0x1E800] =	vst v63  }
0x77: {  	_ =	swait.ge [sflag:s19], $0x4000  }
0x78: {  	[sflag:s19] =	ssyncset.done $0x0  }
.Ltmp1:
0x79: {  	s30 =	sadd.s32 $0x1480, s29;
	[sflag:s19] =	ssyncadd.s32 $0xFFFFC000;
	(pc) =	sbr.rel @p0 .LBB2_4-.Ltmp1, $4  }
0x7a: {  	[spmem:s2] =	stream.indirect.scatter.add.f32 [tilespmem:s16], [sflag:$0x4], $0x80, s30, s14, $0xb8;
	[tilespmem:$0x1E800] =	vst v63  }
0x7b: {  	_ =	swait.ge [sflag:s20], $0x4000  }
0x7c: {  	[sflag:s20] =	ssyncset.done $0x0  }
0x7d: {  	s29 =	sadd.s32 $0x180, s29;
	[sflag:s20] =	ssyncadd.s32 $0xFFFFC000  }
0x7e: {  	[tilespmem:s16], [sflag:$0x2] =	stream.indirect.gather [hbm4b:s4+s14], $0x80, s29, s14, $0xb8;
	[tilespmem:$0x1E800] =	vst v63  }
0x7f: {  	_ =	swait.ge [sflag:s17], $0x4000  }
0x80: {  	[sflag:s17] =	ssyncset.done $0x0  }
0x81: {  	[sflag:s17] =	ssyncadd.s32 $0xFFFFC000  }
0x82: {  	[spmem:s2] =	stream.indirect.scatter.add.f32 [tilespmem:s15], [sflag:$0x3], $0x80, s21, s14, $0xb8;
	[tilespmem:$0x1E800] =	vst v63  }
0x83: {  	_ =	swait.ge [sflag:s19], $0x4000  }
0x84: {  	[sflag:s19] =	ssyncset.done $0x0  }
0x85: {  	[sflag:s19] =	ssyncadd.s32 $0xFFFFC000  }
0x86: {  	[spmem:s2] =	stream.indirect.scatter.add.f32 [tilespmem:s16], [sflag:$0x4], $0x80, s22, s14, $0xb8;
	[tilespmem:$0x1E800] =	vst v63  }
0x87: {  	_ =	swait.ge [sflag:s18], $0x4000  }
0x88: {  	[sflag:s18] =	ssyncset.done $0x0  }
0x89: {  	[sflag:s18] =	ssyncadd.s32 $0xFFFFC000  }
0x8a: {  	_ =	swait.ge [sflag:s20], $0x4000  }
0x8b: {  	[sflag:s20] =	ssyncset.done $0x0  }
0x8c: {  	[sflag:s20] =	ssyncadd.s32 $0xFFFFC000  }
0x8d: {  	[bflag:$0x0] =	sbarrier.arrive $0xFFFF  }
0x8e: {  	[hbm:s23], [sflag:s6] =	dma.local [spmem:s11], $0x2800  }
0x8f: {  	_ =	swait.ge [sflag:s12], $0x2800  }
0x90: {  	[sflag:s12] =	ssyncset.done $0x0  }
0x91: {  	[sflag:s12] =	ssyncadd.s32 $0xFFFFD800  }
0x92: {  	[spmem:s11], [sflag:s6] =	dma.local [hbm:s5], $0x2800  }
0x93: {  	_ =	swait.ge [sflag:s12], $0x2800  }
0x94: {  	[sflag:s12] =	ssyncset.done $0x0  }
0x95: {  	[sflag:s12] =	ssyncadd.s32 $0xFFFFD800  }
0x96: {  	s28 =	simm.s32 $0x0;
	[bflag:$0x0] =	sbarrier.arrive $0xFFFF  }
0x97: {  	[tilespmem:s28], [sflag:$0x5] =	stream.linear.gather [hbm4b:s9+s28], $0x1400, $0x38;
	[tilespmem:$0x1E800] =	vst v63  }
0x98: {  	_ =	swait.ge [sflag:s12], $0x1400  }
0x99: {  	[sflag:s12] =	ssyncset.done $0x0  }
0x9a: {  	[sflag:s12] =	ssyncadd.s32 $0xFFFFEC00  }
0x9b: {  	[tilespmem:s13], [sflag:$0x5] =	stream.linear.gather [hbm4b:s8+s28], $0x1400, $0x38;
	[tilespmem:$0x1E800] =	vst v63  }
0x9c: {  	_ =	swait.ge [sflag:s12], $0x1400  }
0x9d: {  	[sflag:s12] =	ssyncset.done $0x0  }
0x9e: {  	[sflag:s12] =	ssyncadd.s32 $0xFFFFEC00  }
0x9f: {  	[tilespmem:s15], [sflag:$0x1] =	stream.indirect.gather [hbm4b:s4+s14], $0x80, s28, s14, $0xb8;
	[tilespmem:$0x1E800] =	vst v63  }
0xa0: {  	_ = 	snop  }
0xa1: {  	[tilespmem:s16], [sflag:$0x2] =	stream.indirect.gather [hbm4b:s4+s14], $0x80, s14, s14, $0xb8;
	[tilespmem:$0x1E800] =	vst v63  }
0xa2: {  	_ =	swait.ge [sflag:s17], $0x4000  }
0xa3: {  	[sflag:s17] =	ssyncset.done $0x0  }
0xa4: {  	s28 =	simm.s32 $0x1400;
	[sflag:s17] =	ssyncadd.s32 $0xFFFFC000  }
0xa5: {  	[spmem:s2] =	stream.indirect.scatter.add.f32 [tilespmem:s15], [sflag:$0x3], $0x80, s28, s14, $0xb8;
	[tilespmem:$0x1E800] =	vst v63  }
0xa6: {  	_ =	swait.ge [sflag:s18], $0x4000  }
0xa7: {  	[sflag:s18] =	ssyncset.done $0x0  }
0xa8: {  	s28 =	simm.s32 $0x100;
	[sflag:s18] =	ssyncadd.s32 $0xFFFFC000  }
0xa9: {  	[tilespmem:s15], [sflag:$0x1] =	stream.indirect.gather [hbm4b:s4+s14], $0x80, s28, s14, $0xb8;
	[tilespmem:$0x1E800] =	vst v63  }
0xaa: {  	_ =	swait.ge [sflag:s19], $0x4000  }
0xab: {  	[sflag:s19] =	ssyncset.done $0x0  }
0xac: {  	s28 =	simm.s32 $0x1480;
	[sflag:s19] =	ssyncadd.s32 $0xFFFFC000  }
0xad: {  	[spmem:s2] =	stream.indirect.scatter.add.f32 [tilespmem:s16], [sflag:$0x4], $0x80, s28, s14, $0xb8;
	[tilespmem:$0x1E800] =	vst v63  }
0xae: {  	_ =	swait.ge [sflag:s20], $0x4000  }
0xaf: {  	[sflag:s20] =	ssyncset.done $0x0  }
0xb0: {  	s29 =	simm.s32 $0x180;
	s28 =	simm.s32 $0x400;
	[sflag:s20] =	ssyncadd.s32 $0xFFFFC000  }
.LBB2_6:
0xb1: {  	[tilespmem:s16], [sflag:$0x2] =	stream.indirect.gather [hbm4b:s4+s14], $0x80, s29, s14, $0xb8;
	[tilespmem:$0x1E800] =	vst v63  }
0xb2: {  	s29 =	smov.u32 s28  }
0xb3: {  	p0 =	sne.s32 s28, $0x4800;
	s28 =	sadd.s32 $0x400, s28;
	_ =	swait.ge [sflag:s17], $0x4000  }
0xb4: {  	s29 =	sshra.s32 s29, $0x2;
	[sflag:s17] =	ssyncset.done $0x0  }
0xb5: {  	s30 =	sadd.s32 $0x1400, s29;
	[sflag:s17] =	ssyncadd.s32 $0xFFFFC000  }
0xb6: {  	[spmem:s2] =	stream.indirect.scatter.add.f32 [tilespmem:s15], [sflag:$0x3], $0x80, s30, s14, $0xb8;
	[tilespmem:$0x1E800] =	vst v63  }
0xb7: {  	_ =	swait.ge [sflag:s18], $0x4000  }
0xb8: {  	[sflag:s18] =	ssyncset.done $0x0  }
0xb9: {  	s30 =	sadd.s32 $0x100, s29;
	[sflag:s18] =	ssyncadd.s32 $0xFFFFC000  }
0xba: {  	[tilespmem:s15], [sflag:$0x1] =	stream.indirect.gather [hbm4b:s4+s14], $0x80, s30, s14, $0xb8;
	[tilespmem:$0x1E800] =	vst v63  }
0xbb: {  	_ =	swait.ge [sflag:s19], $0x4000  }
0xbc: {  	[sflag:s19] =	ssyncset.done $0x0  }
.Ltmp2:
0xbd: {  	s30 =	sadd.s32 $0x1480, s29;
	[sflag:s19] =	ssyncadd.s32 $0xFFFFC000;
	(pc) =	sbr.rel @p0 .LBB2_6-.Ltmp2, $4  }
0xbe: {  	[spmem:s2] =	stream.indirect.scatter.add.f32 [tilespmem:s16], [sflag:$0x4], $0x80, s30, s14, $0xb8;
	[tilespmem:$0x1E800] =	vst v63  }
0xbf: {  	_ =	swait.ge [sflag:s20], $0x4000  }
0xc0: {  	[sflag:s20] =	ssyncset.done $0x0  }
0xc1: {  	s29 =	sadd.s32 $0x180, s29;
	[sflag:s20] =	ssyncadd.s32 $0xFFFFC000  }
0xc2: {  	[tilespmem:s16], [sflag:$0x2] =	stream.indirect.gather [hbm4b:s4+s14], $0x80, s29, s14, $0xb8;
	[tilespmem:$0x1E800] =	vst v63  }
0xc3: {  	_ =	swait.ge [sflag:s17], $0x4000  }
0xc4: {  	[sflag:s17] =	ssyncset.done $0x0  }
0xc5: {  	[sflag:s17] =	ssyncadd.s32 $0xFFFFC000  }
0xc6: {  	[spmem:s2] =	stream.indirect.scatter.add.f32 [tilespmem:s15], [sflag:$0x3], $0x80, s21, s14, $0xb8;
	[tilespmem:$0x1E800] =	vst v63  }
0xc7: {  	_ =	swait.ge [sflag:s19], $0x4000  }
0xc8: {  	[sflag:s19] =	ssyncset.done $0x0  }
0xc9: {  	[sflag:s19] =	ssyncadd.s32 $0xFFFFC000  }
0xca: {  	[spmem:s2] =	stream.indirect.scatter.add.f32 [tilespmem:s16], [sflag:$0x4], $0x80, s22, s14, $0xb8;
	[tilespmem:$0x1E800] =	vst v63  }
0xcb: {  	_ =	swait.ge [sflag:s18], $0x4000  }
0xcc: {  	[sflag:s18] =	ssyncset.done $0x0  }
0xcd: {  	[sflag:s18] =	ssyncadd.s32 $0xFFFFC000  }
0xce: {  	_ =	swait.ge [sflag:s20], $0x4000  }
0xcf: {  	[sflag:s20] =	ssyncset.done $0x0  }
0xd0: {  	s28 =	sadd.s32 $0x280, s9;
	s31 =	simm.s32 $0x0;
	[sflag:s20] =	ssyncadd.s32 $0xFFFFC000  }
0xd1: {  	[tilespmem:s31], [sflag:$0x5] =	stream.linear.gather [hbm4b:s28+s31], $0x1400, $0x38;
	[tilespmem:$0x1E800] =	vst v63  }
0xd2: {  	_ =	swait.ge [sflag:s12], $0x1400  }
0xd3: {  	[sflag:s12] =	ssyncset.done $0x0  }
0xd4: {  	[sflag:s12] =	ssyncadd.s32 $0xFFFFEC00  }
0xd5: {  	[tilespmem:s13], [sflag:$0x5] =	stream.linear.gather [hbm4b:s26+s31], $0x1400, $0x38;
	[tilespmem:$0x1E800] =	vst v63  }
0xd6: {  	_ =	swait.ge [sflag:s12], $0x1400  }
0xd7: {  	[sflag:s12] =	ssyncset.done $0x0  }
0xd8: {  	[sflag:s12] =	ssyncadd.s32 $0xFFFFEC00  }
0xd9: {  	[tilespmem:s15], [sflag:$0x1] =	stream.indirect.gather [hbm4b:s4+s14], $0x80, s31, s14, $0xb8;
	[tilespmem:$0x1E800] =	vst v63  }
0xda: {  	_ = 	snop  }
0xdb: {  	[tilespmem:s16], [sflag:$0x2] =	stream.indirect.gather [hbm4b:s4+s14], $0x80, s14, s14, $0xb8;
	[tilespmem:$0x1E800] =	vst v63  }
0xdc: {  	_ =	swait.ge [sflag:s17], $0x4000  }
0xdd: {  	[sflag:s17] =	ssyncset.done $0x0  }
0xde: {  	s29 =	simm.s32 $0x1400;
	[sflag:s17] =	ssyncadd.s32 $0xFFFFC000  }
0xdf: {  	[spmem:s2] =	stream.indirect.scatter.add.f32 [tilespmem:s15], [sflag:$0x3], $0x80, s29, s14, $0xb8;
	[tilespmem:$0x1E800] =	vst v63  }
0xe0: {  	_ =	swait.ge [sflag:s18], $0x4000  }
0xe1: {  	[sflag:s18] =	ssyncset.done $0x0  }
0xe2: {  	s30 =	simm.s32 $0x100;
	[sflag:s18] =	ssyncadd.s32 $0xFFFFC000  }
0xe3: {  	[tilespmem:s15], [sflag:$0x1] =	stream.indirect.gather [hbm4b:s4+s14], $0x80, s30, s14, $0xb8;
	[tilespmem:$0x1E800] =	vst v63  }
0xe4: {  	_ =	swait.ge [sflag:s19], $0x4000  }
0xe5: {  	[sflag:s19] =	ssyncset.done $0x0  }
0xe6: {  	s31 =	simm.s32 $0x1480;
	[sflag:s19] =	ssyncadd.s32 $0xFFFFC000  }
0xe7: {  	[spmem:s2] =	stream.indirect.scatter.add.f32 [tilespmem:s16], [sflag:$0x4], $0x80, s31, s14, $0xb8;
	[tilespmem:$0x1E800] =	vst v63  }
0xe8: {  	_ =	swait.ge [sflag:s20], $0x4000  }
0xe9: {  	[sflag:s20] =	ssyncset.done $0x0  }
0xea: {  	s28 =	simm.s32 $0x180;
	s26 =	simm.s32 $0x400;
	[sflag:s20] =	ssyncadd.s32 $0xFFFFC000  }
.LBB2_8:
0xeb: {  	[tilespmem:s16], [sflag:$0x2] =	stream.indirect.gather [hbm4b:s4+s14], $0x80, s28, s14, $0xb8;
	[tilespmem:$0x1E800] =	vst v63  }
0xec: {  	s28 =	smov.u32 s26  }
0xed: {  	p0 =	sne.s32 s26, $0x4800;
	s26 =	sadd.s32 $0x400, s26;
	_ =	swait.ge [sflag:s17], $0x4000  }
0xee: {  	s28 =	sshra.s32 s28, $0x2;
	[sflag:s17] =	ssyncset.done $0x0  }
0xef: {  	s29 =	sadd.s32 $0x1400, s28;
	[sflag:s17] =	ssyncadd.s32 $0xFFFFC000  }
0xf0: {  	[spmem:s2] =	stream.indirect.scatter.add.f32 [tilespmem:s15], [sflag:$0x3], $0x80, s29, s14, $0xb8;
	[tilespmem:$0x1E800] =	vst v63  }
0xf1: {  	_ =	swait.ge [sflag:s18], $0x4000  }
0xf2: {  	[sflag:s18] =	ssyncset.done $0x0  }
0xf3: {  	s29 =	sadd.s32 $0x100, s28;
	[sflag:s18] =	ssyncadd.s32 $0xFFFFC000  }
0xf4: {  	[tilespmem:s15], [sflag:$0x1] =	stream.indirect.gather [hbm4b:s4+s14], $0x80, s29, s14, $0xb8;
	[tilespmem:$0x1E800] =	vst v63  }
0xf5: {  	_ =	swait.ge [sflag:s19], $0x4000  }
0xf6: {  	[sflag:s19] =	ssyncset.done $0x0  }
.Ltmp3:
0xf7: {  	s29 =	sadd.s32 $0x1480, s28;
	[sflag:s19] =	ssyncadd.s32 $0xFFFFC000;
	(pc) =	sbr.rel @p0 .LBB2_8-.Ltmp3, $4  }
0xf8: {  	[spmem:s2] =	stream.indirect.scatter.add.f32 [tilespmem:s16], [sflag:$0x4], $0x80, s29, s14, $0xb8;
	[tilespmem:$0x1E800] =	vst v63  }
0xf9: {  	_ =	swait.ge [sflag:s20], $0x4000  }
0xfa: {  	[sflag:s20] =	ssyncset.done $0x0  }
0xfb: {  	s28 =	sadd.s32 $0x180, s28;
	[sflag:s20] =	ssyncadd.s32 $0xFFFFC000  }
0xfc: {  	[tilespmem:s16], [sflag:$0x2] =	stream.indirect.gather [hbm4b:s4+s14], $0x80, s28, s14, $0xb8;
	[tilespmem:$0x1E800] =	vst v63  }
0xfd: {  	_ =	swait.ge [sflag:s17], $0x4000  }
0xfe: {  	[sflag:s17] =	ssyncset.done $0x0  }
0xff: {  	[sflag:s17] =	ssyncadd.s32 $0xFFFFC000  }
0x100: {  	[spmem:s2] =	stream.indirect.scatter.add.f32 [tilespmem:s15], [sflag:$0x3], $0x80, s21, s14, $0xb8;
	[tilespmem:$0x1E800] =	vst v63  }
0x101: {  	_ =	swait.ge [sflag:s19], $0x4000  }
0x102: {  	[sflag:s19] =	ssyncset.done $0x0  }
0x103: {  	[sflag:s19] =	ssyncadd.s32 $0xFFFFC000  }
0x104: {  	[spmem:s2] =	stream.indirect.scatter.add.f32 [tilespmem:s16], [sflag:$0x4], $0x80, s22, s14, $0xb8;
	[tilespmem:$0x1E800] =	vst v63  }
0x105: {  	_ =	swait.ge [sflag:s18], $0x4000  }
0x106: {  	[sflag:s18] =	ssyncset.done $0x0  }
0x107: {  	[sflag:s18] =	ssyncadd.s32 $0xFFFFC000  }
0x108: {  	_ =	swait.ge [sflag:s20], $0x4000  }
0x109: {  	s25 =	sadd.s32 $0x1, s25;
	[sflag:s20] =	ssyncset.done $0x0  }
0x10a: {  	p0 =	sne.s32 s25, s10;
	[sflag:s20] =	ssyncadd.s32 $0xFFFFC000  }
.Ltmp4:
0x10b: {  	[bflag:$0x0] =	sbarrier.arrive $0xFFFF;
	(pc) =	sbr.rel @p0 .LBB2_1-.Ltmp4, $4  }
0x10c: {  	[hbm:s24], [sflag:s6] =	dma.local [spmem:s11], $0x2800  }
0x10d: {  	_ =	swait.ge [sflag:s12], $0x2800  }
0x10e: {  	[sflag:s12] =	ssyncset.done $0x0  }
0x10f: {  	[sflag:s12] =	ssyncadd.s32 $0xFFFFD800  }
0x110: {  	_ =	sfence.sel $0x180000  }
0x111: {  	[bflag:$0x0] =	sbarrier.arrive $0xFFFF  }
0x112: {  	p0 =	sne.s32 s1, $0x0;
	_ =	strace $0x9000004D  }
0x113: {  	s0 =	sadd.s32 @!p0 $0x100000, s0;
	[bflag:$0x2] =	sbarrier.arrive $0xFFFF  }
0x114: {  	[sflag:s0] =	ssyncadd.tile.s32 @!p0 $0x1;
	_ =	shalt  }
.Lfunc_end2:
_tile_overlayer_lowered:
.L_overlay_start_2:
0x115: {  	(tag) =	ssettag $0x2  }
0x116: {  	s0 =	rddreg [dreg:$0x0];
	s2 =	stileid.u32  }
0x117: {  	s1 =	rddreg [dreg:$0x1];
	p0 =	sne.s32 s2, $0x0  }
0x118: {  	s3 =	rddreg [dreg:$0x2];
	[bflag:$0x3] =	sbarrier.arrive $0xFFFF;
	s2 =	simm.s32 @!p0 $0x1C05  }
0x119: {  	[timem:s3], [sflag:s2] =	dma.local @!p0 [hbm:s0], s1  }
0x11a: {  	s0 =	simm.s32 @!p0 $0x5  }
0x11b: {  	_ =	swait.ge @!p0 [sflag:s0], s1  }
0x11c: {  	s1 =	ssub.s32 @!p0 $0x0, s1;
	[sflag:s0] =	ssyncset.done @!p0 $0x0  }
0x11d: {  	[sflag:s0] =	ssyncadd.s32 @!p0 s1  }
0x11e: {  	[bflag:$0x3] =	sbarrier.arrive $0xFFFF  }
0x11f: {  	_ =	shalt  }

// kernel: kernel.19.cloned.1.call-start
scs
__scs_entry_jumppad:
0x0: {  	(pc) =	sbr.rel $0x88, $3  }
0x1: {  	(tag) =	ssettag $0x0;
	lr =	simm.s32 $0x1  }
0x2: {  	[smem:$0x3F96] =	sst lr;
	_ =	strace $0xD0000000  }
0x3: {  	_ = 	snop  }
0x4: {  	_ = 	snop  }
0x5: {  	_ = 	snop  }
0x6: {  	_ = 	snop  }
0x7: {  	_ = 	snop  }
__scs_overlays_trampoline_lowered:
0x8: {  	[smem:$0x3FA5] =	sst s0  }
0x9: {  	[smem:$0x3FA6] =	sst s1  }
0xa: {  	[smem:$0x3FA7] =	sst s2  }
0xb: {  	[smem:$0x3FA8] =	sst s3  }
0xc: {  	[smem:$0x3FA9] =	sst s4  }
0xd: {  	[smem:$0x3FAA] =	sst s5  }
0xe: {  	[smem:$0x3FAB] =	sst s6  }
0xf: {  	[smem:$0x3FAC] =	sst s7  }
0x10: {  	[smem:$0x3FAD] =	sst s8  }
0x11: {  	[smem:$0x3FAE] =	sst s9;
	s0 =	simm.s32 @!p0 $0x0  }
0x12: {  	s1 =	sld [smem:$0x3F94];
	s0 =	simm.s32 @p0 $0x1  }
0x13: {  	[smem:$0x3FAF] =	sst s0;
	s0 =	simm.s32 @!p1 $0x0  }
0x14: {  	s2 =	sld [smem:$0x3F93];
	s0 =	simm.s32 @p1 $0x1  }
0x15: {  	[smem:$0x3FB0] =	sst s0;
	s0 =	simm.s32 @!p2 $0x0  }
0x16: {  	s3 =	sld [smem:$0x3FDB];
	s0 =	simm.s32 @p2 $0x1  }
0x17: {  	s4 =	simm.s32 $0x1BF5;
	[smem:$0x3FB2] =	sst s0  }
0x18: {  	s0 =	sld [smem:$0x3F95];
	_ =	swait.ge [sflag:s4], $0x0  }
0x19: {  	s7 =	sld [smem:$0x3F96]  }
0x1a: {  	s8 =	sadd.s32 $0xFFFFE003, lr  }
0x1b: {  	s9 =	sadd.s32 $0xFFFFFEF7, lr;
	s5 =	simm.s32 $0xFFFFFFFF;
	p2 =	slt.u32 s8, $0xFFFFF086  }
0x1c: {  	p1 =	slt.u32 s9, $0xF7A;
	s5 =	simm.s32 @!p2 $0x0  }
0x1d: {  	s5 =	simm.s32 @p1 $0x1;
	p0 =	seq.s32 s7, s2  }
0x1e: {  	s7 =	smul.u32 @!p0 $0xF7A, s2;
	p2 =	seq.s32 @!p0 s5, $0x0  }
0x1f: {  	s9 =	smul.u32 $0xF7A, s1;
	s8 =	simm.s32 @!p0 $0x1BF5;
	p2 =	por !p2, p0  }
0x20: {  	[sflag:s8] =	ssyncset.s32 @!p0 $0xFFFFF086;
	s6 =	sadd.s32 @!p0 s3, s7;
	s7 =	simm.s32 @!p0 $0x108  }
0x21: {  	s3 =	sadd.s32 s3, s9;
	s6 =	sadd.s32 @!p0 $0x88, s6;
	s7 =	simm.s32 @p2 $0x1082  }
0x22: {  	[simem:s7], [sflag:s8] =	dma.local @!p0 [hbm:s6], $0xF7A  }
0x23: {  	s9 =	sor.u32 $0xD0000000, s2;
	s6 =	simm.s32 $0x108;
	_ =	swait.ge @!p0 [sflag:s8], $0x0  }
0x24: {  	s3 =	sadd.s32 $0x88, s3;
	s6 =	simm.s32 @!p1 $0x1082;
	[sflag:s4] =	ssyncset.s32 $0xFFFFF086  }
0x25: {  	[simem:s6], [sflag:s4] =	dma.local [hbm:s3], $0xF7A  }
0x26: {  	[smem:$0x3F96] =	sst s1;
	(tag) =	ssettag s2;
	_ =	strace s9  }
0x27: {  	s1 =	sld [smem:$0x3FA6]  }
0x28: {  	s2 =	sld [smem:$0x3FA7]  }
0x29: {  	s4 =	sld [smem:$0x3FA9]  }
0x2a: {  	p0 =	seq.s32 s5, $0x0;
	s5 =	sld [smem:$0x3FAA]  }
0x2b: {  	s6 =	sld [smem:$0x3FAB]  }
0x2c: {  	s7 =	sld [smem:$0x3FAC]  }
0x2d: {  	s3 =	simm.s32 $0x108;
	s8 =	sld [smem:$0x3FAD]  }
0x2e: {  	s3 =	simm.s32 @!p0 $0x1082;
	s9 =	sld [smem:$0x3FAE]  }
0x2f: {  	lr =	sadd.s32 s0, s3;
	s0 =	sld [smem:$0x3FA5]  }
0x30: {  	s3 =	sld [smem:$0x3FA8]  }
0x31: {  	[smem:$0x3FB1] =	sst s10  }
0x32: {  	s10 =	sld [smem:$0x3FAF];
	_ =	sdelay $0x3  }
0x33: {  	p0 =	seq.s32 s10, $0x1;
	s10 =	sld [smem:$0x3FB1];
	_ =	sdelay $0x3  }
0x34: {  	[smem:$0x3FB1] =	sst s10  }
0x35: {  	s10 =	sld [smem:$0x3FB0];
	_ =	sdelay $0x3  }
0x36: {  	p1 =	seq.s32 s10, $0x1;
	s10 =	sld [smem:$0x3FB1];
	_ =	sdelay $0x3  }
0x37: {  	[smem:$0x3FB1] =	sst s10  }
0x38: {  	s10 =	sld [smem:$0x3FB2]  }
0x39: {  	_ = 	snop;
	(pc) =	sbr.ind lr, $3  }
0x3a: {  	_ = 	snop  }
0x3b: {  	_ = 	snop  }
0x3c: {  	p2 =	seq.s32 s10, $0x1;
	s10 =	sld [smem:$0x3FB1]  }
0x3d: {  	_ =	shalt  }
0x3e: {  	_ =	shalt  }
0x3f: {  	_ =	shalt  }
0x40: {  	_ =	shalt  }
0x41: {  	_ =	shalt  }
0x42: {  	_ =	shalt  }
0x43: {  	_ =	shalt  }
0x44: {  	_ =	shalt  }
0x45: {  	_ =	shalt  }
0x46: {  	_ =	shalt  }
0x47: {  	_ =	shalt  }
0x48: {  	_ =	shalt  }
0x49: {  	_ =	shalt  }
0x4a: {  	_ =	shalt  }
0x4b: {  	_ =	shalt  }
0x4c: {  	_ =	shalt  }
0x4d: {  	_ =	shalt  }
0x4e: {  	_ =	shalt  }
0x4f: {  	_ =	shalt  }
0x50: {  	_ =	shalt  }
0x51: {  	_ =	shalt  }
0x52: {  	_ =	shalt  }
0x53: {  	_ =	shalt  }
0x54: {  	_ =	shalt  }
0x55: {  	_ =	shalt  }
0x56: {  	_ =	shalt  }
0x57: {  	_ =	shalt  }
0x58: {  	_ =	shalt  }
0x59: {  	_ =	shalt  }
0x5a: {  	_ =	shalt  }
0x5b: {  	_ =	shalt  }
0x5c: {  	_ =	shalt  }
0x5d: {  	_ =	shalt  }
0x5e: {  	_ =	shalt  }
0x5f: {  	_ =	shalt  }
0x60: {  	_ =	shalt  }
0x61: {  	_ =	shalt  }
0x62: {  	_ =	shalt  }
0x63: {  	_ =	shalt  }
0x64: {  	_ =	shalt  }
0x65: {  	_ =	shalt  }
0x66: {  	_ =	shalt  }
0x67: {  	_ =	shalt  }
0x68: {  	_ =	shalt  }
0x69: {  	_ =	shalt  }
0x6a: {  	_ =	shalt  }
0x6b: {  	_ =	shalt  }
0x6c: {  	_ =	shalt  }
0x6d: {  	_ =	shalt  }
0x6e: {  	_ =	shalt  }
0x6f: {  	_ =	shalt  }
0x70: {  	_ =	shalt  }
0x71: {  	_ =	shalt  }
0x72: {  	_ =	shalt  }
0x73: {  	_ =	shalt  }
0x74: {  	_ =	shalt  }
0x75: {  	_ =	shalt  }
0x76: {  	_ =	shalt  }
0x77: {  	_ =	shalt  }
0x78: {  	_ =	shalt  }
0x79: {  	_ =	shalt  }
0x7a: {  	_ =	shalt  }
0x7b: {  	_ =	shalt  }
0x7c: {  	_ =	shalt  }
0x7d: {  	_ =	shalt  }
0x7e: {  	_ =	shalt  }
0x7f: {  	_ =	shalt  }
0x80: {  	_ =	shalt  }
0x81: {  	_ =	shalt  }
0x82: {  	_ =	shalt  }
0x83: {  	_ =	shalt  }
0x84: {  	_ =	shalt  }
0x85: {  	_ =	shalt  }
0x86: {  	_ =	shalt  }
0x87: {  	_ =	shalt  }
.Lfunc_end0:
.L_simem_size_0:
called_computation.3_lowered:
.L_overlay_start_0:
0x88: {  	s2 =	sld [smem:$0x3FD9]  }
0x89: {  	s3 =	sld [smem:$0x3FFE];
	_ =	sdelay $0x1  }
0x8a: {  	s1 =	srdreg.scid  }
0x8b: {  	s0 =	sand.u32 $0x1, s1  }
0x8c: {  	s16 =	sshll.u32 s0, $0xA;
	s2 =	sadd.s32 s3, s2  }
0x8d: {  	s2 =	sadd.s32 s2, s16  }
0x8e: {  	[smem:$0x3FBD] =	sst s2  }
0x8f: {  	_ = 	snop  }
0x90: {  	(tm) =	ssettm $0x1  }
0x91: {  	s17 =	sld [smem:$0x3FFB];
	_ =	sdelay $0x3  }
0x92: {  	_ =	strace s17  }
0x93: {  	s2 =	sld [smem:$0x3FFC];
	_ =	sdelay $0x3  }
0x94: {  	_ =	strace s2  }
0x95: {  	s2 =	sld [smem:$0x3FFD];
	_ =	sdelay $0x3  }
0x96: {  	_ =	strace s2  }
0x97: {  	_ =	strace $0x8FFFFFFF  }
0x98: {  	s18 =	sld [smem:$0x3FDB];
	_ =	sdelay $0x1  }
0x99: {  	s19 =	simm.s32 $_scs_section_size  }
0x9a: {  	s4 =	simm.s32 $_size__tile_overlayer_lowered;
	s5 =	simm.s32 $_tile_overlayer_lowered  }
0x9b: {  	s22 =	simm.s32 $0x1BFF;
	s21 =	sshll.u32 s5, $0x1;
	s2 =	sadd.s32 s19, s18  }
0x9c: {  	s6 =	simm.s32 $0x0;
	s20 =	sshll.u32 s4, $0x1;
	s4 =	sadd.s32 s21, s2  }
0x9d: {  	[timem:s6], [sflag:s22] =	dma.local [hbm:s4], s20  }
0x9e: {  	_ =	swait.ge [sflag:s22], s20  }
0x9f: {  	s3 =	ssub.s32 $0x0, s20;
	[sflag:s22] =	ssyncset.done $0x0  }
0xa0: {  	[sflag:s22] =	ssyncadd.s32 s3;
	_ =	sdelay $0x1  }
0xa1: {  	s23 =	simm.s32 $0x1B8B  }
0xa2: {  	_ =	swait.ge [sflag:s23], $0x1  }
0xa3: {  	[sflag:s23] =	ssyncset.done $0x0  }
0xa4: {  	s25 =	simm.s32 $0x1B8E;
	s24 =	sld [smem:$0x3FFE];
	[sflag:s23] =	ssyncadd.s32 $0xFFFFFFFF  }
0xa5: {  	s26 =	simm.s32 $execute0_lowered;
	[smem:$0x3FD2] =	sst s25  }
0xa6: {  	s4 =	sshll.u32 s26, $0x1;
	_ =	strace $0x8000004F;
	[dreg:$0x1] =	wrdreg $0xFFFFFFFF  }
0xa7: {  	s28 =	simm.s32 $_size_execute0_lowered;
	s2 =	sadd.s32 s2, s4;
	[dreg:$0x0] =	wrdreg $0x0  }
0xa8: {  	s4 =	sshll.u32 s28, $0x1;
	[dreg:$0x2] =	wrdreg s2  }
0xa9: {  	[dreg:$0x3] =	wrdreg s4  }
0xaa: {  	[dreg:$0x4] =	wrdreg $0xC0  }
0xab: {  	_ =	task [dreg:s6], $0x5FFFF  }
0xac: {  	[dreg:$0x1] =	wrdreg $0xFFFFFFFF  }
0xad: {  	[dreg:$0x0] =	wrdreg $0x60  }
0xae: {  	[dreg:$0x2] =	wrdreg s24  }
0xaf: {  	[dreg:$0x3] =	wrdreg $0x28000  }
0xb0: {  	[dreg:$0x4] =	wrdreg $0x9  }
0xb1: {  	_ =	task.clear_ibuf [dreg:s6], $0x5FFFF;
	_ =	strace $0x9000004F  }
0xb2: {  	s29 =	simm.s32 $0x9;
	_ =	strace $0x80000051  }
0xb3: {  	_ =	swait.ge [sflag:s29], $0x1  }
0xb4: {  	[sflag:s29] =	ssyncadd.s32 $0xFFFFFFFF  }
0xb5: {  	_ =	strace $0x90000051  }
0xb6: {  	_ =	sfence  }
0xb7: {  	s30 =	sld [smem:$0x0];
	_ =	sdelay $0x2  }
0xb8: {  	s31 =	sshll.u32 s1, $0xD;
	s1 =	sshrl.u32 s1, $0x2  }
0xb9: {  	s3 =	sand.u32 $0x4000, s31;
	s1 =	sadd.s32 s1, s30  }
0xba: {  	s0 =	sor.u32 s3, s0;
	s1 =	sshll.u32 s1, $0x11  }
0xbb: {  	s0 =	sor.u32 s1, s0  }
0xbc: {  	s0 =	sadd.s32 $0x8F2B, s0  }
0xbd: {  	[sflag:s0] =	ssyncadd.remote.s32 $0x1  }
0xbe: {  	_ =	sfence.sel $0xFFFF  }
0xbf: {  	[dreg:$0x0] =	wrdreg $0xFFFFFFFF;
	(pc) =	sbr.abs _section_cstart, $3  }
0xc0: {  	[dreg:$0x1] =	wrdreg $0xFFFFFFFF  }
0xc1: {  	_ =	task.clear_ibuf [dreg:s6], $0x2FFFF;
	_ =	strace $0x9FFFFFFF  }
0xc2: {  	(tm) =	ssettm $0x7FFFFFFF  }
0xc3: {  	_ =	shalt  }
tec
execute0_lowered:
.L_overlay_start_1:
0x0: {  	(tag) =	ssettag $0x1  }
0x1: {  	s6 =	rddreg [dreg:$0x0]  }
0x2: {  	s2 =	rddreg [dreg:$0x1]  }
0x3: {  	s0 =	rddreg [dreg:$0x2]  }
0x4: {  	s3 =	simm.s32 $0x0;
	s1 =	stileid.u32;
	s7 =	srdreg.scid  }
0x5: {  	s16 =	simm.s32 $0x1A800;
	s17 =	simm.s32 $0x1;
	s18 =	simm.s32 $0x3  }
0x6: {  	s19 =	simm.s32 $0x2;
	[smem:$0x7FF] =	sst s3;
	s24 =	smul.u32 $0x2800, s1  }
0x7: {  	s4 =	sadd.s32 $0x7A600, s6;
	s9 =	sadd.s32 $0x66600, s6;
	s7 =	sand.u32 $0x1, s7  }
0x8: {  	s10 =	smul.u32 $0x50000, s1;
	s13 =	sadd.s32 $0x11A600, s6;
	s29 =	sshll.u32 s1, $0x6  }
0x9: {  	_ =	strace $0x80000050;
	s11 =	ssub.s32 $0x2, s7;
	s12 =	smul.u32 $0x50000, s7  }
0xa: {  	s5 =	sshrl.u32 s24, $0x3;
	s20 =	sshrl.u32 s11, $0x1;
	s21 =	sshrl.u32 s10, $0x2  }
0xb: {  	s8 =	sadd.s32 s5, s6;
	s5 =	sadd.s32 $0x7000, s6;
	s22 =	ssub.s32 s11, s20  }
0xc: {  	s26 =	sadd.s32 s21, s2;
	s28 =	sadd.s32 s24, s12;
	s15 =	sadd.s32 $0x28000, s12  }
0xd: {  	s6 =	sor.u32 $0x1C05, s29;
	s23 =	sadd.s32 s13, s12;
	s12 =	simm.s32 $0x5  }
0xe: {  	s20 =	simm.s32 $0x4;
	s21 =	simm.s32 $0x2700;
	s14 =	sshrl.u32 s28, $0x3  }
0xf: {  	s30 =	sadd.s32 s24, s15;
	s8 =	sadd.s32 $0x2000, s8;
	s25 =	sadd.s32 s13, s15  }
0x10: {  	s10 =	smax.u32 s22, $0x1;
	s11 =	sshrl.u32 s26, $0x3;
	s13 =	simm.s32 $0x1400  }
0x11: {  	s15 =	simm.s32 $0x16800;
	s22 =	simm.s32 $0x2780;
	s23 =	sadd.s32 s24, s23  }
0x12: {  	s7 =	sadd.s32 s9, s14;
	s31 =	sshrl.u32 s30, $0x3;
	s14 =	simm.s32 $0x80  }
0x13: {  	s24 =	sadd.s32 s24, s25;
	s25 =	simm.s32 $0x0;
	s9 =	sadd.s32 s9, s31  }
.LBB2_1:
0x14: {  	[spmem:s11], [sflag:s6] =	dma.local [hbm:s5], $0x2800  }
0x15: {  	_ =	swait.ge [sflag:s12], $0x2800  }
0x16: {  	[sflag:s12] =	ssyncset.done $0x0  }
0x17: {  	[sflag:s12] =	ssyncadd.s32 $0xFFFFD800  }
0x18: {  	[bflag:$0x0] =	sbarrier.arrive $0xFFFF  }
0x19: {  	[tilespmem:s3], [sflag:$0x5] =	stream.linear.gather [hbm4b:s7+s3], $0x1400, $0x38;
	[tilespmem:$0x1E800] =	vst v63  }
0x1a: {  	_ =	swait.ge [sflag:s12], $0x1400  }
0x1b: {  	[sflag:s12] =	ssyncset.done $0x0  }
0x1c: {  	[sflag:s12] =	ssyncadd.s32 $0xFFFFEC00  }
0x1d: {  	[tilespmem:s13], [sflag:$0x5] =	stream.linear.gather [hbm4b:s8+s3], $0x1400, $0x38;
	[tilespmem:$0x1E800] =	vst v63  }
0x1e: {  	_ =	swait.ge [sflag:s12], $0x1400  }
0x1f: {  	[sflag:s12] =	ssyncset.done $0x0  }
0x20: {  	[sflag:s12] =	ssyncadd.s32 $0xFFFFEC00  }
0x21: {  	[tilespmem:s15], [sflag:$0x1] =	stream.indirect.gather [hbm4b:s4+s14], $0x80, s3, s14, $0xb8;
	[tilespmem:$0x1E800] =	vst v63  }
0x22: {  	_ = 	snop  }
0x23: {  	[tilespmem:s16], [sflag:$0x2] =	stream.indirect.gather [hbm4b:s4+s14], $0x80, s14, s14, $0xb8;
	[tilespmem:$0x1E800] =	vst v63  }
0x24: {  	_ =	swait.ge [sflag:s17], $0x4000  }
0x25: {  	[sflag:s17] =	ssyncset.done $0x0  }
0x26: {  	s26 =	simm.s32 $0x1400;
	[sflag:s17] =	ssyncadd.s32 $0xFFFFC000  }
0x27: {  	[spmem:s2] =	stream.indirect.scatter.add.f32 [tilespmem:s15], [sflag:$0x3], $0x80, s26, s14, $0xb8;
	[tilespmem:$0x1E800] =	vst v63  }
0x28: {  	_ =	swait.ge [sflag:s18], $0x4000  }
0x29: {  	[sflag:s18] =	ssyncset.done $0x0  }
0x2a: {  	s30 =	simm.s32 $0x100;
	[sflag:s18] =	ssyncadd.s32 $0xFFFFC000  }
0x2b: {  	[tilespmem:s15], [sflag:$0x1] =	stream.indirect.gather [hbm4b:s4+s14], $0x80, s30, s14, $0xb8;
	[tilespmem:$0x1E800] =	vst v63  }
0x2c: {  	_ =	swait.ge [sflag:s19], $0x4000  }
0x2d: {  	[sflag:s19] =	ssyncset.done $0x0  }
0x2e: {  	s31 =	simm.s32 $0x1480;
	[sflag:s19] =	ssyncadd.s32 $0xFFFFC000  }
0x2f: {  	[spmem:s2] =	stream.indirect.scatter.add.f32 [tilespmem:s16], [sflag:$0x4], $0x80, s31, s14, $0xb8;
	[tilespmem:$0x1E800] =	vst v63  }
0x30: {  	_ =	swait.ge [sflag:s20], $0x4000  }
0x31: {  	[sflag:s20] =	ssyncset.done $0x0  }
0x32: {  	s28 =	simm.s32 $0x180;
	s26 =	simm.s32 $0x400;
	[sflag:s20] =	ssyncadd.s32 $0xFFFFC000  }
.LBB2_2:
0x33: {  	[tilespmem:s16], [sflag:$0x2] =	stream.indirect.gather [hbm4b:s4+s14], $0x80, s28, s14, $0xb8;
	[tilespmem:$0x1E800] =	vst v63  }
0x34: {  	s28 =	smov.u32 s26  }
0x35: {  	p0 =	sne.s32 s26, $0x4800;
	s26 =	sadd.s32 $0x400, s26;
	_ =	swait.ge [sflag:s17], $0x4000  }
0x36: {  	s28 =	sshra.s32 s28, $0x2;
	[sflag:s17] =	ssyncset.done $0x0  }
0x37: {  	s29 =	sadd.s32 $0x1400, s28;
	[sflag:s17] =	ssyncadd.s32 $0xFFFFC000  }
0x38: {  	[spmem:s2] =	stream.indirect.scatter.add.f32 [tilespmem:s15], [sflag:$0x3], $0x80, s29, s14, $0xb8;
	[tilespmem:$0x1E800] =	vst v63  }
0x39: {  	_ =	swait.ge [sflag:s18], $0x4000  }
0x3a: {  	[sflag:s18] =	ssyncset.done $0x0  }
0x3b: {  	s29 =	sadd.s32 $0x100, s28;
	[sflag:s18] =	ssyncadd.s32 $0xFFFFC000  }
0x3c: {  	[tilespmem:s15], [sflag:$0x1] =	stream.indirect.gather [hbm4b:s4+s14], $0x80, s29, s14, $0xb8;
	[tilespmem:$0x1E800] =	vst v63  }
0x3d: {  	_ =	swait.ge [sflag:s19], $0x4000  }
0x3e: {  	[sflag:s19] =	ssyncset.done $0x0  }
.Ltmp0:
0x3f: {  	s29 =	sadd.s32 $0x1480, s28;
	[sflag:s19] =	ssyncadd.s32 $0xFFFFC000;
	(pc) =	sbr.rel @p0 .LBB2_2-.Ltmp0, $4  }
0x40: {  	[spmem:s2] =	stream.indirect.scatter.add.f32 [tilespmem:s16], [sflag:$0x4], $0x80, s29, s14, $0xb8;
	[tilespmem:$0x1E800] =	vst v63  }
0x41: {  	_ =	swait.ge [sflag:s20], $0x4000  }
0x42: {  	[sflag:s20] =	ssyncset.done $0x0  }
0x43: {  	s28 =	sadd.s32 $0x180, s28;
	[sflag:s20] =	ssyncadd.s32 $0xFFFFC000  }
0x44: {  	[tilespmem:s16], [sflag:$0x2] =	stream.indirect.gather [hbm4b:s4+s14], $0x80, s28, s14, $0xb8;
	[tilespmem:$0x1E800] =	vst v63  }
0x45: {  	_ =	swait.ge [sflag:s17], $0x4000  }
0x46: {  	[sflag:s17] =	ssyncset.done $0x0  }
0x47: {  	[sflag:s17] =	ssyncadd.s32 $0xFFFFC000  }
0x48: {  	[spmem:s2] =	stream.indirect.scatter.add.f32 [tilespmem:s15], [sflag:$0x3], $0x80, s21, s14, $0xb8;
	[tilespmem:$0x1E800] =	vst v63  }
0x49: {  	_ =	swait.ge [sflag:s19], $0x4000  }
0x4a: {  	[sflag:s19] =	ssyncset.done $0x0  }
0x4b: {  	[sflag:s19] =	ssyncadd.s32 $0xFFFFC000  }
0x4c: {  	[spmem:s2] =	stream.indirect.scatter.add.f32 [tilespmem:s16], [sflag:$0x4], $0x80, s22, s14, $0xb8;
	[tilespmem:$0x1E800] =	vst v63  }
0x4d: {  	_ =	swait.ge [sflag:s18], $0x4000  }
0x4e: {  	[sflag:s18] =	ssyncset.done $0x0  }
0x4f: {  	[sflag:s18] =	ssyncadd.s32 $0xFFFFC000  }
0x50: {  	_ =	swait.ge [sflag:s20], $0x4000  }
0x51: {  	[sflag:s20] =	ssyncset.done $0x0  }
0x52: {  	s26 =	sadd.s32 $0x280, s7;
	s28 =	simm.s32 $0x0;
	[sflag:s20] =	ssyncadd.s32 $0xFFFFC000  }
0x53: {  	[tilespmem:s28], [sflag:$0x5] =	stream.linear.gather [hbm4b:s26+s28], $0x1400, $0x38;
	[tilespmem:$0x1E800] =	vst v63  }
0x54: {  	_ =	swait.ge [sflag:s12], $0x1400  }
0x55: {  	[sflag:s12] =	ssyncset.done $0x0  }
0x56: {  	s26 =	sadd.s32 $0x280, s8;
	[sflag:s12] =	ssyncadd.s32 $0xFFFFEC00  }
0x57: {  	[tilespmem:s13], [sflag:$0x5] =	stream.linear.gather [hbm4b:s26+s28], $0x1400, $0x38;
	[tilespmem:$0x1E800] =	vst v63  }
0x58: {  	_ =	swait.ge [sflag:s12], $0x1400  }
0x59: {  	[sflag:s12] =	ssyncset.done $0x0  }
0x5a: {  	[sflag:s12] =	ssyncadd.s32 $0xFFFFEC00  }
0x5b: {  	[tilespmem:s15], [sflag:$0x1] =	stream.indirect.gather [hbm4b:s4+s14], $0x80, s28, s14, $0xb8;
	[tilespmem:$0x1E800] =	vst v63  }
0x5c: {  	_ = 	snop  }
0x5d: {  	[tilespmem:s16], [sflag:$0x2] =	stream.indirect.gather [hbm4b:s4+s14], $0x80, s14, s14, $0xb8;
	[tilespmem:$0x1E800] =	vst v63  }
0x5e: {  	_ =	swait.ge [sflag:s17], $0x4000  }
0x5f: {  	[sflag:s17] =	ssyncset.done $0x0  }
0x60: {  	s28 =	simm.s32 $0x1400;
	[sflag:s17] =	ssyncadd.s32 $0xFFFFC000  }
0x61: {  	[spmem:s2] =	stream.indirect.scatter.add.f32 [tilespmem:s15], [sflag:$0x3], $0x80, s28, s14, $0xb8;
	[tilespmem:$0x1E800] =	vst v63  }
0x62: {  	_ =	swait.ge [sflag:s18], $0x4000  }
0x63: {  	[sflag:s18] =	ssyncset.done $0x0  }
0x64: {  	s28 =	simm.s32 $0x100;
	[sflag:s18] =	ssyncadd.s32 $0xFFFFC000  }
0x65: {  	[tilespmem:s15], [sflag:$0x1] =	stream.indirect.gather [hbm4b:s4+s14], $0x80, s28, s14, $0xb8;
	[tilespmem:$0x1E800] =	vst v63  }
0x66: {  	_ =	swait.ge [sflag:s19], $0x4000  }
0x67: {  	[sflag:s19] =	ssyncset.done $0x0  }
0x68: {  	s28 =	simm.s32 $0x1480;
	[sflag:s19] =	ssyncadd.s32 $0xFFFFC000  }
0x69: {  	[spmem:s2] =	stream.indirect.scatter.add.f32 [tilespmem:s16], [sflag:$0x4], $0x80, s28, s14, $0xb8;
	[tilespmem:$0x1E800] =	vst v63  }
0x6a: {  	_ =	swait.ge [sflag:s20], $0x4000  }
0x6b: {  	[sflag:s20] =	ssyncset.done $0x0  }
0x6c: {  	s29 =	simm.s32 $0x180;
	s28 =	simm.s32 $0x400;
	[sflag:s20] =	ssyncadd.s32 $0xFFFFC000  }
.LBB2_4:
0x6d: {  	[tilespmem:s16], [sflag:$0x2] =	stream.indirect.gather [hbm4b:s4+s14], $0x80, s29, s14, $0xb8;
	[tilespmem:$0x1E800] =	vst v63  }
0x6e: {  	s29 =	smov.u32 s28  }
0x6f: {  	p0 =	sne.s32 s28, $0x4800;
	s28 =	sadd.s32 $0x400, s28;
	_ =	swait.ge [sflag:s17], $0x4000  }
0x70: {  	s29 =	sshra.s32 s29, $0x2;
	[sflag:s17] =	ssyncset.done $0x0  }
0x71: {  	s30 =	sadd.s32 $0x1400, s29;
	[sflag:s17] =	ssyncadd.s32 $0xFFFFC000  }
0x72: {  	[spmem:s2] =	stream.indirect.scatter.add.f32 [tilespmem:s15], [sflag:$0x3], $0x80, s30, s14, $0xb8;
	[tilespmem:$0x1E800] =	vst v63  }
0x73: {  	_ =	swait.ge [sflag:s18], $0x4000  }
0x74: {  	[sflag:s18] =	ssyncset.done $0x0  }
0x75: {  	s30 =	sadd.s32 $0x100, s29;
	[sflag:s18] =	ssyncadd.s32 $0xFFFFC000  }
0x76: {  	[tilespmem:s15], [sflag:$0x1] =	stream.indirect.gather [hbm4b:s4+s14], $0x80, s30, s14, $0xb8;
	[tilespmem:$0x1E800] =	vst v63  }
0x77: {  	_ =	swait.ge [sflag:s19], $0x4000  }
0x78: {  	[sflag:s19] =	ssyncset.done $0x0  }
.Ltmp1:
0x79: {  	s30 =	sadd.s32 $0x1480, s29;
	[sflag:s19] =	ssyncadd.s32 $0xFFFFC000;
	(pc) =	sbr.rel @p0 .LBB2_4-.Ltmp1, $4  }
0x7a: {  	[spmem:s2] =	stream.indirect.scatter.add.f32 [tilespmem:s16], [sflag:$0x4], $0x80, s30, s14, $0xb8;
	[tilespmem:$0x1E800] =	vst v63  }
0x7b: {  	_ =	swait.ge [sflag:s20], $0x4000  }
0x7c: {  	[sflag:s20] =	ssyncset.done $0x0  }
0x7d: {  	s29 =	sadd.s32 $0x180, s29;
	[sflag:s20] =	ssyncadd.s32 $0xFFFFC000  }
0x7e: {  	[tilespmem:s16], [sflag:$0x2] =	stream.indirect.gather [hbm4b:s4+s14], $0x80, s29, s14, $0xb8;
	[tilespmem:$0x1E800] =	vst v63  }
0x7f: {  	_ =	swait.ge [sflag:s17], $0x4000  }
0x80: {  	[sflag:s17] =	ssyncset.done $0x0  }
0x81: {  	[sflag:s17] =	ssyncadd.s32 $0xFFFFC000  }
0x82: {  	[spmem:s2] =	stream.indirect.scatter.add.f32 [tilespmem:s15], [sflag:$0x3], $0x80, s21, s14, $0xb8;
	[tilespmem:$0x1E800] =	vst v63  }
0x83: {  	_ =	swait.ge [sflag:s19], $0x4000  }
0x84: {  	[sflag:s19] =	ssyncset.done $0x0  }
0x85: {  	[sflag:s19] =	ssyncadd.s32 $0xFFFFC000  }
0x86: {  	[spmem:s2] =	stream.indirect.scatter.add.f32 [tilespmem:s16], [sflag:$0x4], $0x80, s22, s14, $0xb8;
	[tilespmem:$0x1E800] =	vst v63  }
0x87: {  	_ =	swait.ge [sflag:s18], $0x4000  }
0x88: {  	[sflag:s18] =	ssyncset.done $0x0  }
0x89: {  	[sflag:s18] =	ssyncadd.s32 $0xFFFFC000  }
0x8a: {  	_ =	swait.ge [sflag:s20], $0x4000  }
0x8b: {  	[sflag:s20] =	ssyncset.done $0x0  }
0x8c: {  	[sflag:s20] =	ssyncadd.s32 $0xFFFFC000  }
0x8d: {  	[bflag:$0x0] =	sbarrier.arrive $0xFFFF  }
0x8e: {  	[hbm:s23], [sflag:s6] =	dma.local [spmem:s11], $0x2800  }
0x8f: {  	_ =	swait.ge [sflag:s12], $0x2800  }
0x90: {  	[sflag:s12] =	ssyncset.done $0x0  }
0x91: {  	[sflag:s12] =	ssyncadd.s32 $0xFFFFD800  }
0x92: {  	[spmem:s11], [sflag:s6] =	dma.local [hbm:s5], $0x2800  }
0x93: {  	_ =	swait.ge [sflag:s12], $0x2800  }
0x94: {  	[sflag:s12] =	ssyncset.done $0x0  }
0x95: {  	[sflag:s12] =	ssyncadd.s32 $0xFFFFD800  }
0x96: {  	s28 =	simm.s32 $0x0;
	[bflag:$0x0] =	sbarrier.arrive $0xFFFF  }
0x97: {  	[tilespmem:s28], [sflag:$0x5] =	stream.linear.gather [hbm4b:s9+s28], $0x1400, $0x38;
	[tilespmem:$0x1E800] =	vst v63  }
0x98: {  	_ =	swait.ge [sflag:s12], $0x1400  }
0x99: {  	[sflag:s12] =	ssyncset.done $0x0  }
0x9a: {  	[sflag:s12] =	ssyncadd.s32 $0xFFFFEC00  }
0x9b: {  	[tilespmem:s13], [sflag:$0x5] =	stream.linear.gather [hbm4b:s8+s28], $0x1400, $0x38;
	[tilespmem:$0x1E800] =	vst v63  }
0x9c: {  	_ =	swait.ge [sflag:s12], $0x1400  }
0x9d: {  	[sflag:s12] =	ssyncset.done $0x0  }
0x9e: {  	[sflag:s12] =	ssyncadd.s32 $0xFFFFEC00  }
0x9f: {  	[tilespmem:s15], [sflag:$0x1] =	stream.indirect.gather [hbm4b:s4+s14], $0x80, s28, s14, $0xb8;
	[tilespmem:$0x1E800] =	vst v63  }
0xa0: {  	_ = 	snop  }
0xa1: {  	[tilespmem:s16], [sflag:$0x2] =	stream.indirect.gather [hbm4b:s4+s14], $0x80, s14, s14, $0xb8;
	[tilespmem:$0x1E800] =	vst v63  }
0xa2: {  	_ =	swait.ge [sflag:s17], $0x4000  }
0xa3: {  	[sflag:s17] =	ssyncset.done $0x0  }
0xa4: {  	s28 =	simm.s32 $0x1400;
	[sflag:s17] =	ssyncadd.s32 $0xFFFFC000  }
0xa5: {  	[spmem:s2] =	stream.indirect.scatter.add.f32 [tilespmem:s15], [sflag:$0x3], $0x80, s28, s14, $0xb8;
	[tilespmem:$0x1E800] =	vst v63  }
0xa6: {  	_ =	swait.ge [sflag:s18], $0x4000  }
0xa7: {  	[sflag:s18] =	ssyncset.done $0x0  }
0xa8: {  	s28 =	simm.s32 $0x100;
	[sflag:s18] =	ssyncadd.s32 $0xFFFFC000  }
0xa9: {  	[tilespmem:s15], [sflag:$0x1] =	stream.indirect.gather [hbm4b:s4+s14], $0x80, s28, s14, $0xb8;
	[tilespmem:$0x1E800] =	vst v63  }
0xaa: {  	_ =	swait.ge [sflag:s19], $0x4000  }
0xab: {  	[sflag:s19] =	ssyncset.done $0x0  }
0xac: {  	s28 =	simm.s32 $0x1480;
	[sflag:s19] =	ssyncadd.s32 $0xFFFFC000  }
0xad: {  	[spmem:s2] =	stream.indirect.scatter.add.f32 [tilespmem:s16], [sflag:$0x4], $0x80, s28, s14, $0xb8;
	[tilespmem:$0x1E800] =	vst v63  }
0xae: {  	_ =	swait.ge [sflag:s20], $0x4000  }
0xaf: {  	[sflag:s20] =	ssyncset.done $0x0  }
0xb0: {  	s29 =	simm.s32 $0x180;
	s28 =	simm.s32 $0x400;
	[sflag:s20] =	ssyncadd.s32 $0xFFFFC000  }
.LBB2_6:
0xb1: {  	[tilespmem:s16], [sflag:$0x2] =	stream.indirect.gather [hbm4b:s4+s14], $0x80, s29, s14, $0xb8;
	[tilespmem:$0x1E800] =	vst v63  }
0xb2: {  	s29 =	smov.u32 s28  }
0xb3: {  	p0 =	sne.s32 s28, $0x4800;
	s28 =	sadd.s32 $0x400, s28;
	_ =	swait.ge [sflag:s17], $0x4000  }
0xb4: {  	s29 =	sshra.s32 s29, $0x2;
	[sflag:s17] =	ssyncset.done $0x0  }
0xb5: {  	s30 =	sadd.s32 $0x1400, s29;
	[sflag:s17] =	ssyncadd.s32 $0xFFFFC000  }
0xb6: {  	[spmem:s2] =	stream.indirect.scatter.add.f32 [tilespmem:s15], [sflag:$0x3], $0x80, s30, s14, $0xb8;
	[tilespmem:$0x1E800] =	vst v63  }
0xb7: {  	_ =	swait.ge [sflag:s18], $0x4000  }
0xb8: {  	[sflag:s18] =	ssyncset.done $0x0  }
0xb9: {  	s30 =	sadd.s32 $0x100, s29;
	[sflag:s18] =	ssyncadd.s32 $0xFFFFC000  }
0xba: {  	[tilespmem:s15], [sflag:$0x1] =	stream.indirect.gather [hbm4b:s4+s14], $0x80, s30, s14, $0xb8;
	[tilespmem:$0x1E800] =	vst v63  }
0xbb: {  	_ =	swait.ge [sflag:s19], $0x4000  }
0xbc: {  	[sflag:s19] =	ssyncset.done $0x0  }
.Ltmp2:
0xbd: {  	s30 =	sadd.s32 $0x1480, s29;
	[sflag:s19] =	ssyncadd.s32 $0xFFFFC000;
	(pc) =	sbr.rel @p0 .LBB2_6-.Ltmp2, $4  }
0xbe: {  	[spmem:s2] =	stream.indirect.scatter.add.f32 [tilespmem:s16], [sflag:$0x4], $0x80, s30, s14, $0xb8;
	[tilespmem:$0x1E800] =	vst v63  }
0xbf: {  	_ =	swait.ge [sflag:s20], $0x4000  }
0xc0: {  	[sflag:s20] =	ssyncset.done $0x0  }
0xc1: {  	s29 =	sadd.s32 $0x180, s29;
	[sflag:s20] =	ssyncadd.s32 $0xFFFFC000  }
0xc2: {  	[tilespmem:s16], [sflag:$0x2] =	stream.indirect.gather [hbm4b:s4+s14], $0x80, s29, s14, $0xb8;
	[tilespmem:$0x1E800] =	vst v63  }
0xc3: {  	_ =	swait.ge [sflag:s17], $0x4000  }
0xc4: {  	[sflag:s17] =	ssyncset.done $0x0  }
0xc5: {  	[sflag:s17] =	ssyncadd.s32 $0xFFFFC000  }
0xc6: {  	[spmem:s2] =	stream.indirect.scatter.add.f32 [tilespmem:s15], [sflag:$0x3], $0x80, s21, s14, $0xb8;
	[tilespmem:$0x1E800] =	vst v63  }
0xc7: {  	_ =	swait.ge [sflag:s19], $0x4000  }
0xc8: {  	[sflag:s19] =	ssyncset.done $0x0  }
0xc9: {  	[sflag:s19] =	ssyncadd.s32 $0xFFFFC000  }
0xca: {  	[spmem:s2] =	stream.indirect.scatter.add.f32 [tilespmem:s16], [sflag:$0x4], $0x80, s22, s14, $0xb8;
	[tilespmem:$0x1E800] =	vst v63  }
0xcb: {  	_ =	swait.ge [sflag:s18], $0x4000  }
0xcc: {  	[sflag:s18] =	ssyncset.done $0x0  }
0xcd: {  	[sflag:s18] =	ssyncadd.s32 $0xFFFFC000  }
0xce: {  	_ =	swait.ge [sflag:s20], $0x4000  }
0xcf: {  	[sflag:s20] =	ssyncset.done $0x0  }
0xd0: {  	s28 =	sadd.s32 $0x280, s9;
	s31 =	simm.s32 $0x0;
	[sflag:s20] =	ssyncadd.s32 $0xFFFFC000  }
0xd1: {  	[tilespmem:s31], [sflag:$0x5] =	stream.linear.gather [hbm4b:s28+s31], $0x1400, $0x38;
	[tilespmem:$0x1E800] =	vst v63  }
0xd2: {  	_ =	swait.ge [sflag:s12], $0x1400  }
0xd3: {  	[sflag:s12] =	ssyncset.done $0x0  }
0xd4: {  	[sflag:s12] =	ssyncadd.s32 $0xFFFFEC00  }
0xd5: {  	[tilespmem:s13], [sflag:$0x5] =	stream.linear.gather [hbm4b:s26+s31], $0x1400, $0x38;
	[tilespmem:$0x1E800] =	vst v63  }
0xd6: {  	_ =	swait.ge [sflag:s12], $0x1400  }
0xd7: {  	[sflag:s12] =	ssyncset.done $0x0  }
0xd8: {  	[sflag:s12] =	ssyncadd.s32 $0xFFFFEC00  }
0xd9: {  	[tilespmem:s15], [sflag:$0x1] =	stream.indirect.gather [hbm4b:s4+s14], $0x80, s31, s14, $0xb8;
	[tilespmem:$0x1E800] =	vst v63  }
0xda: {  	_ = 	snop  }
0xdb: {  	[tilespmem:s16], [sflag:$0x2] =	stream.indirect.gather [hbm4b:s4+s14], $0x80, s14, s14, $0xb8;
	[tilespmem:$0x1E800] =	vst v63  }
0xdc: {  	_ =	swait.ge [sflag:s17], $0x4000  }
0xdd: {  	[sflag:s17] =	ssyncset.done $0x0  }
0xde: {  	s29 =	simm.s32 $0x1400;
	[sflag:s17] =	ssyncadd.s32 $0xFFFFC000  }
0xdf: {  	[spmem:s2] =	stream.indirect.scatter.add.f32 [tilespmem:s15], [sflag:$0x3], $0x80, s29, s14, $0xb8;
	[tilespmem:$0x1E800] =	vst v63  }
0xe0: {  	_ =	swait.ge [sflag:s18], $0x4000  }
0xe1: {  	[sflag:s18] =	ssyncset.done $0x0  }
0xe2: {  	s30 =	simm.s32 $0x100;
	[sflag:s18] =	ssyncadd.s32 $0xFFFFC000  }
0xe3: {  	[tilespmem:s15], [sflag:$0x1] =	stream.indirect.gather [hbm4b:s4+s14], $0x80, s30, s14, $0xb8;
	[tilespmem:$0x1E800] =	vst v63  }
0xe4: {  	_ =	swait.ge [sflag:s19], $0x4000  }
0xe5: {  	[sflag:s19] =	ssyncset.done $0x0  }
0xe6: {  	s31 =	simm.s32 $0x1480;
	[sflag:s19] =	ssyncadd.s32 $0xFFFFC000  }
0xe7: {  	[spmem:s2] =	stream.indirect.scatter.add.f32 [tilespmem:s16], [sflag:$0x4], $0x80, s31, s14, $0xb8;
	[tilespmem:$0x1E800] =	vst v63  }
0xe8: {  	_ =	swait.ge [sflag:s20], $0x4000  }
0xe9: {  	[sflag:s20] =	ssyncset.done $0x0  }
0xea: {  	s28 =	simm.s32 $0x180;
	s26 =	simm.s32 $0x400;
	[sflag:s20] =	ssyncadd.s32 $0xFFFFC000  }
.LBB2_8:
0xeb: {  	[tilespmem:s16], [sflag:$0x2] =	stream.indirect.gather [hbm4b:s4+s14], $0x80, s28, s14, $0xb8;
	[tilespmem:$0x1E800] =	vst v63  }
0xec: {  	s28 =	smov.u32 s26  }
0xed: {  	p0 =	sne.s32 s26, $0x4800;
	s26 =	sadd.s32 $0x400, s26;
	_ =	swait.ge [sflag:s17], $0x4000  }
0xee: {  	s28 =	sshra.s32 s28, $0x2;
	[sflag:s17] =	ssyncset.done $0x0  }
0xef: {  	s29 =	sadd.s32 $0x1400, s28;
	[sflag:s17] =	ssyncadd.s32 $0xFFFFC000  }
0xf0: {  	[spmem:s2] =	stream.indirect.scatter.add.f32 [tilespmem:s15], [sflag:$0x3], $0x80, s29, s14, $0xb8;
	[tilespmem:$0x1E800] =	vst v63  }
0xf1: {  	_ =	swait.ge [sflag:s18], $0x4000  }
0xf2: {  	[sflag:s18] =	ssyncset.done $0x0  }
0xf3: {  	s29 =	sadd.s32 $0x100, s28;
	[sflag:s18] =	ssyncadd.s32 $0xFFFFC000  }
0xf4: {  	[tilespmem:s15], [sflag:$0x1] =	stream.indirect.gather [hbm4b:s4+s14], $0x80, s29, s14, $0xb8;
	[tilespmem:$0x1E800] =	vst v63  }
0xf5: {  	_ =	swait.ge [sflag:s19], $0x4000  }
0xf6: {  	[sflag:s19] =	ssyncset.done $0x0  }
.Ltmp3:
0xf7: {  	s29 =	sadd.s32 $0x1480, s28;
	[sflag:s19] =	ssyncadd.s32 $0xFFFFC000;
	(pc) =	sbr.rel @p0 .LBB2_8-.Ltmp3, $4  }
0xf8: {  	[spmem:s2] =	stream.indirect.scatter.add.f32 [tilespmem:s16], [sflag:$0x4], $0x80, s29, s14, $0xb8;
	[tilespmem:$0x1E800] =	vst v63  }
0xf9: {  	_ =	swait.ge [sflag:s20], $0x4000  }
0xfa: {  	[sflag:s20] =	ssyncset.done $0x0  }
0xfb: {  	s28 =	sadd.s32 $0x180, s28;
	[sflag:s20] =	ssyncadd.s32 $0xFFFFC000  }
0xfc: {  	[tilespmem:s16], [sflag:$0x2] =	stream.indirect.gather [hbm4b:s4+s14], $0x80, s28, s14, $0xb8;
	[tilespmem:$0x1E800] =	vst v63  }
0xfd: {  	_ =	swait.ge [sflag:s17], $0x4000  }
0xfe: {  	[sflag:s17] =	ssyncset.done $0x0  }
0xff: {  	[sflag:s17] =	ssyncadd.s32 $0xFFFFC000  }
0x100: {  	[spmem:s2] =	stream.indirect.scatter.add.f32 [tilespmem:s15], [sflag:$0x3], $0x80, s21, s14, $0xb8;
	[tilespmem:$0x1E800] =	vst v63  }
0x101: {  	_ =	swait.ge [sflag:s19], $0x4000  }
0x102: {  	[sflag:s19] =	ssyncset.done $0x0  }
0x103: {  	[sflag:s19] =	ssyncadd.s32 $0xFFFFC000  }
0x104: {  	[spmem:s2] =	stream.indirect.scatter.add.f32 [tilespmem:s16], [sflag:$0x4], $0x80, s22, s14, $0xb8;
	[tilespmem:$0x1E800] =	vst v63  }
0x105: {  	_ =	swait.ge [sflag:s18], $0x4000  }
0x106: {  	[sflag:s18] =	ssyncset.done $0x0  }
0x107: {  	[sflag:s18] =	ssyncadd.s32 $0xFFFFC000  }
0x108: {  	_ =	swait.ge [sflag:s20], $0x4000  }
0x109: {  	s25 =	sadd.s32 $0x1, s25;
	[sflag:s20] =	ssyncset.done $0x0  }
0x10a: {  	p0 =	sne.s32 s25, s10;
	[sflag:s20] =	ssyncadd.s32 $0xFFFFC000  }
.Ltmp4:
0x10b: {  	[bflag:$0x0] =	sbarrier.arrive $0xFFFF;
	(pc) =	sbr.rel @p0 .LBB2_1-.Ltmp4, $4  }
0x10c: {  	[hbm:s24], [sflag:s6] =	dma.local [spmem:s11], $0x2800  }
0x10d: {  	_ =	swait.ge [sflag:s12], $0x2800  }
0x10e: {  	[sflag:s12] =	ssyncset.done $0x0  }
0x10f: {  	[sflag:s12] =	ssyncadd.s32 $0xFFFFD800  }
0x110: {  	_ =	sfence.sel $0x180000  }
0x111: {  	[bflag:$0x0] =	sbarrier.arrive $0xFFFF  }
0x112: {  	p0 =	sne.s32 s1, $0x0;
	_ =	strace $0x90000050  }
0x113: {  	s0 =	sadd.s32 @!p0 $0x100000, s0;
	[bflag:$0x2] =	sbarrier.arrive $0xFFFF  }
0x114: {  	[sflag:s0] =	ssyncadd.tile.s32 @!p0 $0x1;
	_ =	shalt  }
.Lfunc_end2:
_tile_overlayer_lowered:
.L_overlay_start_2:
0x115: {  	(tag) =	ssettag $0x2  }
0x116: {  	s0 =	rddreg [dreg:$0x0];
	s2 =	stileid.u32  }
0x117: {  	s1 =	rddreg [dreg:$0x1];
	p0 =	sne.s32 s2, $0x0  }
0x118: {  	s3 =	rddreg [dreg:$0x2];
	[bflag:$0x3] =	sbarrier.arrive $0xFFFF;
	s2 =	simm.s32 @!p0 $0x1C05  }
0x119: {  	[timem:s3], [sflag:s2] =	dma.local @!p0 [hbm:s0], s1  }
0x11a: {  	s0 =	simm.s32 @!p0 $0x5  }
0x11b: {  	_ =	swait.ge @!p0 [sflag:s0], s1  }
0x11c: {  	s1 =	ssub.s32 @!p0 $0x0, s1;
	[sflag:s0] =	ssyncset.done @!p0 $0x0  }
0x11d: {  	[sflag:s0] =	ssyncadd.s32 @!p0 s1  }
0x11e: {  	[bflag:$0x3] =	sbarrier.arrive $0xFFFF  }
0x11f: {  	_ =	shalt  }

</sc_bundles>
